<compile_context>
chip_gen: v7x
topology: tpu7x:2x2x1
jax: 0.10.2.dev20260603
libtpu: 0.0.44.dev20260713+nightly
codegen_flags: <defaults>
</compile_context>

<pallas_src>
import functools

import jax
import jax.numpy as jnp
from jax import lax
from jax.experimental import pallas as pl
from jax.experimental.pallas import tpu as pltpu
from jax.experimental.pallas import tpu_sc as plsc

N_ANCHORS = 20000
BATCH = 8
M_GT = 100
N_CLASSES = 20
POS_IOU_THR = 0.3

NC, NS, L = 2, 16, 16
NW = NC * NS
STRIDE = 624
TN = 656
MP = 112
NV = TN // L
GROUP = 4
NGROUPS = 9

_LN2 = 0.6931471805599453
_SQRT2 = 1.4142135623730951


def _vlog(x):
    bits = lax.bitcast_convert_type(x, jnp.int32)
    e = lax.shift_right_logical(bits, 23) - 127
    m = lax.bitcast_convert_type(
        (bits & 0x7FFFFF) | 0x3F800000, jnp.float32)
    big = m > _SQRT2
    m = jnp.where(big, m * 0.5, m)
    e = jnp.where(big, e + 1, e)
    z = (m - 1.0) / (m + 1.0)
    z2 = z * z
    p = ((z2 * (1.0 / 9.0) + (1.0 / 7.0)) * z2 + (1.0 / 5.0)) * z2 + (1.0 / 3.0)
    logm = 2.0 * z * (p * z2 + 1.0)
    return e.astype(jnp.float32) * _LN2 + logm


def _sc_body(anc_hbm, gt_hbm, pos_hbm, cls_hbm, reg_hbm,
             anc_raw, anc_der, gt_raw, gt_der, pos_buf, cls_buf, reg_buf,
             oc_buf, sems):
    wid = lax.axis_index("s") * NC + lax.axis_index("c")
    base = wid * STRIDE

    pltpu.sync_copy(anc_hbm.at[:, pl.ds(base, TN)], anc_raw)
    pltpu.sync_copy(gt_hbm, gt_raw)

    iota = lax.iota(jnp.int32, L)
    zeros = jnp.zeros((L,), jnp.float32)
    ones = jnp.ones((L,), jnp.float32)

    def anc_chunk(i, _):
        o = i * L
        x1 = anc_raw[0, pl.ds(o, L)]
        y1 = anc_raw[1, pl.ds(o, L)]
        x2 = anc_raw[2, pl.ds(o, L)]
        y2 = anc_raw[3, pl.ds(o, L)]
        dx = x2 - x1
        dy = y2 - y1
        anc_der[0, pl.ds(o, L)] = dx * dy
        ex_w = jnp.maximum(dx, 1.0)
        ex_h = jnp.maximum(dy, 1.0)
        cx = x1 + 0.5 * ex_w
        cy = y1 + 0.5 * ex_h
        anc_der[1, pl.ds(o, L)] = cx.astype(jnp.int32).astype(jnp.float32)
        anc_der[2, pl.ds(o, L)] = cy.astype(jnp.int32).astype(jnp.float32)
        anc_der[3, pl.ds(o, L)] = _vlog(ex_w)
        anc_der[4, pl.ds(o, L)] = _vlog(ex_h)
        return 0

    lax.fori_loop(0, NV, anc_chunk, 0)

    def gt_batch(b, _):
        gbase = b * 6 * MP

        def gt_chunk(p, _):
            o = p * L
            x1 = gt_raw[pl.ds(gbase + o, L)]
            y1 = gt_raw[pl.ds(gbase + MP + o, L)]
            x2 = gt_raw[pl.ds(gbase + 2 * MP + o, L)]
            y2 = gt_raw[pl.ds(gbase + 3 * MP + o, L)]
            clsf = gt_raw[pl.ds(gbase + 4 * MP + o, L)]
            dx = x2 - x1
            dy = y2 - y1
            gt_der[pl.ds(gbase + o, L)] = dx * dy
            gw = jnp.maximum(dx, 1.0)
            gh = jnp.maximum(dy, 1.0)
            gt_der[pl.ds(gbase + MP + o, L)] = x1 + 0.5 * gw
            gt_der[pl.ds(gbase + 2 * MP + o, L)] = y1 + 0.5 * gh
            gt_der[pl.ds(gbase + 3 * MP + o, L)] = _vlog(gw)
            gt_der[pl.ds(gbase + 4 * MP + o, L)] = _vlog(gh)
            gt_der[pl.ds(gbase + 5 * MP + o, L)] = clsf
            return 0

        lax.fori_loop(0, MP // L, gt_chunk, 0)
        return 0

    lax.fori_loop(0, BATCH, gt_batch, 0)

    def make_group(nv):

        def run(b, bi, gb):
            gbase = b * 6 * MP
            ax1 = [anc_raw[0, pl.ds(gb + v * L, L)] for v in range(nv)]
            ay1 = [anc_raw[1, pl.ds(gb + v * L, L)] for v in range(nv)]
            ax2 = [anc_raw[2, pl.ds(gb + v * L, L)] for v in range(nv)]
            ay2 = [anc_raw[3, pl.ds(gb + v * L, L)] for v in range(nv)]
            aar = [anc_der[0, pl.ds(gb + v * L, L)] for v in range(nv)]

            def jbody(j, carry):
                bests, bestis = carry
                jv = jnp.full((L,), j, jnp.int32)
                idx0 = jv + gbase
                gx1 = plsc.load_gather(gt_raw, [idx0])
                gy1 = plsc.load_gather(gt_raw, [idx0 + MP])
                gx2 = plsc.load_gather(gt_raw, [idx0 + 2 * MP])
                gy2 = plsc.load_gather(gt_raw, [idx0 + 3 * MP])
                ab = plsc.load_gather(gt_der, [idx0])
                nb, ni = [], []
                for v in range(nv):
                    ltx = jnp.maximum(ax1[v], gx1)
                    lty = jnp.maximum(ay1[v], gy1)
                    rbx = jnp.minimum(ax2[v], gx2)
                    rby = jnp.minimum(ay2[v], gy2)
                    wx = jnp.maximum(rbx - ltx, 0.0)
                    wy = jnp.maximum(rby - lty, 0.0)
                    inter = wx * wy
                    den = (aar[v] + ab) - inter + 1e-10
                    iou = inter / den
                    better = iou > bests[v]
                    nb.append(jnp.where(better, iou, bests[v]))
                    ni.append(jnp.where(better, jv, bestis[v]))
                return tuple(nb), tuple(ni)

            init = (tuple(jnp.full((L,), -1.0, jnp.float32) for _ in range(nv)),
                    tuple(jnp.zeros((L,), jnp.int32) for _ in range(nv)))
            bests, bestis = lax.fori_loop(0, M_GT, jbody, init)

            for v in range(nv):
                o = gb + v * L
                pos = bests[v] >= POS_IOU_THR
                pos_buf[bi, pl.ds(o, L)] = jnp.where(pos, ones, zeros)
                gi = bestis[v] + gbase
                gcx = plsc.load_gather(gt_der, [gi + MP])
                gcy = plsc.load_gather(gt_der, [gi + 2 * MP])
                lgw = plsc.load_gather(gt_der, [gi + 3 * MP])
                lgh = plsc.load_gather(gt_der, [gi + 4 * MP])
                clsf = plsc.load_gather(gt_der, [gi + 5 * MP])
                tcx = anc_der[1, pl.ds(o, L)]
                tcy = anc_der[2, pl.ds(o, L)]
                lw = anc_der[3, pl.ds(o, L)]
                lh = anc_der[4, pl.ds(o, L)]
                rows = iota + o
                reg_buf[bi, 0, pl.ds(o, L)] = jnp.where(pos, gcx - tcx, 0.0)
                reg_buf[bi, 1, pl.ds(o, L)] = jnp.where(pos, gcy - tcy, 0.0)
                reg_buf[bi, 2, pl.ds(o, L)] = jnp.where(pos, lgw - lw, 0.0)
                reg_buf[bi, 3, pl.ds(o, L)] = jnp.where(pos, lgh - lh, 0.0)
                reg_buf[bi, 4, pl.ds(o, L)] = zeros
                old = oc_buf[bi, pl.ds(o, L)]
                plsc.store_scatter(cls_buf.at[bi], [old, rows], zeros)
                cidx = clsf.astype(jnp.int32)
                plsc.store_scatter(cls_buf.at[bi], [cidx, rows], ones,
                                   mask=pos)
                oc_buf[bi, pl.ds(o, L)] = jnp.where(pos, cidx, 0)

        return run

    group4 = make_group(GROUP)
    group5 = make_group(5)

    def zero_chunk(i, _):
        o = i * L
        for p in range(2):
            oc_buf[p, pl.ds(o, L)] = jnp.zeros((L,), jnp.int32)
            for c in range(N_CLASSES):
                cls_buf[p, c, pl.ds(o, L)] = zeros
        return 0

    lax.fori_loop(0, NV, zero_chunk, 0)

    def out_copies(b, bi):
        return (
            pltpu.make_async_copy(
                pos_buf.at[bi], pos_hbm.at[b, pl.ds(base, TN)], sems.at[bi, 0]),
            pltpu.make_async_copy(
                cls_buf.at[bi], cls_hbm.at[:, b, pl.ds(base, TN)],
                sems.at[bi, 1]),
            pltpu.make_async_copy(
                reg_buf.at[bi], reg_hbm.at[:, b, pl.ds(base, TN)],
                sems.at[bi, 2]),
        )

    def batch_body(b, _):
        bi = b & 1

        @pl.when(b >= 2)
        def _():
            for c in out_copies(b - 2, bi):
                c.wait()

        def group_body(g, _):
            group4(b, bi, g * (GROUP * L))
            return 0

        lax.fori_loop(0, NGROUPS, group_body, 0)
        group5(b, bi, NGROUPS * GROUP * L)

        for c in out_copies(b, bi):
            c.start()
        return 0

    lax.fori_loop(0, BATCH, batch_body, 0)
    for b in (BATCH - 2, BATCH - 1):
        for c in out_copies(b, b & 1):
            c.wait()


@functools.partial(
    pl.kernel,
    out_type=(
        jax.ShapeDtypeStruct((BATCH, N_ANCHORS), jnp.float32),
        jax.ShapeDtypeStruct((N_CLASSES, BATCH, N_ANCHORS), jnp.float32),
        jax.ShapeDtypeStruct((5, BATCH, N_ANCHORS), jnp.float32),
    ),
    mesh=plsc.VectorSubcoreMesh(
        core_axis_name="c", subcore_axis_name="s",
        num_cores=NC, num_subcores=NS),
    compiler_params=pltpu.CompilerParams(
        needs_layout_passes=False, use_tc_tiling_on_sc=False),
    scratch_types=(
        pltpu.VMEM((4, TN), jnp.float32),
        pltpu.VMEM((5, TN), jnp.float32),
        pltpu.VMEM((BATCH * 6 * MP,), jnp.float32),
        pltpu.VMEM((BATCH * 6 * MP,), jnp.float32),
        pltpu.VMEM((2, TN), jnp.float32),
        pltpu.VMEM((2, N_CLASSES, TN), jnp.float32),
        pltpu.VMEM((2, 5, TN), jnp.float32),
        pltpu.VMEM((2, TN), jnp.int32),
        pltpu.SemaphoreType.DMA((2, 3)),
    ),
)
def _label_assign_sc(anc_hbm, gt_hbm, pos_hbm, cls_hbm, reg_hbm,
                     anc_raw, anc_der, gt_raw, gt_der,
                     pos_buf, cls_buf, reg_buf, oc_buf, sems):
    _sc_body(anc_hbm, gt_hbm, pos_hbm, cls_hbm, reg_hbm,
             anc_raw, anc_der, gt_raw, gt_der, pos_buf, cls_buf, reg_buf,
             oc_buf, sems)


def kernel(anchor, target, regressions, classifications):
    del regressions, classifications
    anc_t = anchor.T
    pad_row = jnp.array([0.0, 0.0, 1.0, 1.0, 0.0, 0.0], jnp.float32)
    tgt = jnp.concatenate(
        [target, jnp.broadcast_to(pad_row, (BATCH, MP - M_GT, 6))], axis=1)
    gt_t = jnp.transpose(tgt, (0, 2, 1)).reshape(-1)

    pos, cls, reg = _label_assign_sc(anc_t, gt_t)

    positive = pos > 0.5
    cls_out = jnp.transpose(cls, (1, 2, 0))
    reg_out = jnp.transpose(reg, (1, 2, 0))
    return positive, cls_out, reg_out

# --- scband reference (transcript-rebuilt; emitter-appended) ---
"""Pipeline reference for scband-label-assign-51531017617531 (READ-ONLY COPY).

The authoritative reference and input builder live on the scoring server;
editing this copy changes nothing except your own understanding.
"""

import jax, jax.numpy as jnp
import numpy as np

POS_IOU_THR = 0.3
N_ANCHORS = 20000
BATCH = 8
M_GT = 100
N_CLASSES = 20


def _iou_xyxy(a, b):
    # a: [N,4] xyxy, b: [M,4] xyxy -> [N,M]
    area_a = (a[:, 2] - a[:, 0]) * (a[:, 3] - a[:, 1])
    area_b = (b[:, 2] - b[:, 0]) * (b[:, 3] - b[:, 1])
    lt = jnp.maximum(a[:, None, :2], b[None, :, :2])
    rb = jnp.minimum(a[:, None, 2:4], b[None, :, 2:4])
    wh = jnp.clip(rb - lt, 0.0, None)
    inter = wh[..., 0] * wh[..., 1]
    return inter / (area_a[:, None] + area_b[None, :] - inter + 1e-10)


def _encode(ex_rois, gt_rois):
    ex_w = jnp.clip(ex_rois[:, 2] - ex_rois[:, 0], 1.0, None)
    ex_h = jnp.clip(ex_rois[:, 3] - ex_rois[:, 1], 1.0, None)
    ex_cx = ex_rois[:, 0] + 0.5 * ex_w
    ex_cy = ex_rois[:, 1] + 0.5 * ex_h
    gt_w = jnp.clip(gt_rois[:, 2] - gt_rois[:, 0], 1.0, None)
    gt_h = jnp.clip(gt_rois[:, 3] - gt_rois[:, 1], 1.0, None)
    gt_cx = gt_rois[:, 0] + 0.5 * gt_w
    gt_cy = gt_rois[:, 1] + 0.5 * gt_h
    # torch: gt_ctr - ex_ctr.to(int16).to(dtype)  (truncation toward zero; centers fit int16 range)
    dx = gt_cx - jnp.trunc(ex_cx)
    dy = gt_cy - jnp.trunc(ex_cy)
    dw = jnp.log(gt_w / ex_w)
    dh = jnp.log(gt_h / ex_h)
    return jnp.stack((dx, dy, dw, dh), axis=1)


def _make_boxes(key, n):
    k1, k2, k3, k4 = jax.random.split(key, 4)
    x1 = jax.random.uniform(k1, (n,), minval=0.0, maxval=448.0)
    y1 = jax.random.uniform(k2, (n,), minval=0.0, maxval=448.0)
    w = jax.random.uniform(k3, (n,), minval=8.0, maxval=64.0)
    h = jax.random.uniform(k4, (n,), minval=8.0, maxval=64.0)
    return jnp.stack([x1, y1, x1 + w, y1 + h], axis=1).astype(jnp.float32)


def setup_inputs(seed: int = 0):
    key = jax.random.key(seed)
    ka, kt, kc, km, kr, kcl = jax.random.split(key, 6)
    anchor = _make_boxes(ka, N_ANCHORS)
    gt_boxes = _make_boxes(kt, BATCH * M_GT).reshape(BATCH, M_GT, 4)
    cls_ind = jax.random.randint(kc, (BATCH, M_GT, 1), 0, N_CLASSES).astype(jnp.float32)
    mix_ind = jax.random.randint(km, (BATCH, M_GT, 1), 0, 2).astype(jnp.float32)
    target = jnp.concatenate([gt_boxes, cls_ind, mix_ind], axis=2)
    regressions = jax.random.normal(kr, (BATCH, N_ANCHORS, 5), dtype=jnp.float32)
    classifications = jax.random.normal(kcl, (BATCH, N_ANCHORS, N_CLASSES), dtype=jnp.float32)
    return {"anchor": anchor, "target": target, "regressions": regressions, "classifications": classifications}


def _assign_one(anchor, bbox_annotation, n_classes):
    overlaps = _iou_xyxy(anchor, bbox_annotation[:, :4])
    max_overlaps = jnp.max(overlaps, axis=1)
    argmax_overlaps = jnp.argmax(overlaps, axis=1)
    positive = max_overlaps >= POS_IOU_THR
    assigned = bbox_annotation[argmax_overlaps, :]
    cls_idx = assigned[:, 4].astype(jnp.int32)
    one_hot = jax.nn.one_hot(cls_idx, n_classes, dtype=jnp.float32)
    cls_targets = jnp.where(positive[:, None], one_hot, 0.0)
    enc = _encode(anchor, assigned[:, :4])
    reg4 = jnp.where(positive[:, None], enc, 0.0)
    reg_targets = jnp.concatenate([reg4, jnp.zeros((anchor.shape[0], 1), dtype=jnp.float32)], axis=1)
    return positive, cls_targets, reg_targets


def reference(anchor, target, regressions, classifications):
    n_classes = classifications.shape[2]
    positive_all, cls_label_assign, reg_label_assign = jax.vmap(lambda t: _assign_one(anchor, t, n_classes))(target)
    return (positive_all, cls_label_assign, reg_label_assign)

if __name__ == "__main__":
    import jax
    _d = setup_inputs()
    print(jax.jit(kernel)(*tuple(_d.values())))

</pallas_src>

<mosaic_0001>
#map = affine_map<(d0, d1) -> (0, 0)>
#map1 = affine_map<(d0, d1) -> (0)>
#map2 = affine_map<(d0, d1) -> (0, 0, 0)>
module attributes {stable_mosaic.version = 14 : i64} {
  func.func @_label_assign_sc(%arg0: i32, %arg1: i32, %arg2: memref<4x20000xf32, #tpu.memory_space<hbm>>, %arg3: memref<5376xf32, #tpu.memory_space<hbm>>, %arg4: memref<8x20000xf32, #tpu.memory_space<hbm>>, %arg5: memref<20x8x20000xf32, #tpu.memory_space<hbm>>, %arg6: memref<5x8x20000xf32, #tpu.memory_space<hbm>>, %arg7: memref<4x656xf32, #tpu.memory_space<vmem>>, %arg8: memref<5x656xf32, #tpu.memory_space<vmem>>, %arg9: memref<5376xf32, #tpu.memory_space<vmem>>, %arg10: memref<5376xf32, #tpu.memory_space<vmem>>, %arg11: memref<2x656xf32, #tpu.memory_space<vmem>>, %arg12: memref<2x20x656xf32, #tpu.memory_space<vmem>>, %arg13: memref<2x5x656xf32, #tpu.memory_space<vmem>>, %arg14: memref<2x656xi32, #tpu.memory_space<vmem>>, %arg15: memref<2x3x!tpu.dma_semaphore, #tpu.memory_space<semaphore_mem>>) attributes {dimension_semantics = [#tpu.dimension_semantics<core_parallel>, #tpu.dimension_semantics<subcore_parallel>], iteration_bounds = array<i64: 2, 16>, scalar_prefetch = 0 : i64, scratch_operands = 9 : i64, tpu.core_type = #tpu.core_type<sc_vector_subcore>, window_params = [{transform_indices = #map}, {transform_indices = #map1}, {transform_indices = #map}, {transform_indices = #map2}, {transform_indices = #map2}]} {
    %mul3A = arith.constant 2 : i32
    %mul3A_0 = arith.muli %arg1, %mul3A : i32
    %add3A = arith.addi %mul3A_0, %arg0 : i32
    %mul3A_1 = arith.constant 624 : i32
    %mul3A_2 = arith.muli %add3A, %mul3A_1 : i32
    "tpu.region"() ({
      %run_scoped3A = tpu.sem_alloc : memref<!tpu.dma_semaphore, #tpu.memory_space<semaphore_mem>>
      %dma_start3A = arith.constant 0 : i32
      %dma_start3A_144 = tpu.memref_slice %arg2[%dma_start3A, %mul3A_2] : memref<4x20000xf32, #tpu.memory_space<hbm>> -> memref<4x656xf32, #tpu.memory_space<hbm>>
      %dma_start3A_145 = arith.constant 0 : i32
      %dma_start3A_146 = tpu.memref_slice %arg2[%dma_start3A_145, %mul3A_2] : memref<4x20000xf32, #tpu.memory_space<hbm>> -> memref<4x656xf32, #tpu.memory_space<hbm>>
      tpu.enqueue_dma source(%dma_start3A_146 : memref<4x656xf32, #tpu.memory_space<hbm>>) target(%arg7 : memref<4x656xf32, #tpu.memory_space<vmem>>) target_semaphore(%run_scoped3A : memref<!tpu.dma_semaphore, #tpu.memory_space<semaphore_mem>>)
      %dma_wait3A_147 = arith.constant 0 : i32
      %dma_wait3A_148 = tpu.memref_slice %arg2[%dma_wait3A_147, %mul3A_2] : memref<4x20000xf32, #tpu.memory_space<hbm>> -> memref<4x656xf32, #tpu.memory_space<hbm>>
      %dma_wait3A_149 = arith.constant 0 : i32
      %dma_wait3A_150 = tpu.memref_slice %arg2[%dma_wait3A_149, %mul3A_2] : memref<4x20000xf32, #tpu.memory_space<hbm>> -> memref<4x656xf32, #tpu.memory_space<hbm>>
      tpu.wait_dma2 semaphore(%run_scoped3A : memref<!tpu.dma_semaphore, #tpu.memory_space<semaphore_mem>>) src(%dma_wait3A_150 : memref<4x656xf32, #tpu.memory_space<hbm>>) dst(%arg7 : memref<4x656xf32, #tpu.memory_space<vmem>>)
      tpu.yield
    }) : () -> ()
    "tpu.region"() ({
      %run_scoped3A = tpu.sem_alloc : memref<!tpu.dma_semaphore, #tpu.memory_space<semaphore_mem>>
      tpu.enqueue_dma source(%arg3 : memref<5376xf32, #tpu.memory_space<hbm>>) target(%arg9 : memref<5376xf32, #tpu.memory_space<vmem>>) target_semaphore(%run_scoped3A : memref<!tpu.dma_semaphore, #tpu.memory_space<semaphore_mem>>)
      tpu.wait_dma2 semaphore(%run_scoped3A : memref<!tpu.dma_semaphore, #tpu.memory_space<semaphore_mem>>) src(%arg3 : memref<5376xf32, #tpu.memory_space<hbm>>) dst(%arg9 : memref<5376xf32, #tpu.memory_space<vmem>>)
      tpu.yield
    }) : () -> ()
    %iota3A = tpu.iota {dimensions = array<i32: 0>} : vector<16xi32>
    %broadcast_in_dim3A = arith.constant 0.000000e+00 : f32
    %broadcast_in_dim3A_3 = vector.broadcast %broadcast_in_dim3A : f32 to vector<16xf32>
    %broadcast_in_dim3A_4 = arith.constant 1.000000e+00 : f32
    %broadcast_in_dim3A_5 = vector.broadcast %broadcast_in_dim3A_4 : f32 to vector<16xf32>
    %scan3A = arith.constant 0 : i32
    %scan3A_6 = arith.constant 0 : i32
    %scan3A_7 = arith.constant 41 : i32
    %scan3A_8 = arith.addi %scan3A_6, %scan3A_7 : i32
    %scan3A_9 = arith.constant 1 : i32
    %scan3A_10 = scf.for %scan3A_144 = %scan3A_6 to %scan3A_8 step %scan3A_9 iter_args(%scan3A_145 = %scan3A) -> (i32)  : i32 {
      %mul3A_146 = arith.constant 16 : i32
      %mul3A_147 = arith.muli %scan3A_144, %mul3A_146 : i32
      %get3A = arith.constant 0 : i32
      %get3A_148 = arith.index_cast %get3A : i32 to index
      %get3A_149 = arith.index_cast %mul3A_147 : i32 to index
      %get3A_150 = tpu.vector_load %arg7[%get3A_148, %get3A_149] {strides = array<i32>} : memref<4x656xf32, #tpu.memory_space<vmem>>, vector<16xf32>,
      %get3A_151 = arith.constant 1 : i32
      %get3A_152 = arith.index_cast %get3A_151 : i32 to index
      %get3A_153 = arith.index_cast %mul3A_147 : i32 to index
      %get3A_154 = tpu.vector_load %arg7[%get3A_152, %get3A_153] {strides = array<i32>} : memref<4x656xf32, #tpu.memory_space<vmem>>, vector<16xf32>,
      %get3A_155 = arith.constant 2 : i32
      %get3A_156 = arith.index_cast %get3A_155 : i32 to index
      %get3A_157 = arith.index_cast %mul3A_147 : i32 to index
      %get3A_158 = tpu.vector_load %arg7[%get3A_156, %get3A_157] {strides = array<i32>} : memref<4x656xf32, #tpu.memory_space<vmem>>, vector<16xf32>,
      %get3A_159 = arith.constant 3 : i32
      %get3A_160 = arith.index_cast %get3A_159 : i32 to index
      %get3A_161 = arith.index_cast %mul3A_147 : i32 to index
      %get3A_162 = tpu.vector_load %arg7[%get3A_160, %get3A_161] {strides = array<i32>} : memref<4x656xf32, #tpu.memory_space<vmem>>, vector<16xf32>,
      %sub3A = arith.subf %get3A_158, %get3A_150 : vector<16xf32>
      %sub3A_163 = arith.subf %get3A_162, %get3A_154 : vector<16xf32>
      %mul3A_164 = arith.mulf %sub3A, %sub3A_163 : vector<16xf32>
      %swap3A = arith.constant 0 : i32
      %swap3A_165 = arith.index_cast %swap3A : i32 to index
      %swap3A_166 = arith.index_cast %mul3A_147 : i32 to index
      %swap3A_167 = tpu.vector_load %arg8[%swap3A_165, %swap3A_166] {strides = array<i32>} : memref<5x656xf32, #tpu.memory_space<vmem>>, vector<16xf32>,
      tpu.vector_store %arg8[%swap3A_165, %swap3A_166], %mul3A_164 {strides = array<i32>} : memref<5x656xf32, #tpu.memory_space<vmem>>, vector<16xf32>,
      %max3A = arith.constant 1.000000e+00 : f32
      %max3A_168 = vector.broadcast %max3A : f32 to vector<16xf32>
      %max3A_169 = arith.maximumf %sub3A, %max3A_168 : vector<16xf32>
      %max3A_170 = arith.constant 1.000000e+00 : f32
      %max3A_171 = vector.broadcast %max3A_170 : f32 to vector<16xf32>
      %max3A_172 = arith.maximumf %sub3A_163, %max3A_171 : vector<16xf32>
      %mul3A_173 = arith.constant 5.000000e-01 : f32
      %mul3A_174 = vector.broadcast %mul3A_173 : f32 to vector<16xf32>
      %mul3A_175 = arith.mulf %mul3A_174, %max3A_169 : vector<16xf32>
      %add3A_176 = arith.addf %get3A_150, %mul3A_175 : vector<16xf32>
      %mul3A_177 = arith.constant 5.000000e-01 : f32
      %mul3A_178 = vector.broadcast %mul3A_177 : f32 to vector<16xf32>
      %mul3A_179 = arith.mulf %mul3A_178, %max3A_172 : vector<16xf32>
      %add3A_180 = arith.addf %get3A_154, %mul3A_179 : vector<16xf32>
      %convert_element_type3A = arith.fptosi %add3A_176 : vector<16xf32> to vector<16xi32>
      %convert_element_type3A_181 = arith.sitofp %convert_element_type3A : vector<16xi32> to vector<16xf32>
      %swap3A_182 = arith.constant 1 : i32
      %swap3A_183 = arith.index_cast %swap3A_182 : i32 to index
      %swap3A_184 = arith.index_cast %mul3A_147 : i32 to index
      %swap3A_185 = tpu.vector_load %arg8[%swap3A_183, %swap3A_184] {strides = array<i32>} : memref<5x656xf32, #tpu.memory_space<vmem>>, vector<16xf32>,
      tpu.vector_store %arg8[%swap3A_183, %swap3A_184], %convert_element_type3A_181 {strides = array<i32>} : memref<5x656xf32, #tpu.memory_space<vmem>>, vector<16xf32>,
      %convert_element_type3A_186 = arith.fptosi %add3A_180 : vector<16xf32> to vector<16xi32>
      %convert_element_type3A_187 = arith.sitofp %convert_element_type3A_186 : vector<16xi32> to vector<16xf32>
      %swap3A_188 = arith.constant 2 : i32
      %swap3A_189 = arith.index_cast %swap3A_188 : i32 to index
      %swap3A_190 = arith.index_cast %mul3A_147 : i32 to index
      %swap3A_191 = tpu.vector_load %arg8[%swap3A_189, %swap3A_190] {strides = array<i32>} : memref<5x656xf32, #tpu.memory_space<vmem>>, vector<16xf32>,
      tpu.vector_store %arg8[%swap3A_189, %swap3A_190], %convert_element_type3A_187 {strides = array<i32>} : memref<5x656xf32, #tpu.memory_space<vmem>>, vector<16xf32>,
      %bitcast_convert_type3A = tpu.bitcast %max3A_169 : vector<16xf32> -> vector<16xi32>
      %shift_right_logical3A = arith.constant 23 : i32
      %shift_right_logical3A_192 = vector.broadcast %shift_right_logical3A : i32 to vector<16xi32>
      %shift_right_logical3A_193 = arith.shrui %bitcast_convert_type3A, %shift_right_logical3A_192 : vector<16xi32>
      %sub3A_194 = arith.constant 127 : i32
      %sub3A_195 = vector.broadcast %sub3A_194 : i32 to vector<16xi32>
      %sub3A_196 = arith.subi %shift_right_logical3A_193, %sub3A_195 : vector<16xi32>
      %and3A = arith.constant 8388607 : i32
      %and3A_197 = vector.broadcast %and3A : i32 to vector<16xi32>
      %and3A_198 = arith.andi %bitcast_convert_type3A, %and3A_197 : vector<16xi32>
      %or3A = arith.constant 1065353216 : i32
      %or3A_199 = vector.broadcast %or3A : i32 to vector<16xi32>
      %or3A_200 = arith.ori %and3A_198, %or3A_199 : vector<16xi32>
      %bitcast_convert_type3A_201 = tpu.bitcast %or3A_200 : vector<16xi32> -> vector<16xf32>
      %gt3A = arith.constant 1.41421354 : f32
      %gt3A_202 = vector.broadcast %gt3A : f32 to vector<16xf32>
      %gt3A_203 = arith.cmpf ogt, %bitcast_convert_type3A_201, %gt3A_202 : vector<16xf32>
      %mul3A_204 = arith.constant 5.000000e-01 : f32
      %mul3A_205 = vector.broadcast %mul3A_204 : f32 to vector<16xf32>
      %mul3A_206 = arith.mulf %bitcast_convert_type3A_201, %mul3A_205 : vector<16xf32>
      %select_n3A = arith.select %gt3A_203, %mul3A_206, %bitcast_convert_type3A_201 : vector<16xi1>, vector<16xf32>
      %add3A_207 = arith.constant 1 : i32
      %add3A_208 = vector.broadcast %add3A_207 : i32 to vector<16xi32>
      %add3A_209 = arith.addi %sub3A_196, %add3A_208 : vector<16xi32>
      %select_n3A_210 = arith.select %gt3A_203, %add3A_209, %sub3A_196 : vector<16xi1>, vector<16xi32>
      %sub3A_211 = arith.constant 1.000000e+00 : f32
      %sub3A_212 = vector.broadcast %sub3A_211 : f32 to vector<16xf32>
      %sub3A_213 = arith.subf %select_n3A, %sub3A_212 : vector<16xf32>
      %add3A_214 = arith.constant 1.000000e+00 : f32
      %add3A_215 = vector.broadcast %add3A_214 : f32 to vector<16xf32>
      %add3A_216 = arith.addf %select_n3A, %add3A_215 : vector<16xf32>
      %div3A = arith.divf %sub3A_213, %add3A_216 : vector<16xf32>
      %mul3A_217 = arith.mulf %div3A, %div3A : vector<16xf32>
      %mul3A_218 = arith.constant 0.111111112 : f32
      %mul3A_219 = vector.broadcast %mul3A_218 : f32 to vector<16xf32>
      %mul3A_220 = arith.mulf %mul3A_217, %mul3A_219 : vector<16xf32>
      %add3A_221 = arith.constant 0.142857149 : f32
      %add3A_222 = vector.broadcast %add3A_221 : f32 to vector<16xf32>
      %add3A_223 = arith.addf %mul3A_220, %add3A_222 : vector<16xf32>
      %mul3A_224 = arith.mulf %add3A_223, %mul3A_217 : vector<16xf32>
      %add3A_225 = arith.constant 2.000000e-01 : f32
      %add3A_226 = vector.broadcast %add3A_225 : f32 to vector<16xf32>
      %add3A_227 = arith.addf %mul3A_224, %add3A_226 : vector<16xf32>
      %mul3A_228 = arith.mulf %add3A_227, %mul3A_217 : vector<16xf32>
      %add3A_229 = arith.constant 0.333333343 : f32
      %add3A_230 = vector.broadcast %add3A_229 : f32 to vector<16xf32>
      %add3A_231 = arith.addf %mul3A_228, %add3A_230 : vector<16xf32>
      %mul3A_232 = arith.constant 2.000000e+00 : f32
      %mul3A_233 = vector.broadcast %mul3A_232 : f32 to vector<16xf32>
      %mul3A_234 = arith.mulf %mul3A_233, %div3A : vector<16xf32>
      %mul3A_235 = arith.mulf %add3A_231, %mul3A_217 : vector<16xf32>
      %add3A_236 = arith.constant 1.000000e+00 : f32
      %add3A_237 = vector.broadcast %add3A_236 : f32 to vector<16xf32>
      %add3A_238 = arith.addf %mul3A_235, %add3A_237 : vector<16xf32>
      %mul3A_239 = arith.mulf %mul3A_234, %add3A_238 : vector<16xf32>
      %convert_element_type3A_240 = arith.sitofp %select_n3A_210 : vector<16xi32> to vector<16xf32>
      %mul3A_241 = arith.constant 0.693147182 : f32
      %mul3A_242 = vector.broadcast %mul3A_241 : f32 to vector<16xf32>
      %mul3A_243 = arith.mulf %convert_element_type3A_240, %mul3A_242 : vector<16xf32>
      %add3A_244 = arith.addf %mul3A_243, %mul3A_239 : vector<16xf32>
      %swap3A_245 = arith.constant 3 : i32
      %swap3A_246 = arith.index_cast %swap3A_245 : i32 to index
      %swap3A_247 = arith.index_cast %mul3A_147 : i32 to index
      %swap3A_248 = tpu.vector_load %arg8[%swap3A_246, %swap3A_247] {strides = array<i32>} : memref<5x656xf32, #tpu.memory_space<vmem>>, vector<16xf32>,
      tpu.vector_store %arg8[%swap3A_246, %swap3A_247], %add3A_244 {strides = array<i32>} : memref<5x656xf32, #tpu.memory_space<vmem>>, vector<16xf32>,
      %bitcast_convert_type3A_249 = tpu.bitcast %max3A_172 : vector<16xf32> -> vector<16xi32>
      %shift_right_logical3A_250 = arith.constant 23 : i32
      %shift_right_logical3A_251 = vector.broadcast %shift_right_logical3A_250 : i32 to vector<16xi32>
      %shift_right_logical3A_252 = arith.shrui %bitcast_convert_type3A_249, %shift_right_logical3A_251 : vector<16xi32>
      %sub3A_253 = arith.constant 127 : i32
      %sub3A_254 = vector.broadcast %sub3A_253 : i32 to vector<16xi32>
      %sub3A_255 = arith.subi %shift_right_logical3A_252, %sub3A_254 : vector<16xi32>
      %and3A_256 = arith.constant 8388607 : i32
      %and3A_257 = vector.broadcast %and3A_256 : i32 to vector<16xi32>
      %and3A_258 = arith.andi %bitcast_convert_type3A_249, %and3A_257 : vector<16xi32>
      %or3A_259 = arith.constant 1065353216 : i32
      %or3A_260 = vector.broadcast %or3A_259 : i32 to vector<16xi32>
      %or3A_261 = arith.ori %and3A_258, %or3A_260 : vector<16xi32>
      %bitcast_convert_type3A_262 = tpu.bitcast %or3A_261 : vector<16xi32> -> vector<16xf32>
      %gt3A_263 = arith.constant 1.41421354 : f32
      %gt3A_264 = vector.broadcast %gt3A_263 : f32 to vector<16xf32>
      %gt3A_265 = arith.cmpf ogt, %bitcast_convert_type3A_262, %gt3A_264 : vector<16xf32>
      %mul3A_266 = arith.constant 5.000000e-01 : f32
      %mul3A_267 = vector.broadcast %mul3A_266 : f32 to vector<16xf32>
      %mul3A_268 = arith.mulf %bitcast_convert_type3A_262, %mul3A_267 : vector<16xf32>
      %select_n3A_269 = arith.select %gt3A_265, %mul3A_268, %bitcast_convert_type3A_262 : vector<16xi1>, vector<16xf32>
      %add3A_270 = arith.constant 1 : i32
      %add3A_271 = vector.broadcast %add3A_270 : i32 to vector<16xi32>
      %add3A_272 = arith.addi %sub3A_255, %add3A_271 : vector<16xi32>
      %select_n3A_273 = arith.select %gt3A_265, %add3A_272, %sub3A_255 : vector<16xi1>, vector<16xi32>
      %sub3A_274 = arith.constant 1.000000e+00 : f32
      %sub3A_275 = vector.broadcast %sub3A_274 : f32 to vector<16xf32>
      %sub3A_276 = arith.subf %select_n3A_269, %sub3A_275 : vector<16xf32>
      %add3A_277 = arith.constant 1.000000e+00 : f32
      %add3A_278 = vector.broadcast %add3A_277 : f32 to vector<16xf32>
      %add3A_279 = arith.addf %select_n3A_269, %add3A_278 : vector<16xf32>
      %div3A_280 = arith.divf %sub3A_276, %add3A_279 : vector<16xf32>
      %mul3A_281 = arith.mulf %div3A_280, %div3A_280 : vector<16xf32>
      %mul3A_282 = arith.constant 0.111111112 : f32
      %mul3A_283 = vector.broadcast %mul3A_282 : f32 to vector<16xf32>
      %mul3A_284 = arith.mulf %mul3A_281, %mul3A_283 : vector<16xf32>
      %add3A_285 = arith.constant 0.142857149 : f32
      %add3A_286 = vector.broadcast %add3A_285 : f32 to vector<16xf32>
      %add3A_287 = arith.addf %mul3A_284, %add3A_286 : vector<16xf32>
      %mul3A_288 = arith.mulf %add3A_287, %mul3A_281 : vector<16xf32>
      %add3A_289 = arith.constant 2.000000e-01 : f32
      %add3A_290 = vector.broadcast %add3A_289 : f32 to vector<16xf32>
      %add3A_291 = arith.addf %mul3A_288, %add3A_290 : vector<16xf32>
      %mul3A_292 = arith.mulf %add3A_291, %mul3A_281 : vector<16xf32>
      %add3A_293 = arith.constant 0.333333343 : f32
      %add3A_294 = vector.broadcast %add3A_293 : f32 to vector<16xf32>
      %add3A_295 = arith.addf %mul3A_292, %add3A_294 : vector<16xf32>
      %mul3A_296 = arith.constant 2.000000e+00 : f32
      %mul3A_297 = vector.broadcast %mul3A_296 : f32 to vector<16xf32>
      %mul3A_298 = arith.mulf %mul3A_297, %div3A_280 : vector<16xf32>
      %mul3A_299 = arith.mulf %add3A_295, %mul3A_281 : vector<16xf32>
      %add3A_300 = arith.constant 1.000000e+00 : f32
      %add3A_301 = vector.broadcast %add3A_300 : f32 to vector<16xf32>
      %add3A_302 = arith.addf %mul3A_299, %add3A_301 : vector<16xf32>
      %mul3A_303 = arith.mulf %mul3A_298, %add3A_302 : vector<16xf32>
      %convert_element_type3A_304 = arith.sitofp %select_n3A_273 : vector<16xi32> to vector<16xf32>
      %mul3A_305 = arith.constant 0.693147182 : f32
      %mul3A_306 = vector.broadcast %mul3A_305 : f32 to vector<16xf32>
      %mul3A_307 = arith.mulf %convert_element_type3A_304, %mul3A_306 : vector<16xf32>
      %add3A_308 = arith.addf %mul3A_307, %mul3A_303 : vector<16xf32>
      %swap3A_309 = arith.constant 4 : i32
      %swap3A_310 = arith.index_cast %swap3A_309 : i32 to index
      %swap3A_311 = arith.index_cast %mul3A_147 : i32 to index
      %swap3A_312 = tpu.vector_load %arg8[%swap3A_310, %swap3A_311] {strides = array<i32>} : memref<5x656xf32, #tpu.memory_space<vmem>>, vector<16xf32>,
      tpu.vector_store %arg8[%swap3A_310, %swap3A_311], %add3A_308 {strides = array<i32>} : memref<5x656xf32, #tpu.memory_space<vmem>>, vector<16xf32>,
      %scan3A_313 = arith.constant 0 : i32
      scf.yield %scan3A_313 : i32
    }
    %scan3A_11 = arith.constant 41 : i32
    %scan3A_12 = arith.constant 0 : i32
    %scan3A_13 = arith.constant 0 : i32
    %scan3A_14 = arith.constant 8 : i32
    %scan3A_15 = arith.addi %scan3A_13, %scan3A_14 : i32
    %scan3A_16 = arith.constant 1 : i32
    %scan3A_17 = scf.for %scan3A_144 = %scan3A_13 to %scan3A_15 step %scan3A_16 iter_args(%scan3A_145 = %scan3A_12) -> (i32)  : i32 {
      %mul3A_146 = arith.constant 6 : i32
      %mul3A_147 = arith.muli %scan3A_144, %mul3A_146 : i32
      %mul3A_148 = arith.constant 112 : i32
      %mul3A_149 = arith.muli %mul3A_147, %mul3A_148 : i32
      %scan3A_150 = arith.constant 0 : i32
      %scan3A_151 = arith.constant 0 : i32
      %scan3A_152 = arith.constant 7 : i32
      %scan3A_153 = arith.addi %scan3A_151, %scan3A_152 : i32
      %scan3A_154 = arith.constant 1 : i32
      %scan3A_155 = scf.for %scan3A_158 = %scan3A_151 to %scan3A_153 step %scan3A_154 iter_args(%scan3A_159 = %scan3A_150) -> (i32)  : i32 {
        %mul3A_160 = arith.constant 16 : i32
        %mul3A_161 = arith.muli %scan3A_158, %mul3A_160 : i32
        %add3A_162 = arith.addi %mul3A_149, %mul3A_161 : i32
        %get3A = arith.index_cast %add3A_162 : i32 to index
        %get3A_163 = tpu.vector_load %arg9[%get3A] {strides = array<i32>} : memref<5376xf32, #tpu.memory_space<vmem>>, vector<16xf32>,
        %add3A_164 = arith.constant 112 : i32
        %add3A_165 = arith.addi %mul3A_149, %add3A_164 : i32
        %add3A_166 = arith.addi %add3A_165, %mul3A_161 : i32
        %get3A_167 = arith.index_cast %add3A_166 : i32 to index
        %get3A_168 = tpu.vector_load %arg9[%get3A_167] {strides = array<i32>} : memref<5376xf32, #tpu.memory_space<vmem>>, vector<16xf32>,
        %add3A_169 = arith.constant 224 : i32
        %add3A_170 = arith.addi %mul3A_149, %add3A_169 : i32
        %add3A_171 = arith.addi %add3A_170, %mul3A_161 : i32
        %get3A_172 = arith.index_cast %add3A_171 : i32 to index
        %get3A_173 = tpu.vector_load %arg9[%get3A_172] {strides = array<i32>} : memref<5376xf32, #tpu.memory_space<vmem>>, vector<16xf32>,
        %add3A_174 = arith.constant 336 : i32
        %add3A_175 = arith.addi %mul3A_149, %add3A_174 : i32
        %add3A_176 = arith.addi %add3A_175, %mul3A_161 : i32
        %get3A_177 = arith.index_cast %add3A_176 : i32 to index
        %get3A_178 = tpu.vector_load %arg9[%get3A_177] {strides = array<i32>} : memref<5376xf32, #tpu.memory_space<vmem>>, vector<16xf32>,
        %add3A_179 = arith.constant 448 : i32
        %add3A_180 = arith.addi %mul3A_149, %add3A_179 : i32
        %add3A_181 = arith.addi %add3A_180, %mul3A_161 : i32
        %get3A_182 = arith.index_cast %add3A_181 : i32 to index
        %get3A_183 = tpu.vector_load %arg9[%get3A_182] {strides = array<i32>} : memref<5376xf32, #tpu.memory_space<vmem>>, vector<16xf32>,
        %sub3A = arith.subf %get3A_173, %get3A_163 : vector<16xf32>
        %sub3A_184 = arith.subf %get3A_178, %get3A_168 : vector<16xf32>
        %mul3A_185 = arith.mulf %sub3A, %sub3A_184 : vector<16xf32>
        %add3A_186 = arith.addi %mul3A_149, %mul3A_161 : i32
        %swap3A = arith.index_cast %add3A_186 : i32 to index
        %swap3A_187 = tpu.vector_load %arg10[%swap3A] {strides = array<i32>} : memref<5376xf32, #tpu.memory_space<vmem>>, vector<16xf32>,
        tpu.vector_store %arg10[%swap3A], %mul3A_185 {strides = array<i32>} : memref<5376xf32, #tpu.memory_space<vmem>>, vector<16xf32>,
        %max3A = arith.constant 1.000000e+00 : f32
        %max3A_188 = vector.broadcast %max3A : f32 to vector<16xf32>
        %max3A_189 = arith.maximumf %sub3A, %max3A_188 : vector<16xf32>
        %max3A_190 = arith.constant 1.000000e+00 : f32
        %max3A_191 = vector.broadcast %max3A_190 : f32 to vector<16xf32>
        %max3A_192 = arith.maximumf %sub3A_184, %max3A_191 : vector<16xf32>
        %mul3A_193 = arith.constant 5.000000e-01 : f32
        %mul3A_194 = vector.broadcast %mul3A_193 : f32 to vector<16xf32>
        %mul3A_195 = arith.mulf %mul3A_194, %max3A_189 : vector<16xf32>
        %add3A_196 = arith.addf %get3A_163, %mul3A_195 : vector<16xf32>
        %add3A_197 = arith.constant 112 : i32
        %add3A_198 = arith.addi %mul3A_149, %add3A_197 : i32
        %add3A_199 = arith.addi %add3A_198, %mul3A_161 : i32
        %swap3A_200 = arith.index_cast %add3A_199 : i32 to index
        %swap3A_201 = tpu.vector_load %arg10[%swap3A_200] {strides = array<i32>} : memref<5376xf32, #tpu.memory_space<vmem>>, vector<16xf32>,
        tpu.vector_store %arg10[%swap3A_200], %add3A_196 {strides = array<i32>} : memref<5376xf32, #tpu.memory_space<vmem>>, vector<16xf32>,
        %mul3A_202 = arith.constant 5.000000e-01 : f32
        %mul3A_203 = vector.broadcast %mul3A_202 : f32 to vector<16xf32>
        %mul3A_204 = arith.mulf %mul3A_203, %max3A_192 : vector<16xf32>
        %add3A_205 = arith.addf %get3A_168, %mul3A_204 : vector<16xf32>
        %add3A_206 = arith.constant 224 : i32
        %add3A_207 = arith.addi %mul3A_149, %add3A_206 : i32
        %add3A_208 = arith.addi %add3A_207, %mul3A_161 : i32
        %swap3A_209 = arith.index_cast %add3A_208 : i32 to index
        %swap3A_210 = tpu.vector_load %arg10[%swap3A_209] {strides = array<i32>} : memref<5376xf32, #tpu.memory_space<vmem>>, vector<16xf32>,
        tpu.vector_store %arg10[%swap3A_209], %add3A_205 {strides = array<i32>} : memref<5376xf32, #tpu.memory_space<vmem>>, vector<16xf32>,
        %bitcast_convert_type3A = tpu.bitcast %max3A_189 : vector<16xf32> -> vector<16xi32>
        %shift_right_logical3A = arith.constant 23 : i32
        %shift_right_logical3A_211 = vector.broadcast %shift_right_logical3A : i32 to vector<16xi32>
        %shift_right_logical3A_212 = arith.shrui %bitcast_convert_type3A, %shift_right_logical3A_211 : vector<16xi32>
        %sub3A_213 = arith.constant 127 : i32
        %sub3A_214 = vector.broadcast %sub3A_213 : i32 to vector<16xi32>
        %sub3A_215 = arith.subi %shift_right_logical3A_212, %sub3A_214 : vector<16xi32>
        %and3A = arith.constant 8388607 : i32
        %and3A_216 = vector.broadcast %and3A : i32 to vector<16xi32>
        %and3A_217 = arith.andi %bitcast_convert_type3A, %and3A_216 : vector<16xi32>
        %or3A = arith.constant 1065353216 : i32
        %or3A_218 = vector.broadcast %or3A : i32 to vector<16xi32>
        %or3A_219 = arith.ori %and3A_217, %or3A_218 : vector<16xi32>
        %bitcast_convert_type3A_220 = tpu.bitcast %or3A_219 : vector<16xi32> -> vector<16xf32>
        %gt3A = arith.constant 1.41421354 : f32
        %gt3A_221 = vector.broadcast %gt3A : f32 to vector<16xf32>
        %gt3A_222 = arith.cmpf ogt, %bitcast_convert_type3A_220, %gt3A_221 : vector<16xf32>
        %mul3A_223 = arith.constant 5.000000e-01 : f32
        %mul3A_224 = vector.broadcast %mul3A_223 : f32 to vector<16xf32>
        %mul3A_225 = arith.mulf %bitcast_convert_type3A_220, %mul3A_224 : vector<16xf32>
        %select_n3A = arith.select %gt3A_222, %mul3A_225, %bitcast_convert_type3A_220 : vector<16xi1>, vector<16xf32>
        %add3A_226 = arith.constant 1 : i32
        %add3A_227 = vector.broadcast %add3A_226 : i32 to vector<16xi32>
        %add3A_228 = arith.addi %sub3A_215, %add3A_227 : vector<16xi32>
        %select_n3A_229 = arith.select %gt3A_222, %add3A_228, %sub3A_215 : vector<16xi1>, vector<16xi32>
        %sub3A_230 = arith.constant 1.000000e+00 : f32
        %sub3A_231 = vector.broadcast %sub3A_230 : f32 to vector<16xf32>
        %sub3A_232 = arith.subf %select_n3A, %sub3A_231 : vector<16xf32>
        %add3A_233 = arith.constant 1.000000e+00 : f32
        %add3A_234 = vector.broadcast %add3A_233 : f32 to vector<16xf32>
        %add3A_235 = arith.addf %select_n3A, %add3A_234 : vector<16xf32>
        %div3A = arith.divf %sub3A_232, %add3A_235 : vector<16xf32>
        %mul3A_236 = arith.mulf %div3A, %div3A : vector<16xf32>
        %mul3A_237 = arith.constant 0.111111112 : f32
        %mul3A_238 = vector.broadcast %mul3A_237 : f32 to vector<16xf32>
        %mul3A_239 = arith.mulf %mul3A_236, %mul3A_238 : vector<16xf32>
        %add3A_240 = arith.constant 0.142857149 : f32
        %add3A_241 = vector.broadcast %add3A_240 : f32 to vector<16xf32>
        %add3A_242 = arith.addf %mul3A_239, %add3A_241 : vector<16xf32>
        %mul3A_243 = arith.mulf %add3A_242, %mul3A_236 : vector<16xf32>
        %add3A_244 = arith.constant 2.000000e-01 : f32
        %add3A_245 = vector.broadcast %add3A_244 : f32 to vector<16xf32>
        %add3A_246 = arith.addf %mul3A_243, %add3A_245 : vector<16xf32>
        %mul3A_247 = arith.mulf %add3A_246, %mul3A_236 : vector<16xf32>
        %add3A_248 = arith.constant 0.333333343 : f32
        %add3A_249 = vector.broadcast %add3A_248 : f32 to vector<16xf32>
        %add3A_250 = arith.addf %mul3A_247, %add3A_249 : vector<16xf32>
        %mul3A_251 = arith.constant 2.000000e+00 : f32
        %mul3A_252 = vector.broadcast %mul3A_251 : f32 to vector<16xf32>
        %mul3A_253 = arith.mulf %mul3A_252, %div3A : vector<16xf32>
        %mul3A_254 = arith.mulf %add3A_250, %mul3A_236 : vector<16xf32>
        %add3A_255 = arith.constant 1.000000e+00 : f32
        %add3A_256 = vector.broadcast %add3A_255 : f32 to vector<16xf32>
        %add3A_257 = arith.addf %mul3A_254, %add3A_256 : vector<16xf32>
        %mul3A_258 = arith.mulf %mul3A_253, %add3A_257 : vector<16xf32>
        %convert_element_type3A = arith.sitofp %select_n3A_229 : vector<16xi32> to vector<16xf32>
        %mul3A_259 = arith.constant 0.693147182 : f32
        %mul3A_260 = vector.broadcast %mul3A_259 : f32 to vector<16xf32>
        %mul3A_261 = arith.mulf %convert_element_type3A, %mul3A_260 : vector<16xf32>
        %add3A_262 = arith.addf %mul3A_261, %mul3A_258 : vector<16xf32>
        %add3A_263 = arith.constant 336 : i32
        %add3A_264 = arith.addi %mul3A_149, %add3A_263 : i32
        %add3A_265 = arith.addi %add3A_264, %mul3A_161 : i32
        %swap3A_266 = arith.index_cast %add3A_265 : i32 to index
        %swap3A_267 = tpu.vector_load %arg10[%swap3A_266] {strides = array<i32>} : memref<5376xf32, #tpu.memory_space<vmem>>, vector<16xf32>,
        tpu.vector_store %arg10[%swap3A_266], %add3A_262 {strides = array<i32>} : memref<5376xf32, #tpu.memory_space<vmem>>, vector<16xf32>,
        %bitcast_convert_type3A_268 = tpu.bitcast %max3A_192 : vector<16xf32> -> vector<16xi32>
        %shift_right_logical3A_269 = arith.constant 23 : i32
        %shift_right_logical3A_270 = vector.broadcast %shift_right_logical3A_269 : i32 to vector<16xi32>
        %shift_right_logical3A_271 = arith.shrui %bitcast_convert_type3A_268, %shift_right_logical3A_270 : vector<16xi32>
        %sub3A_272 = arith.constant 127 : i32
        %sub3A_273 = vector.broadcast %sub3A_272 : i32 to vector<16xi32>
        %sub3A_274 = arith.subi %shift_right_logical3A_271, %sub3A_273 : vector<16xi32>
        %and3A_275 = arith.constant 8388607 : i32
        %and3A_276 = vector.broadcast %and3A_275 : i32 to vector<16xi32>
        %and3A_277 = arith.andi %bitcast_convert_type3A_268, %and3A_276 : vector<16xi32>
        %or3A_278 = arith.constant 1065353216 : i32
        %or3A_279 = vector.broadcast %or3A_278 : i32 to vector<16xi32>
        %or3A_280 = arith.ori %and3A_277, %or3A_279 : vector<16xi32>
        %bitcast_convert_type3A_281 = tpu.bitcast %or3A_280 : vector<16xi32> -> vector<16xf32>
        %gt3A_282 = arith.constant 1.41421354 : f32
        %gt3A_283 = vector.broadcast %gt3A_282 : f32 to vector<16xf32>
        %gt3A_284 = arith.cmpf ogt, %bitcast_convert_type3A_281, %gt3A_283 : vector<16xf32>
        %mul3A_285 = arith.constant 5.000000e-01 : f32
        %mul3A_286 = vector.broadcast %mul3A_285 : f32 to vector<16xf32>
        %mul3A_287 = arith.mulf %bitcast_convert_type3A_281, %mul3A_286 : vector<16xf32>
        %select_n3A_288 = arith.select %gt3A_284, %mul3A_287, %bitcast_convert_type3A_281 : vector<16xi1>, vector<16xf32>
        %add3A_289 = arith.constant 1 : i32
        %add3A_290 = vector.broadcast %add3A_289 : i32 to vector<16xi32>
        %add3A_291 = arith.addi %sub3A_274, %add3A_290 : vector<16xi32>
        %select_n3A_292 = arith.select %gt3A_284, %add3A_291, %sub3A_274 : vector<16xi1>, vector<16xi32>
        %sub3A_293 = arith.constant 1.000000e+00 : f32
        %sub3A_294 = vector.broadcast %sub3A_293 : f32 to vector<16xf32>
        %sub3A_295 = arith.subf %select_n3A_288, %sub3A_294 : vector<16xf32>
        %add3A_296 = arith.constant 1.000000e+00 : f32
        %add3A_297 = vector.broadcast %add3A_296 : f32 to vector<16xf32>
        %add3A_298 = arith.addf %select_n3A_288, %add3A_297 : vector<16xf32>
        %div3A_299 = arith.divf %sub3A_295, %add3A_298 : vector<16xf32>
        %mul3A_300 = arith.mulf %div3A_299, %div3A_299 : vector<16xf32>
        %mul3A_301 = arith.constant 0.111111112 : f32
        %mul3A_302 = vector.broadcast %mul3A_301 : f32 to vector<16xf32>
        %mul3A_303 = arith.mulf %mul3A_300, %mul3A_302 : vector<16xf32>
        %add3A_304 = arith.constant 0.142857149 : f32
        %add3A_305 = vector.broadcast %add3A_304 : f32 to vector<16xf32>
        %add3A_306 = arith.addf %mul3A_303, %add3A_305 : vector<16xf32>
        %mul3A_307 = arith.mulf %add3A_306, %mul3A_300 : vector<16xf32>
        %add3A_308 = arith.constant 2.000000e-01 : f32
        %add3A_309 = vector.broadcast %add3A_308 : f32 to vector<16xf32>
        %add3A_310 = arith.addf %mul3A_307, %add3A_309 : vector<16xf32>
        %mul3A_311 = arith.mulf %add3A_310, %mul3A_300 : vector<16xf32>
        %add3A_312 = arith.constant 0.333333343 : f32
        %add3A_313 = vector.broadcast %add3A_312 : f32 to vector<16xf32>
        %add3A_314 = arith.addf %mul3A_311, %add3A_313 : vector<16xf32>
        %mul3A_315 = arith.constant 2.000000e+00 : f32
        %mul3A_316 = vector.broadcast %mul3A_315 : f32 to vector<16xf32>
        %mul3A_317 = arith.mulf %mul3A_316, %div3A_299 : vector<16xf32>
        %mul3A_318 = arith.mulf %add3A_314, %mul3A_300 : vector<16xf32>
        %add3A_319 = arith.constant 1.000000e+00 : f32
        %add3A_320 = vector.broadcast %add3A_319 : f32 to vector<16xf32>
        %add3A_321 = arith.addf %mul3A_318, %add3A_320 : vector<16xf32>
        %mul3A_322 = arith.mulf %mul3A_317, %add3A_321 : vector<16xf32>
        %convert_element_type3A_323 = arith.sitofp %select_n3A_292 : vector<16xi32> to vector<16xf32>
        %mul3A_324 = arith.constant 0.693147182 : f32
        %mul3A_325 = vector.broadcast %mul3A_324 : f32 to vector<16xf32>
        %mul3A_326 = arith.mulf %convert_element_type3A_323, %mul3A_325 : vector<16xf32>
        %add3A_327 = arith.addf %mul3A_326, %mul3A_322 : vector<16xf32>
        %add3A_328 = arith.constant 448 : i32
        %add3A_329 = arith.addi %mul3A_149, %add3A_328 : i32
        %add3A_330 = arith.addi %add3A_329, %mul3A_161 : i32
        %swap3A_331 = arith.index_cast %add3A_330 : i32 to index
        %swap3A_332 = tpu.vector_load %arg10[%swap3A_331] {strides = array<i32>} : memref<5376xf32, #tpu.memory_space<vmem>>, vector<16xf32>,
        tpu.vector_store %arg10[%swap3A_331], %add3A_327 {strides = array<i32>} : memref<5376xf32, #tpu.memory_space<vmem>>, vector<16xf32>,
        %add3A_333 = arith.constant 560 : i32
        %add3A_334 = arith.addi %mul3A_149, %add3A_333 : i32
        %add3A_335 = arith.addi %add3A_334, %mul3A_161 : i32
        %swap3A_336 = arith.index_cast %add3A_335 : i32 to index
        %swap3A_337 = tpu.vector_load %arg10[%swap3A_336] {strides = array<i32>} : memref<5376xf32, #tpu.memory_space<vmem>>, vector<16xf32>,
        tpu.vector_store %arg10[%swap3A_336], %get3A_183 {strides = array<i32>} : memref<5376xf32, #tpu.memory_space<vmem>>, vector<16xf32>,
        %scan3A_338 = arith.constant 0 : i32
        scf.yield %scan3A_338 : i32
      }
      %scan3A_156 = arith.constant 7 : i32
      %scan3A_157 = arith.constant 0 : i32
      scf.yield %scan3A_157 : i32
    }
    %scan3A_18 = arith.constant 8 : i32
    %scan3A_19 = arith.constant 0 : i32
    %scan3A_20 = arith.constant 0 : i32
    %scan3A_21 = arith.constant 41 : i32
    %scan3A_22 = arith.addi %scan3A_20, %scan3A_21 : i32
    %scan3A_23 = arith.constant 1 : i32
    %scan3A_24 = scf.for %scan3A_144 = %scan3A_20 to %scan3A_22 step %scan3A_23 iter_args(%scan3A_145 = %scan3A_19) -> (i32)  : i32 {
      %mul3A_146 = arith.constant 16 : i32
      %mul3A_147 = arith.muli %scan3A_144, %mul3A_146 : i32
      %broadcast_in_dim3A_148 = arith.constant 0 : i32
      %broadcast_in_dim3A_149 = vector.broadcast %broadcast_in_dim3A_148 : i32 to vector<16xi32>
      %swap3A = arith.constant 0 : i32
      %swap3A_150 = arith.index_cast %swap3A : i32 to index
      %swap3A_151 = arith.index_cast %mul3A_147 : i32 to index
      %swap3A_152 = tpu.vector_load %arg14[%swap3A_150, %swap3A_151] {strides = array<i32>} : memref<2x656xi32, #tpu.memory_space<vmem>>, vector<16xi32>,
      tpu.vector_store %arg14[%swap3A_150, %swap3A_151], %broadcast_in_dim3A_149 {strides = array<i32>} : memref<2x656xi32, #tpu.memory_space<vmem>>, vector<16xi32>,
      %swap3A_153 = arith.constant 0 : i32
      %swap3A_154 = arith.constant 0 : i32
      %swap3A_155 = arith.index_cast %swap3A_153 : i32 to index
      %swap3A_156 = arith.index_cast %swap3A_154 : i32 to index
      %swap3A_157 = arith.index_cast %mul3A_147 : i32 to index
      %swap3A_158 = tpu.vector_load %arg12[%swap3A_155, %swap3A_156, %swap3A_157] {strides = array<i32>} : memref<2x20x656xf32, #tpu.memory_space<vmem>>, vector<16xf32>,
      tpu.vector_store %arg12[%swap3A_155, %swap3A_156, %swap3A_157], %broadcast_in_dim3A_3 {strides = array<i32>} : memref<2x20x656xf32, #tpu.memory_space<vmem>>, vector<16xf32>,
      %swap3A_159 = arith.constant 0 : i32
      %swap3A_160 = arith.constant 1 : i32
      %swap3A_161 = arith.index_cast %swap3A_159 : i32 to index
      %swap3A_162 = arith.index_cast %swap3A_160 : i32 to index
      %swap3A_163 = arith.index_cast %mul3A_147 : i32 to index
      %swap3A_164 = tpu.vector_load %arg12[%swap3A_161, %swap3A_162, %swap3A_163] {strides = array<i32>} : memref<2x20x656xf32, #tpu.memory_space<vmem>>, vector<16xf32>,
      tpu.vector_store %arg12[%swap3A_161, %swap3A_162, %swap3A_163], %broadcast_in_dim3A_3 {strides = array<i32>} : memref<2x20x656xf32, #tpu.memory_space<vmem>>, vector<16xf32>,
      %swap3A_165 = arith.constant 0 : i32
      %swap3A_166 = arith.constant 2 : i32
      %swap3A_167 = arith.index_cast %swap3A_165 : i32 to index
      %swap3A_168 = arith.index_cast %swap3A_166 : i32 to index
      %swap3A_169 = arith.index_cast %mul3A_147 : i32 to index
      %swap3A_170 = tpu.vector_load %arg12[%swap3A_167, %swap3A_168, %swap3A_169] {strides = array<i32>} : memref<2x20x656xf32, #tpu.memory_space<vmem>>, vector<16xf32>,
      tpu.vector_store %arg12[%swap3A_167, %swap3A_168, %swap3A_169], %broadcast_in_dim3A_3 {strides = array<i32>} : memref<2x20x656xf32, #tpu.memory_space<vmem>>, vector<16xf32>,
      %swap3A_171 = arith.constant 0 : i32
      %swap3A_172 = arith.constant 3 : i32
      %swap3A_173 = arith.index_cast %swap3A_171 : i32 to index
      %swap3A_174 = arith.index_cast %swap3A_172 : i32 to index
      %swap3A_175 = arith.index_cast %mul3A_147 : i32 to index
      %swap3A_176 = tpu.vector_load %arg12[%swap3A_173, %swap3A_174, %swap3A_175] {strides = array<i32>} : memref<2x20x656xf32, #tpu.memory_space<vmem>>, vector<16xf32>,
      tpu.vector_store %arg12[%swap3A_173, %swap3A_174, %swap3A_175], %broadcast_in_dim3A_3 {strides = array<i32>} : memref<2x20x656xf32, #tpu.memory_space<vmem>>, vector<16xf32>,
      %swap3A_177 = arith.constant 0 : i32
      %swap3A_178 = arith.constant 4 : i32
      %swap3A_179 = arith.index_cast %swap3A_177 : i32 to index
      %swap3A_180 = arith.index_cast %swap3A_178 : i32 to index
      %swap3A_181 = arith.index_cast %mul3A_147 : i32 to index
      %swap3A_182 = tpu.vector_load %arg12[%swap3A_179, %swap3A_180, %swap3A_181] {strides = array<i32>} : memref<2x20x656xf32, #tpu.memory_space<vmem>>, vector<16xf32>,
      tpu.vector_store %arg12[%swap3A_179, %swap3A_180, %swap3A_181], %broadcast_in_dim3A_3 {strides = array<i32>} : memref<2x20x656xf32, #tpu.memory_space<vmem>>, vector<16xf32>,
      %swap3A_183 = arith.constant 0 : i32
      %swap3A_184 = arith.constant 5 : i32
      %swap3A_185 = arith.index_cast %swap3A_183 : i32 to index
      %swap3A_186 = arith.index_cast %swap3A_184 : i32 to index
      %swap3A_187 = arith.index_cast %mul3A_147 : i32 to index
      %swap3A_188 = tpu.vector_load %arg12[%swap3A_185, %swap3A_186, %swap3A_187] {strides = array<i32>} : memref<2x20x656xf32, #tpu.memory_space<vmem>>, vector<16xf32>,
      tpu.vector_store %arg12[%swap3A_185, %swap3A_186, %swap3A_187], %broadcast_in_dim3A_3 {strides = array<i32>} : memref<2x20x656xf32, #tpu.memory_space<vmem>>, vector<16xf32>,
      %swap3A_189 = arith.constant 0 : i32
      %swap3A_190 = arith.constant 6 : i32
      %swap3A_191 = arith.index_cast %swap3A_189 : i32 to index
      %swap3A_192 = arith.index_cast %swap3A_190 : i32 to index
      %swap3A_193 = arith.index_cast %mul3A_147 : i32 to index
      %swap3A_194 = tpu.vector_load %arg12[%swap3A_191, %swap3A_192, %swap3A_193] {strides = array<i32>} : memref<2x20x656xf32, #tpu.memory_space<vmem>>, vector<16xf32>,
      tpu.vector_store %arg12[%swap3A_191, %swap3A_192, %swap3A_193], %broadcast_in_dim3A_3 {strides = array<i32>} : memref<2x20x656xf32, #tpu.memory_space<vmem>>, vector<16xf32>,
      %swap3A_195 = arith.constant 0 : i32
      %swap3A_196 = arith.constant 7 : i32
      %swap3A_197 = arith.index_cast %swap3A_195 : i32 to index
      %swap3A_198 = arith.index_cast %swap3A_196 : i32 to index
      %swap3A_199 = arith.index_cast %mul3A_147 : i32 to index
      %swap3A_200 = tpu.vector_load %arg12[%swap3A_197, %swap3A_198, %swap3A_199] {strides = array<i32>} : memref<2x20x656xf32, #tpu.memory_space<vmem>>, vector<16xf32>,
      tpu.vector_store %arg12[%swap3A_197, %swap3A_198, %swap3A_199], %broadcast_in_dim3A_3 {strides = array<i32>} : memref<2x20x656xf32, #tpu.memory_space<vmem>>, vector<16xf32>,
      %swap3A_201 = arith.constant 0 : i32
      %swap3A_202 = arith.constant 8 : i32
      %swap3A_203 = arith.index_cast %swap3A_201 : i32 to index
      %swap3A_204 = arith.index_cast %swap3A_202 : i32 to index
      %swap3A_205 = arith.index_cast %mul3A_147 : i32 to index
      %swap3A_206 = tpu.vector_load %arg12[%swap3A_203, %swap3A_204, %swap3A_205] {strides = array<i32>} : memref<2x20x656xf32, #tpu.memory_space<vmem>>, vector<16xf32>,
      tpu.vector_store %arg12[%swap3A_203, %swap3A_204, %swap3A_205], %broadcast_in_dim3A_3 {strides = array<i32>} : memref<2x20x656xf32, #tpu.memory_space<vmem>>, vector<16xf32>,
      %swap3A_207 = arith.constant 0 : i32
      %swap3A_208 = arith.constant 9 : i32
      %swap3A_209 = arith.index_cast %swap3A_207 : i32 to index
      %swap3A_210 = arith.index_cast %swap3A_208 : i32 to index
      %swap3A_211 = arith.index_cast %mul3A_147 : i32 to index
      %swap3A_212 = tpu.vector_load %arg12[%swap3A_209, %swap3A_210, %swap3A_211] {strides = array<i32>} : memref<2x20x656xf32, #tpu.memory_space<vmem>>, vector<16xf32>,
      tpu.vector_store %arg12[%swap3A_209, %swap3A_210, %swap3A_211], %broadcast_in_dim3A_3 {strides = array<i32>} : memref<2x20x656xf32, #tpu.memory_space<vmem>>, vector<16xf32>,
      %swap3A_213 = arith.constant 0 : i32
      %swap3A_214 = arith.constant 10 : i32
      %swap3A_215 = arith.index_cast %swap3A_213 : i32 to index
      %swap3A_216 = arith.index_cast %swap3A_214 : i32 to index
      %swap3A_217 = arith.index_cast %mul3A_147 : i32 to index
      %swap3A_218 = tpu.vector_load %arg12[%swap3A_215, %swap3A_216, %swap3A_217] {strides = array<i32>} : memref<2x20x656xf32, #tpu.memory_space<vmem>>, vector<16xf32>,
      tpu.vector_store %arg12[%swap3A_215, %swap3A_216, %swap3A_217], %broadcast_in_dim3A_3 {strides = array<i32>} : memref<2x20x656xf32, #tpu.memory_space<vmem>>, vector<16xf32>,
      %swap3A_219 = arith.constant 0 : i32
      %swap3A_220 = arith.constant 11 : i32
      %swap3A_221 = arith.index_cast %swap3A_219 : i32 to index
      %swap3A_222 = arith.index_cast %swap3A_220 : i32 to index
      %swap3A_223 = arith.index_cast %mul3A_147 : i32 to index
      %swap3A_224 = tpu.vector_load %arg12[%swap3A_221, %swap3A_222, %swap3A_223] {strides = array<i32>} : memref<2x20x656xf32, #tpu.memory_space<vmem>>, vector<16xf32>,
      tpu.vector_store %arg12[%swap3A_221, %swap3A_222, %swap3A_223], %broadcast_in_dim3A_3 {strides = array<i32>} : memref<2x20x656xf32, #tpu.memory_space<vmem>>, vector<16xf32>,
      %swap3A_225 = arith.constant 0 : i32
      %swap3A_226 = arith.constant 12 : i32
      %swap3A_227 = arith.index_cast %swap3A_225 : i32 to index
      %swap3A_228 = arith.index_cast %swap3A_226 : i32 to index
      %swap3A_229 = arith.index_cast %mul3A_147 : i32 to index
      %swap3A_230 = tpu.vector_load %arg12[%swap3A_227, %swap3A_228, %swap3A_229] {strides = array<i32>} : memref<2x20x656xf32, #tpu.memory_space<vmem>>, vector<16xf32>,
      tpu.vector_store %arg12[%swap3A_227, %swap3A_228, %swap3A_229], %broadcast_in_dim3A_3 {strides = array<i32>} : memref<2x20x656xf32, #tpu.memory_space<vmem>>, vector<16xf32>,
      %swap3A_231 = arith.constant 0 : i32
      %swap3A_232 = arith.constant 13 : i32
      %swap3A_233 = arith.index_cast %swap3A_231 : i32 to index
      %swap3A_234 = arith.index_cast %swap3A_232 : i32 to index
      %swap3A_235 = arith.index_cast %mul3A_147 : i32 to index
      %swap3A_236 = tpu.vector_load %arg12[%swap3A_233, %swap3A_234, %swap3A_235] {strides = array<i32>} : memref<2x20x656xf32, #tpu.memory_space<vmem>>, vector<16xf32>,
      tpu.vector_store %arg12[%swap3A_233, %swap3A_234, %swap3A_235], %broadcast_in_dim3A_3 {strides = array<i32>} : memref<2x20x656xf32, #tpu.memory_space<vmem>>, vector<16xf32>,
      %swap3A_237 = arith.constant 0 : i32
      %swap3A_238 = arith.constant 14 : i32
      %swap3A_239 = arith.index_cast %swap3A_237 : i32 to index
      %swap3A_240 = arith.index_cast %swap3A_238 : i32 to index
      %swap3A_241 = arith.index_cast %mul3A_147 : i32 to index
      %swap3A_242 = tpu.vector_load %arg12[%swap3A_239, %swap3A_240, %swap3A_241] {strides = array<i32>} : memref<2x20x656xf32, #tpu.memory_space<vmem>>, vector<16xf32>,
      tpu.vector_store %arg12[%swap3A_239, %swap3A_240, %swap3A_241], %broadcast_in_dim3A_3 {strides = array<i32>} : memref<2x20x656xf32, #tpu.memory_space<vmem>>, vector<16xf32>,
      %swap3A_243 = arith.constant 0 : i32
      %swap3A_244 = arith.constant 15 : i32
      %swap3A_245 = arith.index_cast %swap3A_243 : i32 to index
      %swap3A_246 = arith.index_cast %swap3A_244 : i32 to index
      %swap3A_247 = arith.index_cast %mul3A_147 : i32 to index
      %swap3A_248 = tpu.vector_load %arg12[%swap3A_245, %swap3A_246, %swap3A_247] {strides = array<i32>} : memref<2x20x656xf32, #tpu.memory_space<vmem>>, vector<16xf32>,
      tpu.vector_store %arg12[%swap3A_245, %swap3A_246, %swap3A_247], %broadcast_in_dim3A_3 {strides = array<i32>} : memref<2x20x656xf32, #tpu.memory_space<vmem>>, vector<16xf32>,
      %swap3A_249 = arith.constant 0 : i32
      %swap3A_250 = arith.constant 16 : i32
      %swap3A_251 = arith.index_cast %swap3A_249 : i32 to index
      %swap3A_252 = arith.index_cast %swap3A_250 : i32 to index
      %swap3A_253 = arith.index_cast %mul3A_147 : i32 to index
      %swap3A_254 = tpu.vector_load %arg12[%swap3A_251, %swap3A_252, %swap3A_253] {strides = array<i32>} : memref<2x20x656xf32, #tpu.memory_space<vmem>>, vector<16xf32>,
      tpu.vector_store %arg12[%swap3A_251, %swap3A_252, %swap3A_253], %broadcast_in_dim3A_3 {strides = array<i32>} : memref<2x20x656xf32, #tpu.memory_space<vmem>>, vector<16xf32>,
      %swap3A_255 = arith.constant 0 : i32
      %swap3A_256 = arith.constant 17 : i32
      %swap3A_257 = arith.index_cast %swap3A_255 : i32 to index
      %swap3A_258 = arith.index_cast %swap3A_256 : i32 to index
      %swap3A_259 = arith.index_cast %mul3A_147 : i32 to index
      %swap3A_260 = tpu.vector_load %arg12[%swap3A_257, %swap3A_258, %swap3A_259] {strides = array<i32>} : memref<2x20x656xf32, #tpu.memory_space<vmem>>, vector<16xf32>,
      tpu.vector_store %arg12[%swap3A_257, %swap3A_258, %swap3A_259], %broadcast_in_dim3A_3 {strides = array<i32>} : memref<2x20x656xf32, #tpu.memory_space<vmem>>, vector<16xf32>,
      %swap3A_261 = arith.constant 0 : i32
      %swap3A_262 = arith.constant 18 : i32
      %swap3A_263 = arith.index_cast %swap3A_261 : i32 to index
      %swap3A_264 = arith.index_cast %swap3A_262 : i32 to index
      %swap3A_265 = arith.index_cast %mul3A_147 : i32 to index
      %swap3A_266 = tpu.vector_load %arg12[%swap3A_263, %swap3A_264, %swap3A_265] {strides = array<i32>} : memref<2x20x656xf32, #tpu.memory_space<vmem>>, vector<16xf32>,
      tpu.vector_store %arg12[%swap3A_263, %swap3A_264, %swap3A_265], %broadcast_in_dim3A_3 {strides = array<i32>} : memref<2x20x656xf32, #tpu.memory_space<vmem>>, vector<16xf32>,
      %swap3A_267 = arith.constant 0 : i32
      %swap3A_268 = arith.constant 19 : i32
      %swap3A_269 = arith.index_cast %swap3A_267 : i32 to index
      %swap3A_270 = arith.index_cast %swap3A_268 : i32 to index
      %swap3A_271 = arith.index_cast %mul3A_147 : i32 to index
      %swap3A_272 = tpu.vector_load %arg12[%swap3A_269, %swap3A_270, %swap3A_271] {strides = array<i32>} : memref<2x20x656xf32, #tpu.memory_space<vmem>>, vector<16xf32>,
      tpu.vector_store %arg12[%swap3A_269, %swap3A_270, %swap3A_271], %broadcast_in_dim3A_3 {strides = array<i32>} : memref<2x20x656xf32, #tpu.memory_space<vmem>>, vector<16xf32>,
      %broadcast_in_dim3A_273 = arith.constant 0 : i32
      %broadcast_in_dim3A_274 = vector.broadcast %broadcast_in_dim3A_273 : i32 to vector<16xi32>
      %swap3A_275 = arith.constant 1 : i32
      %swap3A_276 = arith.index_cast %swap3A_275 : i32 to index
      %swap3A_277 = arith.index_cast %mul3A_147 : i32 to index
      %swap3A_278 = tpu.vector_load %arg14[%swap3A_276, %swap3A_277] {strides = array<i32>} : memref<2x656xi32, #tpu.memory_space<vmem>>, vector<16xi32>,
      tpu.vector_store %arg14[%swap3A_276, %swap3A_277], %broadcast_in_dim3A_274 {strides = array<i32>} : memref<2x656xi32, #tpu.memory_space<vmem>>, vector<16xi32>,
      %swap3A_279 = arith.constant 1 : i32
      %swap3A_280 = arith.constant 0 : i32
      %swap3A_281 = arith.index_cast %swap3A_279 : i32 to index
      %swap3A_282 = arith.index_cast %swap3A_280 : i32 to index
      %swap3A_283 = arith.index_cast %mul3A_147 : i32 to index
      %swap3A_284 = tpu.vector_load %arg12[%swap3A_281, %swap3A_282, %swap3A_283] {strides = array<i32>} : memref<2x20x656xf32, #tpu.memory_space<vmem>>, vector<16xf32>,
      tpu.vector_store %arg12[%swap3A_281, %swap3A_282, %swap3A_283], %broadcast_in_dim3A_3 {strides = array<i32>} : memref<2x20x656xf32, #tpu.memory_space<vmem>>, vector<16xf32>,
      %swap3A_285 = arith.constant 1 : i32
      %swap3A_286 = arith.constant 1 : i32
      %swap3A_287 = arith.index_cast %swap3A_285 : i32 to index
      %swap3A_288 = arith.index_cast %swap3A_286 : i32 to index
      %swap3A_289 = arith.index_cast %mul3A_147 : i32 to index
      %swap3A_290 = tpu.vector_load %arg12[%swap3A_287, %swap3A_288, %swap3A_289] {strides = array<i32>} : memref<2x20x656xf32, #tpu.memory_space<vmem>>, vector<16xf32>,
      tpu.vector_store %arg12[%swap3A_287, %swap3A_288, %swap3A_289], %broadcast_in_dim3A_3 {strides = array<i32>} : memref<2x20x656xf32, #tpu.memory_space<vmem>>, vector<16xf32>,
      %swap3A_291 = arith.constant 1 : i32
      %swap3A_292 = arith.constant 2 : i32
      %swap3A_293 = arith.index_cast %swap3A_291 : i32 to index
      %swap3A_294 = arith.index_cast %swap3A_292 : i32 to index
      %swap3A_295 = arith.index_cast %mul3A_147 : i32 to index
      %swap3A_296 = tpu.vector_load %arg12[%swap3A_293, %swap3A_294, %swap3A_295] {strides = array<i32>} : memref<2x20x656xf32, #tpu.memory_space<vmem>>, vector<16xf32>,
      tpu.vector_store %arg12[%swap3A_293, %swap3A_294, %swap3A_295], %broadcast_in_dim3A_3 {strides = array<i32>} : memref<2x20x656xf32, #tpu.memory_space<vmem>>, vector<16xf32>,
      %swap3A_297 = arith.constant 1 : i32
      %swap3A_298 = arith.constant 3 : i32
      %swap3A_299 = arith.index_cast %swap3A_297 : i32 to index
      %swap3A_300 = arith.index_cast %swap3A_298 : i32 to index
      %swap3A_301 = arith.index_cast %mul3A_147 : i32 to index
      %swap3A_302 = tpu.vector_load %arg12[%swap3A_299, %swap3A_300, %swap3A_301] {strides = array<i32>} : memref<2x20x656xf32, #tpu.memory_space<vmem>>, vector<16xf32>,
      tpu.vector_store %arg12[%swap3A_299, %swap3A_300, %swap3A_301], %broadcast_in_dim3A_3 {strides = array<i32>} : memref<2x20x656xf32, #tpu.memory_space<vmem>>, vector<16xf32>,
      %swap3A_303 = arith.constant 1 : i32
      %swap3A_304 = arith.constant 4 : i32
      %swap3A_305 = arith.index_cast %swap3A_303 : i32 to index
      %swap3A_306 = arith.index_cast %swap3A_304 : i32 to index
      %swap3A_307 = arith.index_cast %mul3A_147 : i32 to index
      %swap3A_308 = tpu.vector_load %arg12[%swap3A_305, %swap3A_306, %swap3A_307] {strides = array<i32>} : memref<2x20x656xf32, #tpu.memory_space<vmem>>, vector<16xf32>,
      tpu.vector_store %arg12[%swap3A_305, %swap3A_306, %swap3A_307], %broadcast_in_dim3A_3 {strides = array<i32>} : memref<2x20x656xf32, #tpu.memory_space<vmem>>, vector<16xf32>,
      %swap3A_309 = arith.constant 1 : i32
      %swap3A_310 = arith.constant 5 : i32
      %swap3A_311 = arith.index_cast %swap3A_309 : i32 to index
      %swap3A_312 = arith.index_cast %swap3A_310 : i32 to index
      %swap3A_313 = arith.index_cast %mul3A_147 : i32 to index
      %swap3A_314 = tpu.vector_load %arg12[%swap3A_311, %swap3A_312, %swap3A_313] {strides = array<i32>} : memref<2x20x656xf32, #tpu.memory_space<vmem>>, vector<16xf32>,
      tpu.vector_store %arg12[%swap3A_311, %swap3A_312, %swap3A_313], %broadcast_in_dim3A_3 {strides = array<i32>} : memref<2x20x656xf32, #tpu.memory_space<vmem>>, vector<16xf32>,
      %swap3A_315 = arith.constant 1 : i32
      %swap3A_316 = arith.constant 6 : i32
      %swap3A_317 = arith.index_cast %swap3A_315 : i32 to index
      %swap3A_318 = arith.index_cast %swap3A_316 : i32 to index
      %swap3A_319 = arith.index_cast %mul3A_147 : i32 to index
      %swap3A_320 = tpu.vector_load %arg12[%swap3A_317, %swap3A_318, %swap3A_319] {strides = array<i32>} : memref<2x20x656xf32, #tpu.memory_space<vmem>>, vector<16xf32>,
      tpu.vector_store %arg12[%swap3A_317, %swap3A_318, %swap3A_319], %broadcast_in_dim3A_3 {strides = array<i32>} : memref<2x20x656xf32, #tpu.memory_space<vmem>>, vector<16xf32>,
      %swap3A_321 = arith.constant 1 : i32
      %swap3A_322 = arith.constant 7 : i32
      %swap3A_323 = arith.index_cast %swap3A_321 : i32 to index
      %swap3A_324 = arith.index_cast %swap3A_322 : i32 to index
      %swap3A_325 = arith.index_cast %mul3A_147 : i32 to index
      %swap3A_326 = tpu.vector_load %arg12[%swap3A_323, %swap3A_324, %swap3A_325] {strides = array<i32>} : memref<2x20x656xf32, #tpu.memory_space<vmem>>, vector<16xf32>,
      tpu.vector_store %arg12[%swap3A_323, %swap3A_324, %swap3A_325], %broadcast_in_dim3A_3 {strides = array<i32>} : memref<2x20x656xf32, #tpu.memory_space<vmem>>, vector<16xf32>,
      %swap3A_327 = arith.constant 1 : i32
      %swap3A_328 = arith.constant 8 : i32
      %swap3A_329 = arith.index_cast %swap3A_327 : i32 to index
      %swap3A_330 = arith.index_cast %swap3A_328 : i32 to index
      %swap3A_331 = arith.index_cast %mul3A_147 : i32 to index
      %swap3A_332 = tpu.vector_load %arg12[%swap3A_329, %swap3A_330, %swap3A_331] {strides = array<i32>} : memref<2x20x656xf32, #tpu.memory_space<vmem>>, vector<16xf32>,
      tpu.vector_store %arg12[%swap3A_329, %swap3A_330, %swap3A_331], %broadcast_in_dim3A_3 {strides = array<i32>} : memref<2x20x656xf32, #tpu.memory_space<vmem>>, vector<16xf32>,
      %swap3A_333 = arith.constant 1 : i32
      %swap3A_334 = arith.constant 9 : i32
      %swap3A_335 = arith.index_cast %swap3A_333 : i32 to index
      %swap3A_336 = arith.index_cast %swap3A_334 : i32 to index
      %swap3A_337 = arith.index_cast %mul3A_147 : i32 to index
      %swap3A_338 = tpu.vector_load %arg12[%swap3A_335, %swap3A_336, %swap3A_337] {strides = array<i32>} : memref<2x20x656xf32, #tpu.memory_space<vmem>>, vector<16xf32>,
      tpu.vector_store %arg12[%swap3A_335, %swap3A_336, %swap3A_337], %broadcast_in_dim3A_3 {strides = array<i32>} : memref<2x20x656xf32, #tpu.memory_space<vmem>>, vector<16xf32>,
      %swap3A_339 = arith.constant 1 : i32
      %swap3A_340 = arith.constant 10 : i32
      %swap3A_341 = arith.index_cast %swap3A_339 : i32 to index
      %swap3A_342 = arith.index_cast %swap3A_340 : i32 to index
      %swap3A_343 = arith.index_cast %mul3A_147 : i32 to index
      %swap3A_344 = tpu.vector_load %arg12[%swap3A_341, %swap3A_342, %swap3A_343] {strides = array<i32>} : memref<2x20x656xf32, #tpu.memory_space<vmem>>, vector<16xf32>,
      tpu.vector_store %arg12[%swap3A_341, %swap3A_342, %swap3A_343], %broadcast_in_dim3A_3 {strides = array<i32>} : memref<2x20x656xf32, #tpu.memory_space<vmem>>, vector<16xf32>,
      %swap3A_345 = arith.constant 1 : i32
      %swap3A_346 = arith.constant 11 : i32
      %swap3A_347 = arith.index_cast %swap3A_345 : i32 to index
      %swap3A_348 = arith.index_cast %swap3A_346 : i32 to index
      %swap3A_349 = arith.index_cast %mul3A_147 : i32 to index
      %swap3A_350 = tpu.vector_load %arg12[%swap3A_347, %swap3A_348, %swap3A_349] {strides = array<i32>} : memref<2x20x656xf32, #tpu.memory_space<vmem>>, vector<16xf32>,
      tpu.vector_store %arg12[%swap3A_347, %swap3A_348, %swap3A_349], %broadcast_in_dim3A_3 {strides = array<i32>} : memref<2x20x656xf32, #tpu.memory_space<vmem>>, vector<16xf32>,
      %swap3A_351 = arith.constant 1 : i32
      %swap3A_352 = arith.constant 12 : i32
      %swap3A_353 = arith.index_cast %swap3A_351 : i32 to index
      %swap3A_354 = arith.index_cast %swap3A_352 : i32 to index
      %swap3A_355 = arith.index_cast %mul3A_147 : i32 to index
      %swap3A_356 = tpu.vector_load %arg12[%swap3A_353, %swap3A_354, %swap3A_355] {strides = array<i32>} : memref<2x20x656xf32, #tpu.memory_space<vmem>>, vector<16xf32>,
      tpu.vector_store %arg12[%swap3A_353, %swap3A_354, %swap3A_355], %broadcast_in_dim3A_3 {strides = array<i32>} : memref<2x20x656xf32, #tpu.memory_space<vmem>>, vector<16xf32>,
      %swap3A_357 = arith.constant 1 : i32
      %swap3A_358 = arith.constant 13 : i32
      %swap3A_359 = arith.index_cast %swap3A_357 : i32 to index
      %swap3A_360 = arith.index_cast %swap3A_358 : i32 to index
      %swap3A_361 = arith.index_cast %mul3A_147 : i32 to index
      %swap3A_362 = tpu.vector_load %arg12[%swap3A_359, %swap3A_360, %swap3A_361] {strides = array<i32>} : memref<2x20x656xf32, #tpu.memory_space<vmem>>, vector<16xf32>,
      tpu.vector_store %arg12[%swap3A_359, %swap3A_360, %swap3A_361], %broadcast_in_dim3A_3 {strides = array<i32>} : memref<2x20x656xf32, #tpu.memory_space<vmem>>, vector<16xf32>,
      %swap3A_363 = arith.constant 1 : i32
      %swap3A_364 = arith.constant 14 : i32
      %swap3A_365 = arith.index_cast %swap3A_363 : i32 to index
      %swap3A_366 = arith.index_cast %swap3A_364 : i32 to index
      %swap3A_367 = arith.index_cast %mul3A_147 : i32 to index
      %swap3A_368 = tpu.vector_load %arg12[%swap3A_365, %swap3A_366, %swap3A_367] {strides = array<i32>} : memref<2x20x656xf32, #tpu.memory_space<vmem>>, vector<16xf32>,
      tpu.vector_store %arg12[%swap3A_365, %swap3A_366, %swap3A_367], %broadcast_in_dim3A_3 {strides = array<i32>} : memref<2x20x656xf32, #tpu.memory_space<vmem>>, vector<16xf32>,
      %swap3A_369 = arith.constant 1 : i32
      %swap3A_370 = arith.constant 15 : i32
      %swap3A_371 = arith.index_cast %swap3A_369 : i32 to index
      %swap3A_372 = arith.index_cast %swap3A_370 : i32 to index
      %swap3A_373 = arith.index_cast %mul3A_147 : i32 to index
      %swap3A_374 = tpu.vector_load %arg12[%swap3A_371, %swap3A_372, %swap3A_373] {strides = array<i32>} : memref<2x20x656xf32, #tpu.memory_space<vmem>>, vector<16xf32>,
      tpu.vector_store %arg12[%swap3A_371, %swap3A_372, %swap3A_373], %broadcast_in_dim3A_3 {strides = array<i32>} : memref<2x20x656xf32, #tpu.memory_space<vmem>>, vector<16xf32>,
      %swap3A_375 = arith.constant 1 : i32
      %swap3A_376 = arith.constant 16 : i32
      %swap3A_377 = arith.index_cast %swap3A_375 : i32 to index
      %swap3A_378 = arith.index_cast %swap3A_376 : i32 to index
      %swap3A_379 = arith.index_cast %mul3A_147 : i32 to index
      %swap3A_380 = tpu.vector_load %arg12[%swap3A_377, %swap3A_378, %swap3A_379] {strides = array<i32>} : memref<2x20x656xf32, #tpu.memory_space<vmem>>, vector<16xf32>,
      tpu.vector_store %arg12[%swap3A_377, %swap3A_378, %swap3A_379], %broadcast_in_dim3A_3 {strides = array<i32>} : memref<2x20x656xf32, #tpu.memory_space<vmem>>, vector<16xf32>,
      %swap3A_381 = arith.constant 1 : i32
      %swap3A_382 = arith.constant 17 : i32
      %swap3A_383 = arith.index_cast %swap3A_381 : i32 to index
      %swap3A_384 = arith.index_cast %swap3A_382 : i32 to index
      %swap3A_385 = arith.index_cast %mul3A_147 : i32 to index
      %swap3A_386 = tpu.vector_load %arg12[%swap3A_383, %swap3A_384, %swap3A_385] {strides = array<i32>} : memref<2x20x656xf32, #tpu.memory_space<vmem>>, vector<16xf32>,
      tpu.vector_store %arg12[%swap3A_383, %swap3A_384, %swap3A_385], %broadcast_in_dim3A_3 {strides = array<i32>} : memref<2x20x656xf32, #tpu.memory_space<vmem>>, vector<16xf32>,
      %swap3A_387 = arith.constant 1 : i32
      %swap3A_388 = arith.constant 18 : i32
      %swap3A_389 = arith.index_cast %swap3A_387 : i32 to index
      %swap3A_390 = arith.index_cast %swap3A_388 : i32 to index
      %swap3A_391 = arith.index_cast %mul3A_147 : i32 to index
      %swap3A_392 = tpu.vector_load %arg12[%swap3A_389, %swap3A_390, %swap3A_391] {strides = array<i32>} : memref<2x20x656xf32, #tpu.memory_space<vmem>>, vector<16xf32>,
      tpu.vector_store %arg12[%swap3A_389, %swap3A_390, %swap3A_391], %broadcast_in_dim3A_3 {strides = array<i32>} : memref<2x20x656xf32, #tpu.memory_space<vmem>>, vector<16xf32>,
      %swap3A_393 = arith.constant 1 : i32
      %swap3A_394 = arith.constant 19 : i32
      %swap3A_395 = arith.index_cast %swap3A_393 : i32 to index
      %swap3A_396 = arith.index_cast %swap3A_394 : i32 to index
      %swap3A_397 = arith.index_cast %mul3A_147 : i32 to index
      %swap3A_398 = tpu.vector_load %arg12[%swap3A_395, %swap3A_396, %swap3A_397] {strides = array<i32>} : memref<2x20x656xf32, #tpu.memory_space<vmem>>, vector<16xf32>,
      tpu.vector_store %arg12[%swap3A_395, %swap3A_396, %swap3A_397], %broadcast_in_dim3A_3 {strides = array<i32>} : memref<2x20x656xf32, #tpu.memory_space<vmem>>, vector<16xf32>,
      %scan3A_399 = arith.constant 0 : i32
      scf.yield %scan3A_399 : i32
    }
    %scan3A_25 = arith.constant 41 : i32
    %scan3A_26 = arith.constant 0 : i32
    %scan3A_27 = arith.constant 0 : i32
    %scan3A_28 = arith.constant 8 : i32
    %scan3A_29 = arith.addi %scan3A_27, %scan3A_28 : i32
    %scan3A_30 = arith.constant 1 : i32
    %scan3A_31 = scf.for %scan3A_144 = %scan3A_27 to %scan3A_29 step %scan3A_30 iter_args(%scan3A_145 = %scan3A_26) -> (i32)  : i32 {
      %and3A = arith.constant 1 : i32
      %and3A_146 = arith.andi %scan3A_144, %and3A : i32
      %ge3A = arith.constant 2 : i32
      %ge3A_147 = arith.cmpi sge, %scan3A_144, %ge3A : i32
      %convert_element_type3A = arith.extui %ge3A_147 : i1 to i32
      %cond3A = arith.constant 0 : i32
      %cond3A_148 = arith.cmpi ne, %convert_element_type3A, %cond3A : i32
      scf.if %cond3A_148 {
        %sub3A_861 = arith.constant 2 : i32
        %sub3A_862 = arith.subi %scan3A_144, %sub3A_861 : i32
        %dma_wait3A_863 = arith.constant 0 : i32
        %dma_wait3A_864 = arith.constant 0 : i32
        %dma_wait3A_865 = tpu.memref_slice %arg11[%and3A_146, %dma_wait3A_864] : memref<2x656xf32, #tpu.memory_space<vmem>> -> memref<1x656xf32, #tpu.memory_space<vmem>>
        %dma_wait3A_866 = tpu.memref_squeeze %dma_wait3A_865 : memref<1x656xf32, #tpu.memory_space<vmem>> -> memref<656xf32, #tpu.memory_space<vmem>>
        %dma_wait3A_867 = tpu.memref_slice %arg4[%sub3A_862, %mul3A_2] : memref<8x20000xf32, #tpu.memory_space<hbm>> -> memref<1x656xf32, #tpu.memory_space<hbm>>
        %dma_wait3A_868 = tpu.memref_squeeze %dma_wait3A_867 : memref<1x656xf32, #tpu.memory_space<hbm>> -> memref<656xf32, #tpu.memory_space<hbm>>
        %dma_wait3A_869 = tpu.memref_slice %arg15[%and3A_146, %dma_wait3A_863] : memref<2x3x!tpu.dma_semaphore, #tpu.memory_space<semaphore_mem>> -> memref<1x1x!tpu.dma_semaphore, #tpu.memory_space<semaphore_mem>>
        %dma_wait3A_870 = tpu.memref_squeeze %dma_wait3A_869 : memref<1x1x!tpu.dma_semaphore, #tpu.memory_space<semaphore_mem>> -> memref<!tpu.dma_semaphore, #tpu.memory_space<semaphore_mem>>
        %dma_wait3A_871 = tpu.memref_slice %arg4[%sub3A_862, %mul3A_2] : memref<8x20000xf32, #tpu.memory_space<hbm>> -> memref<1x656xf32, #tpu.memory_space<hbm>>
        %dma_wait3A_872 = tpu.memref_squeeze %dma_wait3A_871 : memref<1x656xf32, #tpu.memory_space<hbm>> -> memref<656xf32, #tpu.memory_space<hbm>>
        %dma_wait3A_873 = arith.constant 0 : i32
        %dma_wait3A_874 = tpu.memref_slice %arg11[%and3A_146, %dma_wait3A_873] : memref<2x656xf32, #tpu.memory_space<vmem>> -> memref<1x656xf32, #tpu.memory_space<vmem>>
        %dma_wait3A_875 = tpu.memref_squeeze %dma_wait3A_874 : memref<1x656xf32, #tpu.memory_space<vmem>> -> memref<656xf32, #tpu.memory_space<vmem>>
        tpu.wait_dma2 semaphore(%dma_wait3A_870 : memref<!tpu.dma_semaphore, #tpu.memory_space<semaphore_mem>>) src(%dma_wait3A_875 : memref<656xf32, #tpu.memory_space<vmem>>) dst(%dma_wait3A_872 : memref<656xf32, #tpu.memory_space<hbm>>)
        %dma_wait3A_876 = arith.constant 1 : i32
        %dma_wait3A_877 = arith.constant 0 : i32
        %dma_wait3A_878 = arith.constant 0 : i32
        %dma_wait3A_879 = tpu.memref_slice %arg12[%and3A_146, %dma_wait3A_877, %dma_wait3A_878] : memref<2x20x656xf32, #tpu.memory_space<vmem>> -> memref<1x20x656xf32, #tpu.memory_space<vmem>>
        %dma_wait3A_880 = tpu.memref_squeeze %dma_wait3A_879 : memref<1x20x656xf32, #tpu.memory_space<vmem>> -> memref<20x656xf32, #tpu.memory_space<vmem>>
        %dma_wait3A_881 = arith.constant 0 : i32
        %dma_wait3A_882 = tpu.memref_slice %arg5[%dma_wait3A_881, %sub3A_862, %mul3A_2] : memref<20x8x20000xf32, #tpu.memory_space<hbm>> -> memref<20x1x656xf32, #tpu.memory_space<hbm>>
        %dma_wait3A_883 = tpu.memref_squeeze %dma_wait3A_882 : memref<20x1x656xf32, #tpu.memory_space<hbm>> -> memref<20x656xf32, #tpu.memory_space<hbm>>
        %dma_wait3A_884 = tpu.memref_slice %arg15[%and3A_146, %dma_wait3A_876] : memref<2x3x!tpu.dma_semaphore, #tpu.memory_space<semaphore_mem>> -> memref<1x1x!tpu.dma_semaphore, #tpu.memory_space<semaphore_mem>>
        %dma_wait3A_885 = tpu.memref_squeeze %dma_wait3A_884 : memref<1x1x!tpu.dma_semaphore, #tpu.memory_space<semaphore_mem>> -> memref<!tpu.dma_semaphore, #tpu.memory_space<semaphore_mem>>
        %dma_wait3A_886 = arith.constant 0 : i32
        %dma_wait3A_887 = tpu.memref_slice %arg5[%dma_wait3A_886, %sub3A_862, %mul3A_2] : memref<20x8x20000xf32, #tpu.memory_space<hbm>> -> memref<20x1x656xf32, #tpu.memory_space<hbm>>
        %dma_wait3A_888 = tpu.memref_squeeze %dma_wait3A_887 : memref<20x1x656xf32, #tpu.memory_space<hbm>> -> memref<20x656xf32, #tpu.memory_space<hbm>>
        %dma_wait3A_889 = arith.constant 0 : i32
        %dma_wait3A_890 = arith.constant 0 : i32
        %dma_wait3A_891 = tpu.memref_slice %arg12[%and3A_146, %dma_wait3A_889, %dma_wait3A_890] : memref<2x20x656xf32, #tpu.memory_space<vmem>> -> memref<1x20x656xf32, #tpu.memory_space<vmem>>
        %dma_wait3A_892 = tpu.memref_squeeze %dma_wait3A_891 : memref<1x20x656xf32, #tpu.memory_space<vmem>> -> memref<20x656xf32, #tpu.memory_space<vmem>>
        tpu.wait_dma2 semaphore(%dma_wait3A_885 : memref<!tpu.dma_semaphore, #tpu.memory_space<semaphore_mem>>) src(%dma_wait3A_892 : memref<20x656xf32, #tpu.memory_space<vmem>>) dst(%dma_wait3A_888 : memref<20x656xf32, #tpu.memory_space<hbm>>)
        %dma_wait3A_893 = arith.constant 2 : i32
        %dma_wait3A_894 = arith.constant 0 : i32
        %dma_wait3A_895 = arith.constant 0 : i32
        %dma_wait3A_896 = tpu.memref_slice %arg13[%and3A_146, %dma_wait3A_894, %dma_wait3A_895] : memref<2x5x656xf32, #tpu.memory_space<vmem>> -> memref<1x5x656xf32, #tpu.memory_space<vmem>>
        %dma_wait3A_897 = tpu.memref_squeeze %dma_wait3A_896 : memref<1x5x656xf32, #tpu.memory_space<vmem>> -> memref<5x656xf32, #tpu.memory_space<vmem>>
        %dma_wait3A_898 = arith.constant 0 : i32
        %dma_wait3A_899 = tpu.memref_slice %arg6[%dma_wait3A_898, %sub3A_862, %mul3A_2] : memref<5x8x20000xf32, #tpu.memory_space<hbm>> -> memref<5x1x656xf32, #tpu.memory_space<hbm>>
        %dma_wait3A_900 = tpu.memref_squeeze %dma_wait3A_899 : memref<5x1x656xf32, #tpu.memory_space<hbm>> -> memref<5x656xf32, #tpu.memory_space<hbm>>
        %dma_wait3A_901 = tpu.memref_slice %arg15[%and3A_146, %dma_wait3A_893] : memref<2x3x!tpu.dma_semaphore, #tpu.memory_space<semaphore_mem>> -> memref<1x1x!tpu.dma_semaphore, #tpu.memory_space<semaphore_mem>>
        %dma_wait3A_902 = tpu.memref_squeeze %dma_wait3A_901 : memref<1x1x!tpu.dma_semaphore, #tpu.memory_space<semaphore_mem>> -> memref<!tpu.dma_semaphore, #tpu.memory_space<semaphore_mem>>
        %dma_wait3A_903 = arith.constant 0 : i32
        %dma_wait3A_904 = tpu.memref_slice %arg6[%dma_wait3A_903, %sub3A_862, %mul3A_2] : memref<5x8x20000xf32, #tpu.memory_space<hbm>> -> memref<5x1x656xf32, #tpu.memory_space<hbm>>
        %dma_wait3A_905 = tpu.memref_squeeze %dma_wait3A_904 : memref<5x1x656xf32, #tpu.memory_space<hbm>> -> memref<5x656xf32, #tpu.memory_space<hbm>>
        %dma_wait3A_906 = arith.constant 0 : i32
        %dma_wait3A_907 = arith.constant 0 : i32
        %dma_wait3A_908 = tpu.memref_slice %arg13[%and3A_146, %dma_wait3A_906, %dma_wait3A_907] : memref<2x5x656xf32, #tpu.memory_space<vmem>> -> memref<1x5x656xf32, #tpu.memory_space<vmem>>
        %dma_wait3A_909 = tpu.memref_squeeze %dma_wait3A_908 : memref<1x5x656xf32, #tpu.memory_space<vmem>> -> memref<5x656xf32, #tpu.memory_space<vmem>>
        tpu.wait_dma2 semaphore(%dma_wait3A_902 : memref<!tpu.dma_semaphore, #tpu.memory_space<semaphore_mem>>) src(%dma_wait3A_909 : memref<5x656xf32, #tpu.memory_space<vmem>>) dst(%dma_wait3A_905 : memref<5x656xf32, #tpu.memory_space<hbm>>)
      } else {
      }
      %scan3A_149 = arith.constant 0 : i32
      %scan3A_150 = arith.constant 0 : i32
      %scan3A_151 = arith.constant 9 : i32
      %scan3A_152 = arith.addi %scan3A_150, %scan3A_151 : i32
      %scan3A_153 = arith.constant 1 : i32
      %scan3A_154 = scf.for %scan3A_861 = %scan3A_150 to %scan3A_152 step %scan3A_153 iter_args(%scan3A_862 = %scan3A_149) -> (i32)  : i32 {
        %mul3A_863 = arith.constant 64 : i32
        %mul3A_864 = arith.muli %scan3A_861, %mul3A_863 : i32
        %mul3A_865 = arith.constant 6 : i32
        %mul3A_866 = arith.muli %scan3A_144, %mul3A_865 : i32
        %mul3A_867 = arith.constant 112 : i32
        %mul3A_868 = arith.muli %mul3A_866, %mul3A_867 : i32
        %add3A_869 = arith.constant 0 : i32
        %add3A_870 = arith.addi %mul3A_864, %add3A_869 : i32
        %get3A_871 = arith.constant 0 : i32
        %get3A_872 = arith.index_cast %get3A_871 : i32 to index
        %get3A_873 = arith.index_cast %add3A_870 : i32 to index
        %get3A_874 = tpu.vector_load %arg7[%get3A_872, %get3A_873] {strides = array<i32>} : memref<4x656xf32, #tpu.memory_space<vmem>>, vector<16xf32>,
        %add3A_875 = arith.constant 16 : i32
        %add3A_876 = arith.addi %mul3A_864, %add3A_875 : i32
        %get3A_877 = arith.constant 0 : i32
        %get3A_878 = arith.index_cast %get3A_877 : i32 to index
        %get3A_879 = arith.index_cast %add3A_876 : i32 to index
        %get3A_880 = tpu.vector_load %arg7[%get3A_878, %get3A_879] {strides = array<i32>} : memref<4x656xf32, #tpu.memory_space<vmem>>, vector<16xf32>,
        %add3A_881 = arith.constant 32 : i32
        %add3A_882 = arith.addi %mul3A_864, %add3A_881 : i32
        %get3A_883 = arith.constant 0 : i32
        %get3A_884 = arith.index_cast %get3A_883 : i32 to index
        %get3A_885 = arith.index_cast %add3A_882 : i32 to index
        %get3A_886 = tpu.vector_load %arg7[%get3A_884, %get3A_885] {strides = array<i32>} : memref<4x656xf32, #tpu.memory_space<vmem>>, vector<16xf32>,
        %add3A_887 = arith.constant 48 : i32
        %add3A_888 = arith.addi %mul3A_864, %add3A_887 : i32
        %get3A_889 = arith.constant 0 : i32
        %get3A_890 = arith.index_cast %get3A_889 : i32 to index
        %get3A_891 = arith.index_cast %add3A_888 : i32 to index
        %get3A_892 = tpu.vector_load %arg7[%get3A_890, %get3A_891] {strides = array<i32>} : memref<4x656xf32, #tpu.memory_space<vmem>>, vector<16xf32>,
        %add3A_893 = arith.constant 0 : i32
        %add3A_894 = arith.addi %mul3A_864, %add3A_893 : i32
        %get3A_895 = arith.constant 1 : i32
        %get3A_896 = arith.index_cast %get3A_895 : i32 to index
        %get3A_897 = arith.index_cast %add3A_894 : i32 to index
        %get3A_898 = tpu.vector_load %arg7[%get3A_896, %get3A_897] {strides = array<i32>} : memref<4x656xf32, #tpu.memory_space<vmem>>, vector<16xf32>,
        %add3A_899 = arith.constant 16 : i32
        %add3A_900 = arith.addi %mul3A_864, %add3A_899 : i32
        %get3A_901 = arith.constant 1 : i32
        %get3A_902 = arith.index_cast %get3A_901 : i32 to index
        %get3A_903 = arith.index_cast %add3A_900 : i32 to index
        %get3A_904 = tpu.vector_load %arg7[%get3A_902, %get3A_903] {strides = array<i32>} : memref<4x656xf32, #tpu.memory_space<vmem>>, vector<16xf32>,
        %add3A_905 = arith.constant 32 : i32
        %add3A_906 = arith.addi %mul3A_864, %add3A_905 : i32
        %get3A_907 = arith.constant 1 : i32
        %get3A_908 = arith.index_cast %get3A_907 : i32 to index
        %get3A_909 = arith.index_cast %add3A_906 : i32 to index
        %get3A_910 = tpu.vector_load %arg7[%get3A_908, %get3A_909] {strides = array<i32>} : memref<4x656xf32, #tpu.memory_space<vmem>>, vector<16xf32>,
        %add3A_911 = arith.constant 48 : i32
        %add3A_912 = arith.addi %mul3A_864, %add3A_911 : i32
        %get3A_913 = arith.constant 1 : i32
        %get3A_914 = arith.index_cast %get3A_913 : i32 to index
        %get3A_915 = arith.index_cast %add3A_912 : i32 to index
        %get3A_916 = tpu.vector_load %arg7[%get3A_914, %get3A_915] {strides = array<i32>} : memref<4x656xf32, #tpu.memory_space<vmem>>, vector<16xf32>,
        %add3A_917 = arith.constant 0 : i32
        %add3A_918 = arith.addi %mul3A_864, %add3A_917 : i32
        %get3A_919 = arith.constant 2 : i32
        %get3A_920 = arith.index_cast %get3A_919 : i32 to index
        %get3A_921 = arith.index_cast %add3A_918 : i32 to index
        %get3A_922 = tpu.vector_load %arg7[%get3A_920, %get3A_921] {strides = array<i32>} : memref<4x656xf32, #tpu.memory_space<vmem>>, vector<16xf32>,
        %add3A_923 = arith.constant 16 : i32
        %add3A_924 = arith.addi %mul3A_864, %add3A_923 : i32
        %get3A_925 = arith.constant 2 : i32
        %get3A_926 = arith.index_cast %get3A_925 : i32 to index
        %get3A_927 = arith.index_cast %add3A_924 : i32 to index
        %get3A_928 = tpu.vector_load %arg7[%get3A_926, %get3A_927] {strides = array<i32>} : memref<4x656xf32, #tpu.memory_space<vmem>>, vector<16xf32>,
        %add3A_929 = arith.constant 32 : i32
        %add3A_930 = arith.addi %mul3A_864, %add3A_929 : i32
        %get3A_931 = arith.constant 2 : i32
        %get3A_932 = arith.index_cast %get3A_931 : i32 to index
        %get3A_933 = arith.index_cast %add3A_930 : i32 to index
        %get3A_934 = tpu.vector_load %arg7[%get3A_932, %get3A_933] {strides = array<i32>} : memref<4x656xf32, #tpu.memory_space<vmem>>, vector<16xf32>,
        %add3A_935 = arith.constant 48 : i32
        %add3A_936 = arith.addi %mul3A_864, %add3A_935 : i32
        %get3A_937 = arith.constant 2 : i32
        %get3A_938 = arith.index_cast %get3A_937 : i32 to index
        %get3A_939 = arith.index_cast %add3A_936 : i32 to index
        %get3A_940 = tpu.vector_load %arg7[%get3A_938, %get3A_939] {strides = array<i32>} : memref<4x656xf32, #tpu.memory_space<vmem>>, vector<16xf32>,
        %add3A_941 = arith.constant 0 : i32
        %add3A_942 = arith.addi %mul3A_864, %add3A_941 : i32
        %get3A_943 = arith.constant 3 : i32
        %get3A_944 = arith.index_cast %get3A_943 : i32 to index
        %get3A_945 = arith.index_cast %add3A_942 : i32 to index
        %get3A_946 = tpu.vector_load %arg7[%get3A_944, %get3A_945] {strides = array<i32>} : memref<4x656xf32, #tpu.memory_space<vmem>>, vector<16xf32>,
        %add3A_947 = arith.constant 16 : i32
        %add3A_948 = arith.addi %mul3A_864, %add3A_947 : i32
        %get3A_949 = arith.constant 3 : i32
        %get3A_950 = arith.index_cast %get3A_949 : i32 to index
        %get3A_951 = arith.index_cast %add3A_948 : i32 to index
        %get3A_952 = tpu.vector_load %arg7[%get3A_950, %get3A_951] {strides = array<i32>} : memref<4x656xf32, #tpu.memory_space<vmem>>, vector<16xf32>,
        %add3A_953 = arith.constant 32 : i32
        %add3A_954 = arith.addi %mul3A_864, %add3A_953 : i32
        %get3A_955 = arith.constant 3 : i32
        %get3A_956 = arith.index_cast %get3A_955 : i32 to index
        %get3A_957 = arith.index_cast %add3A_954 : i32 to index
        %get3A_958 = tpu.vector_load %arg7[%get3A_956, %get3A_957] {strides = array<i32>} : memref<4x656xf32, #tpu.memory_space<vmem>>, vector<16xf32>,
        %add3A_959 = arith.constant 48 : i32
        %add3A_960 = arith.addi %mul3A_864, %add3A_959 : i32
        %get3A_961 = arith.constant 3 : i32
        %get3A_962 = arith.index_cast %get3A_961 : i32 to index
        %get3A_963 = arith.index_cast %add3A_960 : i32 to index
        %get3A_964 = tpu.vector_load %arg7[%get3A_962, %get3A_963] {strides = array<i32>} : memref<4x656xf32, #tpu.memory_space<vmem>>, vector<16xf32>,
        %add3A_965 = arith.constant 0 : i32
        %add3A_966 = arith.addi %mul3A_864, %add3A_965 : i32
        %get3A_967 = arith.constant 0 : i32
        %get3A_968 = arith.index_cast %get3A_967 : i32 to index
        %get3A_969 = arith.index_cast %add3A_966 : i32 to index
        %get3A_970 = tpu.vector_load %arg8[%get3A_968, %get3A_969] {strides = array<i32>} : memref<5x656xf32, #tpu.memory_space<vmem>>, vector<16xf32>,
        %add3A_971 = arith.constant 16 : i32
        %add3A_972 = arith.addi %mul3A_864, %add3A_971 : i32
        %get3A_973 = arith.constant 0 : i32
        %get3A_974 = arith.index_cast %get3A_973 : i32 to index
        %get3A_975 = arith.index_cast %add3A_972 : i32 to index
        %get3A_976 = tpu.vector_load %arg8[%get3A_974, %get3A_975] {strides = array<i32>} : memref<5x656xf32, #tpu.memory_space<vmem>>, vector<16xf32>,
        %add3A_977 = arith.constant 32 : i32
        %add3A_978 = arith.addi %mul3A_864, %add3A_977 : i32
        %get3A_979 = arith.constant 0 : i32
        %get3A_980 = arith.index_cast %get3A_979 : i32 to index
        %get3A_981 = arith.index_cast %add3A_978 : i32 to index
        %get3A_982 = tpu.vector_load %arg8[%get3A_980, %get3A_981] {strides = array<i32>} : memref<5x656xf32, #tpu.memory_space<vmem>>, vector<16xf32>,
        %add3A_983 = arith.constant 48 : i32
        %add3A_984 = arith.addi %mul3A_864, %add3A_983 : i32
        %get3A_985 = arith.constant 0 : i32
        %get3A_986 = arith.index_cast %get3A_985 : i32 to index
        %get3A_987 = arith.index_cast %add3A_984 : i32 to index
        %get3A_988 = tpu.vector_load %arg8[%get3A_986, %get3A_987] {strides = array<i32>} : memref<5x656xf32, #tpu.memory_space<vmem>>, vector<16xf32>,
        %broadcast_in_dim3A_989 = arith.constant -1.000000e+00 : f32
        %broadcast_in_dim3A_990 = vector.broadcast %broadcast_in_dim3A_989 : f32 to vector<16xf32>
        %broadcast_in_dim3A_991 = arith.constant -1.000000e+00 : f32
        %broadcast_in_dim3A_992 = vector.broadcast %broadcast_in_dim3A_991 : f32 to vector<16xf32>
        %broadcast_in_dim3A_993 = arith.constant -1.000000e+00 : f32
        %broadcast_in_dim3A_994 = vector.broadcast %broadcast_in_dim3A_993 : f32 to vector<16xf32>
        %broadcast_in_dim3A_995 = arith.constant -1.000000e+00 : f32
        %broadcast_in_dim3A_996 = vector.broadcast %broadcast_in_dim3A_995 : f32 to vector<16xf32>
        %broadcast_in_dim3A_997 = arith.constant 0 : i32
        %broadcast_in_dim3A_998 = vector.broadcast %broadcast_in_dim3A_997 : i32 to vector<16xi32>
        %broadcast_in_dim3A_999 = arith.constant 0 : i32
        %broadcast_in_dim3A_1000 = vector.broadcast %broadcast_in_dim3A_999 : i32 to vector<16xi32>
        %broadcast_in_dim3A_1001 = arith.constant 0 : i32
        %broadcast_in_dim3A_1002 = vector.broadcast %broadcast_in_dim3A_1001 : i32 to vector<16xi32>
        %broadcast_in_dim3A_1003 = arith.constant 0 : i32
        %broadcast_in_dim3A_1004 = vector.broadcast %broadcast_in_dim3A_1003 : i32 to vector<16xi32>
        %scan3A_1005 = arith.constant 0 : i32
        %scan3A_1006 = arith.constant 100 : i32
        %scan3A_1007 = arith.addi %scan3A_1005, %scan3A_1006 : i32
        %scan3A_1008 = arith.constant 1 : i32
        %scan3A_1009:8 = scf.for %scan3A_1444 = %scan3A_1005 to %scan3A_1007 step %scan3A_1008 iter_args(%scan3A_1445 = %broadcast_in_dim3A_990, %scan3A_1446 = %broadcast_in_dim3A_992, %scan3A_1447 = %broadcast_in_dim3A_994, %scan3A_1448 = %broadcast_in_dim3A_996, %scan3A_1449 = %broadcast_in_dim3A_998, %scan3A_1450 = %broadcast_in_dim3A_1000, %scan3A_1451 = %broadcast_in_dim3A_1002, %scan3A_1452 = %broadcast_in_dim3A_1004) -> (vector<16xf32>, vector<16xf32>, vector<16xf32>, vector<16xf32>, vector<16xi32>, vector<16xi32>, vector<16xi32>, vector<16xi32>)  : i32 {
          %broadcast_in_dim3A_1453 = vector.broadcast %scan3A_1444 : i32 to vector<16xi32>
          %add3A_1454 = vector.broadcast %mul3A_868 : i32 to vector<16xi32>
          %add3A_1455 = arith.addi %broadcast_in_dim3A_1453, %add3A_1454 : vector<16xi32>
          %gather3A_1456 = tpu.vector_load_idx %arg9[%add3A_1455] : memref<5376xf32, #tpu.memory_space<vmem>>[vector<16xi32>], vector<16xf32>,
          %add3A_1457 = arith.constant 112 : i32
          %add3A_1458 = vector.broadcast %add3A_1457 : i32 to vector<16xi32>
          %add3A_1459 = arith.addi %add3A_1455, %add3A_1458 : vector<16xi32>
          %gather3A_1460 = tpu.vector_load_idx %arg9[%add3A_1459] : memref<5376xf32, #tpu.memory_space<vmem>>[vector<16xi32>], vector<16xf32>,
          %add3A_1461 = arith.constant 224 : i32
          %add3A_1462 = vector.broadcast %add3A_1461 : i32 to vector<16xi32>
          %add3A_1463 = arith.addi %add3A_1455, %add3A_1462 : vector<16xi32>
          %gather3A_1464 = tpu.vector_load_idx %arg9[%add3A_1463] : memref<5376xf32, #tpu.memory_space<vmem>>[vector<16xi32>], vector<16xf32>,
          %add3A_1465 = arith.constant 336 : i32
          %add3A_1466 = vector.broadcast %add3A_1465 : i32 to vector<16xi32>
          %add3A_1467 = arith.addi %add3A_1455, %add3A_1466 : vector<16xi32>
          %gather3A_1468 = tpu.vector_load_idx %arg9[%add3A_1467] : memref<5376xf32, #tpu.memory_space<vmem>>[vector<16xi32>], vector<16xf32>,
          %gather3A_1469 = tpu.vector_load_idx %arg10[%add3A_1455] : memref<5376xf32, #tpu.memory_space<vmem>>[vector<16xi32>], vector<16xf32>,
          %max3A = arith.maximumf %get3A_874, %gather3A_1456 : vector<16xf32>
          %max3A_1470 = arith.maximumf %get3A_898, %gather3A_1460 : vector<16xf32>
          %min3A = arith.minimumf %get3A_922, %gather3A_1464 : vector<16xf32>
          %min3A_1471 = arith.minimumf %get3A_946, %gather3A_1468 : vector<16xf32>
          %sub3A_1472 = arith.subf %min3A, %max3A : vector<16xf32>
          %max3A_1473 = arith.constant 0.000000e+00 : f32
          %max3A_1474 = vector.broadcast %max3A_1473 : f32 to vector<16xf32>
          %max3A_1475 = arith.maximumf %sub3A_1472, %max3A_1474 : vector<16xf32>
          %sub3A_1476 = arith.subf %min3A_1471, %max3A_1470 : vector<16xf32>
          %max3A_1477 = arith.constant 0.000000e+00 : f32
          %max3A_1478 = vector.broadcast %max3A_1477 : f32 to vector<16xf32>
          %max3A_1479 = arith.maximumf %sub3A_1476, %max3A_1478 : vector<16xf32>
          %mul3A_1480 = arith.mulf %max3A_1475, %max3A_1479 : vector<16xf32>
          %add3A_1481 = arith.addf %get3A_970, %gather3A_1469 : vector<16xf32>
          %sub3A_1482 = arith.subf %add3A_1481, %mul3A_1480 : vector<16xf32>
          %add3A_1483 = arith.constant 1.000000e-10 : f32
          %add3A_1484 = vector.broadcast %add3A_1483 : f32 to vector<16xf32>
          %add3A_1485 = arith.addf %sub3A_1482, %add3A_1484 : vector<16xf32>
          %div3A = arith.divf %mul3A_1480, %add3A_1485 : vector<16xf32>
          %gt3A = arith.cmpf ogt, %div3A, %scan3A_1445 : vector<16xf32>
          %select_n3A_1486 = arith.select %gt3A, %div3A, %scan3A_1445 : vector<16xi1>, vector<16xf32>
          %select_n3A_1487 = arith.select %gt3A, %broadcast_in_dim3A_1453, %scan3A_1449 : vector<16xi1>, vector<16xi32>
          %max3A_1488 = arith.maximumf %get3A_880, %gather3A_1456 : vector<16xf32>
          %max3A_1489 = arith.maximumf %get3A_904, %gather3A_1460 : vector<16xf32>
          %min3A_1490 = arith.minimumf %get3A_928, %gather3A_1464 : vector<16xf32>
          %min3A_1491 = arith.minimumf %get3A_952, %gather3A_1468 : vector<16xf32>
          %sub3A_1492 = arith.subf %min3A_1490, %max3A_1488 : vector<16xf32>
          %max3A_1493 = arith.constant 0.000000e+00 : f32
          %max3A_1494 = vector.broadcast %max3A_1493 : f32 to vector<16xf32>
          %max3A_1495 = arith.maximumf %sub3A_1492, %max3A_1494 : vector<16xf32>
          %sub3A_1496 = arith.subf %min3A_1491, %max3A_1489 : vector<16xf32>
          %max3A_1497 = arith.constant 0.000000e+00 : f32
          %max3A_1498 = vector.broadcast %max3A_1497 : f32 to vector<16xf32>
          %max3A_1499 = arith.maximumf %sub3A_1496, %max3A_1498 : vector<16xf32>
          %mul3A_1500 = arith.mulf %max3A_1495, %max3A_1499 : vector<16xf32>
          %add3A_1501 = arith.addf %get3A_976, %gather3A_1469 : vector<16xf32>
          %sub3A_1502 = arith.subf %add3A_1501, %mul3A_1500 : vector<16xf32>
          %add3A_1503 = arith.constant 1.000000e-10 : f32
          %add3A_1504 = vector.broadcast %add3A_1503 : f32 to vector<16xf32>
          %add3A_1505 = arith.addf %sub3A_1502, %add3A_1504 : vector<16xf32>
          %div3A_1506 = arith.divf %mul3A_1500, %add3A_1505 : vector<16xf32>
          %gt3A_1507 = arith.cmpf ogt, %div3A_1506, %scan3A_1446 : vector<16xf32>
          %select_n3A_1508 = arith.select %gt3A_1507, %div3A_1506, %scan3A_1446 : vector<16xi1>, vector<16xf32>
          %select_n3A_1509 = arith.select %gt3A_1507, %broadcast_in_dim3A_1453, %scan3A_1450 : vector<16xi1>, vector<16xi32>
          %max3A_1510 = arith.maximumf %get3A_886, %gather3A_1456 : vector<16xf32>
          %max3A_1511 = arith.maximumf %get3A_910, %gather3A_1460 : vector<16xf32>
          %min3A_1512 = arith.minimumf %get3A_934, %gather3A_1464 : vector<16xf32>
          %min3A_1513 = arith.minimumf %get3A_958, %gather3A_1468 : vector<16xf32>
          %sub3A_1514 = arith.subf %min3A_1512, %max3A_1510 : vector<16xf32>
          %max3A_1515 = arith.constant 0.000000e+00 : f32
          %max3A_1516 = vector.broadcast %max3A_1515 : f32 to vector<16xf32>
          %max3A_1517 = arith.maximumf %sub3A_1514, %max3A_1516 : vector<16xf32>
          %sub3A_1518 = arith.subf %min3A_1513, %max3A_1511 : vector<16xf32>
          %max3A_1519 = arith.constant 0.000000e+00 : f32
          %max3A_1520 = vector.broadcast %max3A_1519 : f32 to vector<16xf32>
          %max3A_1521 = arith.maximumf %sub3A_1518, %max3A_1520 : vector<16xf32>
          %mul3A_1522 = arith.mulf %max3A_1517, %max3A_1521 : vector<16xf32>
          %add3A_1523 = arith.addf %get3A_982, %gather3A_1469 : vector<16xf32>
          %sub3A_1524 = arith.subf %add3A_1523, %mul3A_1522 : vector<16xf32>
          %add3A_1525 = arith.constant 1.000000e-10 : f32
          %add3A_1526 = vector.broadcast %add3A_1525 : f32 to vector<16xf32>
          %add3A_1527 = arith.addf %sub3A_1524, %add3A_1526 : vector<16xf32>
          %div3A_1528 = arith.divf %mul3A_1522, %add3A_1527 : vector<16xf32>
          %gt3A_1529 = arith.cmpf ogt, %div3A_1528, %scan3A_1447 : vector<16xf32>
          %select_n3A_1530 = arith.select %gt3A_1529, %div3A_1528, %scan3A_1447 : vector<16xi1>, vector<16xf32>
          %select_n3A_1531 = arith.select %gt3A_1529, %broadcast_in_dim3A_1453, %scan3A_1451 : vector<16xi1>, vector<16xi32>
          %max3A_1532 = arith.maximumf %get3A_892, %gather3A_1456 : vector<16xf32>
          %max3A_1533 = arith.maximumf %get3A_916, %gather3A_1460 : vector<16xf32>
          %min3A_1534 = arith.minimumf %get3A_940, %gather3A_1464 : vector<16xf32>
          %min3A_1535 = arith.minimumf %get3A_964, %gather3A_1468 : vector<16xf32>
          %sub3A_1536 = arith.subf %min3A_1534, %max3A_1532 : vector<16xf32>
          %max3A_1537 = arith.constant 0.000000e+00 : f32
          %max3A_1538 = vector.broadcast %max3A_1537 : f32 to vector<16xf32>
          %max3A_1539 = arith.maximumf %sub3A_1536, %max3A_1538 : vector<16xf32>
          %sub3A_1540 = arith.subf %min3A_1535, %max3A_1533 : vector<16xf32>
          %max3A_1541 = arith.constant 0.000000e+00 : f32
          %max3A_1542 = vector.broadcast %max3A_1541 : f32 to vector<16xf32>
          %max3A_1543 = arith.maximumf %sub3A_1540, %max3A_1542 : vector<16xf32>
          %mul3A_1544 = arith.mulf %max3A_1539, %max3A_1543 : vector<16xf32>
          %add3A_1545 = arith.addf %get3A_988, %gather3A_1469 : vector<16xf32>
          %sub3A_1546 = arith.subf %add3A_1545, %mul3A_1544 : vector<16xf32>
          %add3A_1547 = arith.constant 1.000000e-10 : f32
          %add3A_1548 = vector.broadcast %add3A_1547 : f32 to vector<16xf32>
          %add3A_1549 = arith.addf %sub3A_1546, %add3A_1548 : vector<16xf32>
          %div3A_1550 = arith.divf %mul3A_1544, %add3A_1549 : vector<16xf32>
          %gt3A_1551 = arith.cmpf ogt, %div3A_1550, %scan3A_1448 : vector<16xf32>
          %select_n3A_1552 = arith.select %gt3A_1551, %div3A_1550, %scan3A_1448 : vector<16xi1>, vector<16xf32>
          %select_n3A_1553 = arith.select %gt3A_1551, %broadcast_in_dim3A_1453, %scan3A_1452 : vector<16xi1>, vector<16xi32>
          scf.yield %select_n3A_1486, %select_n3A_1508, %select_n3A_1530, %select_n3A_1552, %select_n3A_1487, %select_n3A_1509, %select_n3A_1531, %select_n3A_1553 : vector<16xf32>, vector<16xf32>, vector<16xf32>, vector<16xf32>, vector<16xi32>, vector<16xi32>, vector<16xi32>, vector<16xi32>
        }
        %scan3A_1010 = arith.constant 100 : i32
        %add3A_1011 = arith.constant 0 : i32
        %add3A_1012 = arith.addi %mul3A_864, %add3A_1011 : i32
        %ge3A_1013 = arith.constant 3.000000e-01 : f32
        %ge3A_1014 = vector.broadcast %ge3A_1013 : f32 to vector<16xf32>
        %ge3A_1015 = arith.cmpf oge, %scan3A_1009#0, %ge3A_1014 : vector<16xf32>
        %select_n3A_1016 = arith.select %ge3A_1015, %broadcast_in_dim3A_5, %broadcast_in_dim3A_3 : vector<16xi1>, vector<16xf32>
        %swap3A_1017 = arith.index_cast %and3A_146 : i32 to index
        %swap3A_1018 = arith.index_cast %add3A_1012 : i32 to index
        %swap3A_1019 = tpu.vector_load %arg11[%swap3A_1017, %swap3A_1018] {strides = array<i32>} : memref<2x656xf32, #tpu.memory_space<vmem>>, vector<16xf32>,
        tpu.vector_store %arg11[%swap3A_1017, %swap3A_1018], %select_n3A_1016 {strides = array<i32>} : memref<2x656xf32, #tpu.memory_space<vmem>>, vector<16xf32>,
        %add3A_1020 = vector.broadcast %mul3A_868 : i32 to vector<16xi32>
        %add3A_1021 = arith.addi %scan3A_1009#4, %add3A_1020 : vector<16xi32>
        %add3A_1022 = arith.constant 112 : i32
        %add3A_1023 = vector.broadcast %add3A_1022 : i32 to vector<16xi32>
        %add3A_1024 = arith.addi %add3A_1021, %add3A_1023 : vector<16xi32>
        %gather3A_1025 = tpu.vector_load_idx %arg10[%add3A_1024] : memref<5376xf32, #tpu.memory_space<vmem>>[vector<16xi32>], vector<16xf32>,
        %add3A_1026 = arith.constant 224 : i32
        %add3A_1027 = vector.broadcast %add3A_1026 : i32 to vector<16xi32>
        %add3A_1028 = arith.addi %add3A_1021, %add3A_1027 : vector<16xi32>
        %gather3A_1029 = tpu.vector_load_idx %arg10[%add3A_1028] : memref<5376xf32, #tpu.memory_space<vmem>>[vector<16xi32>], vector<16xf32>,
        %add3A_1030 = arith.constant 336 : i32
        %add3A_1031 = vector.broadcast %add3A_1030 : i32 to vector<16xi32>
        %add3A_1032 = arith.addi %add3A_1021, %add3A_1031 : vector<16xi32>
        %gather3A_1033 = tpu.vector_load_idx %arg10[%add3A_1032] : memref<5376xf32, #tpu.memory_space<vmem>>[vector<16xi32>], vector<16xf32>,
        %add3A_1034 = arith.constant 448 : i32
        %add3A_1035 = vector.broadcast %add3A_1034 : i32 to vector<16xi32>
        %add3A_1036 = arith.addi %add3A_1021, %add3A_1035 : vector<16xi32>
        %gather3A_1037 = tpu.vector_load_idx %arg10[%add3A_1036] : memref<5376xf32, #tpu.memory_space<vmem>>[vector<16xi32>], vector<16xf32>,
        %add3A_1038 = arith.constant 560 : i32
        %add3A_1039 = vector.broadcast %add3A_1038 : i32 to vector<16xi32>
        %add3A_1040 = arith.addi %add3A_1021, %add3A_1039 : vector<16xi32>
        %gather3A_1041 = tpu.vector_load_idx %arg10[%add3A_1040] : memref<5376xf32, #tpu.memory_space<vmem>>[vector<16xi32>], vector<16xf32>,
        %get3A_1042 = arith.constant 1 : i32
        %get3A_1043 = arith.index_cast %get3A_1042 : i32 to index
        %get3A_1044 = arith.index_cast %add3A_1012 : i32 to index
        %get3A_1045 = tpu.vector_load %arg8[%get3A_1043, %get3A_1044] {strides = array<i32>} : memref<5x656xf32, #tpu.memory_space<vmem>>, vector<16xf32>,
        %get3A_1046 = arith.constant 2 : i32
        %get3A_1047 = arith.index_cast %get3A_1046 : i32 to index
        %get3A_1048 = arith.index_cast %add3A_1012 : i32 to index
        %get3A_1049 = tpu.vector_load %arg8[%get3A_1047, %get3A_1048] {strides = array<i32>} : memref<5x656xf32, #tpu.memory_space<vmem>>, vector<16xf32>,
        %get3A_1050 = arith.constant 3 : i32
        %get3A_1051 = arith.index_cast %get3A_1050 : i32 to index
        %get3A_1052 = arith.index_cast %add3A_1012 : i32 to index
        %get3A_1053 = tpu.vector_load %arg8[%get3A_1051, %get3A_1052] {strides = array<i32>} : memref<5x656xf32, #tpu.memory_space<vmem>>, vector<16xf32>,
        %get3A_1054 = arith.constant 4 : i32
        %get3A_1055 = arith.index_cast %get3A_1054 : i32 to index
        %get3A_1056 = arith.index_cast %add3A_1012 : i32 to index
        %get3A_1057 = tpu.vector_load %arg8[%get3A_1055, %get3A_1056] {strides = array<i32>} : memref<5x656xf32, #tpu.memory_space<vmem>>, vector<16xf32>,
        %add3A_1058 = vector.broadcast %add3A_1012 : i32 to vector<16xi32>
        %add3A_1059 = arith.addi %iota3A, %add3A_1058 : vector<16xi32>
        %sub3A_1060 = arith.subf %gather3A_1025, %get3A_1045 : vector<16xf32>
        %jit3A_1061 = arith.constant 0.000000e+00 : f32
        %broadcast_in_dim3A_1062 = vector.broadcast %jit3A_1061 : f32 to vector<16xf32>
        %select_n3A_1063 = arith.select %ge3A_1015, %sub3A_1060, %broadcast_in_dim3A_1062 : vector<16xi1>, vector<16xf32>
        %swap3A_1064 = arith.constant 0 : i32
        %swap3A_1065 = arith.index_cast %and3A_146 : i32 to index
        %swap3A_1066 = arith.index_cast %swap3A_1064 : i32 to index
        %swap3A_1067 = arith.index_cast %add3A_1012 : i32 to index
        %swap3A_1068 = tpu.vector_load %arg13[%swap3A_1065, %swap3A_1066, %swap3A_1067] {strides = array<i32>} : memref<2x5x656xf32, #tpu.memory_space<vmem>>, vector<16xf32>,
        tpu.vector_store %arg13[%swap3A_1065, %swap3A_1066, %swap3A_1067], %select_n3A_1063 {strides = array<i32>} : memref<2x5x656xf32, #tpu.memory_space<vmem>>, vector<16xf32>,
        %sub3A_1069 = arith.subf %gather3A_1029, %get3A_1049 : vector<16xf32>
        %jit3A_1070 = arith.constant 0.000000e+00 : f32
        %broadcast_in_dim3A_1071 = vector.broadcast %jit3A_1070 : f32 to vector<16xf32>
        %select_n3A_1072 = arith.select %ge3A_1015, %sub3A_1069, %broadcast_in_dim3A_1071 : vector<16xi1>, vector<16xf32>
        %swap3A_1073 = arith.constant 1 : i32
        %swap3A_1074 = arith.index_cast %and3A_146 : i32 to index
        %swap3A_1075 = arith.index_cast %swap3A_1073 : i32 to index
        %swap3A_1076 = arith.index_cast %add3A_1012 : i32 to index
        %swap3A_1077 = tpu.vector_load %arg13[%swap3A_1074, %swap3A_1075, %swap3A_1076] {strides = array<i32>} : memref<2x5x656xf32, #tpu.memory_space<vmem>>, vector<16xf32>,
        tpu.vector_store %arg13[%swap3A_1074, %swap3A_1075, %swap3A_1076], %select_n3A_1072 {strides = array<i32>} : memref<2x5x656xf32, #tpu.memory_space<vmem>>, vector<16xf32>,
        %sub3A_1078 = arith.subf %gather3A_1033, %get3A_1053 : vector<16xf32>
        %jit3A_1079 = arith.constant 0.000000e+00 : f32
        %broadcast_in_dim3A_1080 = vector.broadcast %jit3A_1079 : f32 to vector<16xf32>
        %select_n3A_1081 = arith.select %ge3A_1015, %sub3A_1078, %broadcast_in_dim3A_1080 : vector<16xi1>, vector<16xf32>
        %swap3A_1082 = arith.constant 2 : i32
        %swap3A_1083 = arith.index_cast %and3A_146 : i32 to index
        %swap3A_1084 = arith.index_cast %swap3A_1082 : i32 to index
        %swap3A_1085 = arith.index_cast %add3A_1012 : i32 to index
        %swap3A_1086 = tpu.vector_load %arg13[%swap3A_1083, %swap3A_1084, %swap3A_1085] {strides = array<i32>} : memref<2x5x656xf32, #tpu.memory_space<vmem>>, vector<16xf32>,
        tpu.vector_store %arg13[%swap3A_1083, %swap3A_1084, %swap3A_1085], %select_n3A_1081 {strides = array<i32>} : memref<2x5x656xf32, #tpu.memory_space<vmem>>, vector<16xf32>,
        %sub3A_1087 = arith.subf %gather3A_1037, %get3A_1057 : vector<16xf32>
        %jit3A_1088 = arith.constant 0.000000e+00 : f32
        %broadcast_in_dim3A_1089 = vector.broadcast %jit3A_1088 : f32 to vector<16xf32>
        %select_n3A_1090 = arith.select %ge3A_1015, %sub3A_1087, %broadcast_in_dim3A_1089 : vector<16xi1>, vector<16xf32>
        %swap3A_1091 = arith.constant 3 : i32
        %swap3A_1092 = arith.index_cast %and3A_146 : i32 to index
        %swap3A_1093 = arith.index_cast %swap3A_1091 : i32 to index
        %swap3A_1094 = arith.index_cast %add3A_1012 : i32 to index
        %swap3A_1095 = tpu.vector_load %arg13[%swap3A_1092, %swap3A_1093, %swap3A_1094] {strides = array<i32>} : memref<2x5x656xf32, #tpu.memory_space<vmem>>, vector<16xf32>,
        tpu.vector_store %arg13[%swap3A_1092, %swap3A_1093, %swap3A_1094], %select_n3A_1090 {strides = array<i32>} : memref<2x5x656xf32, #tpu.memory_space<vmem>>, vector<16xf32>,
        %swap3A_1096 = arith.constant 4 : i32
        %swap3A_1097 = arith.index_cast %and3A_146 : i32 to index
        %swap3A_1098 = arith.index_cast %swap3A_1096 : i32 to index
        %swap3A_1099 = arith.index_cast %add3A_1012 : i32 to index
        %swap3A_1100 = tpu.vector_load %arg13[%swap3A_1097, %swap3A_1098, %swap3A_1099] {strides = array<i32>} : memref<2x5x656xf32, #tpu.memory_space<vmem>>, vector<16xf32>,
        tpu.vector_store %arg13[%swap3A_1097, %swap3A_1098, %swap3A_1099], %broadcast_in_dim3A_3 {strides = array<i32>} : memref<2x5x656xf32, #tpu.memory_space<vmem>>, vector<16xf32>,
        %get3A_1101 = arith.index_cast %and3A_146 : i32 to index
        %get3A_1102 = arith.index_cast %add3A_1012 : i32 to index
        %get3A_1103 = tpu.vector_load %arg14[%get3A_1101, %get3A_1102] {strides = array<i32>} : memref<2x656xi32, #tpu.memory_space<vmem>>, vector<16xi32>,
        %scatter3A_1104 = arith.constant 0 : i32
        %scatter3A_1105 = arith.constant 0 : i32
        %scatter3A_1106 = tpu.memref_slice %arg12[%and3A_146, %scatter3A_1104, %scatter3A_1105] : memref<2x20x656xf32, #tpu.memory_space<vmem>> -> memref<1x20x656xf32, #tpu.memory_space<vmem>>
        %scatter3A_1107 = tpu.memref_squeeze %scatter3A_1106 : memref<1x20x656xf32, #tpu.memory_space<vmem>> -> memref<20x656xf32, #tpu.memory_space<vmem>>
        tpu.vector_store_idx %scatter3A_1107[%get3A_1103, %add3A_1059], %broadcast_in_dim3A_3 : memref<20x656xf32, #tpu.memory_space<vmem>>[vector<16xi32>, vector<16xi32>], vector<16xf32>,
        %convert_element_type3A_1108 = arith.fptosi %gather3A_1041 : vector<16xf32> to vector<16xi32>
        %scatter3A_1109 = arith.constant 0 : i32
        %scatter3A_1110 = arith.constant 0 : i32
        %scatter3A_1111 = tpu.memref_slice %arg12[%and3A_146, %scatter3A_1109, %scatter3A_1110] : memref<2x20x656xf32, #tpu.memory_space<vmem>> -> memref<1x20x656xf32, #tpu.memory_space<vmem>>
        %scatter3A_1112 = tpu.memref_squeeze %scatter3A_1111 : memref<1x20x656xf32, #tpu.memory_space<vmem>> -> memref<20x656xf32, #tpu.memory_space<vmem>>
        tpu.vector_store_idx %scatter3A_1112[%convert_element_type3A_1108, %add3A_1059], %broadcast_in_dim3A_5 masked %ge3A_1015 : memref<20x656xf32, #tpu.memory_space<vmem>>[vector<16xi32>, vector<16xi32>], vector<16xf32>, vector<16xi1>
        %jit3A_1113 = arith.constant 0 : i32
        %broadcast_in_dim3A_1114 = vector.broadcast %jit3A_1113 : i32 to vector<16xi32>
        %select_n3A_1115 = arith.select %ge3A_1015, %convert_element_type3A_1108, %broadcast_in_dim3A_1114 : vector<16xi1>, vector<16xi32>
        %swap3A_1116 = arith.index_cast %and3A_146 : i32 to index
        %swap3A_1117 = arith.index_cast %add3A_1012 : i32 to index
        %swap3A_1118 = tpu.vector_load %arg14[%swap3A_1116, %swap3A_1117] {strides = array<i32>} : memref<2x656xi32, #tpu.memory_space<vmem>>, vector<16xi32>,
        tpu.vector_store %arg14[%swap3A_1116, %swap3A_1117], %select_n3A_1115 {strides = array<i32>} : memref<2x656xi32, #tpu.memory_space<vmem>>, vector<16xi32>,
        %add3A_1119 = arith.constant 16 : i32
        %add3A_1120 = arith.addi %mul3A_864, %add3A_1119 : i32
        %ge3A_1121 = arith.constant 3.000000e-01 : f32
        %ge3A_1122 = vector.broadcast %ge3A_1121 : f32 to vector<16xf32>
        %ge3A_1123 = arith.cmpf oge, %scan3A_1009#1, %ge3A_1122 : vector<16xf32>
        %select_n3A_1124 = arith.select %ge3A_1123, %broadcast_in_dim3A_5, %broadcast_in_dim3A_3 : vector<16xi1>, vector<16xf32>
        %swap3A_1125 = arith.index_cast %and3A_146 : i32 to index
        %swap3A_1126 = arith.index_cast %add3A_1120 : i32 to index
        %swap3A_1127 = tpu.vector_load %arg11[%swap3A_1125, %swap3A_1126] {strides = array<i32>} : memref<2x656xf32, #tpu.memory_space<vmem>>, vector<16xf32>,
        tpu.vector_store %arg11[%swap3A_1125, %swap3A_1126], %select_n3A_1124 {strides = array<i32>} : memref<2x656xf32, #tpu.memory_space<vmem>>, vector<16xf32>,
        %add3A_1128 = vector.broadcast %mul3A_868 : i32 to vector<16xi32>
        %add3A_1129 = arith.addi %scan3A_1009#5, %add3A_1128 : vector<16xi32>
        %add3A_1130 = arith.constant 112 : i32
        %add3A_1131 = vector.broadcast %add3A_1130 : i32 to vector<16xi32>
        %add3A_1132 = arith.addi %add3A_1129, %add3A_1131 : vector<16xi32>
        %gather3A_1133 = tpu.vector_load_idx %arg10[%add3A_1132] : memref<5376xf32, #tpu.memory_space<vmem>>[vector<16xi32>], vector<16xf32>,
        %add3A_1134 = arith.constant 224 : i32
        %add3A_1135 = vector.broadcast %add3A_1134 : i32 to vector<16xi32>
        %add3A_1136 = arith.addi %add3A_1129, %add3A_1135 : vector<16xi32>
        %gather3A_1137 = tpu.vector_load_idx %arg10[%add3A_1136] : memref<5376xf32, #tpu.memory_space<vmem>>[vector<16xi32>], vector<16xf32>,
        %add3A_1138 = arith.constant 336 : i32
        %add3A_1139 = vector.broadcast %add3A_1138 : i32 to vector<16xi32>
        %add3A_1140 = arith.addi %add3A_1129, %add3A_1139 : vector<16xi32>
        %gather3A_1141 = tpu.vector_load_idx %arg10[%add3A_1140] : memref<5376xf32, #tpu.memory_space<vmem>>[vector<16xi32>], vector<16xf32>,
        %add3A_1142 = arith.constant 448 : i32
        %add3A_1143 = vector.broadcast %add3A_1142 : i32 to vector<16xi32>
        %add3A_1144 = arith.addi %add3A_1129, %add3A_1143 : vector<16xi32>
        %gather3A_1145 = tpu.vector_load_idx %arg10[%add3A_1144] : memref<5376xf32, #tpu.memory_space<vmem>>[vector<16xi32>], vector<16xf32>,
        %add3A_1146 = arith.constant 560 : i32
        %add3A_1147 = vector.broadcast %add3A_1146 : i32 to vector<16xi32>
        %add3A_1148 = arith.addi %add3A_1129, %add3A_1147 : vector<16xi32>
        %gather3A_1149 = tpu.vector_load_idx %arg10[%add3A_1148] : memref<5376xf32, #tpu.memory_space<vmem>>[vector<16xi32>], vector<16xf32>,
        %get3A_1150 = arith.constant 1 : i32
        %get3A_1151 = arith.index_cast %get3A_1150 : i32 to index
        %get3A_1152 = arith.index_cast %add3A_1120 : i32 to index
        %get3A_1153 = tpu.vector_load %arg8[%get3A_1151, %get3A_1152] {strides = array<i32>} : memref<5x656xf32, #tpu.memory_space<vmem>>, vector<16xf32>,
        %get3A_1154 = arith.constant 2 : i32
        %get3A_1155 = arith.index_cast %get3A_1154 : i32 to index
        %get3A_1156 = arith.index_cast %add3A_1120 : i32 to index
        %get3A_1157 = tpu.vector_load %arg8[%get3A_1155, %get3A_1156] {strides = array<i32>} : memref<5x656xf32, #tpu.memory_space<vmem>>, vector<16xf32>,
        %get3A_1158 = arith.constant 3 : i32
        %get3A_1159 = arith.index_cast %get3A_1158 : i32 to index
        %get3A_1160 = arith.index_cast %add3A_1120 : i32 to index
        %get3A_1161 = tpu.vector_load %arg8[%get3A_1159, %get3A_1160] {strides = array<i32>} : memref<5x656xf32, #tpu.memory_space<vmem>>, vector<16xf32>,
        %get3A_1162 = arith.constant 4 : i32
        %get3A_1163 = arith.index_cast %get3A_1162 : i32 to index
        %get3A_1164 = arith.index_cast %add3A_1120 : i32 to index
        %get3A_1165 = tpu.vector_load %arg8[%get3A_1163, %get3A_1164] {strides = array<i32>} : memref<5x656xf32, #tpu.memory_space<vmem>>, vector<16xf32>,
        %add3A_1166 = vector.broadcast %add3A_1120 : i32 to vector<16xi32>
        %add3A_1167 = arith.addi %iota3A, %add3A_1166 : vector<16xi32>
        %sub3A_1168 = arith.subf %gather3A_1133, %get3A_1153 : vector<16xf32>
        %jit3A_1169 = arith.constant 0.000000e+00 : f32
        %broadcast_in_dim3A_1170 = vector.broadcast %jit3A_1169 : f32 to vector<16xf32>
        %select_n3A_1171 = arith.select %ge3A_1123, %sub3A_1168, %broadcast_in_dim3A_1170 : vector<16xi1>, vector<16xf32>
        %swap3A_1172 = arith.constant 0 : i32
        %swap3A_1173 = arith.index_cast %and3A_146 : i32 to index
        %swap3A_1174 = arith.index_cast %swap3A_1172 : i32 to index
        %swap3A_1175 = arith.index_cast %add3A_1120 : i32 to index
        %swap3A_1176 = tpu.vector_load %arg13[%swap3A_1173, %swap3A_1174, %swap3A_1175] {strides = array<i32>} : memref<2x5x656xf32, #tpu.memory_space<vmem>>, vector<16xf32>,
        tpu.vector_store %arg13[%swap3A_1173, %swap3A_1174, %swap3A_1175], %select_n3A_1171 {strides = array<i32>} : memref<2x5x656xf32, #tpu.memory_space<vmem>>, vector<16xf32>,
        %sub3A_1177 = arith.subf %gather3A_1137, %get3A_1157 : vector<16xf32>
        %jit3A_1178 = arith.constant 0.000000e+00 : f32
        %broadcast_in_dim3A_1179 = vector.broadcast %jit3A_1178 : f32 to vector<16xf32>
        %select_n3A_1180 = arith.select %ge3A_1123, %sub3A_1177, %broadcast_in_dim3A_1179 : vector<16xi1>, vector<16xf32>
        %swap3A_1181 = arith.constant 1 : i32
        %swap3A_1182 = arith.index_cast %and3A_146 : i32 to index
        %swap3A_1183 = arith.index_cast %swap3A_1181 : i32 to index
        %swap3A_1184 = arith.index_cast %add3A_1120 : i32 to index
        %swap3A_1185 = tpu.vector_load %arg13[%swap3A_1182, %swap3A_1183, %swap3A_1184] {strides = array<i32>} : memref<2x5x656xf32, #tpu.memory_space<vmem>>, vector<16xf32>,
        tpu.vector_store %arg13[%swap3A_1182, %swap3A_1183, %swap3A_1184], %select_n3A_1180 {strides = array<i32>} : memref<2x5x656xf32, #tpu.memory_space<vmem>>, vector<16xf32>,
        %sub3A_1186 = arith.subf %gather3A_1141, %get3A_1161 : vector<16xf32>
        %jit3A_1187 = arith.constant 0.000000e+00 : f32
        %broadcast_in_dim3A_1188 = vector.broadcast %jit3A_1187 : f32 to vector<16xf32>
        %select_n3A_1189 = arith.select %ge3A_1123, %sub3A_1186, %broadcast_in_dim3A_1188 : vector<16xi1>, vector<16xf32>
        %swap3A_1190 = arith.constant 2 : i32
        %swap3A_1191 = arith.index_cast %and3A_146 : i32 to index
        %swap3A_1192 = arith.index_cast %swap3A_1190 : i32 to index
        %swap3A_1193 = arith.index_cast %add3A_1120 : i32 to index
        %swap3A_1194 = tpu.vector_load %arg13[%swap3A_1191, %swap3A_1192, %swap3A_1193] {strides = array<i32>} : memref<2x5x656xf32, #tpu.memory_space<vmem>>, vector<16xf32>,
        tpu.vector_store %arg13[%swap3A_1191, %swap3A_1192, %swap3A_1193], %select_n3A_1189 {strides = array<i32>} : memref<2x5x656xf32, #tpu.memory_space<vmem>>, vector<16xf32>,
        %sub3A_1195 = arith.subf %gather3A_1145, %get3A_1165 : vector<16xf32>
        %jit3A_1196 = arith.constant 0.000000e+00 : f32
        %broadcast_in_dim3A_1197 = vector.broadcast %jit3A_1196 : f32 to vector<16xf32>
        %select_n3A_1198 = arith.select %ge3A_1123, %sub3A_1195, %broadcast_in_dim3A_1197 : vector<16xi1>, vector<16xf32>
        %swap3A_1199 = arith.constant 3 : i32
        %swap3A_1200 = arith.index_cast %and3A_146 : i32 to index
        %swap3A_1201 = arith.index_cast %swap3A_1199 : i32 to index
        %swap3A_1202 = arith.index_cast %add3A_1120 : i32 to index
        %swap3A_1203 = tpu.vector_load %arg13[%swap3A_1200, %swap3A_1201, %swap3A_1202] {strides = array<i32>} : memref<2x5x656xf32, #tpu.memory_space<vmem>>, vector<16xf32>,
        tpu.vector_store %arg13[%swap3A_1200, %swap3A_1201, %swap3A_1202], %select_n3A_1198 {strides = array<i32>} : memref<2x5x656xf32, #tpu.memory_space<vmem>>, vector<16xf32>,
        %swap3A_1204 = arith.constant 4 : i32
        %swap3A_1205 = arith.index_cast %and3A_146 : i32 to index
        %swap3A_1206 = arith.index_cast %swap3A_1204 : i32 to index
        %swap3A_1207 = arith.index_cast %add3A_1120 : i32 to index
        %swap3A_1208 = tpu.vector_load %arg13[%swap3A_1205, %swap3A_1206, %swap3A_1207] {strides = array<i32>} : memref<2x5x656xf32, #tpu.memory_space<vmem>>, vector<16xf32>,
        tpu.vector_store %arg13[%swap3A_1205, %swap3A_1206, %swap3A_1207], %broadcast_in_dim3A_3 {strides = array<i32>} : memref<2x5x656xf32, #tpu.memory_space<vmem>>, vector<16xf32>,
        %get3A_1209 = arith.index_cast %and3A_146 : i32 to index
        %get3A_1210 = arith.index_cast %add3A_1120 : i32 to index
        %get3A_1211 = tpu.vector_load %arg14[%get3A_1209, %get3A_1210] {strides = array<i32>} : memref<2x656xi32, #tpu.memory_space<vmem>>, vector<16xi32>,
        %scatter3A_1212 = arith.constant 0 : i32
        %scatter3A_1213 = arith.constant 0 : i32
        %scatter3A_1214 = tpu.memref_slice %arg12[%and3A_146, %scatter3A_1212, %scatter3A_1213] : memref<2x20x656xf32, #tpu.memory_space<vmem>> -> memref<1x20x656xf32, #tpu.memory_space<vmem>>
        %scatter3A_1215 = tpu.memref_squeeze %scatter3A_1214 : memref<1x20x656xf32, #tpu.memory_space<vmem>> -> memref<20x656xf32, #tpu.memory_space<vmem>>
        tpu.vector_store_idx %scatter3A_1215[%get3A_1211, %add3A_1167], %broadcast_in_dim3A_3 : memref<20x656xf32, #tpu.memory_space<vmem>>[vector<16xi32>, vector<16xi32>], vector<16xf32>,
        %convert_element_type3A_1216 = arith.fptosi %gather3A_1149 : vector<16xf32> to vector<16xi32>
        %scatter3A_1217 = arith.constant 0 : i32
        %scatter3A_1218 = arith.constant 0 : i32
        %scatter3A_1219 = tpu.memref_slice %arg12[%and3A_146, %scatter3A_1217, %scatter3A_1218] : memref<2x20x656xf32, #tpu.memory_space<vmem>> -> memref<1x20x656xf32, #tpu.memory_space<vmem>>
        %scatter3A_1220 = tpu.memref_squeeze %scatter3A_1219 : memref<1x20x656xf32, #tpu.memory_space<vmem>> -> memref<20x656xf32, #tpu.memory_space<vmem>>
        tpu.vector_store_idx %scatter3A_1220[%convert_element_type3A_1216, %add3A_1167], %broadcast_in_dim3A_5 masked %ge3A_1123 : memref<20x656xf32, #tpu.memory_space<vmem>>[vector<16xi32>, vector<16xi32>], vector<16xf32>, vector<16xi1>
        %jit3A_1221 = arith.constant 0 : i32
        %broadcast_in_dim3A_1222 = vector.broadcast %jit3A_1221 : i32 to vector<16xi32>
        %select_n3A_1223 = arith.select %ge3A_1123, %convert_element_type3A_1216, %broadcast_in_dim3A_1222 : vector<16xi1>, vector<16xi32>
        %swap3A_1224 = arith.index_cast %and3A_146 : i32 to index
        %swap3A_1225 = arith.index_cast %add3A_1120 : i32 to index
        %swap3A_1226 = tpu.vector_load %arg14[%swap3A_1224, %swap3A_1225] {strides = array<i32>} : memref<2x656xi32, #tpu.memory_space<vmem>>, vector<16xi32>,
        tpu.vector_store %arg14[%swap3A_1224, %swap3A_1225], %select_n3A_1223 {strides = array<i32>} : memref<2x656xi32, #tpu.memory_space<vmem>>, vector<16xi32>,
        %add3A_1227 = arith.constant 32 : i32
        %add3A_1228 = arith.addi %mul3A_864, %add3A_1227 : i32
        %ge3A_1229 = arith.constant 3.000000e-01 : f32
        %ge3A_1230 = vector.broadcast %ge3A_1229 : f32 to vector<16xf32>
        %ge3A_1231 = arith.cmpf oge, %scan3A_1009#2, %ge3A_1230 : vector<16xf32>
        %select_n3A_1232 = arith.select %ge3A_1231, %broadcast_in_dim3A_5, %broadcast_in_dim3A_3 : vector<16xi1>, vector<16xf32>
        %swap3A_1233 = arith.index_cast %and3A_146 : i32 to index
        %swap3A_1234 = arith.index_cast %add3A_1228 : i32 to index
        %swap3A_1235 = tpu.vector_load %arg11[%swap3A_1233, %swap3A_1234] {strides = array<i32>} : memref<2x656xf32, #tpu.memory_space<vmem>>, vector<16xf32>,
        tpu.vector_store %arg11[%swap3A_1233, %swap3A_1234], %select_n3A_1232 {strides = array<i32>} : memref<2x656xf32, #tpu.memory_space<vmem>>, vector<16xf32>,
        %add3A_1236 = vector.broadcast %mul3A_868 : i32 to vector<16xi32>
        %add3A_1237 = arith.addi %scan3A_1009#6, %add3A_1236 : vector<16xi32>
        %add3A_1238 = arith.constant 112 : i32
        %add3A_1239 = vector.broadcast %add3A_1238 : i32 to vector<16xi32>
        %add3A_1240 = arith.addi %add3A_1237, %add3A_1239 : vector<16xi32>
        %gather3A_1241 = tpu.vector_load_idx %arg10[%add3A_1240] : memref<5376xf32, #tpu.memory_space<vmem>>[vector<16xi32>], vector<16xf32>,
        %add3A_1242 = arith.constant 224 : i32
        %add3A_1243 = vector.broadcast %add3A_1242 : i32 to vector<16xi32>
        %add3A_1244 = arith.addi %add3A_1237, %add3A_1243 : vector<16xi32>
        %gather3A_1245 = tpu.vector_load_idx %arg10[%add3A_1244] : memref<5376xf32, #tpu.memory_space<vmem>>[vector<16xi32>], vector<16xf32>,
        %add3A_1246 = arith.constant 336 : i32
        %add3A_1247 = vector.broadcast %add3A_1246 : i32 to vector<16xi32>
        %add3A_1248 = arith.addi %add3A_1237, %add3A_1247 : vector<16xi32>
        %gather3A_1249 = tpu.vector_load_idx %arg10[%add3A_1248] : memref<5376xf32, #tpu.memory_space<vmem>>[vector<16xi32>], vector<16xf32>,
        %add3A_1250 = arith.constant 448 : i32
        %add3A_1251 = vector.broadcast %add3A_1250 : i32 to vector<16xi32>
        %add3A_1252 = arith.addi %add3A_1237, %add3A_1251 : vector<16xi32>
        %gather3A_1253 = tpu.vector_load_idx %arg10[%add3A_1252] : memref<5376xf32, #tpu.memory_space<vmem>>[vector<16xi32>], vector<16xf32>,
        %add3A_1254 = arith.constant 560 : i32
        %add3A_1255 = vector.broadcast %add3A_1254 : i32 to vector<16xi32>
        %add3A_1256 = arith.addi %add3A_1237, %add3A_1255 : vector<16xi32>
        %gather3A_1257 = tpu.vector_load_idx %arg10[%add3A_1256] : memref<5376xf32, #tpu.memory_space<vmem>>[vector<16xi32>], vector<16xf32>,
        %get3A_1258 = arith.constant 1 : i32
        %get3A_1259 = arith.index_cast %get3A_1258 : i32 to index
        %get3A_1260 = arith.index_cast %add3A_1228 : i32 to index
        %get3A_1261 = tpu.vector_load %arg8[%get3A_1259, %get3A_1260] {strides = array<i32>} : memref<5x656xf32, #tpu.memory_space<vmem>>, vector<16xf32>,
        %get3A_1262 = arith.constant 2 : i32
        %get3A_1263 = arith.index_cast %get3A_1262 : i32 to index
        %get3A_1264 = arith.index_cast %add3A_1228 : i32 to index
        %get3A_1265 = tpu.vector_load %arg8[%get3A_1263, %get3A_1264] {strides = array<i32>} : memref<5x656xf32, #tpu.memory_space<vmem>>, vector<16xf32>,
        %get3A_1266 = arith.constant 3 : i32
        %get3A_1267 = arith.index_cast %get3A_1266 : i32 to index
        %get3A_1268 = arith.index_cast %add3A_1228 : i32 to index
        %get3A_1269 = tpu.vector_load %arg8[%get3A_1267, %get3A_1268] {strides = array<i32>} : memref<5x656xf32, #tpu.memory_space<vmem>>, vector<16xf32>,
        %get3A_1270 = arith.constant 4 : i32
        %get3A_1271 = arith.index_cast %get3A_1270 : i32 to index
        %get3A_1272 = arith.index_cast %add3A_1228 : i32 to index
        %get3A_1273 = tpu.vector_load %arg8[%get3A_1271, %get3A_1272] {strides = array<i32>} : memref<5x656xf32, #tpu.memory_space<vmem>>, vector<16xf32>,
        %add3A_1274 = vector.broadcast %add3A_1228 : i32 to vector<16xi32>
        %add3A_1275 = arith.addi %iota3A, %add3A_1274 : vector<16xi32>
        %sub3A_1276 = arith.subf %gather3A_1241, %get3A_1261 : vector<16xf32>
        %jit3A_1277 = arith.constant 0.000000e+00 : f32
        %broadcast_in_dim3A_1278 = vector.broadcast %jit3A_1277 : f32 to vector<16xf32>
        %select_n3A_1279 = arith.select %ge3A_1231, %sub3A_1276, %broadcast_in_dim3A_1278 : vector<16xi1>, vector<16xf32>
        %swap3A_1280 = arith.constant 0 : i32
        %swap3A_1281 = arith.index_cast %and3A_146 : i32 to index
        %swap3A_1282 = arith.index_cast %swap3A_1280 : i32 to index
        %swap3A_1283 = arith.index_cast %add3A_1228 : i32 to index
        %swap3A_1284 = tpu.vector_load %arg13[%swap3A_1281, %swap3A_1282, %swap3A_1283] {strides = array<i32>} : memref<2x5x656xf32, #tpu.memory_space<vmem>>, vector<16xf32>,
        tpu.vector_store %arg13[%swap3A_1281, %swap3A_1282, %swap3A_1283], %select_n3A_1279 {strides = array<i32>} : memref<2x5x656xf32, #tpu.memory_space<vmem>>, vector<16xf32>,
        %sub3A_1285 = arith.subf %gather3A_1245, %get3A_1265 : vector<16xf32>
        %jit3A_1286 = arith.constant 0.000000e+00 : f32
        %broadcast_in_dim3A_1287 = vector.broadcast %jit3A_1286 : f32 to vector<16xf32>
        %select_n3A_1288 = arith.select %ge3A_1231, %sub3A_1285, %broadcast_in_dim3A_1287 : vector<16xi1>, vector<16xf32>
        %swap3A_1289 = arith.constant 1 : i32
        %swap3A_1290 = arith.index_cast %and3A_146 : i32 to index
        %swap3A_1291 = arith.index_cast %swap3A_1289 : i32 to index
        %swap3A_1292 = arith.index_cast %add3A_1228 : i32 to index
        %swap3A_1293 = tpu.vector_load %arg13[%swap3A_1290, %swap3A_1291, %swap3A_1292] {strides = array<i32>} : memref<2x5x656xf32, #tpu.memory_space<vmem>>, vector<16xf32>,
        tpu.vector_store %arg13[%swap3A_1290, %swap3A_1291, %swap3A_1292], %select_n3A_1288 {strides = array<i32>} : memref<2x5x656xf32, #tpu.memory_space<vmem>>, vector<16xf32>,
        %sub3A_1294 = arith.subf %gather3A_1249, %get3A_1269 : vector<16xf32>
        %jit3A_1295 = arith.constant 0.000000e+00 : f32
        %broadcast_in_dim3A_1296 = vector.broadcast %jit3A_1295 : f32 to vector<16xf32>
        %select_n3A_1297 = arith.select %ge3A_1231, %sub3A_1294, %broadcast_in_dim3A_1296 : vector<16xi1>, vector<16xf32>
        %swap3A_1298 = arith.constant 2 : i32
        %swap3A_1299 = arith.index_cast %and3A_146 : i32 to index
        %swap3A_1300 = arith.index_cast %swap3A_1298 : i32 to index
        %swap3A_1301 = arith.index_cast %add3A_1228 : i32 to index
        %swap3A_1302 = tpu.vector_load %arg13[%swap3A_1299, %swap3A_1300, %swap3A_1301] {strides = array<i32>} : memref<2x5x656xf32, #tpu.memory_space<vmem>>, vector<16xf32>,
        tpu.vector_store %arg13[%swap3A_1299, %swap3A_1300, %swap3A_1301], %select_n3A_1297 {strides = array<i32>} : memref<2x5x656xf32, #tpu.memory_space<vmem>>, vector<16xf32>,
        %sub3A_1303 = arith.subf %gather3A_1253, %get3A_1273 : vector<16xf32>
        %jit3A_1304 = arith.constant 0.000000e+00 : f32
        %broadcast_in_dim3A_1305 = vector.broadcast %jit3A_1304 : f32 to vector<16xf32>
        %select_n3A_1306 = arith.select %ge3A_1231, %sub3A_1303, %broadcast_in_dim3A_1305 : vector<16xi1>, vector<16xf32>
        %swap3A_1307 = arith.constant 3 : i32
        %swap3A_1308 = arith.index_cast %and3A_146 : i32 to index
        %swap3A_1309 = arith.index_cast %swap3A_1307 : i32 to index
        %swap3A_1310 = arith.index_cast %add3A_1228 : i32 to index
        %swap3A_1311 = tpu.vector_load %arg13[%swap3A_1308, %swap3A_1309, %swap3A_1310] {strides = array<i32>} : memref<2x5x656xf32, #tpu.memory_space<vmem>>, vector<16xf32>,
        tpu.vector_store %arg13[%swap3A_1308, %swap3A_1309, %swap3A_1310], %select_n3A_1306 {strides = array<i32>} : memref<2x5x656xf32, #tpu.memory_space<vmem>>, vector<16xf32>,
        %swap3A_1312 = arith.constant 4 : i32
        %swap3A_1313 = arith.index_cast %and3A_146 : i32 to index
        %swap3A_1314 = arith.index_cast %swap3A_1312 : i32 to index
        %swap3A_1315 = arith.index_cast %add3A_1228 : i32 to index
        %swap3A_1316 = tpu.vector_load %arg13[%swap3A_1313, %swap3A_1314, %swap3A_1315] {strides = array<i32>} : memref<2x5x656xf32, #tpu.memory_space<vmem>>, vector<16xf32>,
        tpu.vector_store %arg13[%swap3A_1313, %swap3A_1314, %swap3A_1315], %broadcast_in_dim3A_3 {strides = array<i32>} : memref<2x5x656xf32, #tpu.memory_space<vmem>>, vector<16xf32>,
        %get3A_1317 = arith.index_cast %and3A_146 : i32 to index
        %get3A_1318 = arith.index_cast %add3A_1228 : i32 to index
        %get3A_1319 = tpu.vector_load %arg14[%get3A_1317, %get3A_1318] {strides = array<i32>} : memref<2x656xi32, #tpu.memory_space<vmem>>, vector<16xi32>,
        %scatter3A_1320 = arith.constant 0 : i32
        %scatter3A_1321 = arith.constant 0 : i32
        %scatter3A_1322 = tpu.memref_slice %arg12[%and3A_146, %scatter3A_1320, %scatter3A_1321] : memref<2x20x656xf32, #tpu.memory_space<vmem>> -> memref<1x20x656xf32, #tpu.memory_space<vmem>>
        %scatter3A_1323 = tpu.memref_squeeze %scatter3A_1322 : memref<1x20x656xf32, #tpu.memory_space<vmem>> -> memref<20x656xf32, #tpu.memory_space<vmem>>
        tpu.vector_store_idx %scatter3A_1323[%get3A_1319, %add3A_1275], %broadcast_in_dim3A_3 : memref<20x656xf32, #tpu.memory_space<vmem>>[vector<16xi32>, vector<16xi32>], vector<16xf32>,
        %convert_element_type3A_1324 = arith.fptosi %gather3A_1257 : vector<16xf32> to vector<16xi32>
        %scatter3A_1325 = arith.constant 0 : i32
        %scatter3A_1326 = arith.constant 0 : i32
        %scatter3A_1327 = tpu.memref_slice %arg12[%and3A_146, %scatter3A_1325, %scatter3A_1326] : memref<2x20x656xf32, #tpu.memory_space<vmem>> -> memref<1x20x656xf32, #tpu.memory_space<vmem>>
        %scatter3A_1328 = tpu.memref_squeeze %scatter3A_1327 : memref<1x20x656xf32, #tpu.memory_space<vmem>> -> memref<20x656xf32, #tpu.memory_space<vmem>>
        tpu.vector_store_idx %scatter3A_1328[%convert_element_type3A_1324, %add3A_1275], %broadcast_in_dim3A_5 masked %ge3A_1231 : memref<20x656xf32, #tpu.memory_space<vmem>>[vector<16xi32>, vector<16xi32>], vector<16xf32>, vector<16xi1>
        %jit3A_1329 = arith.constant 0 : i32
        %broadcast_in_dim3A_1330 = vector.broadcast %jit3A_1329 : i32 to vector<16xi32>
        %select_n3A_1331 = arith.select %ge3A_1231, %convert_element_type3A_1324, %broadcast_in_dim3A_1330 : vector<16xi1>, vector<16xi32>
        %swap3A_1332 = arith.index_cast %and3A_146 : i32 to index
        %swap3A_1333 = arith.index_cast %add3A_1228 : i32 to index
        %swap3A_1334 = tpu.vector_load %arg14[%swap3A_1332, %swap3A_1333] {strides = array<i32>} : memref<2x656xi32, #tpu.memory_space<vmem>>, vector<16xi32>,
        tpu.vector_store %arg14[%swap3A_1332, %swap3A_1333], %select_n3A_1331 {strides = array<i32>} : memref<2x656xi32, #tpu.memory_space<vmem>>, vector<16xi32>,
        %add3A_1335 = arith.constant 48 : i32
        %add3A_1336 = arith.addi %mul3A_864, %add3A_1335 : i32
        %ge3A_1337 = arith.constant 3.000000e-01 : f32
        %ge3A_1338 = vector.broadcast %ge3A_1337 : f32 to vector<16xf32>
        %ge3A_1339 = arith.cmpf oge, %scan3A_1009#3, %ge3A_1338 : vector<16xf32>
        %select_n3A_1340 = arith.select %ge3A_1339, %broadcast_in_dim3A_5, %broadcast_in_dim3A_3 : vector<16xi1>, vector<16xf32>
        %swap3A_1341 = arith.index_cast %and3A_146 : i32 to index
        %swap3A_1342 = arith.index_cast %add3A_1336 : i32 to index
        %swap3A_1343 = tpu.vector_load %arg11[%swap3A_1341, %swap3A_1342] {strides = array<i32>} : memref<2x656xf32, #tpu.memory_space<vmem>>, vector<16xf32>,
        tpu.vector_store %arg11[%swap3A_1341, %swap3A_1342], %select_n3A_1340 {strides = array<i32>} : memref<2x656xf32, #tpu.memory_space<vmem>>, vector<16xf32>,
        %add3A_1344 = vector.broadcast %mul3A_868 : i32 to vector<16xi32>
        %add3A_1345 = arith.addi %scan3A_1009#7, %add3A_1344 : vector<16xi32>
        %add3A_1346 = arith.constant 112 : i32
        %add3A_1347 = vector.broadcast %add3A_1346 : i32 to vector<16xi32>
        %add3A_1348 = arith.addi %add3A_1345, %add3A_1347 : vector<16xi32>
        %gather3A_1349 = tpu.vector_load_idx %arg10[%add3A_1348] : memref<5376xf32, #tpu.memory_space<vmem>>[vector<16xi32>], vector<16xf32>,
        %add3A_1350 = arith.constant 224 : i32
        %add3A_1351 = vector.broadcast %add3A_1350 : i32 to vector<16xi32>
        %add3A_1352 = arith.addi %add3A_1345, %add3A_1351 : vector<16xi32>
        %gather3A_1353 = tpu.vector_load_idx %arg10[%add3A_1352] : memref<5376xf32, #tpu.memory_space<vmem>>[vector<16xi32>], vector<16xf32>,
        %add3A_1354 = arith.constant 336 : i32
        %add3A_1355 = vector.broadcast %add3A_1354 : i32 to vector<16xi32>
        %add3A_1356 = arith.addi %add3A_1345, %add3A_1355 : vector<16xi32>
        %gather3A_1357 = tpu.vector_load_idx %arg10[%add3A_1356] : memref<5376xf32, #tpu.memory_space<vmem>>[vector<16xi32>], vector<16xf32>,
        %add3A_1358 = arith.constant 448 : i32
        %add3A_1359 = vector.broadcast %add3A_1358 : i32 to vector<16xi32>
        %add3A_1360 = arith.addi %add3A_1345, %add3A_1359 : vector<16xi32>
        %gather3A_1361 = tpu.vector_load_idx %arg10[%add3A_1360] : memref<5376xf32, #tpu.memory_space<vmem>>[vector<16xi32>], vector<16xf32>,
        %add3A_1362 = arith.constant 560 : i32
        %add3A_1363 = vector.broadcast %add3A_1362 : i32 to vector<16xi32>
        %add3A_1364 = arith.addi %add3A_1345, %add3A_1363 : vector<16xi32>
        %gather3A_1365 = tpu.vector_load_idx %arg10[%add3A_1364] : memref<5376xf32, #tpu.memory_space<vmem>>[vector<16xi32>], vector<16xf32>,
        %get3A_1366 = arith.constant 1 : i32
        %get3A_1367 = arith.index_cast %get3A_1366 : i32 to index
        %get3A_1368 = arith.index_cast %add3A_1336 : i32 to index
        %get3A_1369 = tpu.vector_load %arg8[%get3A_1367, %get3A_1368] {strides = array<i32>} : memref<5x656xf32, #tpu.memory_space<vmem>>, vector<16xf32>,
        %get3A_1370 = arith.constant 2 : i32
        %get3A_1371 = arith.index_cast %get3A_1370 : i32 to index
        %get3A_1372 = arith.index_cast %add3A_1336 : i32 to index
        %get3A_1373 = tpu.vector_load %arg8[%get3A_1371, %get3A_1372] {strides = array<i32>} : memref<5x656xf32, #tpu.memory_space<vmem>>, vector<16xf32>,
        %get3A_1374 = arith.constant 3 : i32
        %get3A_1375 = arith.index_cast %get3A_1374 : i32 to index
        %get3A_1376 = arith.index_cast %add3A_1336 : i32 to index
        %get3A_1377 = tpu.vector_load %arg8[%get3A_1375, %get3A_1376] {strides = array<i32>} : memref<5x656xf32, #tpu.memory_space<vmem>>, vector<16xf32>,
        %get3A_1378 = arith.constant 4 : i32
        %get3A_1379 = arith.index_cast %get3A_1378 : i32 to index
        %get3A_1380 = arith.index_cast %add3A_1336 : i32 to index
        %get3A_1381 = tpu.vector_load %arg8[%get3A_1379, %get3A_1380] {strides = array<i32>} : memref<5x656xf32, #tpu.memory_space<vmem>>, vector<16xf32>,
        %add3A_1382 = vector.broadcast %add3A_1336 : i32 to vector<16xi32>
        %add3A_1383 = arith.addi %iota3A, %add3A_1382 : vector<16xi32>
        %sub3A_1384 = arith.subf %gather3A_1349, %get3A_1369 : vector<16xf32>
        %jit3A_1385 = arith.constant 0.000000e+00 : f32
        %broadcast_in_dim3A_1386 = vector.broadcast %jit3A_1385 : f32 to vector<16xf32>
        %select_n3A_1387 = arith.select %ge3A_1339, %sub3A_1384, %broadcast_in_dim3A_1386 : vector<16xi1>, vector<16xf32>
        %swap3A_1388 = arith.constant 0 : i32
        %swap3A_1389 = arith.index_cast %and3A_146 : i32 to index
        %swap3A_1390 = arith.index_cast %swap3A_1388 : i32 to index
        %swap3A_1391 = arith.index_cast %add3A_1336 : i32 to index
        %swap3A_1392 = tpu.vector_load %arg13[%swap3A_1389, %swap3A_1390, %swap3A_1391] {strides = array<i32>} : memref<2x5x656xf32, #tpu.memory_space<vmem>>, vector<16xf32>,
        tpu.vector_store %arg13[%swap3A_1389, %swap3A_1390, %swap3A_1391], %select_n3A_1387 {strides = array<i32>} : memref<2x5x656xf32, #tpu.memory_space<vmem>>, vector<16xf32>,
        %sub3A_1393 = arith.subf %gather3A_1353, %get3A_1373 : vector<16xf32>
        %jit3A_1394 = arith.constant 0.000000e+00 : f32
        %broadcast_in_dim3A_1395 = vector.broadcast %jit3A_1394 : f32 to vector<16xf32>
        %select_n3A_1396 = arith.select %ge3A_1339, %sub3A_1393, %broadcast_in_dim3A_1395 : vector<16xi1>, vector<16xf32>
        %swap3A_1397 = arith.constant 1 : i32
        %swap3A_1398 = arith.index_cast %and3A_146 : i32 to index
        %swap3A_1399 = arith.index_cast %swap3A_1397 : i32 to index
        %swap3A_1400 = arith.index_cast %add3A_1336 : i32 to index
        %swap3A_1401 = tpu.vector_load %arg13[%swap3A_1398, %swap3A_1399, %swap3A_1400] {strides = array<i32>} : memref<2x5x656xf32, #tpu.memory_space<vmem>>, vector<16xf32>,
        tpu.vector_store %arg13[%swap3A_1398, %swap3A_1399, %swap3A_1400], %select_n3A_1396 {strides = array<i32>} : memref<2x5x656xf32, #tpu.memory_space<vmem>>, vector<16xf32>,
        %sub3A_1402 = arith.subf %gather3A_1357, %get3A_1377 : vector<16xf32>
        %jit3A_1403 = arith.constant 0.000000e+00 : f32
        %broadcast_in_dim3A_1404 = vector.broadcast %jit3A_1403 : f32 to vector<16xf32>
        %select_n3A_1405 = arith.select %ge3A_1339, %sub3A_1402, %broadcast_in_dim3A_1404 : vector<16xi1>, vector<16xf32>
        %swap3A_1406 = arith.constant 2 : i32
        %swap3A_1407 = arith.index_cast %and3A_146 : i32 to index
        %swap3A_1408 = arith.index_cast %swap3A_1406 : i32 to index
        %swap3A_1409 = arith.index_cast %add3A_1336 : i32 to index
        %swap3A_1410 = tpu.vector_load %arg13[%swap3A_1407, %swap3A_1408, %swap3A_1409] {strides = array<i32>} : memref<2x5x656xf32, #tpu.memory_space<vmem>>, vector<16xf32>,
        tpu.vector_store %arg13[%swap3A_1407, %swap3A_1408, %swap3A_1409], %select_n3A_1405 {strides = array<i32>} : memref<2x5x656xf32, #tpu.memory_space<vmem>>, vector<16xf32>,
        %sub3A_1411 = arith.subf %gather3A_1361, %get3A_1381 : vector<16xf32>
        %jit3A_1412 = arith.constant 0.000000e+00 : f32
        %broadcast_in_dim3A_1413 = vector.broadcast %jit3A_1412 : f32 to vector<16xf32>
        %select_n3A_1414 = arith.select %ge3A_1339, %sub3A_1411, %broadcast_in_dim3A_1413 : vector<16xi1>, vector<16xf32>
        %swap3A_1415 = arith.constant 3 : i32
        %swap3A_1416 = arith.index_cast %and3A_146 : i32 to index
        %swap3A_1417 = arith.index_cast %swap3A_1415 : i32 to index
        %swap3A_1418 = arith.index_cast %add3A_1336 : i32 to index
        %swap3A_1419 = tpu.vector_load %arg13[%swap3A_1416, %swap3A_1417, %swap3A_1418] {strides = array<i32>} : memref<2x5x656xf32, #tpu.memory_space<vmem>>, vector<16xf32>,
        tpu.vector_store %arg13[%swap3A_1416, %swap3A_1417, %swap3A_1418], %select_n3A_1414 {strides = array<i32>} : memref<2x5x656xf32, #tpu.memory_space<vmem>>, vector<16xf32>,
        %swap3A_1420 = arith.constant 4 : i32
        %swap3A_1421 = arith.index_cast %and3A_146 : i32 to index
        %swap3A_1422 = arith.index_cast %swap3A_1420 : i32 to index
        %swap3A_1423 = arith.index_cast %add3A_1336 : i32 to index
        %swap3A_1424 = tpu.vector_load %arg13[%swap3A_1421, %swap3A_1422, %swap3A_1423] {strides = array<i32>} : memref<2x5x656xf32, #tpu.memory_space<vmem>>, vector<16xf32>,
        tpu.vector_store %arg13[%swap3A_1421, %swap3A_1422, %swap3A_1423], %broadcast_in_dim3A_3 {strides = array<i32>} : memref<2x5x656xf32, #tpu.memory_space<vmem>>, vector<16xf32>,
        %get3A_1425 = arith.index_cast %and3A_146 : i32 to index
        %get3A_1426 = arith.index_cast %add3A_1336 : i32 to index
        %get3A_1427 = tpu.vector_load %arg14[%get3A_1425, %get3A_1426] {strides = array<i32>} : memref<2x656xi32, #tpu.memory_space<vmem>>, vector<16xi32>,
        %scatter3A_1428 = arith.constant 0 : i32
        %scatter3A_1429 = arith.constant 0 : i32
        %scatter3A_1430 = tpu.memref_slice %arg12[%and3A_146, %scatter3A_1428, %scatter3A_1429] : memref<2x20x656xf32, #tpu.memory_space<vmem>> -> memref<1x20x656xf32, #tpu.memory_space<vmem>>
        %scatter3A_1431 = tpu.memref_squeeze %scatter3A_1430 : memref<1x20x656xf32, #tpu.memory_space<vmem>> -> memref<20x656xf32, #tpu.memory_space<vmem>>
        tpu.vector_store_idx %scatter3A_1431[%get3A_1427, %add3A_1383], %broadcast_in_dim3A_3 : memref<20x656xf32, #tpu.memory_space<vmem>>[vector<16xi32>, vector<16xi32>], vector<16xf32>,
        %convert_element_type3A_1432 = arith.fptosi %gather3A_1365 : vector<16xf32> to vector<16xi32>
        %scatter3A_1433 = arith.constant 0 : i32
        %scatter3A_1434 = arith.constant 0 : i32
        %scatter3A_1435 = tpu.memref_slice %arg12[%and3A_146, %scatter3A_1433, %scatter3A_1434] : memref<2x20x656xf32, #tpu.memory_space<vmem>> -> memref<1x20x656xf32, #tpu.memory_space<vmem>>
        %scatter3A_1436 = tpu.memref_squeeze %scatter3A_1435 : memref<1x20x656xf32, #tpu.memory_space<vmem>> -> memref<20x656xf32, #tpu.memory_space<vmem>>
        tpu.vector_store_idx %scatter3A_1436[%convert_element_type3A_1432, %add3A_1383], %broadcast_in_dim3A_5 masked %ge3A_1339 : memref<20x656xf32, #tpu.memory_space<vmem>>[vector<16xi32>, vector<16xi32>], vector<16xf32>, vector<16xi1>
        %jit3A_1437 = arith.constant 0 : i32
        %broadcast_in_dim3A_1438 = vector.broadcast %jit3A_1437 : i32 to vector<16xi32>
        %select_n3A_1439 = arith.select %ge3A_1339, %convert_element_type3A_1432, %broadcast_in_dim3A_1438 : vector<16xi1>, vector<16xi32>
        %swap3A_1440 = arith.index_cast %and3A_146 : i32 to index
        %swap3A_1441 = arith.index_cast %add3A_1336 : i32 to index
        %swap3A_1442 = tpu.vector_load %arg14[%swap3A_1440, %swap3A_1441] {strides = array<i32>} : memref<2x656xi32, #tpu.memory_space<vmem>>, vector<16xi32>,
        tpu.vector_store %arg14[%swap3A_1440, %swap3A_1441], %select_n3A_1439 {strides = array<i32>} : memref<2x656xi32, #tpu.memory_space<vmem>>, vector<16xi32>,
        %scan3A_1443 = arith.constant 0 : i32
        scf.yield %scan3A_1443 : i32
      }
      %scan3A_155 = arith.constant 9 : i32
      %mul3A_156 = arith.constant 6 : i32
      %mul3A_157 = arith.muli %scan3A_144, %mul3A_156 : i32
      %mul3A_158 = arith.constant 112 : i32
      %mul3A_159 = arith.muli %mul3A_157, %mul3A_158 : i32
      %get3A = arith.constant 0 : i32
      %get3A_160 = arith.index_cast %get3A : i32 to index
      %get3A_161 = arith.constant 576 : index
      %get3A_162 = tpu.vector_load %arg7[%get3A_160, %get3A_161] {strides = array<i32>} : memref<4x656xf32, #tpu.memory_space<vmem>>, vector<16xf32>,
      %get3A_163 = arith.constant 0 : i32
      %get3A_164 = arith.index_cast %get3A_163 : i32 to index
      %get3A_165 = arith.constant 592 : index
      %get3A_166 = tpu.vector_load %arg7[%get3A_164, %get3A_165] {strides = array<i32>} : memref<4x656xf32, #tpu.memory_space<vmem>>, vector<16xf32>,
      %get3A_167 = arith.constant 0 : i32
      %get3A_168 = arith.index_cast %get3A_167 : i32 to index
      %get3A_169 = arith.constant 608 : index
      %get3A_170 = tpu.vector_load %arg7[%get3A_168, %get3A_169] {strides = array<i32>} : memref<4x656xf32, #tpu.memory_space<vmem>>, vector<16xf32>,
      %get3A_171 = arith.constant 0 : i32
      %get3A_172 = arith.index_cast %get3A_171 : i32 to index
      %get3A_173 = arith.constant 624 : index
      %get3A_174 = tpu.vector_load %arg7[%get3A_172, %get3A_173] {strides = array<i32>} : memref<4x656xf32, #tpu.memory_space<vmem>>, vector<16xf32>,
      %get3A_175 = arith.constant 0 : i32
      %get3A_176 = arith.index_cast %get3A_175 : i32 to index
      %get3A_177 = arith.constant 640 : index
      %get3A_178 = tpu.vector_load %arg7[%get3A_176, %get3A_177] {strides = array<i32>} : memref<4x656xf32, #tpu.memory_space<vmem>>, vector<16xf32>,
      %get3A_179 = arith.constant 1 : i32
      %get3A_180 = arith.index_cast %get3A_179 : i32 to index
      %get3A_181 = arith.constant 576 : index
      %get3A_182 = tpu.vector_load %arg7[%get3A_180, %get3A_181] {strides = array<i32>} : memref<4x656xf32, #tpu.memory_space<vmem>>, vector<16xf32>,
      %get3A_183 = arith.constant 1 : i32
      %get3A_184 = arith.index_cast %get3A_183 : i32 to index
      %get3A_185 = arith.constant 592 : index
      %get3A_186 = tpu.vector_load %arg7[%get3A_184, %get3A_185] {strides = array<i32>} : memref<4x656xf32, #tpu.memory_space<vmem>>, vector<16xf32>,
      %get3A_187 = arith.constant 1 : i32
      %get3A_188 = arith.index_cast %get3A_187 : i32 to index
      %get3A_189 = arith.constant 608 : index
      %get3A_190 = tpu.vector_load %arg7[%get3A_188, %get3A_189] {strides = array<i32>} : memref<4x656xf32, #tpu.memory_space<vmem>>, vector<16xf32>,
      %get3A_191 = arith.constant 1 : i32
      %get3A_192 = arith.index_cast %get3A_191 : i32 to index
      %get3A_193 = arith.constant 624 : index
      %get3A_194 = tpu.vector_load %arg7[%get3A_192, %get3A_193] {strides = array<i32>} : memref<4x656xf32, #tpu.memory_space<vmem>>, vector<16xf32>,
      %get3A_195 = arith.constant 1 : i32
      %get3A_196 = arith.index_cast %get3A_195 : i32 to index
      %get3A_197 = arith.constant 640 : index
      %get3A_198 = tpu.vector_load %arg7[%get3A_196, %get3A_197] {strides = array<i32>} : memref<4x656xf32, #tpu.memory_space<vmem>>, vector<16xf32>,
      %get3A_199 = arith.constant 2 : i32
      %get3A_200 = arith.index_cast %get3A_199 : i32 to index
      %get3A_201 = arith.constant 576 : index
      %get3A_202 = tpu.vector_load %arg7[%get3A_200, %get3A_201] {strides = array<i32>} : memref<4x656xf32, #tpu.memory_space<vmem>>, vector<16xf32>,
      %get3A_203 = arith.constant 2 : i32
      %get3A_204 = arith.index_cast %get3A_203 : i32 to index
      %get3A_205 = arith.constant 592 : index
      %get3A_206 = tpu.vector_load %arg7[%get3A_204, %get3A_205] {strides = array<i32>} : memref<4x656xf32, #tpu.memory_space<vmem>>, vector<16xf32>,
      %get3A_207 = arith.constant 2 : i32
      %get3A_208 = arith.index_cast %get3A_207 : i32 to index
      %get3A_209 = arith.constant 608 : index
      %get3A_210 = tpu.vector_load %arg7[%get3A_208, %get3A_209] {strides = array<i32>} : memref<4x656xf32, #tpu.memory_space<vmem>>, vector<16xf32>,
      %get3A_211 = arith.constant 2 : i32
      %get3A_212 = arith.index_cast %get3A_211 : i32 to index
      %get3A_213 = arith.constant 624 : index
      %get3A_214 = tpu.vector_load %arg7[%get3A_212, %get3A_213] {strides = array<i32>} : memref<4x656xf32, #tpu.memory_space<vmem>>, vector<16xf32>,
      %get3A_215 = arith.constant 2 : i32
      %get3A_216 = arith.index_cast %get3A_215 : i32 to index
      %get3A_217 = arith.constant 640 : index
      %get3A_218 = tpu.vector_load %arg7[%get3A_216, %get3A_217] {strides = array<i32>} : memref<4x656xf32, #tpu.memory_space<vmem>>, vector<16xf32>,
      %get3A_219 = arith.constant 3 : i32
      %get3A_220 = arith.index_cast %get3A_219 : i32 to index
      %get3A_221 = arith.constant 576 : index
      %get3A_222 = tpu.vector_load %arg7[%get3A_220, %get3A_221] {strides = array<i32>} : memref<4x656xf32, #tpu.memory_space<vmem>>, vector<16xf32>,
      %get3A_223 = arith.constant 3 : i32
      %get3A_224 = arith.index_cast %get3A_223 : i32 to index
      %get3A_225 = arith.constant 592 : index
      %get3A_226 = tpu.vector_load %arg7[%get3A_224, %get3A_225] {strides = array<i32>} : memref<4x656xf32, #tpu.memory_space<vmem>>, vector<16xf32>,
      %get3A_227 = arith.constant 3 : i32
      %get3A_228 = arith.index_cast %get3A_227 : i32 to index
      %get3A_229 = arith.constant 608 : index
      %get3A_230 = tpu.vector_load %arg7[%get3A_228, %get3A_229] {strides = array<i32>} : memref<4x656xf32, #tpu.memory_space<vmem>>, vector<16xf32>,
      %get3A_231 = arith.constant 3 : i32
      %get3A_232 = arith.index_cast %get3A_231 : i32 to index
      %get3A_233 = arith.constant 624 : index
      %get3A_234 = tpu.vector_load %arg7[%get3A_232, %get3A_233] {strides = array<i32>} : memref<4x656xf32, #tpu.memory_space<vmem>>, vector<16xf32>,
      %get3A_235 = arith.constant 3 : i32
      %get3A_236 = arith.index_cast %get3A_235 : i32 to index
      %get3A_237 = arith.constant 640 : index
      %get3A_238 = tpu.vector_load %arg7[%get3A_236, %get3A_237] {strides = array<i32>} : memref<4x656xf32, #tpu.memory_space<vmem>>, vector<16xf32>,
      %get3A_239 = arith.constant 0 : i32
      %get3A_240 = arith.index_cast %get3A_239 : i32 to index
      %get3A_241 = arith.constant 576 : index
      %get3A_242 = tpu.vector_load %arg8[%get3A_240, %get3A_241] {strides = array<i32>} : memref<5x656xf32, #tpu.memory_space<vmem>>, vector<16xf32>,
      %get3A_243 = arith.constant 0 : i32
      %get3A_244 = arith.index_cast %get3A_243 : i32 to index
      %get3A_245 = arith.constant 592 : index
      %get3A_246 = tpu.vector_load %arg8[%get3A_244, %get3A_245] {strides = array<i32>} : memref<5x656xf32, #tpu.memory_space<vmem>>, vector<16xf32>,
      %get3A_247 = arith.constant 0 : i32
      %get3A_248 = arith.index_cast %get3A_247 : i32 to index
      %get3A_249 = arith.constant 608 : index
      %get3A_250 = tpu.vector_load %arg8[%get3A_248, %get3A_249] {strides = array<i32>} : memref<5x656xf32, #tpu.memory_space<vmem>>, vector<16xf32>,
      %get3A_251 = arith.constant 0 : i32
      %get3A_252 = arith.index_cast %get3A_251 : i32 to index
      %get3A_253 = arith.constant 624 : index
      %get3A_254 = tpu.vector_load %arg8[%get3A_252, %get3A_253] {strides = array<i32>} : memref<5x656xf32, #tpu.memory_space<vmem>>, vector<16xf32>,
      %get3A_255 = arith.constant 0 : i32
      %get3A_256 = arith.index_cast %get3A_255 : i32 to index
      %get3A_257 = arith.constant 640 : index
      %get3A_258 = tpu.vector_load %arg8[%get3A_256, %get3A_257] {strides = array<i32>} : memref<5x656xf32, #tpu.memory_space<vmem>>, vector<16xf32>,
      %broadcast_in_dim3A_259 = arith.constant -1.000000e+00 : f32
      %broadcast_in_dim3A_260 = vector.broadcast %broadcast_in_dim3A_259 : f32 to vector<16xf32>
      %broadcast_in_dim3A_261 = arith.constant -1.000000e+00 : f32
      %broadcast_in_dim3A_262 = vector.broadcast %broadcast_in_dim3A_261 : f32 to vector<16xf32>
      %broadcast_in_dim3A_263 = arith.constant -1.000000e+00 : f32
      %broadcast_in_dim3A_264 = vector.broadcast %broadcast_in_dim3A_263 : f32 to vector<16xf32>
      %broadcast_in_dim3A_265 = arith.constant -1.000000e+00 : f32
      %broadcast_in_dim3A_266 = vector.broadcast %broadcast_in_dim3A_265 : f32 to vector<16xf32>
      %broadcast_in_dim3A_267 = arith.constant -1.000000e+00 : f32
      %broadcast_in_dim3A_268 = vector.broadcast %broadcast_in_dim3A_267 : f32 to vector<16xf32>
      %broadcast_in_dim3A_269 = arith.constant 0 : i32
      %broadcast_in_dim3A_270 = vector.broadcast %broadcast_in_dim3A_269 : i32 to vector<16xi32>
      %broadcast_in_dim3A_271 = arith.constant 0 : i32
      %broadcast_in_dim3A_272 = vector.broadcast %broadcast_in_dim3A_271 : i32 to vector<16xi32>
      %broadcast_in_dim3A_273 = arith.constant 0 : i32
      %broadcast_in_dim3A_274 = vector.broadcast %broadcast_in_dim3A_273 : i32 to vector<16xi32>
      %broadcast_in_dim3A_275 = arith.constant 0 : i32
      %broadcast_in_dim3A_276 = vector.broadcast %broadcast_in_dim3A_275 : i32 to vector<16xi32>
      %broadcast_in_dim3A_277 = arith.constant 0 : i32
      %broadcast_in_dim3A_278 = vector.broadcast %broadcast_in_dim3A_277 : i32 to vector<16xi32>
      %scan3A_279 = arith.constant 0 : i32
      %scan3A_280 = arith.constant 100 : i32
      %scan3A_281 = arith.addi %scan3A_279, %scan3A_280 : i32
      %scan3A_282 = arith.constant 1 : i32
      %scan3A_283:10 = scf.for %scan3A_861 = %scan3A_279 to %scan3A_281 step %scan3A_282 iter_args(%scan3A_862 = %broadcast_in_dim3A_260, %scan3A_863 = %broadcast_in_dim3A_262, %scan3A_864 = %broadcast_in_dim3A_264, %scan3A_865 = %broadcast_in_dim3A_266, %scan3A_866 = %broadcast_in_dim3A_268, %scan3A_867 = %broadcast_in_dim3A_270, %scan3A_868 = %broadcast_in_dim3A_272, %scan3A_869 = %broadcast_in_dim3A_274, %scan3A_870 = %broadcast_in_dim3A_276, %scan3A_871 = %broadcast_in_dim3A_278) -> (vector<16xf32>, vector<16xf32>, vector<16xf32>, vector<16xf32>, vector<16xf32>, vector<16xi32>, vector<16xi32>, vector<16xi32>, vector<16xi32>, vector<16xi32>)  : i32 {
        %broadcast_in_dim3A_872 = vector.broadcast %scan3A_861 : i32 to vector<16xi32>
        %add3A_873 = vector.broadcast %mul3A_159 : i32 to vector<16xi32>
        %add3A_874 = arith.addi %broadcast_in_dim3A_872, %add3A_873 : vector<16xi32>
        %gather3A_875 = tpu.vector_load_idx %arg9[%add3A_874] : memref<5376xf32, #tpu.memory_space<vmem>>[vector<16xi32>], vector<16xf32>,
        %add3A_876 = arith.constant 112 : i32
        %add3A_877 = vector.broadcast %add3A_876 : i32 to vector<16xi32>
        %add3A_878 = arith.addi %add3A_874, %add3A_877 : vector<16xi32>
        %gather3A_879 = tpu.vector_load_idx %arg9[%add3A_878] : memref<5376xf32, #tpu.memory_space<vmem>>[vector<16xi32>], vector<16xf32>,
        %add3A_880 = arith.constant 224 : i32
        %add3A_881 = vector.broadcast %add3A_880 : i32 to vector<16xi32>
        %add3A_882 = arith.addi %add3A_874, %add3A_881 : vector<16xi32>
        %gather3A_883 = tpu.vector_load_idx %arg9[%add3A_882] : memref<5376xf32, #tpu.memory_space<vmem>>[vector<16xi32>], vector<16xf32>,
        %add3A_884 = arith.constant 336 : i32
        %add3A_885 = vector.broadcast %add3A_884 : i32 to vector<16xi32>
        %add3A_886 = arith.addi %add3A_874, %add3A_885 : vector<16xi32>
        %gather3A_887 = tpu.vector_load_idx %arg9[%add3A_886] : memref<5376xf32, #tpu.memory_space<vmem>>[vector<16xi32>], vector<16xf32>,
        %gather3A_888 = tpu.vector_load_idx %arg10[%add3A_874] : memref<5376xf32, #tpu.memory_space<vmem>>[vector<16xi32>], vector<16xf32>,
        %max3A = arith.maximumf %get3A_162, %gather3A_875 : vector<16xf32>
        %max3A_889 = arith.maximumf %get3A_182, %gather3A_879 : vector<16xf32>
        %min3A = arith.minimumf %get3A_202, %gather3A_883 : vector<16xf32>
        %min3A_890 = arith.minimumf %get3A_222, %gather3A_887 : vector<16xf32>
        %sub3A_891 = arith.subf %min3A, %max3A : vector<16xf32>
        %max3A_892 = arith.constant 0.000000e+00 : f32
        %max3A_893 = vector.broadcast %max3A_892 : f32 to vector<16xf32>
        %max3A_894 = arith.maximumf %sub3A_891, %max3A_893 : vector<16xf32>
        %sub3A_895 = arith.subf %min3A_890, %max3A_889 : vector<16xf32>
        %max3A_896 = arith.constant 0.000000e+00 : f32
        %max3A_897 = vector.broadcast %max3A_896 : f32 to vector<16xf32>
        %max3A_898 = arith.maximumf %sub3A_895, %max3A_897 : vector<16xf32>
        %mul3A_899 = arith.mulf %max3A_894, %max3A_898 : vector<16xf32>
        %add3A_900 = arith.addf %get3A_242, %gather3A_888 : vector<16xf32>
        %sub3A_901 = arith.subf %add3A_900, %mul3A_899 : vector<16xf32>
        %add3A_902 = arith.constant 1.000000e-10 : f32
        %add3A_903 = vector.broadcast %add3A_902 : f32 to vector<16xf32>
        %add3A_904 = arith.addf %sub3A_901, %add3A_903 : vector<16xf32>
        %div3A = arith.divf %mul3A_899, %add3A_904 : vector<16xf32>
        %gt3A = arith.cmpf ogt, %div3A, %scan3A_862 : vector<16xf32>
        %select_n3A_905 = arith.select %gt3A, %div3A, %scan3A_862 : vector<16xi1>, vector<16xf32>
        %select_n3A_906 = arith.select %gt3A, %broadcast_in_dim3A_872, %scan3A_867 : vector<16xi1>, vector<16xi32>
        %max3A_907 = arith.maximumf %get3A_166, %gather3A_875 : vector<16xf32>
        %max3A_908 = arith.maximumf %get3A_186, %gather3A_879 : vector<16xf32>
        %min3A_909 = arith.minimumf %get3A_206, %gather3A_883 : vector<16xf32>
        %min3A_910 = arith.minimumf %get3A_226, %gather3A_887 : vector<16xf32>
        %sub3A_911 = arith.subf %min3A_909, %max3A_907 : vector<16xf32>
        %max3A_912 = arith.constant 0.000000e+00 : f32
        %max3A_913 = vector.broadcast %max3A_912 : f32 to vector<16xf32>
        %max3A_914 = arith.maximumf %sub3A_911, %max3A_913 : vector<16xf32>
        %sub3A_915 = arith.subf %min3A_910, %max3A_908 : vector<16xf32>
        %max3A_916 = arith.constant 0.000000e+00 : f32
        %max3A_917 = vector.broadcast %max3A_916 : f32 to vector<16xf32>
        %max3A_918 = arith.maximumf %sub3A_915, %max3A_917 : vector<16xf32>
        %mul3A_919 = arith.mulf %max3A_914, %max3A_918 : vector<16xf32>
        %add3A_920 = arith.addf %get3A_246, %gather3A_888 : vector<16xf32>
        %sub3A_921 = arith.subf %add3A_920, %mul3A_919 : vector<16xf32>
        %add3A_922 = arith.constant 1.000000e-10 : f32
        %add3A_923 = vector.broadcast %add3A_922 : f32 to vector<16xf32>
        %add3A_924 = arith.addf %sub3A_921, %add3A_923 : vector<16xf32>
        %div3A_925 = arith.divf %mul3A_919, %add3A_924 : vector<16xf32>
        %gt3A_926 = arith.cmpf ogt, %div3A_925, %scan3A_863 : vector<16xf32>
        %select_n3A_927 = arith.select %gt3A_926, %div3A_925, %scan3A_863 : vector<16xi1>, vector<16xf32>
        %select_n3A_928 = arith.select %gt3A_926, %broadcast_in_dim3A_872, %scan3A_868 : vector<16xi1>, vector<16xi32>
        %max3A_929 = arith.maximumf %get3A_170, %gather3A_875 : vector<16xf32>
        %max3A_930 = arith.maximumf %get3A_190, %gather3A_879 : vector<16xf32>
        %min3A_931 = arith.minimumf %get3A_210, %gather3A_883 : vector<16xf32>
        %min3A_932 = arith.minimumf %get3A_230, %gather3A_887 : vector<16xf32>
        %sub3A_933 = arith.subf %min3A_931, %max3A_929 : vector<16xf32>
        %max3A_934 = arith.constant 0.000000e+00 : f32
        %max3A_935 = vector.broadcast %max3A_934 : f32 to vector<16xf32>
        %max3A_936 = arith.maximumf %sub3A_933, %max3A_935 : vector<16xf32>
        %sub3A_937 = arith.subf %min3A_932, %max3A_930 : vector<16xf32>
        %max3A_938 = arith.constant 0.000000e+00 : f32
        %max3A_939 = vector.broadcast %max3A_938 : f32 to vector<16xf32>
        %max3A_940 = arith.maximumf %sub3A_937, %max3A_939 : vector<16xf32>
        %mul3A_941 = arith.mulf %max3A_936, %max3A_940 : vector<16xf32>
        %add3A_942 = arith.addf %get3A_250, %gather3A_888 : vector<16xf32>
        %sub3A_943 = arith.subf %add3A_942, %mul3A_941 : vector<16xf32>
        %add3A_944 = arith.constant 1.000000e-10 : f32
        %add3A_945 = vector.broadcast %add3A_944 : f32 to vector<16xf32>
        %add3A_946 = arith.addf %sub3A_943, %add3A_945 : vector<16xf32>
        %div3A_947 = arith.divf %mul3A_941, %add3A_946 : vector<16xf32>
        %gt3A_948 = arith.cmpf ogt, %div3A_947, %scan3A_864 : vector<16xf32>
        %select_n3A_949 = arith.select %gt3A_948, %div3A_947, %scan3A_864 : vector<16xi1>, vector<16xf32>
        %select_n3A_950 = arith.select %gt3A_948, %broadcast_in_dim3A_872, %scan3A_869 : vector<16xi1>, vector<16xi32>
        %max3A_951 = arith.maximumf %get3A_174, %gather3A_875 : vector<16xf32>
        %max3A_952 = arith.maximumf %get3A_194, %gather3A_879 : vector<16xf32>
        %min3A_953 = arith.minimumf %get3A_214, %gather3A_883 : vector<16xf32>
        %min3A_954 = arith.minimumf %get3A_234, %gather3A_887 : vector<16xf32>
        %sub3A_955 = arith.subf %min3A_953, %max3A_951 : vector<16xf32>
        %max3A_956 = arith.constant 0.000000e+00 : f32
        %max3A_957 = vector.broadcast %max3A_956 : f32 to vector<16xf32>
        %max3A_958 = arith.maximumf %sub3A_955, %max3A_957 : vector<16xf32>
        %sub3A_959 = arith.subf %min3A_954, %max3A_952 : vector<16xf32>
        %max3A_960 = arith.constant 0.000000e+00 : f32
        %max3A_961 = vector.broadcast %max3A_960 : f32 to vector<16xf32>
        %max3A_962 = arith.maximumf %sub3A_959, %max3A_961 : vector<16xf32>
        %mul3A_963 = arith.mulf %max3A_958, %max3A_962 : vector<16xf32>
        %add3A_964 = arith.addf %get3A_254, %gather3A_888 : vector<16xf32>
        %sub3A_965 = arith.subf %add3A_964, %mul3A_963 : vector<16xf32>
        %add3A_966 = arith.constant 1.000000e-10 : f32
        %add3A_967 = vector.broadcast %add3A_966 : f32 to vector<16xf32>
        %add3A_968 = arith.addf %sub3A_965, %add3A_967 : vector<16xf32>
        %div3A_969 = arith.divf %mul3A_963, %add3A_968 : vector<16xf32>
        %gt3A_970 = arith.cmpf ogt, %div3A_969, %scan3A_865 : vector<16xf32>
        %select_n3A_971 = arith.select %gt3A_970, %div3A_969, %scan3A_865 : vector<16xi1>, vector<16xf32>
        %select_n3A_972 = arith.select %gt3A_970, %broadcast_in_dim3A_872, %scan3A_870 : vector<16xi1>, vector<16xi32>
        %max3A_973 = arith.maximumf %get3A_178, %gather3A_875 : vector<16xf32>
        %max3A_974 = arith.maximumf %get3A_198, %gather3A_879 : vector<16xf32>
        %min3A_975 = arith.minimumf %get3A_218, %gather3A_883 : vector<16xf32>
        %min3A_976 = arith.minimumf %get3A_238, %gather3A_887 : vector<16xf32>
        %sub3A_977 = arith.subf %min3A_975, %max3A_973 : vector<16xf32>
        %max3A_978 = arith.constant 0.000000e+00 : f32
        %max3A_979 = vector.broadcast %max3A_978 : f32 to vector<16xf32>
        %max3A_980 = arith.maximumf %sub3A_977, %max3A_979 : vector<16xf32>
        %sub3A_981 = arith.subf %min3A_976, %max3A_974 : vector<16xf32>
        %max3A_982 = arith.constant 0.000000e+00 : f32
        %max3A_983 = vector.broadcast %max3A_982 : f32 to vector<16xf32>
        %max3A_984 = arith.maximumf %sub3A_981, %max3A_983 : vector<16xf32>
        %mul3A_985 = arith.mulf %max3A_980, %max3A_984 : vector<16xf32>
        %add3A_986 = arith.addf %get3A_258, %gather3A_888 : vector<16xf32>
        %sub3A_987 = arith.subf %add3A_986, %mul3A_985 : vector<16xf32>
        %add3A_988 = arith.constant 1.000000e-10 : f32
        %add3A_989 = vector.broadcast %add3A_988 : f32 to vector<16xf32>
        %add3A_990 = arith.addf %sub3A_987, %add3A_989 : vector<16xf32>
        %div3A_991 = arith.divf %mul3A_985, %add3A_990 : vector<16xf32>
        %gt3A_992 = arith.cmpf ogt, %div3A_991, %scan3A_866 : vector<16xf32>
        %select_n3A_993 = arith.select %gt3A_992, %div3A_991, %scan3A_866 : vector<16xi1>, vector<16xf32>
        %select_n3A_994 = arith.select %gt3A_992, %broadcast_in_dim3A_872, %scan3A_871 : vector<16xi1>, vector<16xi32>
        scf.yield %select_n3A_905, %select_n3A_927, %select_n3A_949, %select_n3A_971, %select_n3A_993, %select_n3A_906, %select_n3A_928, %select_n3A_950, %select_n3A_972, %select_n3A_994 : vector<16xf32>, vector<16xf32>, vector<16xf32>, vector<16xf32>, vector<16xf32>, vector<16xi32>, vector<16xi32>, vector<16xi32>, vector<16xi32>, vector<16xi32>
      }
      %scan3A_284 = arith.constant 100 : i32
      %ge3A_285 = arith.constant 3.000000e-01 : f32
      %ge3A_286 = vector.broadcast %ge3A_285 : f32 to vector<16xf32>
      %ge3A_287 = arith.cmpf oge, %scan3A_283#0, %ge3A_286 : vector<16xf32>
      %select_n3A = arith.select %ge3A_287, %broadcast_in_dim3A_5, %broadcast_in_dim3A_3 : vector<16xi1>, vector<16xf32>
      %swap3A = arith.index_cast %and3A_146 : i32 to index
      %swap3A_288 = arith.constant 576 : index
      %swap3A_289 = tpu.vector_load %arg11[%swap3A, %swap3A_288] {strides = array<i32>} : memref<2x656xf32, #tpu.memory_space<vmem>>, vector<16xf32>,
      tpu.vector_store %arg11[%swap3A, %swap3A_288], %select_n3A {strides = array<i32>} : memref<2x656xf32, #tpu.memory_space<vmem>>, vector<16xf32>,
      %add3A_290 = vector.broadcast %mul3A_159 : i32 to vector<16xi32>
      %add3A_291 = arith.addi %scan3A_283#5, %add3A_290 : vector<16xi32>
      %add3A_292 = arith.constant 112 : i32
      %add3A_293 = vector.broadcast %add3A_292 : i32 to vector<16xi32>
      %add3A_294 = arith.addi %add3A_291, %add3A_293 : vector<16xi32>
      %gather3A = tpu.vector_load_idx %arg10[%add3A_294] : memref<5376xf32, #tpu.memory_space<vmem>>[vector<16xi32>], vector<16xf32>,
      %add3A_295 = arith.constant 224 : i32
      %add3A_296 = vector.broadcast %add3A_295 : i32 to vector<16xi32>
      %add3A_297 = arith.addi %add3A_291, %add3A_296 : vector<16xi32>
      %gather3A_298 = tpu.vector_load_idx %arg10[%add3A_297] : memref<5376xf32, #tpu.memory_space<vmem>>[vector<16xi32>], vector<16xf32>,
      %add3A_299 = arith.constant 336 : i32
      %add3A_300 = vector.broadcast %add3A_299 : i32 to vector<16xi32>
      %add3A_301 = arith.addi %add3A_291, %add3A_300 : vector<16xi32>
      %gather3A_302 = tpu.vector_load_idx %arg10[%add3A_301] : memref<5376xf32, #tpu.memory_space<vmem>>[vector<16xi32>], vector<16xf32>,
      %add3A_303 = arith.constant 448 : i32
      %add3A_304 = vector.broadcast %add3A_303 : i32 to vector<16xi32>
      %add3A_305 = arith.addi %add3A_291, %add3A_304 : vector<16xi32>
      %gather3A_306 = tpu.vector_load_idx %arg10[%add3A_305] : memref<5376xf32, #tpu.memory_space<vmem>>[vector<16xi32>], vector<16xf32>,
      %add3A_307 = arith.constant 560 : i32
      %add3A_308 = vector.broadcast %add3A_307 : i32 to vector<16xi32>
      %add3A_309 = arith.addi %add3A_291, %add3A_308 : vector<16xi32>
      %gather3A_310 = tpu.vector_load_idx %arg10[%add3A_309] : memref<5376xf32, #tpu.memory_space<vmem>>[vector<16xi32>], vector<16xf32>,
      %get3A_311 = arith.constant 1 : i32
      %get3A_312 = arith.index_cast %get3A_311 : i32 to index
      %get3A_313 = arith.constant 576 : index
      %get3A_314 = tpu.vector_load %arg8[%get3A_312, %get3A_313] {strides = array<i32>} : memref<5x656xf32, #tpu.memory_space<vmem>>, vector<16xf32>,
      %get3A_315 = arith.constant 2 : i32
      %get3A_316 = arith.index_cast %get3A_315 : i32 to index
      %get3A_317 = arith.constant 576 : index
      %get3A_318 = tpu.vector_load %arg8[%get3A_316, %get3A_317] {strides = array<i32>} : memref<5x656xf32, #tpu.memory_space<vmem>>, vector<16xf32>,
      %get3A_319 = arith.constant 3 : i32
      %get3A_320 = arith.index_cast %get3A_319 : i32 to index
      %get3A_321 = arith.constant 576 : index
      %get3A_322 = tpu.vector_load %arg8[%get3A_320, %get3A_321] {strides = array<i32>} : memref<5x656xf32, #tpu.memory_space<vmem>>, vector<16xf32>,
      %get3A_323 = arith.constant 4 : i32
      %get3A_324 = arith.index_cast %get3A_323 : i32 to index
      %get3A_325 = arith.constant 576 : index
      %get3A_326 = tpu.vector_load %arg8[%get3A_324, %get3A_325] {strides = array<i32>} : memref<5x656xf32, #tpu.memory_space<vmem>>, vector<16xf32>,
      %add3A_327 = arith.constant 576 : i32
      %add3A_328 = vector.broadcast %add3A_327 : i32 to vector<16xi32>
      %add3A_329 = arith.addi %iota3A, %add3A_328 : vector<16xi32>
      %sub3A = arith.subf %gather3A, %get3A_314 : vector<16xf32>
      %jit3A = arith.constant 0.000000e+00 : f32
      %broadcast_in_dim3A_330 = vector.broadcast %jit3A : f32 to vector<16xf32>
      %select_n3A_331 = arith.select %ge3A_287, %sub3A, %broadcast_in_dim3A_330 : vector<16xi1>, vector<16xf32>
      %swap3A_332 = arith.constant 0 : i32
      %swap3A_333 = arith.index_cast %and3A_146 : i32 to index
      %swap3A_334 = arith.index_cast %swap3A_332 : i32 to index
      %swap3A_335 = arith.constant 576 : index
      %swap3A_336 = tpu.vector_load %arg13[%swap3A_333, %swap3A_334, %swap3A_335] {strides = array<i32>} : memref<2x5x656xf32, #tpu.memory_space<vmem>>, vector<16xf32>,
      tpu.vector_store %arg13[%swap3A_333, %swap3A_334, %swap3A_335], %select_n3A_331 {strides = array<i32>} : memref<2x5x656xf32, #tpu.memory_space<vmem>>, vector<16xf32>,
      %sub3A_337 = arith.subf %gather3A_298, %get3A_318 : vector<16xf32>
      %jit3A_338 = arith.constant 0.000000e+00 : f32
      %broadcast_in_dim3A_339 = vector.broadcast %jit3A_338 : f32 to vector<16xf32>
      %select_n3A_340 = arith.select %ge3A_287, %sub3A_337, %broadcast_in_dim3A_339 : vector<16xi1>, vector<16xf32>
      %swap3A_341 = arith.constant 1 : i32
      %swap3A_342 = arith.index_cast %and3A_146 : i32 to index
      %swap3A_343 = arith.index_cast %swap3A_341 : i32 to index
      %swap3A_344 = arith.constant 576 : index
      %swap3A_345 = tpu.vector_load %arg13[%swap3A_342, %swap3A_343, %swap3A_344] {strides = array<i32>} : memref<2x5x656xf32, #tpu.memory_space<vmem>>, vector<16xf32>,
      tpu.vector_store %arg13[%swap3A_342, %swap3A_343, %swap3A_344], %select_n3A_340 {strides = array<i32>} : memref<2x5x656xf32, #tpu.memory_space<vmem>>, vector<16xf32>,
      %sub3A_346 = arith.subf %gather3A_302, %get3A_322 : vector<16xf32>
      %jit3A_347 = arith.constant 0.000000e+00 : f32
      %broadcast_in_dim3A_348 = vector.broadcast %jit3A_347 : f32 to vector<16xf32>
      %select_n3A_349 = arith.select %ge3A_287, %sub3A_346, %broadcast_in_dim3A_348 : vector<16xi1>, vector<16xf32>
      %swap3A_350 = arith.constant 2 : i32
      %swap3A_351 = arith.index_cast %and3A_146 : i32 to index
      %swap3A_352 = arith.index_cast %swap3A_350 : i32 to index
      %swap3A_353 = arith.constant 576 : index
      %swap3A_354 = tpu.vector_load %arg13[%swap3A_351, %swap3A_352, %swap3A_353] {strides = array<i32>} : memref<2x5x656xf32, #tpu.memory_space<vmem>>, vector<16xf32>,
      tpu.vector_store %arg13[%swap3A_351, %swap3A_352, %swap3A_353], %select_n3A_349 {strides = array<i32>} : memref<2x5x656xf32, #tpu.memory_space<vmem>>, vector<16xf32>,
      %sub3A_355 = arith.subf %gather3A_306, %get3A_326 : vector<16xf32>
      %jit3A_356 = arith.constant 0.000000e+00 : f32
      %broadcast_in_dim3A_357 = vector.broadcast %jit3A_356 : f32 to vector<16xf32>
      %select_n3A_358 = arith.select %ge3A_287, %sub3A_355, %broadcast_in_dim3A_357 : vector<16xi1>, vector<16xf32>
      %swap3A_359 = arith.constant 3 : i32
      %swap3A_360 = arith.index_cast %and3A_146 : i32 to index
      %swap3A_361 = arith.index_cast %swap3A_359 : i32 to index
      %swap3A_362 = arith.constant 576 : index
      %swap3A_363 = tpu.vector_load %arg13[%swap3A_360, %swap3A_361, %swap3A_362] {strides = array<i32>} : memref<2x5x656xf32, #tpu.memory_space<vmem>>, vector<16xf32>,
      tpu.vector_store %arg13[%swap3A_360, %swap3A_361, %swap3A_362], %select_n3A_358 {strides = array<i32>} : memref<2x5x656xf32, #tpu.memory_space<vmem>>, vector<16xf32>,
      %swap3A_364 = arith.constant 4 : i32
      %swap3A_365 = arith.index_cast %and3A_146 : i32 to index
      %swap3A_366 = arith.index_cast %swap3A_364 : i32 to index
      %swap3A_367 = arith.constant 576 : index
      %swap3A_368 = tpu.vector_load %arg13[%swap3A_365, %swap3A_366, %swap3A_367] {strides = array<i32>} : memref<2x5x656xf32, #tpu.memory_space<vmem>>, vector<16xf32>,
      tpu.vector_store %arg13[%swap3A_365, %swap3A_366, %swap3A_367], %broadcast_in_dim3A_3 {strides = array<i32>} : memref<2x5x656xf32, #tpu.memory_space<vmem>>, vector<16xf32>,
      %get3A_369 = arith.index_cast %and3A_146 : i32 to index
      %get3A_370 = arith.constant 576 : index
      %get3A_371 = tpu.vector_load %arg14[%get3A_369, %get3A_370] {strides = array<i32>} : memref<2x656xi32, #tpu.memory_space<vmem>>, vector<16xi32>,
      %scatter3A = arith.constant 0 : i32
      %scatter3A_372 = arith.constant 0 : i32
      %scatter3A_373 = tpu.memref_slice %arg12[%and3A_146, %scatter3A, %scatter3A_372] : memref<2x20x656xf32, #tpu.memory_space<vmem>> -> memref<1x20x656xf32, #tpu.memory_space<vmem>>
      %scatter3A_374 = tpu.memref_squeeze %scatter3A_373 : memref<1x20x656xf32, #tpu.memory_space<vmem>> -> memref<20x656xf32, #tpu.memory_space<vmem>>
      tpu.vector_store_idx %scatter3A_374[%get3A_371, %add3A_329], %broadcast_in_dim3A_3 : memref<20x656xf32, #tpu.memory_space<vmem>>[vector<16xi32>, vector<16xi32>], vector<16xf32>,
      %convert_element_type3A_375 = arith.fptosi %gather3A_310 : vector<16xf32> to vector<16xi32>
      %scatter3A_376 = arith.constant 0 : i32
      %scatter3A_377 = arith.constant 0 : i32
      %scatter3A_378 = tpu.memref_slice %arg12[%and3A_146, %scatter3A_376, %scatter3A_377] : memref<2x20x656xf32, #tpu.memory_space<vmem>> -> memref<1x20x656xf32, #tpu.memory_space<vmem>>
      %scatter3A_379 = tpu.memref_squeeze %scatter3A_378 : memref<1x20x656xf32, #tpu.memory_space<vmem>> -> memref<20x656xf32, #tpu.memory_space<vmem>>
      tpu.vector_store_idx %scatter3A_379[%convert_element_type3A_375, %add3A_329], %broadcast_in_dim3A_5 masked %ge3A_287 : memref<20x656xf32, #tpu.memory_space<vmem>>[vector<16xi32>, vector<16xi32>], vector<16xf32>, vector<16xi1>
      %jit3A_380 = arith.constant 0 : i32
      %broadcast_in_dim3A_381 = vector.broadcast %jit3A_380 : i32 to vector<16xi32>
      %select_n3A_382 = arith.select %ge3A_287, %convert_element_type3A_375, %broadcast_in_dim3A_381 : vector<16xi1>, vector<16xi32>
      %swap3A_383 = arith.index_cast %and3A_146 : i32 to index
      %swap3A_384 = arith.constant 576 : index
      %swap3A_385 = tpu.vector_load %arg14[%swap3A_383, %swap3A_384] {strides = array<i32>} : memref<2x656xi32, #tpu.memory_space<vmem>>, vector<16xi32>,
      tpu.vector_store %arg14[%swap3A_383, %swap3A_384], %select_n3A_382 {strides = array<i32>} : memref<2x656xi32, #tpu.memory_space<vmem>>, vector<16xi32>,
      %ge3A_386 = arith.constant 3.000000e-01 : f32
      %ge3A_387 = vector.broadcast %ge3A_386 : f32 to vector<16xf32>
      %ge3A_388 = arith.cmpf oge, %scan3A_283#1, %ge3A_387 : vector<16xf32>
      %select_n3A_389 = arith.select %ge3A_388, %broadcast_in_dim3A_5, %broadcast_in_dim3A_3 : vector<16xi1>, vector<16xf32>
      %swap3A_390 = arith.index_cast %and3A_146 : i32 to index
      %swap3A_391 = arith.constant 592 : index
      %swap3A_392 = tpu.vector_load %arg11[%swap3A_390, %swap3A_391] {strides = array<i32>} : memref<2x656xf32, #tpu.memory_space<vmem>>, vector<16xf32>,
      tpu.vector_store %arg11[%swap3A_390, %swap3A_391], %select_n3A_389 {strides = array<i32>} : memref<2x656xf32, #tpu.memory_space<vmem>>, vector<16xf32>,
      %add3A_393 = vector.broadcast %mul3A_159 : i32 to vector<16xi32>
      %add3A_394 = arith.addi %scan3A_283#6, %add3A_393 : vector<16xi32>
      %add3A_395 = arith.constant 112 : i32
      %add3A_396 = vector.broadcast %add3A_395 : i32 to vector<16xi32>
      %add3A_397 = arith.addi %add3A_394, %add3A_396 : vector<16xi32>
      %gather3A_398 = tpu.vector_load_idx %arg10[%add3A_397] : memref<5376xf32, #tpu.memory_space<vmem>>[vector<16xi32>], vector<16xf32>,
      %add3A_399 = arith.constant 224 : i32
      %add3A_400 = vector.broadcast %add3A_399 : i32 to vector<16xi32>
      %add3A_401 = arith.addi %add3A_394, %add3A_400 : vector<16xi32>
      %gather3A_402 = tpu.vector_load_idx %arg10[%add3A_401] : memref<5376xf32, #tpu.memory_space<vmem>>[vector<16xi32>], vector<16xf32>,
      %add3A_403 = arith.constant 336 : i32
      %add3A_404 = vector.broadcast %add3A_403 : i32 to vector<16xi32>
      %add3A_405 = arith.addi %add3A_394, %add3A_404 : vector<16xi32>
      %gather3A_406 = tpu.vector_load_idx %arg10[%add3A_405] : memref<5376xf32, #tpu.memory_space<vmem>>[vector<16xi32>], vector<16xf32>,
      %add3A_407 = arith.constant 448 : i32
      %add3A_408 = vector.broadcast %add3A_407 : i32 to vector<16xi32>
      %add3A_409 = arith.addi %add3A_394, %add3A_408 : vector<16xi32>
      %gather3A_410 = tpu.vector_load_idx %arg10[%add3A_409] : memref<5376xf32, #tpu.memory_space<vmem>>[vector<16xi32>], vector<16xf32>,
      %add3A_411 = arith.constant 560 : i32
      %add3A_412 = vector.broadcast %add3A_411 : i32 to vector<16xi32>
      %add3A_413 = arith.addi %add3A_394, %add3A_412 : vector<16xi32>
      %gather3A_414 = tpu.vector_load_idx %arg10[%add3A_413] : memref<5376xf32, #tpu.memory_space<vmem>>[vector<16xi32>], vector<16xf32>,
      %get3A_415 = arith.constant 1 : i32
      %get3A_416 = arith.index_cast %get3A_415 : i32 to index
      %get3A_417 = arith.constant 592 : index
      %get3A_418 = tpu.vector_load %arg8[%get3A_416, %get3A_417] {strides = array<i32>} : memref<5x656xf32, #tpu.memory_space<vmem>>, vector<16xf32>,
      %get3A_419 = arith.constant 2 : i32
      %get3A_420 = arith.index_cast %get3A_419 : i32 to index
      %get3A_421 = arith.constant 592 : index
      %get3A_422 = tpu.vector_load %arg8[%get3A_420, %get3A_421] {strides = array<i32>} : memref<5x656xf32, #tpu.memory_space<vmem>>, vector<16xf32>,
      %get3A_423 = arith.constant 3 : i32
      %get3A_424 = arith.index_cast %get3A_423 : i32 to index
      %get3A_425 = arith.constant 592 : index
      %get3A_426 = tpu.vector_load %arg8[%get3A_424, %get3A_425] {strides = array<i32>} : memref<5x656xf32, #tpu.memory_space<vmem>>, vector<16xf32>,
      %get3A_427 = arith.constant 4 : i32
      %get3A_428 = arith.index_cast %get3A_427 : i32 to index
      %get3A_429 = arith.constant 592 : index
      %get3A_430 = tpu.vector_load %arg8[%get3A_428, %get3A_429] {strides = array<i32>} : memref<5x656xf32, #tpu.memory_space<vmem>>, vector<16xf32>,
      %add3A_431 = arith.constant 592 : i32
      %add3A_432 = vector.broadcast %add3A_431 : i32 to vector<16xi32>
      %add3A_433 = arith.addi %iota3A, %add3A_432 : vector<16xi32>
      %sub3A_434 = arith.subf %gather3A_398, %get3A_418 : vector<16xf32>
      %jit3A_435 = arith.constant 0.000000e+00 : f32
      %broadcast_in_dim3A_436 = vector.broadcast %jit3A_435 : f32 to vector<16xf32>
      %select_n3A_437 = arith.select %ge3A_388, %sub3A_434, %broadcast_in_dim3A_436 : vector<16xi1>, vector<16xf32>
      %swap3A_438 = arith.constant 0 : i32
      %swap3A_439 = arith.index_cast %and3A_146 : i32 to index
      %swap3A_440 = arith.index_cast %swap3A_438 : i32 to index
      %swap3A_441 = arith.constant 592 : index
      %swap3A_442 = tpu.vector_load %arg13[%swap3A_439, %swap3A_440, %swap3A_441] {strides = array<i32>} : memref<2x5x656xf32, #tpu.memory_space<vmem>>, vector<16xf32>,
      tpu.vector_store %arg13[%swap3A_439, %swap3A_440, %swap3A_441], %select_n3A_437 {strides = array<i32>} : memref<2x5x656xf32, #tpu.memory_space<vmem>>, vector<16xf32>,
      %sub3A_443 = arith.subf %gather3A_402, %get3A_422 : vector<16xf32>
      %jit3A_444 = arith.constant 0.000000e+00 : f32
      %broadcast_in_dim3A_445 = vector.broadcast %jit3A_444 : f32 to vector<16xf32>
      %select_n3A_446 = arith.select %ge3A_388, %sub3A_443, %broadcast_in_dim3A_445 : vector<16xi1>, vector<16xf32>
      %swap3A_447 = arith.constant 1 : i32
      %swap3A_448 = arith.index_cast %and3A_146 : i32 to index
      %swap3A_449 = arith.index_cast %swap3A_447 : i32 to index
      %swap3A_450 = arith.constant 592 : index
      %swap3A_451 = tpu.vector_load %arg13[%swap3A_448, %swap3A_449, %swap3A_450] {strides = array<i32>} : memref<2x5x656xf32, #tpu.memory_space<vmem>>, vector<16xf32>,
      tpu.vector_store %arg13[%swap3A_448, %swap3A_449, %swap3A_450], %select_n3A_446 {strides = array<i32>} : memref<2x5x656xf32, #tpu.memory_space<vmem>>, vector<16xf32>,
      %sub3A_452 = arith.subf %gather3A_406, %get3A_426 : vector<16xf32>
      %jit3A_453 = arith.constant 0.000000e+00 : f32
      %broadcast_in_dim3A_454 = vector.broadcast %jit3A_453 : f32 to vector<16xf32>
      %select_n3A_455 = arith.select %ge3A_388, %sub3A_452, %broadcast_in_dim3A_454 : vector<16xi1>, vector<16xf32>
      %swap3A_456 = arith.constant 2 : i32
      %swap3A_457 = arith.index_cast %and3A_146 : i32 to index
      %swap3A_458 = arith.index_cast %swap3A_456 : i32 to index
      %swap3A_459 = arith.constant 592 : index
      %swap3A_460 = tpu.vector_load %arg13[%swap3A_457, %swap3A_458, %swap3A_459] {strides = array<i32>} : memref<2x5x656xf32, #tpu.memory_space<vmem>>, vector<16xf32>,
      tpu.vector_store %arg13[%swap3A_457, %swap3A_458, %swap3A_459], %select_n3A_455 {strides = array<i32>} : memref<2x5x656xf32, #tpu.memory_space<vmem>>, vector<16xf32>,
      %sub3A_461 = arith.subf %gather3A_410, %get3A_430 : vector<16xf32>
      %jit3A_462 = arith.constant 0.000000e+00 : f32
      %broadcast_in_dim3A_463 = vector.broadcast %jit3A_462 : f32 to vector<16xf32>
      %select_n3A_464 = arith.select %ge3A_388, %sub3A_461, %broadcast_in_dim3A_463 : vector<16xi1>, vector<16xf32>
      %swap3A_465 = arith.constant 3 : i32
      %swap3A_466 = arith.index_cast %and3A_146 : i32 to index
      %swap3A_467 = arith.index_cast %swap3A_465 : i32 to index
      %swap3A_468 = arith.constant 592 : index
      %swap3A_469 = tpu.vector_load %arg13[%swap3A_466, %swap3A_467, %swap3A_468] {strides = array<i32>} : memref<2x5x656xf32, #tpu.memory_space<vmem>>, vector<16xf32>,
      tpu.vector_store %arg13[%swap3A_466, %swap3A_467, %swap3A_468], %select_n3A_464 {strides = array<i32>} : memref<2x5x656xf32, #tpu.memory_space<vmem>>, vector<16xf32>,
      %swap3A_470 = arith.constant 4 : i32
      %swap3A_471 = arith.index_cast %and3A_146 : i32 to index
      %swap3A_472 = arith.index_cast %swap3A_470 : i32 to index
      %swap3A_473 = arith.constant 592 : index
      %swap3A_474 = tpu.vector_load %arg13[%swap3A_471, %swap3A_472, %swap3A_473] {strides = array<i32>} : memref<2x5x656xf32, #tpu.memory_space<vmem>>, vector<16xf32>,
      tpu.vector_store %arg13[%swap3A_471, %swap3A_472, %swap3A_473], %broadcast_in_dim3A_3 {strides = array<i32>} : memref<2x5x656xf32, #tpu.memory_space<vmem>>, vector<16xf32>,
      %get3A_475 = arith.index_cast %and3A_146 : i32 to index
      %get3A_476 = arith.constant 592 : index
      %get3A_477 = tpu.vector_load %arg14[%get3A_475, %get3A_476] {strides = array<i32>} : memref<2x656xi32, #tpu.memory_space<vmem>>, vector<16xi32>,
      %scatter3A_478 = arith.constant 0 : i32
      %scatter3A_479 = arith.constant 0 : i32
      %scatter3A_480 = tpu.memref_slice %arg12[%and3A_146, %scatter3A_478, %scatter3A_479] : memref<2x20x656xf32, #tpu.memory_space<vmem>> -> memref<1x20x656xf32, #tpu.memory_space<vmem>>
      %scatter3A_481 = tpu.memref_squeeze %scatter3A_480 : memref<1x20x656xf32, #tpu.memory_space<vmem>> -> memref<20x656xf32, #tpu.memory_space<vmem>>
      tpu.vector_store_idx %scatter3A_481[%get3A_477, %add3A_433], %broadcast_in_dim3A_3 : memref<20x656xf32, #tpu.memory_space<vmem>>[vector<16xi32>, vector<16xi32>], vector<16xf32>,
      %convert_element_type3A_482 = arith.fptosi %gather3A_414 : vector<16xf32> to vector<16xi32>
      %scatter3A_483 = arith.constant 0 : i32
      %scatter3A_484 = arith.constant 0 : i32
      %scatter3A_485 = tpu.memref_slice %arg12[%and3A_146, %scatter3A_483, %scatter3A_484] : memref<2x20x656xf32, #tpu.memory_space<vmem>> -> memref<1x20x656xf32, #tpu.memory_space<vmem>>
      %scatter3A_486 = tpu.memref_squeeze %scatter3A_485 : memref<1x20x656xf32, #tpu.memory_space<vmem>> -> memref<20x656xf32, #tpu.memory_space<vmem>>
      tpu.vector_store_idx %scatter3A_486[%convert_element_type3A_482, %add3A_433], %broadcast_in_dim3A_5 masked %ge3A_388 : memref<20x656xf32, #tpu.memory_space<vmem>>[vector<16xi32>, vector<16xi32>], vector<16xf32>, vector<16xi1>
      %jit3A_487 = arith.constant 0 : i32
      %broadcast_in_dim3A_488 = vector.broadcast %jit3A_487 : i32 to vector<16xi32>
      %select_n3A_489 = arith.select %ge3A_388, %convert_element_type3A_482, %broadcast_in_dim3A_488 : vector<16xi1>, vector<16xi32>
      %swap3A_490 = arith.index_cast %and3A_146 : i32 to index
      %swap3A_491 = arith.constant 592 : index
      %swap3A_492 = tpu.vector_load %arg14[%swap3A_490, %swap3A_491] {strides = array<i32>} : memref<2x656xi32, #tpu.memory_space<vmem>>, vector<16xi32>,
      tpu.vector_store %arg14[%swap3A_490, %swap3A_491], %select_n3A_489 {strides = array<i32>} : memref<2x656xi32, #tpu.memory_space<vmem>>, vector<16xi32>,
      %ge3A_493 = arith.constant 3.000000e-01 : f32
      %ge3A_494 = vector.broadcast %ge3A_493 : f32 to vector<16xf32>
      %ge3A_495 = arith.cmpf oge, %scan3A_283#2, %ge3A_494 : vector<16xf32>
      %select_n3A_496 = arith.select %ge3A_495, %broadcast_in_dim3A_5, %broadcast_in_dim3A_3 : vector<16xi1>, vector<16xf32>
      %swap3A_497 = arith.index_cast %and3A_146 : i32 to index
      %swap3A_498 = arith.constant 608 : index
      %swap3A_499 = tpu.vector_load %arg11[%swap3A_497, %swap3A_498] {strides = array<i32>} : memref<2x656xf32, #tpu.memory_space<vmem>>, vector<16xf32>,
      tpu.vector_store %arg11[%swap3A_497, %swap3A_498], %select_n3A_496 {strides = array<i32>} : memref<2x656xf32, #tpu.memory_space<vmem>>, vector<16xf32>,
      %add3A_500 = vector.broadcast %mul3A_159 : i32 to vector<16xi32>
      %add3A_501 = arith.addi %scan3A_283#7, %add3A_500 : vector<16xi32>
      %add3A_502 = arith.constant 112 : i32
      %add3A_503 = vector.broadcast %add3A_502 : i32 to vector<16xi32>
      %add3A_504 = arith.addi %add3A_501, %add3A_503 : vector<16xi32>
      %gather3A_505 = tpu.vector_load_idx %arg10[%add3A_504] : memref<5376xf32, #tpu.memory_space<vmem>>[vector<16xi32>], vector<16xf32>,
      %add3A_506 = arith.constant 224 : i32
      %add3A_507 = vector.broadcast %add3A_506 : i32 to vector<16xi32>
      %add3A_508 = arith.addi %add3A_501, %add3A_507 : vector<16xi32>
      %gather3A_509 = tpu.vector_load_idx %arg10[%add3A_508] : memref<5376xf32, #tpu.memory_space<vmem>>[vector<16xi32>], vector<16xf32>,
      %add3A_510 = arith.constant 336 : i32
      %add3A_511 = vector.broadcast %add3A_510 : i32 to vector<16xi32>
      %add3A_512 = arith.addi %add3A_501, %add3A_511 : vector<16xi32>
      %gather3A_513 = tpu.vector_load_idx %arg10[%add3A_512] : memref<5376xf32, #tpu.memory_space<vmem>>[vector<16xi32>], vector<16xf32>,
      %add3A_514 = arith.constant 448 : i32
      %add3A_515 = vector.broadcast %add3A_514 : i32 to vector<16xi32>
      %add3A_516 = arith.addi %add3A_501, %add3A_515 : vector<16xi32>
      %gather3A_517 = tpu.vector_load_idx %arg10[%add3A_516] : memref<5376xf32, #tpu.memory_space<vmem>>[vector<16xi32>], vector<16xf32>,
      %add3A_518 = arith.constant 560 : i32
      %add3A_519 = vector.broadcast %add3A_518 : i32 to vector<16xi32>
      %add3A_520 = arith.addi %add3A_501, %add3A_519 : vector<16xi32>
      %gather3A_521 = tpu.vector_load_idx %arg10[%add3A_520] : memref<5376xf32, #tpu.memory_space<vmem>>[vector<16xi32>], vector<16xf32>,
      %get3A_522 = arith.constant 1 : i32
      %get3A_523 = arith.index_cast %get3A_522 : i32 to index
      %get3A_524 = arith.constant 608 : index
      %get3A_525 = tpu.vector_load %arg8[%get3A_523, %get3A_524] {strides = array<i32>} : memref<5x656xf32, #tpu.memory_space<vmem>>, vector<16xf32>,
      %get3A_526 = arith.constant 2 : i32
      %get3A_527 = arith.index_cast %get3A_526 : i32 to index
      %get3A_528 = arith.constant 608 : index
      %get3A_529 = tpu.vector_load %arg8[%get3A_527, %get3A_528] {strides = array<i32>} : memref<5x656xf32, #tpu.memory_space<vmem>>, vector<16xf32>,
      %get3A_530 = arith.constant 3 : i32
      %get3A_531 = arith.index_cast %get3A_530 : i32 to index
      %get3A_532 = arith.constant 608 : index
      %get3A_533 = tpu.vector_load %arg8[%get3A_531, %get3A_532] {strides = array<i32>} : memref<5x656xf32, #tpu.memory_space<vmem>>, vector<16xf32>,
      %get3A_534 = arith.constant 4 : i32
      %get3A_535 = arith.index_cast %get3A_534 : i32 to index
      %get3A_536 = arith.constant 608 : index
      %get3A_537 = tpu.vector_load %arg8[%get3A_535, %get3A_536] {strides = array<i32>} : memref<5x656xf32, #tpu.memory_space<vmem>>, vector<16xf32>,
      %add3A_538 = arith.constant 608 : i32
      %add3A_539 = vector.broadcast %add3A_538 : i32 to vector<16xi32>
      %add3A_540 = arith.addi %iota3A, %add3A_539 : vector<16xi32>
      %sub3A_541 = arith.subf %gather3A_505, %get3A_525 : vector<16xf32>
      %jit3A_542 = arith.constant 0.000000e+00 : f32
      %broadcast_in_dim3A_543 = vector.broadcast %jit3A_542 : f32 to vector<16xf32>
      %select_n3A_544 = arith.select %ge3A_495, %sub3A_541, %broadcast_in_dim3A_543 : vector<16xi1>, vector<16xf32>
      %swap3A_545 = arith.constant 0 : i32
      %swap3A_546 = arith.index_cast %and3A_146 : i32 to index
      %swap3A_547 = arith.index_cast %swap3A_545 : i32 to index
      %swap3A_548 = arith.constant 608 : index
      %swap3A_549 = tpu.vector_load %arg13[%swap3A_546, %swap3A_547, %swap3A_548] {strides = array<i32>} : memref<2x5x656xf32, #tpu.memory_space<vmem>>, vector<16xf32>,
      tpu.vector_store %arg13[%swap3A_546, %swap3A_547, %swap3A_548], %select_n3A_544 {strides = array<i32>} : memref<2x5x656xf32, #tpu.memory_space<vmem>>, vector<16xf32>,
      %sub3A_550 = arith.subf %gather3A_509, %get3A_529 : vector<16xf32>
      %jit3A_551 = arith.constant 0.000000e+00 : f32
      %broadcast_in_dim3A_552 = vector.broadcast %jit3A_551 : f32 to vector<16xf32>
      %select_n3A_553 = arith.select %ge3A_495, %sub3A_550, %broadcast_in_dim3A_552 : vector<16xi1>, vector<16xf32>
      %swap3A_554 = arith.constant 1 : i32
      %swap3A_555 = arith.index_cast %and3A_146 : i32 to index
      %swap3A_556 = arith.index_cast %swap3A_554 : i32 to index
      %swap3A_557 = arith.constant 608 : index
      %swap3A_558 = tpu.vector_load %arg13[%swap3A_555, %swap3A_556, %swap3A_557] {strides = array<i32>} : memref<2x5x656xf32, #tpu.memory_space<vmem>>, vector<16xf32>,
      tpu.vector_store %arg13[%swap3A_555, %swap3A_556, %swap3A_557], %select_n3A_553 {strides = array<i32>} : memref<2x5x656xf32, #tpu.memory_space<vmem>>, vector<16xf32>,
      %sub3A_559 = arith.subf %gather3A_513, %get3A_533 : vector<16xf32>
      %jit3A_560 = arith.constant 0.000000e+00 : f32
      %broadcast_in_dim3A_561 = vector.broadcast %jit3A_560 : f32 to vector<16xf32>
      %select_n3A_562 = arith.select %ge3A_495, %sub3A_559, %broadcast_in_dim3A_561 : vector<16xi1>, vector<16xf32>
      %swap3A_563 = arith.constant 2 : i32
      %swap3A_564 = arith.index_cast %and3A_146 : i32 to index
      %swap3A_565 = arith.index_cast %swap3A_563 : i32 to index
      %swap3A_566 = arith.constant 608 : index
      %swap3A_567 = tpu.vector_load %arg13[%swap3A_564, %swap3A_565, %swap3A_566] {strides = array<i32>} : memref<2x5x656xf32, #tpu.memory_space<vmem>>, vector<16xf32>,
      tpu.vector_store %arg13[%swap3A_564, %swap3A_565, %swap3A_566], %select_n3A_562 {strides = array<i32>} : memref<2x5x656xf32, #tpu.memory_space<vmem>>, vector<16xf32>,
      %sub3A_568 = arith.subf %gather3A_517, %get3A_537 : vector<16xf32>
      %jit3A_569 = arith.constant 0.000000e+00 : f32
      %broadcast_in_dim3A_570 = vector.broadcast %jit3A_569 : f32 to vector<16xf32>
      %select_n3A_571 = arith.select %ge3A_495, %sub3A_568, %broadcast_in_dim3A_570 : vector<16xi1>, vector<16xf32>
      %swap3A_572 = arith.constant 3 : i32
      %swap3A_573 = arith.index_cast %and3A_146 : i32 to index
      %swap3A_574 = arith.index_cast %swap3A_572 : i32 to index
      %swap3A_575 = arith.constant 608 : index
      %swap3A_576 = tpu.vector_load %arg13[%swap3A_573, %swap3A_574, %swap3A_575] {strides = array<i32>} : memref<2x5x656xf32, #tpu.memory_space<vmem>>, vector<16xf32>,
      tpu.vector_store %arg13[%swap3A_573, %swap3A_574, %swap3A_575], %select_n3A_571 {strides = array<i32>} : memref<2x5x656xf32, #tpu.memory_space<vmem>>, vector<16xf32>,
      %swap3A_577 = arith.constant 4 : i32
      %swap3A_578 = arith.index_cast %and3A_146 : i32 to index
      %swap3A_579 = arith.index_cast %swap3A_577 : i32 to index
      %swap3A_580 = arith.constant 608 : index
      %swap3A_581 = tpu.vector_load %arg13[%swap3A_578, %swap3A_579, %swap3A_580] {strides = array<i32>} : memref<2x5x656xf32, #tpu.memory_space<vmem>>, vector<16xf32>,
      tpu.vector_store %arg13[%swap3A_578, %swap3A_579, %swap3A_580], %broadcast_in_dim3A_3 {strides = array<i32>} : memref<2x5x656xf32, #tpu.memory_space<vmem>>, vector<16xf32>,
      %get3A_582 = arith.index_cast %and3A_146 : i32 to index
      %get3A_583 = arith.constant 608 : index
      %get3A_584 = tpu.vector_load %arg14[%get3A_582, %get3A_583] {strides = array<i32>} : memref<2x656xi32, #tpu.memory_space<vmem>>, vector<16xi32>,
      %scatter3A_585 = arith.constant 0 : i32
      %scatter3A_586 = arith.constant 0 : i32
      %scatter3A_587 = tpu.memref_slice %arg12[%and3A_146, %scatter3A_585, %scatter3A_586] : memref<2x20x656xf32, #tpu.memory_space<vmem>> -> memref<1x20x656xf32, #tpu.memory_space<vmem>>
      %scatter3A_588 = tpu.memref_squeeze %scatter3A_587 : memref<1x20x656xf32, #tpu.memory_space<vmem>> -> memref<20x656xf32, #tpu.memory_space<vmem>>
      tpu.vector_store_idx %scatter3A_588[%get3A_584, %add3A_540], %broadcast_in_dim3A_3 : memref<20x656xf32, #tpu.memory_space<vmem>>[vector<16xi32>, vector<16xi32>], vector<16xf32>,
      %convert_element_type3A_589 = arith.fptosi %gather3A_521 : vector<16xf32> to vector<16xi32>
      %scatter3A_590 = arith.constant 0 : i32
      %scatter3A_591 = arith.constant 0 : i32
      %scatter3A_592 = tpu.memref_slice %arg12[%and3A_146, %scatter3A_590, %scatter3A_591] : memref<2x20x656xf32, #tpu.memory_space<vmem>> -> memref<1x20x656xf32, #tpu.memory_space<vmem>>
      %scatter3A_593 = tpu.memref_squeeze %scatter3A_592 : memref<1x20x656xf32, #tpu.memory_space<vmem>> -> memref<20x656xf32, #tpu.memory_space<vmem>>
      tpu.vector_store_idx %scatter3A_593[%convert_element_type3A_589, %add3A_540], %broadcast_in_dim3A_5 masked %ge3A_495 : memref<20x656xf32, #tpu.memory_space<vmem>>[vector<16xi32>, vector<16xi32>], vector<16xf32>, vector<16xi1>
      %jit3A_594 = arith.constant 0 : i32
      %broadcast_in_dim3A_595 = vector.broadcast %jit3A_594 : i32 to vector<16xi32>
      %select_n3A_596 = arith.select %ge3A_495, %convert_element_type3A_589, %broadcast_in_dim3A_595 : vector<16xi1>, vector<16xi32>
      %swap3A_597 = arith.index_cast %and3A_146 : i32 to index
      %swap3A_598 = arith.constant 608 : index
      %swap3A_599 = tpu.vector_load %arg14[%swap3A_597, %swap3A_598] {strides = array<i32>} : memref<2x656xi32, #tpu.memory_space<vmem>>, vector<16xi32>,
      tpu.vector_store %arg14[%swap3A_597, %swap3A_598], %select_n3A_596 {strides = array<i32>} : memref<2x656xi32, #tpu.memory_space<vmem>>, vector<16xi32>,
      %ge3A_600 = arith.constant 3.000000e-01 : f32
      %ge3A_601 = vector.broadcast %ge3A_600 : f32 to vector<16xf32>
      %ge3A_602 = arith.cmpf oge, %scan3A_283#3, %ge3A_601 : vector<16xf32>
      %select_n3A_603 = arith.select %ge3A_602, %broadcast_in_dim3A_5, %broadcast_in_dim3A_3 : vector<16xi1>, vector<16xf32>
      %swap3A_604 = arith.index_cast %and3A_146 : i32 to index
      %swap3A_605 = arith.constant 624 : index
      %swap3A_606 = tpu.vector_load %arg11[%swap3A_604, %swap3A_605] {strides = array<i32>} : memref<2x656xf32, #tpu.memory_space<vmem>>, vector<16xf32>,
      tpu.vector_store %arg11[%swap3A_604, %swap3A_605], %select_n3A_603 {strides = array<i32>} : memref<2x656xf32, #tpu.memory_space<vmem>>, vector<16xf32>,
      %add3A_607 = vector.broadcast %mul3A_159 : i32 to vector<16xi32>
      %add3A_608 = arith.addi %scan3A_283#8, %add3A_607 : vector<16xi32>
      %add3A_609 = arith.constant 112 : i32
      %add3A_610 = vector.broadcast %add3A_609 : i32 to vector<16xi32>
      %add3A_611 = arith.addi %add3A_608, %add3A_610 : vector<16xi32>
      %gather3A_612 = tpu.vector_load_idx %arg10[%add3A_611] : memref<5376xf32, #tpu.memory_space<vmem>>[vector<16xi32>], vector<16xf32>,
      %add3A_613 = arith.constant 224 : i32
      %add3A_614 = vector.broadcast %add3A_613 : i32 to vector<16xi32>
      %add3A_615 = arith.addi %add3A_608, %add3A_614 : vector<16xi32>
      %gather3A_616 = tpu.vector_load_idx %arg10[%add3A_615] : memref<5376xf32, #tpu.memory_space<vmem>>[vector<16xi32>], vector<16xf32>,
      %add3A_617 = arith.constant 336 : i32
      %add3A_618 = vector.broadcast %add3A_617 : i32 to vector<16xi32>
      %add3A_619 = arith.addi %add3A_608, %add3A_618 : vector<16xi32>
      %gather3A_620 = tpu.vector_load_idx %arg10[%add3A_619] : memref<5376xf32, #tpu.memory_space<vmem>>[vector<16xi32>], vector<16xf32>,
      %add3A_621 = arith.constant 448 : i32
      %add3A_622 = vector.broadcast %add3A_621 : i32 to vector<16xi32>
      %add3A_623 = arith.addi %add3A_608, %add3A_622 : vector<16xi32>
      %gather3A_624 = tpu.vector_load_idx %arg10[%add3A_623] : memref<5376xf32, #tpu.memory_space<vmem>>[vector<16xi32>], vector<16xf32>,
      %add3A_625 = arith.constant 560 : i32
      %add3A_626 = vector.broadcast %add3A_625 : i32 to vector<16xi32>
      %add3A_627 = arith.addi %add3A_608, %add3A_626 : vector<16xi32>
      %gather3A_628 = tpu.vector_load_idx %arg10[%add3A_627] : memref<5376xf32, #tpu.memory_space<vmem>>[vector<16xi32>], vector<16xf32>,
      %get3A_629 = arith.constant 1 : i32
      %get3A_630 = arith.index_cast %get3A_629 : i32 to index
      %get3A_631 = arith.constant 624 : index
      %get3A_632 = tpu.vector_load %arg8[%get3A_630, %get3A_631] {strides = array<i32>} : memref<5x656xf32, #tpu.memory_space<vmem>>, vector<16xf32>,
      %get3A_633 = arith.constant 2 : i32
      %get3A_634 = arith.index_cast %get3A_633 : i32 to index
      %get3A_635 = arith.constant 624 : index
      %get3A_636 = tpu.vector_load %arg8[%get3A_634, %get3A_635] {strides = array<i32>} : memref<5x656xf32, #tpu.memory_space<vmem>>, vector<16xf32>,
      %get3A_637 = arith.constant 3 : i32
      %get3A_638 = arith.index_cast %get3A_637 : i32 to index
      %get3A_639 = arith.constant 624 : index
      %get3A_640 = tpu.vector_load %arg8[%get3A_638, %get3A_639] {strides = array<i32>} : memref<5x656xf32, #tpu.memory_space<vmem>>, vector<16xf32>,
      %get3A_641 = arith.constant 4 : i32
      %get3A_642 = arith.index_cast %get3A_641 : i32 to index
      %get3A_643 = arith.constant 624 : index
      %get3A_644 = tpu.vector_load %arg8[%get3A_642, %get3A_643] {strides = array<i32>} : memref<5x656xf32, #tpu.memory_space<vmem>>, vector<16xf32>,
      %add3A_645 = arith.constant 624 : i32
      %add3A_646 = vector.broadcast %add3A_645 : i32 to vector<16xi32>
      %add3A_647 = arith.addi %iota3A, %add3A_646 : vector<16xi32>
      %sub3A_648 = arith.subf %gather3A_612, %get3A_632 : vector<16xf32>
      %jit3A_649 = arith.constant 0.000000e+00 : f32
      %broadcast_in_dim3A_650 = vector.broadcast %jit3A_649 : f32 to vector<16xf32>
      %select_n3A_651 = arith.select %ge3A_602, %sub3A_648, %broadcast_in_dim3A_650 : vector<16xi1>, vector<16xf32>
      %swap3A_652 = arith.constant 0 : i32
      %swap3A_653 = arith.index_cast %and3A_146 : i32 to index
      %swap3A_654 = arith.index_cast %swap3A_652 : i32 to index
      %swap3A_655 = arith.constant 624 : index
      %swap3A_656 = tpu.vector_load %arg13[%swap3A_653, %swap3A_654, %swap3A_655] {strides = array<i32>} : memref<2x5x656xf32, #tpu.memory_space<vmem>>, vector<16xf32>,
      tpu.vector_store %arg13[%swap3A_653, %swap3A_654, %swap3A_655], %select_n3A_651 {strides = array<i32>} : memref<2x5x656xf32, #tpu.memory_space<vmem>>, vector<16xf32>,
      %sub3A_657 = arith.subf %gather3A_616, %get3A_636 : vector<16xf32>
      %jit3A_658 = arith.constant 0.000000e+00 : f32
      %broadcast_in_dim3A_659 = vector.broadcast %jit3A_658 : f32 to vector<16xf32>
      %select_n3A_660 = arith.select %ge3A_602, %sub3A_657, %broadcast_in_dim3A_659 : vector<16xi1>, vector<16xf32>
      %swap3A_661 = arith.constant 1 : i32
      %swap3A_662 = arith.index_cast %and3A_146 : i32 to index
      %swap3A_663 = arith.index_cast %swap3A_661 : i32 to index
      %swap3A_664 = arith.constant 624 : index
      %swap3A_665 = tpu.vector_load %arg13[%swap3A_662, %swap3A_663, %swap3A_664] {strides = array<i32>} : memref<2x5x656xf32, #tpu.memory_space<vmem>>, vector<16xf32>,
      tpu.vector_store %arg13[%swap3A_662, %swap3A_663, %swap3A_664], %select_n3A_660 {strides = array<i32>} : memref<2x5x656xf32, #tpu.memory_space<vmem>>, vector<16xf32>,
      %sub3A_666 = arith.subf %gather3A_620, %get3A_640 : vector<16xf32>
      %jit3A_667 = arith.constant 0.000000e+00 : f32
      %broadcast_in_dim3A_668 = vector.broadcast %jit3A_667 : f32 to vector<16xf32>
      %select_n3A_669 = arith.select %ge3A_602, %sub3A_666, %broadcast_in_dim3A_668 : vector<16xi1>, vector<16xf32>
      %swap3A_670 = arith.constant 2 : i32
      %swap3A_671 = arith.index_cast %and3A_146 : i32 to index
      %swap3A_672 = arith.index_cast %swap3A_670 : i32 to index
      %swap3A_673 = arith.constant 624 : index
      %swap3A_674 = tpu.vector_load %arg13[%swap3A_671, %swap3A_672, %swap3A_673] {strides = array<i32>} : memref<2x5x656xf32, #tpu.memory_space<vmem>>, vector<16xf32>,
      tpu.vector_store %arg13[%swap3A_671, %swap3A_672, %swap3A_673], %select_n3A_669 {strides = array<i32>} : memref<2x5x656xf32, #tpu.memory_space<vmem>>, vector<16xf32>,
      %sub3A_675 = arith.subf %gather3A_624, %get3A_644 : vector<16xf32>
      %jit3A_676 = arith.constant 0.000000e+00 : f32
      %broadcast_in_dim3A_677 = vector.broadcast %jit3A_676 : f32 to vector<16xf32>
      %select_n3A_678 = arith.select %ge3A_602, %sub3A_675, %broadcast_in_dim3A_677 : vector<16xi1>, vector<16xf32>
      %swap3A_679 = arith.constant 3 : i32
      %swap3A_680 = arith.index_cast %and3A_146 : i32 to index
      %swap3A_681 = arith.index_cast %swap3A_679 : i32 to index
      %swap3A_682 = arith.constant 624 : index
      %swap3A_683 = tpu.vector_load %arg13[%swap3A_680, %swap3A_681, %swap3A_682] {strides = array<i32>} : memref<2x5x656xf32, #tpu.memory_space<vmem>>, vector<16xf32>,
      tpu.vector_store %arg13[%swap3A_680, %swap3A_681, %swap3A_682], %select_n3A_678 {strides = array<i32>} : memref<2x5x656xf32, #tpu.memory_space<vmem>>, vector<16xf32>,
      %swap3A_684 = arith.constant 4 : i32
      %swap3A_685 = arith.index_cast %and3A_146 : i32 to index
      %swap3A_686 = arith.index_cast %swap3A_684 : i32 to index
      %swap3A_687 = arith.constant 624 : index
      %swap3A_688 = tpu.vector_load %arg13[%swap3A_685, %swap3A_686, %swap3A_687] {strides = array<i32>} : memref<2x5x656xf32, #tpu.memory_space<vmem>>, vector<16xf32>,
      tpu.vector_store %arg13[%swap3A_685, %swap3A_686, %swap3A_687], %broadcast_in_dim3A_3 {strides = array<i32>} : memref<2x5x656xf32, #tpu.memory_space<vmem>>, vector<16xf32>,
      %get3A_689 = arith.index_cast %and3A_146 : i32 to index
      %get3A_690 = arith.constant 624 : index
      %get3A_691 = tpu.vector_load %arg14[%get3A_689, %get3A_690] {strides = array<i32>} : memref<2x656xi32, #tpu.memory_space<vmem>>, vector<16xi32>,
      %scatter3A_692 = arith.constant 0 : i32
      %scatter3A_693 = arith.constant 0 : i32
      %scatter3A_694 = tpu.memref_slice %arg12[%and3A_146, %scatter3A_692, %scatter3A_693] : memref<2x20x656xf32, #tpu.memory_space<vmem>> -> memref<1x20x656xf32, #tpu.memory_space<vmem>>
      %scatter3A_695 = tpu.memref_squeeze %scatter3A_694 : memref<1x20x656xf32, #tpu.memory_space<vmem>> -> memref<20x656xf32, #tpu.memory_space<vmem>>
      tpu.vector_store_idx %scatter3A_695[%get3A_691, %add3A_647], %broadcast_in_dim3A_3 : memref<20x656xf32, #tpu.memory_space<vmem>>[vector<16xi32>, vector<16xi32>], vector<16xf32>,
      %convert_element_type3A_696 = arith.fptosi %gather3A_628 : vector<16xf32> to vector<16xi32>
      %scatter3A_697 = arith.constant 0 : i32
      %scatter3A_698 = arith.constant 0 : i32
      %scatter3A_699 = tpu.memref_slice %arg12[%and3A_146, %scatter3A_697, %scatter3A_698] : memref<2x20x656xf32, #tpu.memory_space<vmem>> -> memref<1x20x656xf32, #tpu.memory_space<vmem>>
      %scatter3A_700 = tpu.memref_squeeze %scatter3A_699 : memref<1x20x656xf32, #tpu.memory_space<vmem>> -> memref<20x656xf32, #tpu.memory_space<vmem>>
      tpu.vector_store_idx %scatter3A_700[%convert_element_type3A_696, %add3A_647], %broadcast_in_dim3A_5 masked %ge3A_602 : memref<20x656xf32, #tpu.memory_space<vmem>>[vector<16xi32>, vector<16xi32>], vector<16xf32>, vector<16xi1>
      %jit3A_701 = arith.constant 0 : i32
      %broadcast_in_dim3A_702 = vector.broadcast %jit3A_701 : i32 to vector<16xi32>
      %select_n3A_703 = arith.select %ge3A_602, %convert_element_type3A_696, %broadcast_in_dim3A_702 : vector<16xi1>, vector<16xi32>
      %swap3A_704 = arith.index_cast %and3A_146 : i32 to index
      %swap3A_705 = arith.constant 624 : index
      %swap3A_706 = tpu.vector_load %arg14[%swap3A_704, %swap3A_705] {strides = array<i32>} : memref<2x656xi32, #tpu.memory_space<vmem>>, vector<16xi32>,
      tpu.vector_store %arg14[%swap3A_704, %swap3A_705], %select_n3A_703 {strides = array<i32>} : memref<2x656xi32, #tpu.memory_space<vmem>>, vector<16xi32>,
      %ge3A_707 = arith.constant 3.000000e-01 : f32
      %ge3A_708 = vector.broadcast %ge3A_707 : f32 to vector<16xf32>
      %ge3A_709 = arith.cmpf oge, %scan3A_283#4, %ge3A_708 : vector<16xf32>
      %select_n3A_710 = arith.select %ge3A_709, %broadcast_in_dim3A_5, %broadcast_in_dim3A_3 : vector<16xi1>, vector<16xf32>
      %swap3A_711 = arith.index_cast %and3A_146 : i32 to index
      %swap3A_712 = arith.constant 640 : index
      %swap3A_713 = tpu.vector_load %arg11[%swap3A_711, %swap3A_712] {strides = array<i32>} : memref<2x656xf32, #tpu.memory_space<vmem>>, vector<16xf32>,
      tpu.vector_store %arg11[%swap3A_711, %swap3A_712], %select_n3A_710 {strides = array<i32>} : memref<2x656xf32, #tpu.memory_space<vmem>>, vector<16xf32>,
      %add3A_714 = vector.broadcast %mul3A_159 : i32 to vector<16xi32>
      %add3A_715 = arith.addi %scan3A_283#9, %add3A_714 : vector<16xi32>
      %add3A_716 = arith.constant 112 : i32
      %add3A_717 = vector.broadcast %add3A_716 : i32 to vector<16xi32>
      %add3A_718 = arith.addi %add3A_715, %add3A_717 : vector<16xi32>
      %gather3A_719 = tpu.vector_load_idx %arg10[%add3A_718] : memref<5376xf32, #tpu.memory_space<vmem>>[vector<16xi32>], vector<16xf32>,
      %add3A_720 = arith.constant 224 : i32
      %add3A_721 = vector.broadcast %add3A_720 : i32 to vector<16xi32>
      %add3A_722 = arith.addi %add3A_715, %add3A_721 : vector<16xi32>
      %gather3A_723 = tpu.vector_load_idx %arg10[%add3A_722] : memref<5376xf32, #tpu.memory_space<vmem>>[vector<16xi32>], vector<16xf32>,
      %add3A_724 = arith.constant 336 : i32
      %add3A_725 = vector.broadcast %add3A_724 : i32 to vector<16xi32>
      %add3A_726 = arith.addi %add3A_715, %add3A_725 : vector<16xi32>
      %gather3A_727 = tpu.vector_load_idx %arg10[%add3A_726] : memref<5376xf32, #tpu.memory_space<vmem>>[vector<16xi32>], vector<16xf32>,
      %add3A_728 = arith.constant 448 : i32
      %add3A_729 = vector.broadcast %add3A_728 : i32 to vector<16xi32>
      %add3A_730 = arith.addi %add3A_715, %add3A_729 : vector<16xi32>
      %gather3A_731 = tpu.vector_load_idx %arg10[%add3A_730] : memref<5376xf32, #tpu.memory_space<vmem>>[vector<16xi32>], vector<16xf32>,
      %add3A_732 = arith.constant 560 : i32
      %add3A_733 = vector.broadcast %add3A_732 : i32 to vector<16xi32>
      %add3A_734 = arith.addi %add3A_715, %add3A_733 : vector<16xi32>
      %gather3A_735 = tpu.vector_load_idx %arg10[%add3A_734] : memref<5376xf32, #tpu.memory_space<vmem>>[vector<16xi32>], vector<16xf32>,
      %get3A_736 = arith.constant 1 : i32
      %get3A_737 = arith.index_cast %get3A_736 : i32 to index
      %get3A_738 = arith.constant 640 : index
      %get3A_739 = tpu.vector_load %arg8[%get3A_737, %get3A_738] {strides = array<i32>} : memref<5x656xf32, #tpu.memory_space<vmem>>, vector<16xf32>,
      %get3A_740 = arith.constant 2 : i32
      %get3A_741 = arith.index_cast %get3A_740 : i32 to index
      %get3A_742 = arith.constant 640 : index
      %get3A_743 = tpu.vector_load %arg8[%get3A_741, %get3A_742] {strides = array<i32>} : memref<5x656xf32, #tpu.memory_space<vmem>>, vector<16xf32>,
      %get3A_744 = arith.constant 3 : i32
      %get3A_745 = arith.index_cast %get3A_744 : i32 to index
      %get3A_746 = arith.constant 640 : index
      %get3A_747 = tpu.vector_load %arg8[%get3A_745, %get3A_746] {strides = array<i32>} : memref<5x656xf32, #tpu.memory_space<vmem>>, vector<16xf32>,
      %get3A_748 = arith.constant 4 : i32
      %get3A_749 = arith.index_cast %get3A_748 : i32 to index
      %get3A_750 = arith.constant 640 : index
      %get3A_751 = tpu.vector_load %arg8[%get3A_749, %get3A_750] {strides = array<i32>} : memref<5x656xf32, #tpu.memory_space<vmem>>, vector<16xf32>,
      %add3A_752 = arith.constant 640 : i32
      %add3A_753 = vector.broadcast %add3A_752 : i32 to vector<16xi32>
      %add3A_754 = arith.addi %iota3A, %add3A_753 : vector<16xi32>
      %sub3A_755 = arith.subf %gather3A_719, %get3A_739 : vector<16xf32>
      %jit3A_756 = arith.constant 0.000000e+00 : f32
      %broadcast_in_dim3A_757 = vector.broadcast %jit3A_756 : f32 to vector<16xf32>
      %select_n3A_758 = arith.select %ge3A_709, %sub3A_755, %broadcast_in_dim3A_757 : vector<16xi1>, vector<16xf32>
      %swap3A_759 = arith.constant 0 : i32
      %swap3A_760 = arith.index_cast %and3A_146 : i32 to index
      %swap3A_761 = arith.index_cast %swap3A_759 : i32 to index
      %swap3A_762 = arith.constant 640 : index
      %swap3A_763 = tpu.vector_load %arg13[%swap3A_760, %swap3A_761, %swap3A_762] {strides = array<i32>} : memref<2x5x656xf32, #tpu.memory_space<vmem>>, vector<16xf32>,
      tpu.vector_store %arg13[%swap3A_760, %swap3A_761, %swap3A_762], %select_n3A_758 {strides = array<i32>} : memref<2x5x656xf32, #tpu.memory_space<vmem>>, vector<16xf32>,
      %sub3A_764 = arith.subf %gather3A_723, %get3A_743 : vector<16xf32>
      %jit3A_765 = arith.constant 0.000000e+00 : f32
      %broadcast_in_dim3A_766 = vector.broadcast %jit3A_765 : f32 to vector<16xf32>
      %select_n3A_767 = arith.select %ge3A_709, %sub3A_764, %broadcast_in_dim3A_766 : vector<16xi1>, vector<16xf32>
      %swap3A_768 = arith.constant 1 : i32
      %swap3A_769 = arith.index_cast %and3A_146 : i32 to index
      %swap3A_770 = arith.index_cast %swap3A_768 : i32 to index
      %swap3A_771 = arith.constant 640 : index
      %swap3A_772 = tpu.vector_load %arg13[%swap3A_769, %swap3A_770, %swap3A_771] {strides = array<i32>} : memref<2x5x656xf32, #tpu.memory_space<vmem>>, vector<16xf32>,
      tpu.vector_store %arg13[%swap3A_769, %swap3A_770, %swap3A_771], %select_n3A_767 {strides = array<i32>} : memref<2x5x656xf32, #tpu.memory_space<vmem>>, vector<16xf32>,
      %sub3A_773 = arith.subf %gather3A_727, %get3A_747 : vector<16xf32>
      %jit3A_774 = arith.constant 0.000000e+00 : f32
      %broadcast_in_dim3A_775 = vector.broadcast %jit3A_774 : f32 to vector<16xf32>
      %select_n3A_776 = arith.select %ge3A_709, %sub3A_773, %broadcast_in_dim3A_775 : vector<16xi1>, vector<16xf32>
      %swap3A_777 = arith.constant 2 : i32
      %swap3A_778 = arith.index_cast %and3A_146 : i32 to index
      %swap3A_779 = arith.index_cast %swap3A_777 : i32 to index
      %swap3A_780 = arith.constant 640 : index
      %swap3A_781 = tpu.vector_load %arg13[%swap3A_778, %swap3A_779, %swap3A_780] {strides = array<i32>} : memref<2x5x656xf32, #tpu.memory_space<vmem>>, vector<16xf32>,
      tpu.vector_store %arg13[%swap3A_778, %swap3A_779, %swap3A_780], %select_n3A_776 {strides = array<i32>} : memref<2x5x656xf32, #tpu.memory_space<vmem>>, vector<16xf32>,
      %sub3A_782 = arith.subf %gather3A_731, %get3A_751 : vector<16xf32>
      %jit3A_783 = arith.constant 0.000000e+00 : f32
      %broadcast_in_dim3A_784 = vector.broadcast %jit3A_783 : f32 to vector<16xf32>
      %select_n3A_785 = arith.select %ge3A_709, %sub3A_782, %broadcast_in_dim3A_784 : vector<16xi1>, vector<16xf32>
      %swap3A_786 = arith.constant 3 : i32
      %swap3A_787 = arith.index_cast %and3A_146 : i32 to index
      %swap3A_788 = arith.index_cast %swap3A_786 : i32 to index
      %swap3A_789 = arith.constant 640 : index
      %swap3A_790 = tpu.vector_load %arg13[%swap3A_787, %swap3A_788, %swap3A_789] {strides = array<i32>} : memref<2x5x656xf32, #tpu.memory_space<vmem>>, vector<16xf32>,
      tpu.vector_store %arg13[%swap3A_787, %swap3A_788, %swap3A_789], %select_n3A_785 {strides = array<i32>} : memref<2x5x656xf32, #tpu.memory_space<vmem>>, vector<16xf32>,
      %swap3A_791 = arith.constant 4 : i32
      %swap3A_792 = arith.index_cast %and3A_146 : i32 to index
      %swap3A_793 = arith.index_cast %swap3A_791 : i32 to index
      %swap3A_794 = arith.constant 640 : index
      %swap3A_795 = tpu.vector_load %arg13[%swap3A_792, %swap3A_793, %swap3A_794] {strides = array<i32>} : memref<2x5x656xf32, #tpu.memory_space<vmem>>, vector<16xf32>,
      tpu.vector_store %arg13[%swap3A_792, %swap3A_793, %swap3A_794], %broadcast_in_dim3A_3 {strides = array<i32>} : memref<2x5x656xf32, #tpu.memory_space<vmem>>, vector<16xf32>,
      %get3A_796 = arith.index_cast %and3A_146 : i32 to index
      %get3A_797 = arith.constant 640 : index
      %get3A_798 = tpu.vector_load %arg14[%get3A_796, %get3A_797] {strides = array<i32>} : memref<2x656xi32, #tpu.memory_space<vmem>>, vector<16xi32>,
      %scatter3A_799 = arith.constant 0 : i32
      %scatter3A_800 = arith.constant 0 : i32
      %scatter3A_801 = tpu.memref_slice %arg12[%and3A_146, %scatter3A_799, %scatter3A_800] : memref<2x20x656xf32, #tpu.memory_space<vmem>> -> memref<1x20x656xf32, #tpu.memory_space<vmem>>
      %scatter3A_802 = tpu.memref_squeeze %scatter3A_801 : memref<1x20x656xf32, #tpu.memory_space<vmem>> -> memref<20x656xf32, #tpu.memory_space<vmem>>
      tpu.vector_store_idx %scatter3A_802[%get3A_798, %add3A_754], %broadcast_in_dim3A_3 : memref<20x656xf32, #tpu.memory_space<vmem>>[vector<16xi32>, vector<16xi32>], vector<16xf32>,
      %convert_element_type3A_803 = arith.fptosi %gather3A_735 : vector<16xf32> to vector<16xi32>
      %scatter3A_804 = arith.constant 0 : i32
      %scatter3A_805 = arith.constant 0 : i32
      %scatter3A_806 = tpu.memref_slice %arg12[%and3A_146, %scatter3A_804, %scatter3A_805] : memref<2x20x656xf32, #tpu.memory_space<vmem>> -> memref<1x20x656xf32, #tpu.memory_space<vmem>>
      %scatter3A_807 = tpu.memref_squeeze %scatter3A_806 : memref<1x20x656xf32, #tpu.memory_space<vmem>> -> memref<20x656xf32, #tpu.memory_space<vmem>>
      tpu.vector_store_idx %scatter3A_807[%convert_element_type3A_803, %add3A_754], %broadcast_in_dim3A_5 masked %ge3A_709 : memref<20x656xf32, #tpu.memory_space<vmem>>[vector<16xi32>, vector<16xi32>], vector<16xf32>, vector<16xi1>
      %jit3A_808 = arith.constant 0 : i32
      %broadcast_in_dim3A_809 = vector.broadcast %jit3A_808 : i32 to vector<16xi32>
      %select_n3A_810 = arith.select %ge3A_709, %convert_element_type3A_803, %broadcast_in_dim3A_809 : vector<16xi1>, vector<16xi32>
      %swap3A_811 = arith.index_cast %and3A_146 : i32 to index
      %swap3A_812 = arith.constant 640 : index
      %swap3A_813 = tpu.vector_load %arg14[%swap3A_811, %swap3A_812] {strides = array<i32>} : memref<2x656xi32, #tpu.memory_space<vmem>>, vector<16xi32>,
      tpu.vector_store %arg14[%swap3A_811, %swap3A_812], %select_n3A_810 {strides = array<i32>} : memref<2x656xi32, #tpu.memory_space<vmem>>, vector<16xi32>,
      %dma_start3A = arith.constant 0 : i32
      %dma_start3A_814 = arith.constant 0 : i32
      %dma_start3A_815 = tpu.memref_slice %arg11[%and3A_146, %dma_start3A_814] : memref<2x656xf32, #tpu.memory_space<vmem>> -> memref<1x656xf32, #tpu.memory_space<vmem>>
      %dma_start3A_816 = tpu.memref_squeeze %dma_start3A_815 : memref<1x656xf32, #tpu.memory_space<vmem>> -> memref<656xf32, #tpu.memory_space<vmem>>
      %dma_start3A_817 = tpu.memref_slice %arg4[%scan3A_144, %mul3A_2] : memref<8x20000xf32, #tpu.memory_space<hbm>> -> memref<1x656xf32, #tpu.memory_space<hbm>>
      %dma_start3A_818 = tpu.memref_squeeze %dma_start3A_817 : memref<1x656xf32, #tpu.memory_space<hbm>> -> memref<656xf32, #tpu.memory_space<hbm>>
      %dma_start3A_819 = tpu.memref_slice %arg15[%and3A_146, %dma_start3A] : memref<2x3x!tpu.dma_semaphore, #tpu.memory_space<semaphore_mem>> -> memref<1x1x!tpu.dma_semaphore, #tpu.memory_space<semaphore_mem>>
      %dma_start3A_820 = tpu.memref_squeeze %dma_start3A_819 : memref<1x1x!tpu.dma_semaphore, #tpu.memory_space<semaphore_mem>> -> memref<!tpu.dma_semaphore, #tpu.memory_space<semaphore_mem>>
      %dma_start3A_821 = tpu.memref_slice %arg4[%scan3A_144, %mul3A_2] : memref<8x20000xf32, #tpu.memory_space<hbm>> -> memref<1x656xf32, #tpu.memory_space<hbm>>
      %dma_start3A_822 = tpu.memref_squeeze %dma_start3A_821 : memref<1x656xf32, #tpu.memory_space<hbm>> -> memref<656xf32, #tpu.memory_space<hbm>>
      %dma_start3A_823 = arith.constant 0 : i32
      %dma_start3A_824 = tpu.memref_slice %arg11[%and3A_146, %dma_start3A_823] : memref<2x656xf32, #tpu.memory_space<vmem>> -> memref<1x656xf32, #tpu.memory_space<vmem>>
      %dma_start3A_825 = tpu.memref_squeeze %dma_start3A_824 : memref<1x656xf32, #tpu.memory_space<vmem>> -> memref<656xf32, #tpu.memory_space<vmem>>
      tpu.enqueue_dma source(%dma_start3A_825 : memref<656xf32, #tpu.memory_space<vmem>>) target(%dma_start3A_822 : memref<656xf32, #tpu.memory_space<hbm>>) target_semaphore(%dma_start3A_820 : memref<!tpu.dma_semaphore, #tpu.memory_space<semaphore_mem>>)
      %dma_start3A_826 = arith.constant 1 : i32
      %dma_start3A_827 = arith.constant 0 : i32
      %dma_start3A_828 = arith.constant 0 : i32
      %dma_start3A_829 = tpu.memref_slice %arg12[%and3A_146, %dma_start3A_827, %dma_start3A_828] : memref<2x20x656xf32, #tpu.memory_space<vmem>> -> memref<1x20x656xf32, #tpu.memory_space<vmem>>
      %dma_start3A_830 = tpu.memref_squeeze %dma_start3A_829 : memref<1x20x656xf32, #tpu.memory_space<vmem>> -> memref<20x656xf32, #tpu.memory_space<vmem>>
      %dma_start3A_831 = arith.constant 0 : i32
      %dma_start3A_832 = tpu.memref_slice %arg5[%dma_start3A_831, %scan3A_144, %mul3A_2] : memref<20x8x20000xf32, #tpu.memory_space<hbm>> -> memref<20x1x656xf32, #tpu.memory_space<hbm>>
      %dma_start3A_833 = tpu.memref_squeeze %dma_start3A_832 : memref<20x1x656xf32, #tpu.memory_space<hbm>> -> memref<20x656xf32, #tpu.memory_space<hbm>>
      %dma_start3A_834 = tpu.memref_slice %arg15[%and3A_146, %dma_start3A_826] : memref<2x3x!tpu.dma_semaphore, #tpu.memory_space<semaphore_mem>> -> memref<1x1x!tpu.dma_semaphore, #tpu.memory_space<semaphore_mem>>
      %dma_start3A_835 = tpu.memref_squeeze %dma_start3A_834 : memref<1x1x!tpu.dma_semaphore, #tpu.memory_space<semaphore_mem>> -> memref<!tpu.dma_semaphore, #tpu.memory_space<semaphore_mem>>
      %dma_start3A_836 = arith.constant 0 : i32
      %dma_start3A_837 = tpu.memref_slice %arg5[%dma_start3A_836, %scan3A_144, %mul3A_2] : memref<20x8x20000xf32, #tpu.memory_space<hbm>> -> memref<20x1x656xf32, #tpu.memory_space<hbm>>
      %dma_start3A_838 = tpu.memref_squeeze %dma_start3A_837 : memref<20x1x656xf32, #tpu.memory_space<hbm>> -> memref<20x656xf32, #tpu.memory_space<hbm>>
      %dma_start3A_839 = arith.constant 0 : i32
      %dma_start3A_840 = arith.constant 0 : i32
      %dma_start3A_841 = tpu.memref_slice %arg12[%and3A_146, %dma_start3A_839, %dma_start3A_840] : memref<2x20x656xf32, #tpu.memory_space<vmem>> -> memref<1x20x656xf32, #tpu.memory_space<vmem>>
      %dma_start3A_842 = tpu.memref_squeeze %dma_start3A_841 : memref<1x20x656xf32, #tpu.memory_space<vmem>> -> memref<20x656xf32, #tpu.memory_space<vmem>>
      tpu.enqueue_dma source(%dma_start3A_842 : memref<20x656xf32, #tpu.memory_space<vmem>>) target(%dma_start3A_838 : memref<20x656xf32, #tpu.memory_space<hbm>>) target_semaphore(%dma_start3A_835 : memref<!tpu.dma_semaphore, #tpu.memory_space<semaphore_mem>>)
      %dma_start3A_843 = arith.constant 2 : i32
      %dma_start3A_844 = arith.constant 0 : i32
      %dma_start3A_845 = arith.constant 0 : i32
      %dma_start3A_846 = tpu.memref_slice %arg13[%and3A_146, %dma_start3A_844, %dma_start3A_845] : memref<2x5x656xf32, #tpu.memory_space<vmem>> -> memref<1x5x656xf32, #tpu.memory_space<vmem>>
      %dma_start3A_847 = tpu.memref_squeeze %dma_start3A_846 : memref<1x5x656xf32, #tpu.memory_space<vmem>> -> memref<5x656xf32, #tpu.memory_space<vmem>>
      %dma_start3A_848 = arith.constant 0 : i32
      %dma_start3A_849 = tpu.memref_slice %arg6[%dma_start3A_848, %scan3A_144, %mul3A_2] : memref<5x8x20000xf32, #tpu.memory_space<hbm>> -> memref<5x1x656xf32, #tpu.memory_space<hbm>>
      %dma_start3A_850 = tpu.memref_squeeze %dma_start3A_849 : memref<5x1x656xf32, #tpu.memory_space<hbm>> -> memref<5x656xf32, #tpu.memory_space<hbm>>
      %dma_start3A_851 = tpu.memref_slice %arg15[%and3A_146, %dma_start3A_843] : memref<2x3x!tpu.dma_semaphore, #tpu.memory_space<semaphore_mem>> -> memref<1x1x!tpu.dma_semaphore, #tpu.memory_space<semaphore_mem>>
      %dma_start3A_852 = tpu.memref_squeeze %dma_start3A_851 : memref<1x1x!tpu.dma_semaphore, #tpu.memory_space<semaphore_mem>> -> memref<!tpu.dma_semaphore, #tpu.memory_space<semaphore_mem>>
      %dma_start3A_853 = arith.constant 0 : i32
      %dma_start3A_854 = tpu.memref_slice %arg6[%dma_start3A_853, %scan3A_144, %mul3A_2] : memref<5x8x20000xf32, #tpu.memory_space<hbm>> -> memref<5x1x656xf32, #tpu.memory_space<hbm>>
      %dma_start3A_855 = tpu.memref_squeeze %dma_start3A_854 : memref<5x1x656xf32, #tpu.memory_space<hbm>> -> memref<5x656xf32, #tpu.memory_space<hbm>>
      %dma_start3A_856 = arith.constant 0 : i32
      %dma_start3A_857 = arith.constant 0 : i32
      %dma_start3A_858 = tpu.memref_slice %arg13[%and3A_146, %dma_start3A_856, %dma_start3A_857] : memref<2x5x656xf32, #tpu.memory_space<vmem>> -> memref<1x5x656xf32, #tpu.memory_space<vmem>>
      %dma_start3A_859 = tpu.memref_squeeze %dma_start3A_858 : memref<1x5x656xf32, #tpu.memory_space<vmem>> -> memref<5x656xf32, #tpu.memory_space<vmem>>
      tpu.enqueue_dma source(%dma_start3A_859 : memref<5x656xf32, #tpu.memory_space<vmem>>) target(%dma_start3A_855 : memref<5x656xf32, #tpu.memory_space<hbm>>) target_semaphore(%dma_start3A_852 : memref<!tpu.dma_semaphore, #tpu.memory_space<semaphore_mem>>)
      %scan3A_860 = arith.constant 0 : i32
      scf.yield %scan3A_860 : i32
    }
    %scan3A_32 = arith.constant 8 : i32
    %dma_wait3A = arith.constant 0 : i32
    %dma_wait3A_33 = arith.constant 6 : i32
    %dma_wait3A_34 = arith.constant 0 : i32
    %dma_wait3A_35 = arith.constant 0 : i32
    %dma_wait3A_36 = arith.constant 0 : i32
    %dma_wait3A_37 = tpu.memref_slice %arg11[%dma_wait3A, %dma_wait3A_36] : memref<2x656xf32, #tpu.memory_space<vmem>> -> memref<1x656xf32, #tpu.memory_space<vmem>>
    %dma_wait3A_38 = tpu.memref_squeeze %dma_wait3A_37 : memref<1x656xf32, #tpu.memory_space<vmem>> -> memref<656xf32, #tpu.memory_space<vmem>>
    %dma_wait3A_39 = tpu.memref_slice %arg4[%dma_wait3A_33, %mul3A_2] : memref<8x20000xf32, #tpu.memory_space<hbm>> -> memref<1x656xf32, #tpu.memory_space<hbm>>
    %dma_wait3A_40 = tpu.memref_squeeze %dma_wait3A_39 : memref<1x656xf32, #tpu.memory_space<hbm>> -> memref<656xf32, #tpu.memory_space<hbm>>
    %dma_wait3A_41 = tpu.memref_slice %arg15[%dma_wait3A_34, %dma_wait3A_35] : memref<2x3x!tpu.dma_semaphore, #tpu.memory_space<semaphore_mem>> -> memref<1x1x!tpu.dma_semaphore, #tpu.memory_space<semaphore_mem>>
    %dma_wait3A_42 = tpu.memref_squeeze %dma_wait3A_41 : memref<1x1x!tpu.dma_semaphore, #tpu.memory_space<semaphore_mem>> -> memref<!tpu.dma_semaphore, #tpu.memory_space<semaphore_mem>>
    %dma_wait3A_43 = tpu.memref_slice %arg4[%dma_wait3A_33, %mul3A_2] : memref<8x20000xf32, #tpu.memory_space<hbm>> -> memref<1x656xf32, #tpu.memory_space<hbm>>
    %dma_wait3A_44 = tpu.memref_squeeze %dma_wait3A_43 : memref<1x656xf32, #tpu.memory_space<hbm>> -> memref<656xf32, #tpu.memory_space<hbm>>
    %dma_wait3A_45 = arith.constant 0 : i32
    %dma_wait3A_46 = tpu.memref_slice %arg11[%dma_wait3A, %dma_wait3A_45] : memref<2x656xf32, #tpu.memory_space<vmem>> -> memref<1x656xf32, #tpu.memory_space<vmem>>
    %dma_wait3A_47 = tpu.memref_squeeze %dma_wait3A_46 : memref<1x656xf32, #tpu.memory_space<vmem>> -> memref<656xf32, #tpu.memory_space<vmem>>
    tpu.wait_dma2 semaphore(%dma_wait3A_42 : memref<!tpu.dma_semaphore, #tpu.memory_space<semaphore_mem>>) src(%dma_wait3A_47 : memref<656xf32, #tpu.memory_space<vmem>>) dst(%dma_wait3A_44 : memref<656xf32, #tpu.memory_space<hbm>>)
    %dma_wait3A_48 = arith.constant 0 : i32
    %dma_wait3A_49 = arith.constant 6 : i32
    %dma_wait3A_50 = arith.constant 0 : i32
    %dma_wait3A_51 = arith.constant 1 : i32
    %dma_wait3A_52 = arith.constant 0 : i32
    %dma_wait3A_53 = arith.constant 0 : i32
    %dma_wait3A_54 = tpu.memref_slice %arg12[%dma_wait3A_48, %dma_wait3A_52, %dma_wait3A_53] : memref<2x20x656xf32, #tpu.memory_space<vmem>> -> memref<1x20x656xf32, #tpu.memory_space<vmem>>
    %dma_wait3A_55 = tpu.memref_squeeze %dma_wait3A_54 : memref<1x20x656xf32, #tpu.memory_space<vmem>> -> memref<20x656xf32, #tpu.memory_space<vmem>>
    %dma_wait3A_56 = arith.constant 0 : i32
    %dma_wait3A_57 = tpu.memref_slice %arg5[%dma_wait3A_56, %dma_wait3A_49, %mul3A_2] : memref<20x8x20000xf32, #tpu.memory_space<hbm>> -> memref<20x1x656xf32, #tpu.memory_space<hbm>>
    %dma_wait3A_58 = tpu.memref_squeeze %dma_wait3A_57 : memref<20x1x656xf32, #tpu.memory_space<hbm>> -> memref<20x656xf32, #tpu.memory_space<hbm>>
    %dma_wait3A_59 = tpu.memref_slice %arg15[%dma_wait3A_50, %dma_wait3A_51] : memref<2x3x!tpu.dma_semaphore, #tpu.memory_space<semaphore_mem>> -> memref<1x1x!tpu.dma_semaphore, #tpu.memory_space<semaphore_mem>>
    %dma_wait3A_60 = tpu.memref_squeeze %dma_wait3A_59 : memref<1x1x!tpu.dma_semaphore, #tpu.memory_space<semaphore_mem>> -> memref<!tpu.dma_semaphore, #tpu.memory_space<semaphore_mem>>
    %dma_wait3A_61 = arith.constant 0 : i32
    %dma_wait3A_62 = tpu.memref_slice %arg5[%dma_wait3A_61, %dma_wait3A_49, %mul3A_2] : memref<20x8x20000xf32, #tpu.memory_space<hbm>> -> memref<20x1x656xf32, #tpu.memory_space<hbm>>
    %dma_wait3A_63 = tpu.memref_squeeze %dma_wait3A_62 : memref<20x1x656xf32, #tpu.memory_space<hbm>> -> memref<20x656xf32, #tpu.memory_space<hbm>>
    %dma_wait3A_64 = arith.constant 0 : i32
    %dma_wait3A_65 = arith.constant 0 : i32
    %dma_wait3A_66 = tpu.memref_slice %arg12[%dma_wait3A_48, %dma_wait3A_64, %dma_wait3A_65] : memref<2x20x656xf32, #tpu.memory_space<vmem>> -> memref<1x20x656xf32, #tpu.memory_space<vmem>>
    %dma_wait3A_67 = tpu.memref_squeeze %dma_wait3A_66 : memref<1x20x656xf32, #tpu.memory_space<vmem>> -> memref<20x656xf32, #tpu.memory_space<vmem>>
    tpu.wait_dma2 semaphore(%dma_wait3A_60 : memref<!tpu.dma_semaphore, #tpu.memory_space<semaphore_mem>>) src(%dma_wait3A_67 : memref<20x656xf32, #tpu.memory_space<vmem>>) dst(%dma_wait3A_63 : memref<20x656xf32, #tpu.memory_space<hbm>>)
    %dma_wait3A_68 = arith.constant 0 : i32
    %dma_wait3A_69 = arith.constant 6 : i32
    %dma_wait3A_70 = arith.constant 0 : i32
    %dma_wait3A_71 = arith.constant 2 : i32
    %dma_wait3A_72 = arith.constant 0 : i32
    %dma_wait3A_73 = arith.constant 0 : i32
    %dma_wait3A_74 = tpu.memref_slice %arg13[%dma_wait3A_68, %dma_wait3A_72, %dma_wait3A_73] : memref<2x5x656xf32, #tpu.memory_space<vmem>> -> memref<1x5x656xf32, #tpu.memory_space<vmem>>
    %dma_wait3A_75 = tpu.memref_squeeze %dma_wait3A_74 : memref<1x5x656xf32, #tpu.memory_space<vmem>> -> memref<5x656xf32, #tpu.memory_space<vmem>>
    %dma_wait3A_76 = arith.constant 0 : i32
    %dma_wait3A_77 = tpu.memref_slice %arg6[%dma_wait3A_76, %dma_wait3A_69, %mul3A_2] : memref<5x8x20000xf32, #tpu.memory_space<hbm>> -> memref<5x1x656xf32, #tpu.memory_space<hbm>>
    %dma_wait3A_78 = tpu.memref_squeeze %dma_wait3A_77 : memref<5x1x656xf32, #tpu.memory_space<hbm>> -> memref<5x656xf32, #tpu.memory_space<hbm>>
    %dma_wait3A_79 = tpu.memref_slice %arg15[%dma_wait3A_70, %dma_wait3A_71] : memref<2x3x!tpu.dma_semaphore, #tpu.memory_space<semaphore_mem>> -> memref<1x1x!tpu.dma_semaphore, #tpu.memory_space<semaphore_mem>>
    %dma_wait3A_80 = tpu.memref_squeeze %dma_wait3A_79 : memref<1x1x!tpu.dma_semaphore, #tpu.memory_space<semaphore_mem>> -> memref<!tpu.dma_semaphore, #tpu.memory_space<semaphore_mem>>
    %dma_wait3A_81 = arith.constant 0 : i32
    %dma_wait3A_82 = tpu.memref_slice %arg6[%dma_wait3A_81, %dma_wait3A_69, %mul3A_2] : memref<5x8x20000xf32, #tpu.memory_space<hbm>> -> memref<5x1x656xf32, #tpu.memory_space<hbm>>
    %dma_wait3A_83 = tpu.memref_squeeze %dma_wait3A_82 : memref<5x1x656xf32, #tpu.memory_space<hbm>> -> memref<5x656xf32, #tpu.memory_space<hbm>>
    %dma_wait3A_84 = arith.constant 0 : i32
    %dma_wait3A_85 = arith.constant 0 : i32
    %dma_wait3A_86 = tpu.memref_slice %arg13[%dma_wait3A_68, %dma_wait3A_84, %dma_wait3A_85] : memref<2x5x656xf32, #tpu.memory_space<vmem>> -> memref<1x5x656xf32, #tpu.memory_space<vmem>>
    %dma_wait3A_87 = tpu.memref_squeeze %dma_wait3A_86 : memref<1x5x656xf32, #tpu.memory_space<vmem>> -> memref<5x656xf32, #tpu.memory_space<vmem>>
    tpu.wait_dma2 semaphore(%dma_wait3A_80 : memref<!tpu.dma_semaphore, #tpu.memory_space<semaphore_mem>>) src(%dma_wait3A_87 : memref<5x656xf32, #tpu.memory_space<vmem>>) dst(%dma_wait3A_83 : memref<5x656xf32, #tpu.memory_space<hbm>>)
    %dma_wait3A_88 = arith.constant 1 : i32
    %dma_wait3A_89 = arith.constant 7 : i32
    %dma_wait3A_90 = arith.constant 1 : i32
    %dma_wait3A_91 = arith.constant 0 : i32
    %dma_wait3A_92 = arith.constant 0 : i32
    %dma_wait3A_93 = tpu.memref_slice %arg11[%dma_wait3A_88, %dma_wait3A_92] : memref<2x656xf32, #tpu.memory_space<vmem>> -> memref<1x656xf32, #tpu.memory_space<vmem>>
    %dma_wait3A_94 = tpu.memref_squeeze %dma_wait3A_93 : memref<1x656xf32, #tpu.memory_space<vmem>> -> memref<656xf32, #tpu.memory_space<vmem>>
    %dma_wait3A_95 = tpu.memref_slice %arg4[%dma_wait3A_89, %mul3A_2] : memref<8x20000xf32, #tpu.memory_space<hbm>> -> memref<1x656xf32, #tpu.memory_space<hbm>>
    %dma_wait3A_96 = tpu.memref_squeeze %dma_wait3A_95 : memref<1x656xf32, #tpu.memory_space<hbm>> -> memref<656xf32, #tpu.memory_space<hbm>>
    %dma_wait3A_97 = tpu.memref_slice %arg15[%dma_wait3A_90, %dma_wait3A_91] : memref<2x3x!tpu.dma_semaphore, #tpu.memory_space<semaphore_mem>> -> memref<1x1x!tpu.dma_semaphore, #tpu.memory_space<semaphore_mem>>
    %dma_wait3A_98 = tpu.memref_squeeze %dma_wait3A_97 : memref<1x1x!tpu.dma_semaphore, #tpu.memory_space<semaphore_mem>> -> memref<!tpu.dma_semaphore, #tpu.memory_space<semaphore_mem>>
    %dma_wait3A_99 = tpu.memref_slice %arg4[%dma_wait3A_89, %mul3A_2] : memref<8x20000xf32, #tpu.memory_space<hbm>> -> memref<1x656xf32, #tpu.memory_space<hbm>>
    %dma_wait3A_100 = tpu.memref_squeeze %dma_wait3A_99 : memref<1x656xf32, #tpu.memory_space<hbm>> -> memref<656xf32, #tpu.memory_space<hbm>>
    %dma_wait3A_101 = arith.constant 0 : i32
    %dma_wait3A_102 = tpu.memref_slice %arg11[%dma_wait3A_88, %dma_wait3A_101] : memref<2x656xf32, #tpu.memory_space<vmem>> -> memref<1x656xf32, #tpu.memory_space<vmem>>
    %dma_wait3A_103 = tpu.memref_squeeze %dma_wait3A_102 : memref<1x656xf32, #tpu.memory_space<vmem>> -> memref<656xf32, #tpu.memory_space<vmem>>
    tpu.wait_dma2 semaphore(%dma_wait3A_98 : memref<!tpu.dma_semaphore, #tpu.memory_space<semaphore_mem>>) src(%dma_wait3A_103 : memref<656xf32, #tpu.memory_space<vmem>>) dst(%dma_wait3A_100 : memref<656xf32, #tpu.memory_space<hbm>>)
    %dma_wait3A_104 = arith.constant 1 : i32
    %dma_wait3A_105 = arith.constant 7 : i32
    %dma_wait3A_106 = arith.constant 1 : i32
    %dma_wait3A_107 = arith.constant 1 : i32
    %dma_wait3A_108 = arith.constant 0 : i32
    %dma_wait3A_109 = arith.constant 0 : i32
    %dma_wait3A_110 = tpu.memref_slice %arg12[%dma_wait3A_104, %dma_wait3A_108, %dma_wait3A_109] : memref<2x20x656xf32, #tpu.memory_space<vmem>> -> memref<1x20x656xf32, #tpu.memory_space<vmem>>
    %dma_wait3A_111 = tpu.memref_squeeze %dma_wait3A_110 : memref<1x20x656xf32, #tpu.memory_space<vmem>> -> memref<20x656xf32, #tpu.memory_space<vmem>>
    %dma_wait3A_112 = arith.constant 0 : i32
    %dma_wait3A_113 = tpu.memref_slice %arg5[%dma_wait3A_112, %dma_wait3A_105, %mul3A_2] : memref<20x8x20000xf32, #tpu.memory_space<hbm>> -> memref<20x1x656xf32, #tpu.memory_space<hbm>>
    %dma_wait3A_114 = tpu.memref_squeeze %dma_wait3A_113 : memref<20x1x656xf32, #tpu.memory_space<hbm>> -> memref<20x656xf32, #tpu.memory_space<hbm>>
    %dma_wait3A_115 = tpu.memref_slice %arg15[%dma_wait3A_106, %dma_wait3A_107] : memref<2x3x!tpu.dma_semaphore, #tpu.memory_space<semaphore_mem>> -> memref<1x1x!tpu.dma_semaphore, #tpu.memory_space<semaphore_mem>>
    %dma_wait3A_116 = tpu.memref_squeeze %dma_wait3A_115 : memref<1x1x!tpu.dma_semaphore, #tpu.memory_space<semaphore_mem>> -> memref<!tpu.dma_semaphore, #tpu.memory_space<semaphore_mem>>
    %dma_wait3A_117 = arith.constant 0 : i32
    %dma_wait3A_118 = tpu.memref_slice %arg5[%dma_wait3A_117, %dma_wait3A_105, %mul3A_2] : memref<20x8x20000xf32, #tpu.memory_space<hbm>> -> memref<20x1x656xf32, #tpu.memory_space<hbm>>
    %dma_wait3A_119 = tpu.memref_squeeze %dma_wait3A_118 : memref<20x1x656xf32, #tpu.memory_space<hbm>> -> memref<20x656xf32, #tpu.memory_space<hbm>>
    %dma_wait3A_120 = arith.constant 0 : i32
    %dma_wait3A_121 = arith.constant 0 : i32
    %dma_wait3A_122 = tpu.memref_slice %arg12[%dma_wait3A_104, %dma_wait3A_120, %dma_wait3A_121] : memref<2x20x656xf32, #tpu.memory_space<vmem>> -> memref<1x20x656xf32, #tpu.memory_space<vmem>>
    %dma_wait3A_123 = tpu.memref_squeeze %dma_wait3A_122 : memref<1x20x656xf32, #tpu.memory_space<vmem>> -> memref<20x656xf32, #tpu.memory_space<vmem>>
    tpu.wait_dma2 semaphore(%dma_wait3A_116 : memref<!tpu.dma_semaphore, #tpu.memory_space<semaphore_mem>>) src(%dma_wait3A_123 : memref<20x656xf32, #tpu.memory_space<vmem>>) dst(%dma_wait3A_119 : memref<20x656xf32, #tpu.memory_space<hbm>>)
    %dma_wait3A_124 = arith.constant 1 : i32
    %dma_wait3A_125 = arith.constant 7 : i32
    %dma_wait3A_126 = arith.constant 1 : i32
    %dma_wait3A_127 = arith.constant 2 : i32
    %dma_wait3A_128 = arith.constant 0 : i32
    %dma_wait3A_129 = arith.constant 0 : i32
    %dma_wait3A_130 = tpu.memref_slice %arg13[%dma_wait3A_124, %dma_wait3A_128, %dma_wait3A_129] : memref<2x5x656xf32, #tpu.memory_space<vmem>> -> memref<1x5x656xf32, #tpu.memory_space<vmem>>
    %dma_wait3A_131 = tpu.memref_squeeze %dma_wait3A_130 : memref<1x5x656xf32, #tpu.memory_space<vmem>> -> memref<5x656xf32, #tpu.memory_space<vmem>>
    %dma_wait3A_132 = arith.constant 0 : i32
    %dma_wait3A_133 = tpu.memref_slice %arg6[%dma_wait3A_132, %dma_wait3A_125, %mul3A_2] : memref<5x8x20000xf32, #tpu.memory_space<hbm>> -> memref<5x1x656xf32, #tpu.memory_space<hbm>>
    %dma_wait3A_134 = tpu.memref_squeeze %dma_wait3A_133 : memref<5x1x656xf32, #tpu.memory_space<hbm>> -> memref<5x656xf32, #tpu.memory_space<hbm>>
    %dma_wait3A_135 = tpu.memref_slice %arg15[%dma_wait3A_126, %dma_wait3A_127] : memref<2x3x!tpu.dma_semaphore, #tpu.memory_space<semaphore_mem>> -> memref<1x1x!tpu.dma_semaphore, #tpu.memory_space<semaphore_mem>>
    %dma_wait3A_136 = tpu.memref_squeeze %dma_wait3A_135 : memref<1x1x!tpu.dma_semaphore, #tpu.memory_space<semaphore_mem>> -> memref<!tpu.dma_semaphore, #tpu.memory_space<semaphore_mem>>
    %dma_wait3A_137 = arith.constant 0 : i32
    %dma_wait3A_138 = tpu.memref_slice %arg6[%dma_wait3A_137, %dma_wait3A_125, %mul3A_2] : memref<5x8x20000xf32, #tpu.memory_space<hbm>> -> memref<5x1x656xf32, #tpu.memory_space<hbm>>
    %dma_wait3A_139 = tpu.memref_squeeze %dma_wait3A_138 : memref<5x1x656xf32, #tpu.memory_space<hbm>> -> memref<5x656xf32, #tpu.memory_space<hbm>>
    %dma_wait3A_140 = arith.constant 0 : i32
    %dma_wait3A_141 = arith.constant 0 : i32
    %dma_wait3A_142 = tpu.memref_slice %arg13[%dma_wait3A_124, %dma_wait3A_140, %dma_wait3A_141] : memref<2x5x656xf32, #tpu.memory_space<vmem>> -> memref<1x5x656xf32, #tpu.memory_space<vmem>>
    %dma_wait3A_143 = tpu.memref_squeeze %dma_wait3A_142 : memref<1x5x656xf32, #tpu.memory_space<vmem>> -> memref<5x656xf32, #tpu.memory_space<vmem>>
    tpu.wait_dma2 semaphore(%dma_wait3A_136 : memref<!tpu.dma_semaphore, #tpu.memory_space<semaphore_mem>>) src(%dma_wait3A_143 : memref<5x656xf32, #tpu.memory_space<vmem>>) dst(%dma_wait3A_139 : memref<5x656xf32, #tpu.memory_space<hbm>>)
    return
  }
}

</mosaic_0001>

<sc_bundles>
// kernel: kernel.3.cloned.1.call-start
scs
__scs_entry_jumppad:
0x0: {  	(pc) =	sbr.rel $0x88, $3  }
0x1: {  	(tag) =	ssettag $0x0;
	lr =	simm.s32 $0x1  }
0x2: {  	[smem:$0x3F9F] =	sst lr;
	_ =	strace $0xD0000000  }
0x3: {  	_ = 	snop  }
0x4: {  	_ = 	snop  }
0x5: {  	_ = 	snop  }
0x6: {  	_ = 	snop  }
0x7: {  	_ = 	snop  }
__scs_overlays_trampoline_lowered:
0x8: {  	[smem:$0x3FAE] =	sst s0  }
0x9: {  	[smem:$0x3FAF] =	sst s1  }
0xa: {  	[smem:$0x3FB0] =	sst s2  }
0xb: {  	[smem:$0x3FB1] =	sst s3  }
0xc: {  	[smem:$0x3FB2] =	sst s4  }
0xd: {  	[smem:$0x3FB3] =	sst s5  }
0xe: {  	[smem:$0x3FB4] =	sst s6  }
0xf: {  	[smem:$0x3FB5] =	sst s7  }
0x10: {  	[smem:$0x3FB6] =	sst s8  }
0x11: {  	[smem:$0x3FB7] =	sst s9;
	s0 =	simm.s32 @!p0 $0x0  }
0x12: {  	s1 =	sld [smem:$0x3F9D];
	s0 =	simm.s32 @p0 $0x1  }
0x13: {  	[smem:$0x3FB8] =	sst s0;
	s0 =	simm.s32 @!p1 $0x0  }
0x14: {  	s2 =	sld [smem:$0x3F9C];
	s0 =	simm.s32 @p1 $0x1  }
0x15: {  	[smem:$0x3FB9] =	sst s0;
	s0 =	simm.s32 @!p2 $0x0  }
0x16: {  	s3 =	sld [smem:$0x3FDB];
	s0 =	simm.s32 @p2 $0x1  }
0x17: {  	s4 =	simm.s32 $0x1BF5;
	[smem:$0x3FBB] =	sst s0  }
0x18: {  	s0 =	sld [smem:$0x3F9E];
	_ =	swait.ge [sflag:s4], $0x0  }
0x19: {  	s7 =	sld [smem:$0x3F9F]  }
0x1a: {  	s8 =	sadd.s32 $0xFFFFE003, lr  }
0x1b: {  	s9 =	sadd.s32 $0xFFFFFEF7, lr;
	s5 =	simm.s32 $0xFFFFFFFF;
	p2 =	slt.u32 s8, $0xFFFFF086  }
0x1c: {  	p1 =	slt.u32 s9, $0xF7A;
	s5 =	simm.s32 @!p2 $0x0  }
0x1d: {  	s5 =	simm.s32 @p1 $0x1;
	p0 =	seq.s32 s7, s2  }
0x1e: {  	s7 =	smul.u32 @!p0 $0xF7A, s2;
	p2 =	seq.s32 @!p0 s5, $0x0  }
0x1f: {  	s9 =	smul.u32 $0xF7A, s1;
	s8 =	simm.s32 @!p0 $0x1BF5;
	p2 =	por !p2, p0  }
0x20: {  	[sflag:s8] =	ssyncset.s32 @!p0 $0xFFFFF086;
	s6 =	sadd.s32 @!p0 s3, s7;
	s7 =	simm.s32 @!p0 $0x108  }
0x21: {  	s3 =	sadd.s32 s3, s9;
	s6 =	sadd.s32 @!p0 $0x88, s6;
	s7 =	simm.s32 @p2 $0x1082  }
0x22: {  	[simem:s7], [sflag:s8] =	dma.local @!p0 [hbm:s6], $0xF7A  }
0x23: {  	s9 =	sor.u32 $0xD0000000, s2;
	s6 =	simm.s32 $0x108;
	_ =	swait.ge @!p0 [sflag:s8], $0x0  }
0x24: {  	s3 =	sadd.s32 $0x88, s3;
	s6 =	simm.s32 @!p1 $0x1082;
	[sflag:s4] =	ssyncset.s32 $0xFFFFF086  }
0x25: {  	[simem:s6], [sflag:s4] =	dma.local [hbm:s3], $0xF7A  }
0x26: {  	[smem:$0x3F9F] =	sst s1;
	(tag) =	ssettag s2;
	_ =	strace s9  }
0x27: {  	s1 =	sld [smem:$0x3FAF]  }
0x28: {  	s2 =	sld [smem:$0x3FB0]  }
0x29: {  	s4 =	sld [smem:$0x3FB2]  }
0x2a: {  	p0 =	seq.s32 s5, $0x0;
	s5 =	sld [smem:$0x3FB3]  }
0x2b: {  	s6 =	sld [smem:$0x3FB4]  }
0x2c: {  	s7 =	sld [smem:$0x3FB5]  }
0x2d: {  	s3 =	simm.s32 $0x108;
	s8 =	sld [smem:$0x3FB6]  }
0x2e: {  	s3 =	simm.s32 @!p0 $0x1082;
	s9 =	sld [smem:$0x3FB7]  }
0x2f: {  	lr =	sadd.s32 s0, s3;
	s0 =	sld [smem:$0x3FAE]  }
0x30: {  	s3 =	sld [smem:$0x3FB1]  }
0x31: {  	[smem:$0x3FBA] =	sst s10  }
0x32: {  	s10 =	sld [smem:$0x3FB8];
	_ =	sdelay $0x3  }
0x33: {  	p0 =	seq.s32 s10, $0x1;
	s10 =	sld [smem:$0x3FBA];
	_ =	sdelay $0x3  }
0x34: {  	[smem:$0x3FBA] =	sst s10  }
0x35: {  	s10 =	sld [smem:$0x3FB9];
	_ =	sdelay $0x3  }
0x36: {  	p1 =	seq.s32 s10, $0x1;
	s10 =	sld [smem:$0x3FBA];
	_ =	sdelay $0x3  }
0x37: {  	[smem:$0x3FBA] =	sst s10  }
0x38: {  	s10 =	sld [smem:$0x3FBB]  }
0x39: {  	_ = 	snop;
	(pc) =	sbr.ind lr, $3  }
0x3a: {  	_ = 	snop  }
0x3b: {  	_ = 	snop  }
0x3c: {  	p2 =	seq.s32 s10, $0x1;
	s10 =	sld [smem:$0x3FBA]  }
0x3d: {  	_ =	shalt  }
0x3e: {  	_ =	shalt  }
0x3f: {  	_ =	shalt  }
0x40: {  	_ =	shalt  }
0x41: {  	_ =	shalt  }
0x42: {  	_ =	shalt  }
0x43: {  	_ =	shalt  }
0x44: {  	_ =	shalt  }
0x45: {  	_ =	shalt  }
0x46: {  	_ =	shalt  }
0x47: {  	_ =	shalt  }
0x48: {  	_ =	shalt  }
0x49: {  	_ =	shalt  }
0x4a: {  	_ =	shalt  }
0x4b: {  	_ =	shalt  }
0x4c: {  	_ =	shalt  }
0x4d: {  	_ =	shalt  }
0x4e: {  	_ =	shalt  }
0x4f: {  	_ =	shalt  }
0x50: {  	_ =	shalt  }
0x51: {  	_ =	shalt  }
0x52: {  	_ =	shalt  }
0x53: {  	_ =	shalt  }
0x54: {  	_ =	shalt  }
0x55: {  	_ =	shalt  }
0x56: {  	_ =	shalt  }
0x57: {  	_ =	shalt  }
0x58: {  	_ =	shalt  }
0x59: {  	_ =	shalt  }
0x5a: {  	_ =	shalt  }
0x5b: {  	_ =	shalt  }
0x5c: {  	_ =	shalt  }
0x5d: {  	_ =	shalt  }
0x5e: {  	_ =	shalt  }
0x5f: {  	_ =	shalt  }
0x60: {  	_ =	shalt  }
0x61: {  	_ =	shalt  }
0x62: {  	_ =	shalt  }
0x63: {  	_ =	shalt  }
0x64: {  	_ =	shalt  }
0x65: {  	_ =	shalt  }
0x66: {  	_ =	shalt  }
0x67: {  	_ =	shalt  }
0x68: {  	_ =	shalt  }
0x69: {  	_ =	shalt  }
0x6a: {  	_ =	shalt  }
0x6b: {  	_ =	shalt  }
0x6c: {  	_ =	shalt  }
0x6d: {  	_ =	shalt  }
0x6e: {  	_ =	shalt  }
0x6f: {  	_ =	shalt  }
0x70: {  	_ =	shalt  }
0x71: {  	_ =	shalt  }
0x72: {  	_ =	shalt  }
0x73: {  	_ =	shalt  }
0x74: {  	_ =	shalt  }
0x75: {  	_ =	shalt  }
0x76: {  	_ =	shalt  }
0x77: {  	_ =	shalt  }
0x78: {  	_ =	shalt  }
0x79: {  	_ =	shalt  }
0x7a: {  	_ =	shalt  }
0x7b: {  	_ =	shalt  }
0x7c: {  	_ =	shalt  }
0x7d: {  	_ =	shalt  }
0x7e: {  	_ =	shalt  }
0x7f: {  	_ =	shalt  }
0x80: {  	_ =	shalt  }
0x81: {  	_ =	shalt  }
0x82: {  	_ =	shalt  }
0x83: {  	_ =	shalt  }
0x84: {  	_ =	shalt  }
0x85: {  	_ =	shalt  }
0x86: {  	_ =	shalt  }
0x87: {  	_ =	shalt  }
.Lfunc_end0:
.L_simem_size_0:
called_computation_lowered:
.L_overlay_start_0:
0x88: {  	s2 =	sld [smem:$0x3FD9]  }
0x89: {  	s3 =	sld [smem:$0x3FFE];
	_ =	sdelay $0x1  }
0x8a: {  	s1 =	srdreg.scid  }
0x8b: {  	s0 =	sand.u32 $0x1, s1  }
0x8c: {  	s14 =	sshll.u32 s0, $0xA;
	s2 =	sadd.s32 s3, s2  }
0x8d: {  	s2 =	sadd.s32 s2, s14  }
0x8e: {  	[smem:$0x3FC6] =	sst s2  }
0x8f: {  	_ = 	snop  }
0x90: {  	s2 =	sld [smem:$0x3FD0];
	_ =	sdelay $0x2  }
0x91: {  	s15 =	simm.s32 $0xA;
	s4 =	simm.s32 $0x10  }
0x92: {  	[smem:s4], [sflag:s15] =	dma.local [hbm:s2], $0x1  }
0x93: {  	_ =	swait.eq [sflag:s15], $0x1  }
0x94: {  	s16 =	sld [smem:$0x10];
	[sflag:s15] =	ssyncset.done $0x0  }
0x95: {  	s17 =	sld [smem:$0x11];
	[sflag:s15] =	ssyncadd.s32 $0xFFFFFFFF  }
0x96: {  	s18 =	sld [smem:$0x12];
	(tm) =	ssettm $0x1  }
0x97: {  	s5 =	sld [smem:$0x3FFB];
	_ =	sdelay $0x3  }
0x98: {  	_ =	strace s5  }
0x99: {  	s5 =	sld [smem:$0x3FFC];
	_ =	sdelay $0x3  }
0x9a: {  	_ =	strace s5  }
0x9b: {  	s5 =	sld [smem:$0x3FFD];
	_ =	sdelay $0x3  }
0x9c: {  	_ =	strace s5  }
0x9d: {  	_ =	strace $0x8FFFFFFF  }
0x9e: {  	s19 =	sld [smem:$0x3FDB];
	_ =	sdelay $0x1  }
0x9f: {  	s6 =	simm.s32 $_scs_section_size  }
0xa0: {  	s7 =	simm.s32 $_size__tile_overlayer_lowered;
	s8 =	simm.s32 $_tile_overlayer_lowered  }
0xa1: {  	s22 =	simm.s32 $0x1BFF;
	s21 =	sshll.u32 s8, $0x1;
	s5 =	sadd.s32 s6, s19  }
0xa2: {  	s9 =	simm.s32 $0x0;
	s20 =	sshll.u32 s7, $0x1;
	s7 =	sadd.s32 s21, s5  }
0xa3: {  	[timem:s9], [sflag:s22] =	dma.local [hbm:s7], s20  }
0xa4: {  	_ =	swait.ge [sflag:s22], s20  }
0xa5: {  	s6 =	ssub.s32 $0x0, s20;
	[sflag:s22] =	ssyncset.done $0x0  }
0xa6: {  	[sflag:s22] =	ssyncadd.s32 s6;
	_ =	sdelay $0x1  }
0xa7: {  	s23 =	simm.s32 $0x1B8B  }
0xa8: {  	_ =	swait.ge [sflag:s23], $0x1  }
0xa9: {  	[sflag:s23] =	ssyncset.done $0x0  }
0xaa: {  	s25 =	simm.s32 $0x1B8E;
	s24 =	sld [smem:$0x3FFE];
	[sflag:s23] =	ssyncadd.s32 $0xFFFFFFFF  }
0xab: {  	s26 =	simm.s32 $execute0_lowered;
	[smem:$0x3FD2] =	sst s25  }
0xac: {  	s7 =	sshll.u32 s26, $0x1;
	_ =	strace $0x80000046;
	[dreg:$0x1] =	wrdreg $0xFFFFFFFF  }
0xad: {  	s28 =	simm.s32 $_size_execute0_lowered;
	s5 =	sadd.s32 s5, s7;
	[dreg:$0x0] =	wrdreg $0x0  }
0xae: {  	s7 =	sshll.u32 s28, $0x1;
	[dreg:$0x2] =	wrdreg s5  }
0xaf: {  	[dreg:$0x3] =	wrdreg s7  }
0xb0: {  	[dreg:$0x4] =	wrdreg $0xC0  }
0xb1: {  	_ =	task [dreg:s9], $0x5FFFF  }
0xb2: {  	[dreg:$0x1] =	wrdreg $0xFFFFFFFF  }
0xb3: {  	[dreg:$0x0] =	wrdreg $0x60  }
0xb4: {  	[dreg:$0x2] =	wrdreg s24  }
0xb5: {  	[dreg:$0x3] =	wrdreg s16  }
0xb6: {  	[dreg:$0x4] =	wrdreg s17  }
0xb7: {  	[dreg:$0x5] =	wrdreg s18  }
0xb8: {  	[dreg:$0x6] =	wrdreg $0x9  }
0xb9: {  	_ =	task.clear_ibuf [dreg:s9], $0x7FFFF;
	_ =	strace $0x90000046  }
0xba: {  	s29 =	simm.s32 $0x9;
	_ =	strace $0x80000048  }
0xbb: {  	_ =	swait.ge [sflag:s29], $0x1  }
0xbc: {  	[sflag:s29] =	ssyncadd.s32 $0xFFFFFFFF  }
0xbd: {  	_ =	strace $0x90000048  }
0xbe: {  	_ =	sfence  }
0xbf: {  	s30 =	sld [smem:$0x0];
	_ =	sdelay $0x2  }
0xc0: {  	s31 =	sshll.u32 s1, $0xD;
	s1 =	sshrl.u32 s1, $0x2  }
0xc1: {  	s3 =	sand.u32 $0x4000, s31;
	s1 =	sadd.s32 s1, s30  }
0xc2: {  	s0 =	sor.u32 s3, s0;
	s1 =	sshll.u32 s1, $0x11  }
0xc3: {  	s0 =	sor.u32 s1, s0  }
0xc4: {  	s0 =	sadd.s32 $0x8F2B, s0  }
0xc5: {  	[sflag:s0] =	ssyncadd.remote.s32 $0x1  }
0xc6: {  	_ =	sfence.sel $0xFFFF  }
0xc7: {  	[dreg:$0x0] =	wrdreg $0xFFFFFFFF;
	(pc) =	sbr.abs _section_cstart, $3  }
0xc8: {  	[dreg:$0x1] =	wrdreg $0xFFFFFFFF  }
0xc9: {  	_ =	task.clear_ibuf [dreg:s9], $0x2FFFF;
	_ =	strace $0x9FFFFFFF  }
0xca: {  	(tm) =	ssettm $0x7FFFFFFF  }
0xcb: {  	_ =	shalt  }
tec
execute0_lowered:
.L_overlay_start_1:
0x0: {  	(tag) =	ssettag $0x1  }
0x1: {  	s1 =	srdreg.scid;
	s2 =	stileid.u32  }
0x2: {  	s1 =	sand.u32 $0x1, s1;
	s2 =	sshll.u32 s2, $0x1  }
0x3: {  	s0 =	rddreg [dreg:$0x0];
	s2 =	sor.u32 s1, s2  }
0x4: {  	s3 =	simm.s32 $0x0;
	s13 =	simm.s32 $0x1710;
	s2 =	smul.u32 $0x270, s2  }
0x5: {  	s14 =	simm.s32 $0x2C10;
	[smem:$0x7FF] =	sst s3;
	s1 =	ssub.s32 $0x2, s1  }
0x6: {  	v0 =	vlaneseq.u32;
	_ =	strace $0x80000047;
	[dreg:$0x5] =	wrdreg s2;
	s2 =	sshrl.u32 s2, $0x3  }
0x7: {  	v5 =	vshrl.u32 v0, $0x3;
	s28 =	sshrl.u32 s1, $0x1;
	s2 =	sadd.s32 s2, s0;
	s0 =	sadd.s32 $0x3200, s0  }
0x8: {  	v0 =	vmul.u32 $0x8, v5;
	s29 =	ssub.s32 s1, s28;
	[dreg:$0x6] =	wrdreg s0;
	s30 =	sadd.s32 $0xA00, s2  }
0x9: {  	s31 =	simm.s32 $0x0;
	s0 =	smax.u32 s29, $0x1;
	[dreg:$0x7] =	wrdreg s30  }
0xa: {  	v1 =	vimm.s32 $0xFFFFFF81;
	v2 =	vimm.s32 $0x0;
	v3 =	vimm.f32 $0.0e+00;
	s3 =	simm.s32 $0x0;
	[tilespmem:$0x1FFF0] =	vst v0;
	s2 =	simm.s32 $0x290;
	[dreg:$0x8] =	wrdreg s0  }
.LBB2_1:
0xb: {  	[dreg:$0x9] =	wrdreg s3;
	s1 =	simm.s32 $0x0  }
0xc: {  	s0 =	rddreg [dreg:$0x7];
	s28 =	simm.s32 $0x4E20;
	s29 =	simm.s32 $0x7  }
0xd: {  	[tilespmem:s1], [sflag:$0x7] =	stream.strided.gather [hbm4b:s0+s2], $0xA40, s28, s2, $0x38;
	[tilespmem:$0xCB70] =	vst v63  }
0xe: {  	_ =	swait.ge [sflag:s29], $0xA40  }
0xf: {  	[sflag:s29] =	ssyncset.done $0x0  }
0x10: {  	[sflag:s29] =	ssyncadd.s32 $0xFFFFF5C0  }
0x11: {  	s30 =	rddreg [dreg:$0x1]  }
0x12: {  	[tilespmem:s13], [sflag:$0x7] =	stream.linear.gather [hbm4b:s30+s1], $0x1500, $0x38;
	[tilespmem:$0xCB70] =	vst v63  }
0x13: {  	_ =	swait.ge [sflag:s29], $0x1500  }
0x14: {  	[sflag:s29] =	ssyncset.done $0x0  }
0x15: {  	s0 =	simm.s32 $0x0;
	[sflag:s29] =	ssyncadd.s32 $0xFFFFEB00  }
0x16: {  	v6 =	vld [tilespmem:s0+$0x290]  }
0x17: {  	v7 =	vld [tilespmem:s0+$0x7B0]  }
0x18: {  	v8 =	vld [tilespmem:s0+$0x520]  }
0x19: {  	v9 =	vld [tilespmem:s0+$0x0];
	_ =	sdelay $0x2  }
0x1a: {  	v7 =	vsub.f32 v7, v6;
	_ =	sdelay $0x1  }
0x1b: {  	v8 =	vsub.f32 v8, v9;
	v12 =	vmax.f32 v7, $1.000000000e+00  }
0x1c: {  	v10 =	vand.u32 $0x7FFFFF, v12  }
0x1d: {  	v13 =	vmax.f32 v8, $1.000000000e+00;
	v10 =	vor.u32 $0x3F800000, v10  }
0x1e: {  	v14 =	vand.u32 $0x7FFFFF, v13;
	v11 =	vmul.f32 $5.000000000e-01, v10  }
0x1f: {  	v14 =	vor.u32 $0x3F800000, v14;
	vm0 =	vgt.f32 v10, $1.414213540e+00  }
0x20: {  	v15 =	vsel vm0, v11, v10;
	v10 =	vmul.f32 $5.000000000e-01, v14  }
0x21: {  	vm1 =	vgt.f32 v14, $1.414213540e+00;
	v11 =	vadd.f32 $1.000000000e+00, v15  }
0x22: {  	v7 =	vmul.f32 v7, v8;
	v14 =	vsel vm1, v10, v14  }
0x23: {  	(erf) = vrcp.f32 v11;
	v8 =	vadd.f32 $1.000000000e+00, v14  }
0x24: {  	s1 =	simm.s32 $0x10;
	[tilespmem:s0+$0xA40] =	vst v7  }
0x25: {  	v16 =	vld [tilespmem:s1+$0x520];
	(erf) = vrcp.f32 v8  }
0x26: {  	v17 =	vld [tilespmem:s1+$0x7B0]  }
0x27: {  	v7 =	vshrl.u32 v13, $0x17;
	v11 =	vld [tilespmem:s1+$0x290];
	v8 =	vsel vm1, $0xFFFFFF82, v1  }
0x28: {  	v10 =	vld [tilespmem:s1+$0x0];
	v7 =	vadd.s32 v7, v8;
	v8 =	vmul.f32 $5.000000000e-01, v13  }
0x29: {  	v18 =	vmul.f32 $5.000000000e-01, v12  }
0x2a: {  	v12 =	vshrl.u32 v12, $0x17;
	v13 =	vsel vm0, $0xFFFFFF82, v1;
	v9 =	vadd.f32 v8, v9  }
0x2b: {  	v15 =	vadd.f32 $-1.000000000e+00, v15;
	v8 =	vadd.s32 v12, v13  }
0x2c: {  	v12 =	vadd.f32 v18, v6;
	v18 =	vsub.f32 v17, v11;
	v9 =	vtrunc.f32 v9;
	v19 =	vpop (erf)  }
0x2d: {  	v6 =	vmul.f32 v19, v15;
	v15 =	vadd.f32 $-1.000000000e+00, v14;
	v19 =	vsub.f32 v16, v10  }
0x2e: {  	v7 =	vcvt.s32.f32 v7;
	v14 =	vcvt.f32.s32 v9;
	v16 =	vmax.f32 v18, $1.000000000e+00;
	v17 =	vpop (erf)  }
0x2f: {  	v21 =	vand.u32 $0x7FFFFF, v16;
	v9 =	vmul.f32 v17, v15;
	v17 =	vmax.f32 v19, $1.000000000e+00  }
0x30: {  	v13 =	vmul.f32 v6, v6;
	v21 =	vor.u32 $0x3F800000, v21;
	v22 =	vand.u32 $0x7FFFFF, v17  }
0x31: {  	v18 =	vmul.f32 v18, v19;
	v19 =	vor.u32 $0x3F800000, v22;
	v22 =	vmul.f32 $5.000000000e-01, v21  }
0x32: {  	vm14 =	vgt.f32 v21, $1.414213540e+00;
	v20 =	vmul.f32 $1.111111120e-01, v13;
	v15 =	vmul.f32 v9, v9  }
0x33: {  	v24 =	vmul.f32 $5.000000000e-01, v19;
	vm15 =	vgt.f32 v19, $1.414213540e+00;
	v21 =	vsel vm14, v22, v21  }
0x34: {  	v23 =	vmul.f32 $1.111111120e-01, v15;
	v25 =	vadd.f32 $1.428571490e-01, v20;
	v22 =	vadd.f32 $1.000000000e+00, v21  }
0x35: {  	v12 =	vtrunc.f32 v12;
	v63 =	vsel vm14, $0xFFFFFF82, v1;
	v20 =	vsel vm15, v24, v19  }
0x36: {  	v23 =	vadd.f32 $1.428571490e-01, v23;
	v61 =	vmul.f32 v25, v13;
	(erf) = vrcp.f32 v22  }
0x37: {  	v62 =	vsel vm15, $0xFFFFFF82, v1;
	v19 =	vshrl.u32 v17, $0x17;
	v22 =	vadd.f32 $1.000000000e+00, v20  }
0x38: {  	v19 =	vadd.s32 v19, v62;
	v23 =	vmul.f32 v23, v15;
	v24 =	vadd.f32 $2.000000030e-01, v61  }
0x39: {  	v19 =	vcvt.s32.f32 v19;
	(erf) = vrcp.f32 v22;
	v22 =	vshrl.u32 v16, $0x17  }
0x3a: {  	s2 =	simm.s32 $0x80;
	[tilespmem:s1+$0xA40] =	vst v18;
	v18 =	vadd.s32 v22, v63;
	v22 =	vadd.f32 $2.000000030e-01, v23;
	v23 =	vmul.f32 v24, v13  }
.LBB2_2:
0x3b: {  	s3 =	sshra.s32 s2, $0x2;
	p0 =	sne.s32 s2, $0xA00;
	s2 =	sadd.s32 $0x40, s2;
	v17 =	vmul.f32 $5.000000000e-01, v17;
	v16 =	vmul.f32 $5.000000000e-01, v16  }
0x3c: {  	v0 =	vcvt.s32.f32 v14;
	v12 =	vcvt.f32.s32 v12;
	v24 =	vld [tilespmem:s3+$0x520];
	v23 =	vadd.f32 $3.333333430e-01, v23  }
0x3d: {  	v26 =	vmul.f32 $6.931471820e-01, v7;
	v7 =	vmovc v19;
	v22 =	vmul.f32 v22, v15;
	v25 =	vld [tilespmem:s3+$0x290];
	v17 =	vadd.f32 v17, v10  }
0x3e: {  	v11 =	vadd.f32 v16, v11;
	v16 =	vadd.f32 $-1.000000000e+00, v21;
	v19 =	vld [tilespmem:s3+$0x7B0];
	[tilespmem:s0+$0xCD0] =	vst v0;
	v21 =	vmul.f32 v23, v13  }
0x3f: {  	v22 =	vadd.f32 $3.333333430e-01, v22;
	v10 =	vld [tilespmem:s3+$0x0];
	v13 =	vtrunc.f32 v17;
	v14 =	vpop (erf);
	v17 =	vcvt.s32.f32 v12  }
0x40: {  	v12 =	vtrunc.f32 v11;
	v23 =	vmul.f32 v14, v16  }
0x41: {  	v0 =	vadd.f32 $-1.000000000e+00, v20;
	v14 =	vcvt.f32.s32 v13;
	v15 =	vmul.f32 v22, v15;
	[tilespmem:s0+$0xF60] =	vst v17  }
0x42: {  	v20 =	vcvt.s32.f32 v8;
	v22 =	vadd.f32 v9, v9;
	v13 =	vmul.f32 v23, v23;
	v16 =	vpop (erf)  }
0x43: {  	v8 =	vmovc v18;
	v11 =	vmovc v25;
	v17 =	vsub.f32 v19, v25;
	v9 =	vmul.f32 v16, v0;
	v19 =	vadd.f32 $1.000000000e+00, v21  }
0x44: {  	v18 =	vsub.f32 v24, v10;
	v21 =	vmul.f32 $1.111111120e-01, v13;
	v24 =	vadd.f32 $1.000000000e+00, v15  }
0x45: {  	v25 =	vadd.f32 v6, v6;
	v6 =	vmovc v23;
	v16 =	vmax.f32 v17, $1.000000000e+00;
	v15 =	vmul.f32 v9, v9  }
0x46: {  	v23 =	vmul.f32 v17, v18;
	v17 =	vmax.f32 v18, $1.000000000e+00;
	v18 =	vand.u32 $0x7FFFFF, v16  }
0x47: {  	v27 =	vand.u32 $0x7FFFFF, v17;
	v18 =	vor.u32 $0x3F800000, v18;
	v28 =	vmul.f32 $1.111111120e-01, v15  }
0x48: {  	v19 =	vmul.f32 v19, v25;
	[tilespmem:s3+$0xA40] =	vst v23;
	v23 =	vor.u32 $0x3F800000, v27;
	v27 =	vmul.f32 $5.000000000e-01, v18  }
0x49: {  	v29 =	vadd.f32 $1.428571490e-01, v21;
	vm0 =	vgt.f32 v18, $1.414213540e+00;
	v25 =	vmul.f32 $5.000000000e-01, v23  }
0x4a: {  	vm1 =	vgt.f32 v23, $1.414213540e+00;
	v21 =	vsel vm0, v27, v18;
	v18 =	vmul.f32 $6.931471820e-01, v20  }
0x4b: {  	v28 =	vadd.f32 $1.428571490e-01, v28;
	v27 =	vshrl.u32 v17, $0x17;
	v30 =	vadd.f32 $1.000000000e+00, v21  }
0x4c: {  	v22 =	vmul.f32 v24, v22;
	v20 =	vsel vm1, v25, v23;
	v23 =	vmul.f32 v29, v13  }
.Ltmp0:
0x4d: {  	v24 =	vsel vm1, $0xFFFFFF82, v1;
	v18 =	vadd.f32 v19, v18;
	(erf) = vrcp.f32 v30;
	(pc) =	sbr.rel @p0 .LBB2_2-.Ltmp0, $4  }
0x4e: {  	v22 =	vadd.f32 v22, v26;
	v28 =	vmul.f32 v28, v15;
	v25 =	vadd.f32 $1.000000000e+00, v20  }
0x4f: {  	v19 =	vadd.s32 v27, v24;
	v24 =	vsel vm0, $0xFFFFFF82, v1;
	v23 =	vadd.f32 $2.000000030e-01, v23;
	[tilespmem:s0+$0x1480] =	vst v18  }
0x50: {  	v19 =	vcvt.s32.f32 v19;
	v18 =	vshrl.u32 v16, $0x17;
	(erf) = vrcp.f32 v25;
	[tilespmem:s0+$0x11F0] =	vst v22;
	s0 =	smov.u32 s1;
	s1 =	smov.u32 s3  }
0x51: {  	v23 =	vmul.f32 v23, v13;
	v18 =	vadd.s32 v18, v24;
	v22 =	vadd.f32 $2.000000030e-01, v28  }
0x52: {  	_ =	sdelay $0x4  }
0x53: {  	v21 =	vadd.f32 $-1.000000000e+00, v21  }
0x54: {  	v20 =	vadd.f32 $-1.000000000e+00, v20;
	v24 =	vpop (erf)  }
0x55: {  	v21 =	vmul.f32 v24, v21;
	v42 =	vpop (erf)  }
0x56: {  	v20 =	vmul.f32 v42, v20  }
0x57: {  	v43 =	vmul.f32 v21, v21  }
0x58: {  	v17 =	vmul.f32 $5.000000000e-01, v17;
	v25 =	vmul.f32 v20, v20  }
0x59: {  	v16 =	vmul.f32 $5.000000000e-01, v16;
	v26 =	vmul.f32 $1.111111120e-01, v43  }
0x5a: {  	v14 =	vcvt.s32.f32 v14;
	v23 =	vadd.f32 $3.333333430e-01, v23;
	v44 =	vmul.f32 $1.111111120e-01, v25  }
0x5b: {  	v12 =	vcvt.f32.s32 v12;
	v7 =	vmul.f32 $6.931471820e-01, v7;
	v46 =	vadd.f32 $1.428571490e-01, v26  }
0x5c: {  	v8 =	vcvt.s32.f32 v8;
	v13 =	vmul.f32 v23, v13;
	v23 =	vadd.f32 $1.428571490e-01, v44  }
0x5d: {  	v6 =	vadd.f32 v6, v6;
	v55 =	vcvt.s32.f32 v18;
	v47 =	vmul.f32 v46, v43  }
0x5e: {  	v22 =	vmul.f32 v22, v15;
	v10 =	vadd.f32 v17, v10;
	v48 =	vmul.f32 v23, v25  }
0x5f: {  	v57 =	vmul.f32 $6.931471820e-01, v19;
	v11 =	vadd.f32 v16, v11;
	v17 =	vadd.f32 $2.000000030e-01, v47  }
0x60: {  	v12 =	vcvt.s32.f32 v12;
	v22 =	vadd.f32 $3.333333430e-01, v22;
	v16 =	vadd.f32 $2.000000030e-01, v48  }
0x61: {  	v9 =	vadd.f32 v9, v9;
	v8 =	vmul.f32 $6.931471820e-01, v8;
	v17 =	vmul.f32 v17, v43  }
0x62: {  	v45 =	vmul.f32 v22, v15;
	v13 =	vadd.f32 $1.000000000e+00, v13;
	v16 =	vmul.f32 v16, v25  }
0x63: {  	v10 =	vtrunc.f32 v10;
	v11 =	vtrunc.f32 v11;
	v49 =	vadd.f32 $3.333333430e-01, v17  }
0x64: {  	v15 =	vadd.f32 $1.000000000e+00, v45;
	v6 =	vmul.f32 v13, v6;
	v50 =	vadd.f32 $3.333333430e-01, v16  }
0x65: {  	v10 =	vcvt.f32.s32 v10;
	v56 =	vadd.f32 v21, v21;
	v52 =	vmul.f32 v49, v43  }
0x66: {  	v9 =	vmul.f32 v15, v9;
	v6 =	vadd.f32 v6, v8;
	v54 =	vmul.f32 v50, v25  }
0x67: {  	[tilespmem:s0+$0xCD0] =	vst v14;
	v51 =	vcvt.s32.f32 v10;
	v58 =	vadd.f32 v20, v20;
	v10 =	vadd.f32 $1.000000000e+00, v52  }
0x68: {  	[tilespmem:s0+$0xF60] =	vst v12;
	v53 =	vcvt.f32.s32 v11;
	v7 =	vadd.f32 v9, v7;
	v11 =	vadd.f32 $1.000000000e+00, v54  }
0x69: {  	v60 =	vmul.f32 $6.931471820e-01, v55;
	[tilespmem:s0+$0x1480] =	vst v6;
	v59 =	vmul.f32 v10, v56  }
0x6a: {  	v61 =	vcvt.s32.f32 v53;
	[tilespmem:s0+$0x11F0] =	vst v7;
	v62 =	vmul.f32 v11, v58  }
0x6b: {  	[tilespmem:s1+$0xCD0] =	vst v51;
	v6 =	vadd.f32 v59, v60  }
0x6c: {  	[tilespmem:s1+$0xF60] =	vst v61;
	v63 =	vadd.f32 v62, v57  }
0x6d: {  	[tilespmem:s1+$0x1480] =	vst v6  }
0x6e: {  	s2 =	simm.s32 $0x1710;
	s0 =	simm.s32 $0x0;
	[tilespmem:s1+$0x11F0] =	vst v63;
	s1 =	simm.s32 $0x2C10  }
.LBB2_4:
0x6f: {  	v6 =	vmov s2;
	_ =	sdelay $0x3  }
0x70: {  	s3 =	simm.s32 $0x0  }
0x71: {  	v7 =	vld.idx.msk [tilespmem:v6+s3+$0x150 ss:$0x1], $0xffff  }
0x72: {  	v9 =	vld.idx.msk [tilespmem:v6+s3+$0x70 ss:$0x1], $0xffff  }
0x73: {  	v10 =	vld.idx.msk [tilespmem:v6+s3+$0x0 ss:$0x1], $0xffff  }
0x74: {  	v8 =	vld.idx.msk [tilespmem:v6+s3+$0xE0 ss:$0x1], $0xffff;
	_ =	sdelay $0x3  }
0x75: {  	v11 =	vsub.f32 v7, v9  }
0x76: {  	v8 =	vsub.f32 v8, v10  }
0x77: {  	v12 =	vmax.f32 v11, $1.000000000e+00  }
0x78: {  	v13 =	vmax.f32 v8, $1.000000000e+00;
	v7 =	vand.u32 $0x7FFFFF, v12  }
0x79: {  	v14 =	vand.u32 $0x7FFFFF, v13;
	v7 =	vor.u32 $0x3F800000, v7  }
0x7a: {  	v14 =	vor.u32 $0x3F800000, v14;
	v15 =	vmul.f32 $5.000000000e-01, v7  }
0x7b: {  	vm0 =	vgt.f32 v7, $1.414213540e+00;
	v16 =	vmul.f32 $5.000000000e-01, v14  }
0x7c: {  	vm1 =	vgt.f32 v14, $1.414213540e+00;
	v7 =	vsel vm0, v15, v7  }
0x7d: {  	v14 =	vsel vm1, v16, v14;
	v15 =	vadd.f32 $1.000000000e+00, v7  }
0x7e: {  	v16 =	vadd.f32 $1.000000000e+00, v14  }
0x7f: {  	(erf) = vrcp.f32 v15  }
0x80: {  	(erf) = vrcp.f32 v16;
	_ =	sdelay $0x4  }
0x81: {  	v7 =	vadd.f32 $-1.000000000e+00, v7;
	_ =	sdelay $0x2  }
0x82: {  	v14 =	vadd.f32 $-1.000000000e+00, v14;
	v15 =	vpop (erf)  }
0x83: {  	v15 =	vmul.f32 v15, v7;
	v7 =	vpop (erf)  }
0x84: {  	v14 =	vmul.f32 v7, v14;
	_ =	sdelay $0x1  }
0x85: {  	v58 =	vmul.f32 v15, v15;
	v17 =	vmul.f32 v14, v14;
	_ =	sdelay $0x1  }
0x86: {  	v7 =	vmul.f32 $1.111111120e-01, v58;
	v18 =	vmul.f32 $1.111111120e-01, v17;
	_ =	sdelay $0x1  }
0x87: {  	v7 =	vadd.f32 $1.428571490e-01, v7;
	v18 =	vadd.f32 $1.428571490e-01, v18;
	_ =	sdelay $0x1  }
0x88: {  	v7 =	vmul.f32 v7, v58;
	v18 =	vmul.f32 v18, v17;
	_ =	sdelay $0x1  }
0x89: {  	v11 =	vmul.f32 v11, v8;
	v7 =	vadd.f32 $2.000000030e-01, v7;
	v18 =	vadd.f32 $2.000000030e-01, v18  }
0x8a: {  	v59 =	vshrl.u32 v13, $0x17;
	v60 =	vmul.f32 $5.000000000e-01, v12;
	v13 =	vmul.f32 $5.000000000e-01, v13  }
0x8b: {  	v19 =	vmul.f32 v7, v58;
	v8 =	vmul.f32 v18, v17  }
0x8c: {  	v12 =	vshrl.u32 v12, $0x17;
	v10 =	vadd.f32 v13, v10;
	v61 =	vsel vm0, $0xFFFFFF82, v1  }
0x8d: {  	v12 =	vadd.s32 v12, v61;
	v19 =	vadd.f32 $3.333333430e-01, v19;
	v8 =	vadd.f32 $3.333333430e-01, v8  }
0x8e: {  	v20 =	vsel vm1, $0xFFFFFF82, v1;
	v12 =	vcvt.s32.f32 v12;
	v7 =	vmov s1  }
0x8f: {  	v18 =	vadd.s32 v59, v20;
	v16 =	vmul.f32 v19, v58;
	v8 =	vmul.f32 v8, v17  }
0x90: {  	v15 =	vadd.f32 v15, v15;
	v14 =	vadd.f32 v14, v14;
	v18 =	vcvt.s32.f32 v18  }
0x91: {  	v16 =	vadd.f32 $1.000000000e+00, v16;
	v17 =	vadd.f32 $1.000000000e+00, v8  }
0x92: {  	v9 =	vadd.f32 v60, v9;
	v12 =	vmul.f32 $6.931471820e-01, v12;
	v63 =	vmul.f32 $6.931471820e-01, v18  }
0x93: {  	v8 =	vld.idx.msk [tilespmem:v6+s3+$0x1C0 ss:$0x1], $0xffff;
	[tilespmem:v7+s3+$0x0 ss:$0x1] =	vst.idx.msk $0xffff, v11;
	v62 =	vmul.f32 v16, v15;
	v11 =	vmul.f32 v17, v14  }
0x94: {  	[tilespmem:v7+s3+$0x70 ss:$0x1] =	vst.idx.msk $0xffff, v10  }
0x95: {  	s4 =	simm.s32 $0x40;
	[tilespmem:v7+s3+$0xE0 ss:$0x1] =	vst.idx.msk $0xffff, v9;
	v9 =	vadd.f32 v62, v12;
	v10 =	vadd.f32 v11, v63  }
.LBB2_5:
0x96: {  	p0 =	sne.s32 s4, $0x180;
	s5 =	smov.u32 s4;
	s4 =	sadd.s32 $0x40, s4  }
0x97: {  	[tilespmem:v7+s3+$0x150 ss:$0x1] =	vst.idx.msk $0xffff, v10  }
0x98: {  	[tilespmem:v7+s3+$0x1C0 ss:$0x1] =	vst.idx.msk $0xffff, v9  }
0x99: {  	[tilespmem:v7+s3+$0x230 ss:$0x1] =	vst.idx.msk $0xffff, v8;
	s3 =	sshra.s32 s5, $0x2  }
0x9a: {  	v8 =	vld.idx.msk [tilespmem:v6+s3+$0x150 ss:$0x1], $0xffff  }
0x9b: {  	v9 =	vld.idx.msk [tilespmem:v6+s3+$0x70 ss:$0x1], $0xffff  }
0x9c: {  	v10 =	vld.idx.msk [tilespmem:v6+s3+$0x0 ss:$0x1], $0xffff  }
0x9d: {  	v11 =	vld.idx.msk [tilespmem:v6+s3+$0xE0 ss:$0x1], $0xffff;
	_ =	sdelay $0x3  }
0x9e: {  	v8 =	vsub.f32 v8, v9;
	_ =	sdelay $0x1  }
0x9f: {  	v11 =	vsub.f32 v11, v10;
	v12 =	vmax.f32 v8, $1.000000000e+00  }
0xa0: {  	v13 =	vmul.f32 $5.000000000e-01, v12;
	v14 =	vand.u32 $0x7FFFFF, v12  }
0xa1: {  	v15 =	vmul.f32 v8, v11;
	v11 =	vmax.f32 v11, $1.000000000e+00;
	v14 =	vor.u32 $0x3F800000, v14  }
0xa2: {  	v16 =	vshrl.u32 v11, $0x17;
	v17 =	vand.u32 $0x7FFFFF, v11;
	v18 =	vmul.f32 $5.000000000e-01, v14;
	v8 =	vld.idx.msk [tilespmem:v6+s3+$0x1C0 ss:$0x1], $0xffff  }
0xa3: {  	v12 =	vshrl.u32 v12, $0x17;
	vm0 =	vgt.f32 v14, $1.414213540e+00;
	[tilespmem:v7+s3+$0x0 ss:$0x1] =	vst.idx.msk $0xffff, v15;
	v15 =	vor.u32 $0x3F800000, v17  }
0xa4: {  	v14 =	vsel vm0, v18, v14;
	vm1 =	vgt.f32 v15, $1.414213540e+00;
	v17 =	vmul.f32 $5.000000000e-01, v15  }
0xa5: {  	v19 =	vsel vm0, $0xFFFFFF82, v1;
	v20 =	vadd.f32 $1.000000000e+00, v14;
	v18 =	vsel vm1, $0xFFFFFF82, v1  }
0xa6: {  	v12 =	vadd.s32 v12, v19;
	v15 =	vsel vm1, v17, v15;
	v16 =	vadd.s32 v16, v18  }
0xa7: {  	v17 =	vadd.f32 $1.000000000e+00, v15;
	v16 =	vcvt.s32.f32 v16;
	(erf) = vrcp.f32 v20  }
0xa8: {  	v11 =	vmul.f32 $5.000000000e-01, v11;
	v9 =	vadd.f32 v13, v9;
	v12 =	vcvt.s32.f32 v12  }
0xa9: {  	(erf) = vrcp.f32 v17  }
0xaa: {  	v10 =	vadd.f32 v11, v10;
	_ =	sdelay $0x1  }
0xab: {  	[tilespmem:v7+s3+$0x70 ss:$0x1] =	vst.idx.msk $0xffff, v10  }
0xac: {  	[tilespmem:v7+s3+$0xE0 ss:$0x1] =	vst.idx.msk $0xffff, v9;
	_ =	sdelay $0x1  }
0xad: {  	v9 =	vadd.f32 $-1.000000000e+00, v14  }
0xae: {  	v10 =	vadd.f32 $-1.000000000e+00, v15;
	v11 =	vpop (erf)  }
0xaf: {  	v9 =	vmul.f32 v11, v9  }
0xb0: {  	v11 =	vpop (erf)  }
0xb1: {  	v10 =	vmul.f32 v11, v10;
	v11 =	vmul.f32 v9, v9;
	_ =	sdelay $0x1  }
0xb2: {  	v13 =	vmul.f32 v10, v10;
	v14 =	vmul.f32 $1.111111120e-01, v11;
	_ =	sdelay $0x1  }
0xb3: {  	v15 =	vmul.f32 $1.111111120e-01, v13;
	v14 =	vadd.f32 $1.428571490e-01, v14;
	_ =	sdelay $0x1  }
0xb4: {  	v15 =	vadd.f32 $1.428571490e-01, v15;
	v14 =	vmul.f32 v14, v11;
	_ =	sdelay $0x1  }
0xb5: {  	v15 =	vmul.f32 v15, v13;
	v14 =	vadd.f32 $2.000000030e-01, v14;
	_ =	sdelay $0x1  }
0xb6: {  	v15 =	vadd.f32 $2.000000030e-01, v15;
	v14 =	vmul.f32 v14, v11;
	_ =	sdelay $0x1  }
0xb7: {  	v15 =	vmul.f32 v15, v13;
	v14 =	vadd.f32 $3.333333430e-01, v14;
	_ =	sdelay $0x1  }
0xb8: {  	v15 =	vadd.f32 $3.333333430e-01, v15;
	v11 =	vmul.f32 v14, v11;
	_ =	sdelay $0x1  }
0xb9: {  	v9 =	vadd.f32 v9, v9;
	v13 =	vmul.f32 v15, v13;
	v11 =	vadd.f32 $1.000000000e+00, v11  }
0xba: {  	v10 =	vadd.f32 v10, v10  }
.Ltmp1:
0xbb: {  	v13 =	vadd.f32 $1.000000000e+00, v13;
	v9 =	vmul.f32 v11, v9;
	(pc) =	sbr.rel @p0 .LBB2_5-.Ltmp1, $3  }
0xbc: {  	v11 =	vmul.f32 $6.931471820e-01, v16  }
0xbd: {  	v12 =	vmul.f32 $6.931471820e-01, v12;
	v10 =	vmul.f32 v13, v10;
	_ =	sdelay $0x1  }
0xbe: {  	v9 =	vadd.f32 v9, v12;
	v10 =	vadd.f32 v10, v11  }
0xbf: {  	s0 =	sadd.s32 $0x1, s0  }
0xc0: {  	p0 =	sne.s32 s0, $0x8  }
.Ltmp2:
0xc1: {  	_ = 	snop;
	(pc) =	sbr.rel @p0 .LBB2_4-.Ltmp2, $4  }
0xc2: {  	_ = 	snop  }
0xc3: {  	[tilespmem:v7+s3+$0x150 ss:$0x1] =	vst.idx.msk $0xffff, v10  }
0xc4: {  	[tilespmem:v7+s3+$0x1C0 ss:$0x1] =	vst.idx.msk $0xffff, v9  }
0xc5: {  	s1 =	sadd.s32 $0x2A0, s1;
	s2 =	sadd.s32 $0x2A0, s2;
	s23 =	simm.s32 $0x0;
	[tilespmem:v7+s3+$0x230 ss:$0x1] =	vst.idx.msk $0xffff, v8  }
0xc6: {  	s0 =	sshra.s32 s23, $0x2;
	s1 =	sadd.s32 $0x40, s23  }
.LBB2_8:
0xc7: {  	p0 =	sne.s32 s1, $0xA00;
	[tilespmem:s0+$0xAA20] =	vst v3  }
0xc8: {  	[tilespmem:s0+$0xC650] =	vst v2  }
0xc9: {  	[tilespmem:s0+$0x4630] =	vst v3  }
0xca: {  	[tilespmem:s0+$0x48C0] =	vst v3  }
0xcb: {  	[tilespmem:s0+$0x4B50] =	vst v3  }
0xcc: {  	[tilespmem:s0+$0x4DE0] =	vst v3  }
0xcd: {  	[tilespmem:s0+$0x5070] =	vst v3  }
0xce: {  	[tilespmem:s0+$0x5300] =	vst v3  }
0xcf: {  	[tilespmem:s0+$0x5590] =	vst v3  }
0xd0: {  	[tilespmem:s0+$0x5820] =	vst v3  }
0xd1: {  	[tilespmem:s0+$0x5AB0] =	vst v3  }
0xd2: {  	[tilespmem:s0+$0x5D40] =	vst v3  }
0xd3: {  	[tilespmem:s0+$0x5FD0] =	vst v3  }
0xd4: {  	[tilespmem:s0+$0x6260] =	vst v3  }
0xd5: {  	[tilespmem:s0+$0x64F0] =	vst v3  }
0xd6: {  	[tilespmem:s0+$0x6780] =	vst v3  }
0xd7: {  	[tilespmem:s0+$0x6A10] =	vst v3  }
0xd8: {  	[tilespmem:s0+$0x6CA0] =	vst v3  }
0xd9: {  	[tilespmem:s0+$0x6F30] =	vst v3  }
0xda: {  	[tilespmem:s0+$0x71C0] =	vst v3  }
0xdb: {  	[tilespmem:s0+$0x7450] =	vst v3  }
0xdc: {  	[tilespmem:s0+$0x76E0] =	vst v3  }
0xdd: {  	[tilespmem:s0+$0xC8E0] =	vst v2  }
0xde: {  	[tilespmem:s0+$0x7970] =	vst v3  }
0xdf: {  	[tilespmem:s0+$0x7C00] =	vst v3  }
0xe0: {  	[tilespmem:s0+$0x7E90] =	vst v3  }
0xe1: {  	[tilespmem:s0+$0x8120] =	vst v3  }
0xe2: {  	[tilespmem:s0+$0x83B0] =	vst v3  }
0xe3: {  	[tilespmem:s0+$0x8640] =	vst v3  }
0xe4: {  	[tilespmem:s0+$0x88D0] =	vst v3  }
0xe5: {  	[tilespmem:s0+$0x8B60] =	vst v3  }
0xe6: {  	[tilespmem:s0+$0x8DF0] =	vst v3  }
0xe7: {  	[tilespmem:s0+$0x9080] =	vst v3  }
0xe8: {  	[tilespmem:s0+$0x9310] =	vst v3  }
0xe9: {  	[tilespmem:s0+$0x95A0] =	vst v3  }
0xea: {  	[tilespmem:s0+$0x9830] =	vst v3  }
0xeb: {  	[tilespmem:s0+$0x9AC0] =	vst v3  }
.Ltmp3:
0xec: {  	[tilespmem:s0+$0x9D50] =	vst v3;
	(pc) =	sbr.rel @p0 .LBB2_8-.Ltmp3, $4  }
0xed: {  	[tilespmem:s0+$0x9FE0] =	vst v3  }
0xee: {  	[tilespmem:s0+$0xA270] =	vst v3  }
0xef: {  	[tilespmem:s0+$0xA500] =	vst v3  }
0xf0: {  	[tilespmem:s0+$0xA790] =	vst v3;
	s0 =	sshra.s32 s1, $0x2;
	s1 =	sadd.s32 $0x40, s1  }
0xf1: {  	[tilespmem:s0+$0xAA20] =	vst v3  }
0xf2: {  	[tilespmem:s0+$0xC650] =	vst v2  }
0xf3: {  	[tilespmem:s0+$0x4630] =	vst v3  }
0xf4: {  	[tilespmem:s0+$0x48C0] =	vst v3  }
0xf5: {  	[tilespmem:s0+$0x4B50] =	vst v3  }
0xf6: {  	[tilespmem:s0+$0x4DE0] =	vst v3  }
0xf7: {  	[tilespmem:s0+$0x5070] =	vst v3  }
0xf8: {  	[tilespmem:s0+$0x5300] =	vst v3  }
0xf9: {  	[tilespmem:s0+$0x5590] =	vst v3  }
0xfa: {  	[tilespmem:s0+$0x5820] =	vst v3  }
0xfb: {  	[tilespmem:s0+$0x5AB0] =	vst v3  }
0xfc: {  	[tilespmem:s0+$0x5D40] =	vst v3  }
0xfd: {  	[tilespmem:s0+$0x5FD0] =	vst v3  }
0xfe: {  	[tilespmem:s0+$0x6260] =	vst v3  }
0xff: {  	[tilespmem:s0+$0x64F0] =	vst v3  }
0x100: {  	[tilespmem:s0+$0x6780] =	vst v3  }
0x101: {  	[tilespmem:s0+$0x6A10] =	vst v3  }
0x102: {  	[tilespmem:s0+$0x6CA0] =	vst v3  }
0x103: {  	[tilespmem:s0+$0x6F30] =	vst v3  }
0x104: {  	[tilespmem:s0+$0x71C0] =	vst v3  }
0x105: {  	[tilespmem:s0+$0x7450] =	vst v3  }
0x106: {  	[tilespmem:s0+$0x76E0] =	vst v3  }
0x107: {  	[tilespmem:s0+$0xC8E0] =	vst v2  }
0x108: {  	[tilespmem:s0+$0x7970] =	vst v3  }
0x109: {  	[tilespmem:s0+$0x7C00] =	vst v3  }
0x10a: {  	[tilespmem:s0+$0x7E90] =	vst v3  }
0x10b: {  	[tilespmem:s0+$0x8120] =	vst v3  }
0x10c: {  	[tilespmem:s0+$0x83B0] =	vst v3  }
0x10d: {  	[tilespmem:s0+$0x8640] =	vst v3  }
0x10e: {  	[tilespmem:s0+$0x88D0] =	vst v3  }
0x10f: {  	[tilespmem:s0+$0x8B60] =	vst v3  }
0x110: {  	[tilespmem:s0+$0x8DF0] =	vst v3  }
0x111: {  	[tilespmem:s0+$0x9080] =	vst v3  }
0x112: {  	[tilespmem:s0+$0x9310] =	vst v3  }
0x113: {  	[tilespmem:s0+$0x95A0] =	vst v3  }
0x114: {  	[tilespmem:s0+$0x9830] =	vst v3  }
0x115: {  	[tilespmem:s0+$0x9AC0] =	vst v3  }
0x116: {  	[tilespmem:s0+$0x9D50] =	vst v3  }
0x117: {  	[tilespmem:s0+$0x9FE0] =	vst v3  }
0x118: {  	[tilespmem:s0+$0xA270] =	vst v3  }
0x119: {  	[tilespmem:s0+$0xA500] =	vst v3  }
0x11a: {  	[tilespmem:s0+$0xA790] =	vst v3  }
.LBB2_10:
0x11b: {  	s24 =	sand.u32 $0x1, s23;
	p0 =	slt.u32 s23, $0x2  }
0x11c: {  	s0 =	smul.u32 @!p0 $0xC, s24;
	_ =	sdelay $0x1  }
0x11d: {  	s0 =	sshrl.u32 @!p0 s0, $0x2  }
0x11e: {  	s1 =	sadd.s32 @!p0 $0x1, s0  }
0x11f: {  	_ =	swait.ge @!p0 [sflag:s1], $0x290  }
0x120: {  	s30 =	smul.u32 $0x2A0, s23;
	[sflag:s1] =	ssyncset.done @!p0 $0x0  }
0x121: {  	s22 =	smul.u32 $0x3340, s24;
	[sflag:s1] =	ssyncadd.s32 @!p0 $0xFFFFFD70;
	s1 =	sadd.s32 @!p0 $0x2, s0  }
0x122: {  	s26 =	smul.u32 $0x290, s24;
	_ =	swait.ge @!p0 [sflag:s1], $0x3340  }
0x123: {  	s25 =	smul.u32 $0xCD00, s24;
	[sflag:s1] =	ssyncset.done @!p0 $0x0  }
0x124: {  	s29 =	sshrl.u32 s22, $0x2;
	s0 =	sadd.s32 @!p0 $0x3, s0;
	[sflag:s1] =	ssyncadd.s32 @!p0 $0xFFFFCCC0  }
0x125: {  	s5 =	sadd.s32 $0xACB0, s29;
	s2 =	sadd.s32 $0xB1D0, s29;
	_ =	swait.ge @!p0 [sflag:s0], $0xCD0  }
0x126: {  	v0 =	vmov s30;
	s3 =	sadd.s32 $0xB460, s29;
	s4 =	sadd.s32 $0xB6F0, s29;
	[sflag:s0] =	ssyncset.done @!p0 $0x0  }
0x127: {  	v7 =	vmov s26;
	v8 =	vmov s5;
	v10 =	vmov s2;
	s1 =	sadd.s32 $0xAF40, s29;
	[sflag:s0] =	ssyncadd.s32 @!p0 $0xFFFFF330;
	s0 =	sshrl.u32 s25, $0x2  }
0x128: {  	v11 =	vmov s3;
	v12 =	vmov s4;
	s2 =	simm.s32 $0x0;
	[dreg:$0xa] =	wrdreg s5;
	v9 =	vmov s1;
	[tilespmem:$0x1FFE0] =	vst v0;
	s28 =	sadd.s32 $0x4630, s0  }
.LBB2_11:
0x129: {  	s0 =	sshll.u32 s2, $0x6  }
0x12a: {  	v19 =	vld [tilespmem:s0+$0x0]  }
0x12b: {  	v20 =	vld [tilespmem:s0+$0x10]  }
0x12c: {  	v21 =	vld [tilespmem:s0+$0x20]  }
0x12d: {  	v22 =	vld [tilespmem:s0+$0x30]  }
0x12e: {  	v23 =	vld [tilespmem:s0+$0x290]  }
0x12f: {  	v24 =	vld [tilespmem:s0+$0x2A0]  }
0x130: {  	v25 =	vld [tilespmem:s0+$0x2B0]  }
0x131: {  	v28 =	vld [tilespmem:s0+$0x520]  }
0x132: {  	s1 =	sadd.s32 $0x0, s30;
	v29 =	vld [tilespmem:s0+$0x540]  }
0x133: {  	v14 =	vmov s1;
	v30 =	vld [tilespmem:s0+$0x550]  }
0x134: {  	v31 =	vld [tilespmem:s0+$0x7B0];
	v13 =	vand.u32 $0x3FFF, v14  }
0x135: {  	v32 =	vld [tilespmem:s0+$0x530];
	v15 =	vadd.s32 $0x70, v13  }
0x136: {  	v33 =	vld [tilespmem:s0+$0x7E0];
	v16 =	vadd.s32 $0xE0, v13  }
0x137: {  	v34 =	vld [tilespmem:s0+$0xA40];
	v13 =	vadd.s32 $0x150, v13  }
0x138: {  	v18 =	vld.idx.msk [tilespmem:v14+s13+$0x0], $0xffff  }
0x139: {  	s22 =	sadd.s32 $0x1, s30;
	v43 =	vld.idx.msk [tilespmem:v14+s14+$0x0], $0xffff  }
0x13a: {  	v47 =	vmov s22;
	v15 =	vld.idx.msk [tilespmem:v15+s13+$0x0], $0xffff  }
0x13b: {  	v49 =	vand.u32 $0x3FFF, v47;
	v16 =	vld.idx.msk [tilespmem:v16+s13+$0x0], $0xffff  }
0x13c: {  	v50 =	vadd.s32 $0x70, v49;
	v58 =	vadd.s32 $0xE0, v49;
	v37 =	vld.idx.msk [tilespmem:v13+s13+$0x0], $0xffff  }
0x13d: {  	v17 =	vld [tilespmem:s0+$0x7C0];
	v59 =	vadd.s32 $0x150, v49;
	v39 =	vmax.f32 v22, v18;
	v40 =	vmax.f32 v20, v18  }
0x13e: {  	v35 =	vld [tilespmem:s0+$0x7D0];
	v42 =	vmax.f32 v21, v18;
	v18 =	vmax.f32 v19, v18;
	v51 =	vadd.f32 v43, v34  }
0x13f: {  	v27 =	vld [tilespmem:s0+$0x2C0];
	v26 =	vmax.f32 v23, v15;
	v41 =	vmax.f32 v24, v15;
	v44 =	vmax.f32 v25, v15  }
0x140: {  	v52 =	vld.idx.msk [tilespmem:v47+s13+$0x0], $0xffff;
	v45 =	vmin.f32 v29, v16;
	v14 =	vmin.f32 v28, v16;
	v46 =	vmin.f32 v30, v16  }
0x141: {  	v36 =	vmin.f32 v31, v37;
	v48 =	vmin.f32 v33, v37;
	v16 =	vmin.f32 v32, v16  }
0x142: {  	v60 =	vmin.f32 v17, v37;
	v14 =	vsub.f32 v14, v18;
	v18 =	vsub.f32 v36, v26  }
0x143: {  	v37 =	vmin.f32 v35, v37;
	v39 =	vsub.f32 v46, v39;
	v16 =	vsub.f32 v16, v40  }
0x144: {  	v15 =	vmax.f32 v27, v15;
	v36 =	vld [tilespmem:s0+$0xA60];
	v41 =	vsub.f32 v60, v41;
	v37 =	vsub.f32 v37, v44  }
0x145: {  	v63 =	vmax.f32 v20, v52;
	v26 =	vld [tilespmem:s0+$0xA50];
	v42 =	vsub.f32 v45, v42;
	v15 =	vsub.f32 v48, v15  }
0x146: {  	v44 =	vld.idx.msk [tilespmem:v50+s13+$0x0], $0xffff;
	v45 =	vmax.f32 v22, v52;
	v14 =	vmax.f32 v14, $0.0e+00;
	v18 =	vmax.f32 v18, $0.0e+00  }
0x147: {  	v40 =	vld.idx.msk [tilespmem:v58+s13+$0x0], $0xffff;
	v16 =	vmax.f32 v16, $0.0e+00;
	v39 =	vmax.f32 v39, $0.0e+00;
	v41 =	vmax.f32 v41, $0.0e+00  }
0x148: {  	v42 =	vmax.f32 v42, $0.0e+00;
	v15 =	vmax.f32 v15, $0.0e+00;
	v18 =	vmul.f32 v18, v14  }
0x149: {  	v37 =	vmax.f32 v37, $0.0e+00;
	v16 =	vmul.f32 v41, v16;
	v15 =	vmul.f32 v15, v39  }
0x14a: {  	v14 =	vld [tilespmem:s0+$0xA70];
	v42 =	vmul.f32 v37, v42;
	v51 =	vsub.f32 v51, v18;
	v53 =	vadd.f32 v43, v36  }
0x14b: {  	v41 =	vld.idx.msk [tilespmem:v59+s13+$0x0], $0xffff;
	v62 =	vadd.f32 v43, v26;
	v49 =	vmax.f32 v23, v44;
	v46 =	vmax.f32 v24, v44  }
0x14c: {  	v54 =	vmax.f32 v25, v44;
	v55 =	vmin.f32 v29, v40;
	v57 =	vmin.f32 v30, v40  }
0x14d: {  	v56 =	vmin.f32 v28, v40;
	v40 =	vmin.f32 v32, v40;
	v45 =	vsub.f32 v57, v45  }
0x14e: {  	v44 =	vmax.f32 v27, v44;
	v40 =	vsub.f32 v40, v63;
	v61 =	vadd.f32 $1.000000010e-10, v51  }
0x14f: {  	v60 =	vsub.f32 v62, v16;
	v51 =	vmax.f32 v21, v52;
	v48 =	vadd.f32 v43, v14  }
0x150: {  	v47 =	vld.idx.msk [tilespmem:v47+s14+$0x0], $0xffff;
	v58 =	vmin.f32 v33, v41;
	v62 =	vmin.f32 v35, v41;
	v63 =	vmin.f32 v31, v41  }
0x151: {  	v57 =	vmax.f32 v40, $0.0e+00;
	v59 =	vmax.f32 v45, $0.0e+00;
	v50 =	vmin.f32 v17, v41  }
0x152: {  	s25 =	sadd.s32 $0x2, s30;
	(erf) = vrcp.f32 v61;
	v43 =	vadd.f32 $1.000000010e-10, v60;
	v61 =	vmax.f32 v19, v52  }
0x153: {  	v37 =	vsub.f32 v63, v49;
	v60 =	vsub.f32 v53, v42;
	v53 =	vmov s25  }
0x154: {  	v39 =	vsub.f32 v56, v61;
	v61 =	vand.u32 $0x3FFF, v53;
	(erf) = vrcp.f32 v43  }
0x155: {  	v0 =	vadd.f32 v47, v14;
	v52 =	vadd.f32 v47, v34;
	v45 =	vadd.s32 $0x70, v61  }
0x156: {  	v48 =	vsub.f32 v48, v15;
	v37 =	vmax.f32 v37, $0.0e+00;
	v39 =	vmax.f32 v39, $0.0e+00  }
0x157: {  	v54 =	vsub.f32 v62, v54;
	v46 =	vsub.f32 v50, v46;
	v49 =	vmul.f32 v37, v39  }
0x158: {  	v40 =	vadd.f32 $1.000000010e-10, v60;
	v48 =	vadd.f32 $1.000000010e-10, v48;
	v37 =	vadd.s32 $0xE0, v61;
	v60 =	vld.idx.msk [tilespmem:v53+s13+$0x0], $0xffff  }
0x159: {  	v38 =	vimm.s32 $0x0;
	v44 =	vsub.f32 v58, v44;
	v52 =	vsub.f32 v52, v49  }
0x15a: {  	v56 =	vadd.s32 $0x150, v61;
	(erf) = vrcp.f32 v48;
	v48 =	vsub.f32 v55, v51;
	v55 =	vld.idx.msk [tilespmem:v45+s13+$0x0], $0xffff  }
0x15b: {  	v13 =	vimm.f32 $-1.000000000e+00;
	v43 =	vadd.f32 v47, v36;
	v41 =	vadd.f32 $1.000000010e-10, v52;
	v62 =	vpop (erf)  }
0x15c: {  	(erf) = vrcp.f32 v40;
	v18 =	vmul.f32 v62, v18;
	v62 =	vmax.f32 v54, $0.0e+00  }
0x15d: {  	v61 =	vld.idx.msk [tilespmem:v37+s13+$0x0], $0xffff;
	v54 =	vmax.f32 v44, $0.0e+00;
	v44 =	vmax.f32 v21, v60;
	v5 =	vmax.f32 v19, v60;
	v63 =	vpop (erf)  }
0x15e: {  	(erf) = vrcp.f32 v41;
	v16 =	vmul.f32 v63, v16;
	vm1 =	vgt.f32 v18, v13  }
0x15f: {  	v52 =	vld.idx.msk [tilespmem:v56+s13+$0x0], $0xffff;
	v58 =	vmax.f32 v23, v55;
	v63 =	vmax.f32 v20, v60;
	v56 =	vmax.f32 v24, v55  }
0x160: {  	v37 =	vld.idx.msk [tilespmem:v53+s14+$0x0], $0xffff;
	v53 =	vmax.f32 v25, v55;
	v50 =	vsel vm1, v18, v13;
	v51 =	vsel vm1, s31, v38  }
0x161: {  	v18 =	vadd.f32 v47, v26;
	v47 =	vmax.f32 v27, v55;
	vm0 =	vgt.f32 v16, v13  }
0x162: {  	v2 =	vmin.f32 v28, v61;
	v40 =	vsel vm0, v16, v13;
	v16 =	vmax.f32 v46, $0.0e+00  }
0x163: {  	v4 =	vmin.f32 v30, v61;
	v39 =	vsel vm0, s31, v38;
	v46 =	vpop (erf);
	v45 =	vmul.f32 v16, v57  }
0x164: {  	v16 =	vmax.f32 v48, $0.0e+00;
	v57 =	vmax.f32 v22, v60;
	v15 =	vmul.f32 v46, v15  }
0x165: {  	v46 =	vmin.f32 v29, v61;
	v60 =	vadd.f32 v37, v34;
	v18 =	vsub.f32 v18, v45  }
0x166: {  	v55 =	vsub.f32 v4, v57;
	v4 =	vmin.f32 v32, v61;
	v61 =	vmin.f32 v31, v52;
	v48 =	vpop (erf)  }
0x167: {  	s18 =	simm.s32 $0x1;
	s17 =	simm.s32 $0x2;
	s15 =	simm.s32 $0x3;
	vm0 =	vgt.f32 v15, v13;
	v41 =	vmul.f32 v48, v42;
	v42 =	vadd.f32 $1.000000010e-10, v18  }
0x168: {  	s19 =	sor.u32 $0x10, s0;
	s11 =	sor.u32 $0x20, s0;
	s1 =	sor.u32 $0x30, s0;
	v4 =	vsub.f32 v4, v63;
	v63 =	vsub.f32 v2, v5;
	v48 =	vmin.f32 v33, v52  }
0x169: {  	s5 =	sadd.s32 $0x290, s0;
	s22 =	sadd.s32 $0x2A0, s0;
	s20 =	sadd.s32 $0x2B0, s0;
	v18 =	vmul.f32 v54, v59;
	v59 =	vmin.f32 v35, v52;
	(erf) = vrcp.f32 v42  }
0x16a: {  	s8 =	sadd.s32 $0x2C0, s0;
	s6 =	sadd.s32 $0x520, s0;
	s3 =	sadd.s32 $0x530, s0;
	v15 =	vsel vm0, v15, v13;
	v54 =	vadd.f32 v37, v36;
	v57 =	vmax.f32 v4, $0.0e+00  }
0x16b: {  	s21 =	sadd.s32 $0x540, s0;
	s9 =	sadd.s32 $0x550, s0;
	s7 =	sadd.s32 $0x7B0, s0;
	v42 =	vmul.f32 v62, v16;
	v16 =	vsel vm0, s31, v38;
	vm0 =	vgt.f32 v41, v13  }
0x16c: {  	s4 =	sadd.s32 $0x7C0, s0;
	s12 =	sadd.s32 $0x7D0, s0;
	s16 =	sadd.s32 $0x7E0, s0;
	v53 =	vsub.f32 v59, v53;
	v62 =	vsub.f32 v0, v18;
	v59 =	vpop (erf);
	v38 =	vsel vm0, s31, v38  }
.LBB2_12:
0x16d: {  	s25 =	sadd.s32 s30, s15  }
0x16e: {  	p0 =	sne.s32 s15, $0x63;
	v0 =	vsub.f32 v61, v58;
	v2 =	vmax.f32 v55, $0.0e+00;
	v4 =	vsub.f32 v43, v42;
	v43 =	vmovc v54;
	s10 =	smov.u32 s15;
	s15 =	sadd.s32 $0x1, s15  }
0x16f: {  	v5 =	vmov s25;
	v54 =	vmax.f32 v63, $0.0e+00;
	v55 =	vadd.f32 $1.000000010e-10, v62  }
0x170: {  	v58 =	vand.u32 $0x3FFF, v5;
	v0 =	vmax.f32 v0, $0.0e+00;
	v4 =	vadd.f32 $1.000000010e-10, v4  }
0x171: {  	v61 =	vadd.s32 $0x70, v58;
	v62 =	vadd.s32 $0xE0, v58;
	(erf) = vrcp.f32 v55  }
0x172: {  	v13 =	vsel vm0, v41, v13;
	v55 =	vadd.s32 $0x150, v58;
	v0 =	vmul.f32 v0, v54;
	v54 =	vpop (erf)  }
0x173: {  	v41 =	vmin.f32 v17, v52;
	v58 =	vmul.f32 v59, v49;
	(erf) = vrcp.f32 v4  }
0x174: {  	v41 =	vsub.f32 v41, v56;
	v52 =	vsub.f32 v60, v0;
	v45 =	vmul.f32 v54, v45;
	v4 =	vld.idx.msk [tilespmem:v5+s13+$0x0], $0xffff  }
0x175: {  	v44 =	vsub.f32 v46, v44;
	v46 =	vsub.f32 v48, v47;
	v49 =	vmov v0  }
0x176: {  	v47 =	vadd.f32 $1.000000010e-10, v52;
	vm0 =	vgt.f32 v45, v40;
	v0 =	vld.idx.msk [tilespmem:v61+s13+$0x0], $0xffff  }
0x177: {  	vm1 =	vgt.f32 v58, v50;
	v40 =	vsel vm0, v45, v40;
	v39 =	vsel vm0, s18, v39;
	v52 =	vld.idx.msk [tilespmem:v55+s13+$0x0], $0xffff  }
0x178: {  	v41 =	vmax.f32 v41, $0.0e+00;
	v50 =	vsel vm1, v58, v50;
	v54 =	vld.idx.msk [tilespmem:v62+s13+$0x0], $0xffff;
	(erf) = vrcp.f32 v47  }
0x179: {  	v51 =	vsel vm1, s18, v51;
	v45 =	vmul.f32 v41, v57;
	v57 =	vmax.f32 v44, $0.0e+00  }
0x17a: {  	v6 =	vadd.f32 v37, v26;
	v53 =	vmax.f32 v53, $0.0e+00;
	v55 =	vmax.f32 v22, v4;
	v44 =	vpop (erf)  }
0x17b: {  	v59 =	vmax.f32 v46, $0.0e+00;
	v62 =	vadd.f32 v37, v14;
	v60 =	vmul.f32 v44, v18  }
0x17c: {  	v58 =	vmax.f32 v23, v0;
	v18 =	vsub.f32 v6, v45;
	v37 =	vld.idx.msk [tilespmem:v5+s14+$0x0], $0xffff;
	v5 =	vmax.f32 v20, v4;
	v41 =	vpop (erf)  }
0x17d: {  	v56 =	vmax.f32 v24, v0;
	v44 =	vmax.f32 v21, v4;
	v41 =	vmul.f32 v41, v42  }
0x17e: {  	v63 =	vmax.f32 v25, v0;
	v46 =	vmin.f32 v29, v54;
	v42 =	vadd.f32 $1.000000010e-10, v18  }
0x17f: {  	v6 =	vmin.f32 v28, v54;
	v61 =	vmin.f32 v30, v54;
	vm0 =	vgt.f32 v60, v15  }
0x180: {  	v47 =	vmax.f32 v27, v0;
	v48 =	vmin.f32 v33, v52;
	v18 =	vmul.f32 v59, v2  }
0x181: {  	v0 =	vmax.f32 v19, v4;
	v55 =	vsub.f32 v61, v55;
	v15 =	vsel vm0, v60, v15;
	v59 =	vpop (erf)  }
.Ltmp4:
0x182: {  	v2 =	vmin.f32 v32, v54;
	v54 =	vadd.f32 v37, v36;
	(erf) = vrcp.f32 v42;
	(pc) =	sbr.rel @p0 .LBB2_12-.Ltmp4, $4  }
0x183: {  	v4 =	vmin.f32 v35, v52;
	v2 =	vsub.f32 v2, v5;
	v42 =	vmul.f32 v53, v57  }
0x184: {  	v61 =	vmin.f32 v31, v52;
	v16 =	vsel vm0, s18, v16;
	v60 =	vadd.f32 v37, v34  }
0x185: {  	vm0 =	vgt.f32 v41, v13;
	v57 =	vmax.f32 v2, $0.0e+00;
	v53 =	vsub.f32 v4, v63  }
0x186: {  	v62 =	vsub.f32 v62, v18;
	v38 =	vsel vm0, s18, v38;
	s18 =	smov.u32 s17;
	s17 =	smov.u32 s10;
	v63 =	vsub.f32 v6, v0  }
0x187: {  	v0 =	vsub.f32 v61, v58;
	_ =	sdelay $0x1  }
0x188: {  	v2 =	vmax.f32 v63, $0.0e+00;
	v0 =	vmax.f32 v0, $0.0e+00  }
0x189: {  	v0 =	vmul.f32 v0, v2  }
0x18a: {  	v2 =	vsub.f32 v43, v42  }
0x18b: {  	v4 =	vadd.f32 $1.000000010e-10, v62;
	v5 =	vsub.f32 v60, v0  }
0x18c: {  	v2 =	vadd.f32 $1.000000010e-10, v2  }
0x18d: {  	(erf) = vrcp.f32 v4;
	v4 =	vadd.f32 $1.000000010e-10, v5  }
0x18e: {  	(erf) = vrcp.f32 v2  }
0x18f: {  	(erf) = vrcp.f32 v4;
	_ =	sdelay $0x5  }
0x190: {  	v2 =	vpop (erf)  }
0x191: {  	v19 =	vpop (erf)  }
0x192: {  	v4 =	vmul.f32 v59, v49;
	v5 =	vpop (erf)  }
0x193: {  	v30 =	vld [tilespmem:$0x1FFE0];
	v6 =	vpop (erf)  }
0x194: {  	vm1 =	vgt.f32 v4, v50;
	v0 =	vmul.f32 v6, v0  }
0x195: {  	v4 =	vsel vm1, v4, v50  }
0x196: {  	v6 =	vsel vm1, s18, v51;
	vm9 =	vgt.f32 v0, v4  }
0x197: {  	v6 =	vsel vm9, s17, v6  }
0x198: {  	v0 =	vsel vm9, v0, v4;
	v20 =	vadd.s32 v30, v6  }
0x199: {  	v6 =	vand.u32 $0x7, v6;
	vm1 =	vge.f32 v0, $3.000000120e-01;
	v20 =	vand.u32 $0xFFFFFFF8, v20  }
0x19a: {  	v21 =	vsel vm1, $0x3F800000, v3;
	v6 =	vor.u32 v6, v20  }
0x19b: {  	[tilespmem:v7+s0+$0x4110 ss:$0x1] =	vst.idx.msk $0xffff, v21;
	v20 =	vadd.s32 $0x70, v6  }
0x19c: {  	v4 =	vadd.s32 $0xE0, v6;
	v32 =	vld [tilespmem:s5+$0xA40]  }
0x19d: {  	v0 =	vadd.s32 $0x150, v6;
	v23 =	vld [tilespmem:s6+$0xA40]  }
0x19e: {  	v17 =	vmin.f32 v17, v52;
	v22 =	vadd.s32 $0x1C0, v6;
	v25 =	vld [tilespmem:s7+$0xA40]  }
0x19f: {  	v17 =	vsub.f32 v17, v56;
	v33 =	vld [tilespmem:s0+$0x1480]  }
0x1a0: {  	v20 =	vld.idx.msk [tilespmem:v20+s14+$0x0], $0xffff  }
0x1a1: {  	v17 =	vmax.f32 v17, $0.0e+00;
	v4 =	vld.idx.msk [tilespmem:v4+s14+$0x0], $0xffff  }
0x1a2: {  	v24 =	vadd.f32 v37, v26;
	v17 =	vmul.f32 v17, v57;
	v0 =	vld.idx.msk [tilespmem:v0+s14+$0x0], $0xffff  }
0x1a3: {  	v6 =	vadd.s32 $0x230, v6;
	v21 =	vld.idx.msk [tilespmem:v22+s14+$0x0], $0xffff  }
0x1a4: {  	v24 =	vsub.f32 v24, v17  }
0x1a5: {  	v20 =	vsub.f32 v20, v32  }
0x1a6: {  	v34 =	vadd.f32 $1.000000010e-10, v24;
	v4 =	vsub.f32 v4, v23  }
0x1a7: {  	v0 =	vsub.f32 v0, v25;
	v20 =	vnsel vm1, $0x0, v20  }
0x1a8: {  	(erf) = vrcp.f32 v34;
	v6 =	vld.idx.msk [tilespmem:v6+s14+$0x0], $0xffff;
	v35 =	vsub.f32 v21, v33;
	v4 =	vnsel vm1, $0x0, v4;
	[tilespmem:v8+s0+$0x0 ss:$0x1] =	vst.idx.msk $0xffff, v20  }
0x1a9: {  	v0 =	vnsel vm1, $0x0, v0;
	[tilespmem:v9+s0+$0x0 ss:$0x1] =	vst.idx.msk $0xffff, v4  }
0x1aa: {  	[tilespmem:v10+s0+$0x0 ss:$0x1] =	vst.idx.msk $0xffff, v0;
	v0 =	vnsel vm1, $0x0, v35  }
0x1ab: {  	[tilespmem:v11+s0+$0x0 ss:$0x1] =	vst.idx.msk $0xffff, v0  }
0x1ac: {  	[tilespmem:v12+s0+$0x0 ss:$0x1] =	vst.idx.msk $0xffff, v3  }
0x1ad: {  	v0 =	vld.idx.msk [tilespmem:v7+s0+$0xC650 ss:$0x1], $0xffff  }
0x1ae: {  	v29 =	vld [tilespmem:$0x1FFF0]  }
0x1af: {  	v2 =	vmul.f32 v2, v45  }
0x1b0: {  	v4 =	vtrunc.f32 v6  }
0x1b1: {  	v43 =	vlaneseq.u32;
	vm2 =	vgt.f32 v2, v40;
	v6 =	vpop (erf);
	v4 =	vcvt.f32.s32 v4  }
0x1b2: {  	v2 =	vsel vm2, v2, v40;
	v6 =	vmul.f32 v6, v17;
	v0 =	vmul.u32 $0x290, v0  }
0x1b3: {  	v36 =	vsel vm2, s18, v39;
	v39 =	vor.u32 s0, v29;
	v40 =	vmul.u32 $0x290, v4  }
0x1b4: {  	v17 =	vand.u32 $0x7, v43;
	vm10 =	vgt.f32 v6, v2;
	v0 =	vadd.s32 v39, v0  }
0x1b5: {  	v20 =	vsel vm10, s17, v36;
	v21 =	vadd.s32 v39, v40;
	v0 =	vor.u32 v17, v0  }
0x1b6: {  	v45 =	vadd.s32 v30, v20;
	v21 =	vor.u32 v17, v21  }
0x1b7: {  	v20 =	vand.u32 $0x7, v20;
	v22 =	vand.u32 $0xFFFFFFF8, v45  }
0x1b8: {  	v20 =	vor.u32 v20, v22  }
0x1b9: {  	v2 =	vsel vm10, v6, v2;
	v22 =	vadd.s32 $0x70, v20  }
0x1ba: {  	v28 =	vimm.f32 $1.000000000e+00;
	vm11 =	vge.f32 v2, $3.000000120e-01;
	v2 =	vadd.s32 $0x150, v20;
	[tilespmem:v0+s28+$0x0] =	vst.idx.msk $0xffff, v3  }
0x1bb: {  	v4 =	vnsel vm1, $0x0, v4;
	v6 =	vadd.s32 $0x1C0, v20;
	[tilespmem:v21+s28+$0x0] =	vst.idx.msk vm1, v28  }
0x1bc: {  	[tilespmem:v7+s0+$0xC650 ss:$0x1] =	vst.idx.msk $0xffff, v4;
	v4 =	vsel vm11, $0x3F800000, v3  }
0x1bd: {  	[tilespmem:v7+s19+$0x4110 ss:$0x1] =	vst.idx.msk $0xffff, v4  }
0x1be: {  	v0 =	vadd.s32 $0xE0, v20;
	v4 =	vld.idx.msk [tilespmem:v22+s14+$0x0], $0xffff  }
0x1bf: {  	v2 =	vld.idx.msk [tilespmem:v2+s14+$0x0], $0xffff  }
0x1c0: {  	v50 =	vsub.f32 v48, v47;
	v6 =	vld.idx.msk [tilespmem:v6+s14+$0x0], $0xffff  }
0x1c1: {  	v49 =	vsub.f32 v46, v44;
	v52 =	vld [tilespmem:s22+$0xA40]  }
0x1c2: {  	v53 =	vmax.f32 v53, $0.0e+00;
	v51 =	vmax.f32 v55, $0.0e+00;
	v22 =	vmax.f32 v50, $0.0e+00;
	v55 =	vld [tilespmem:s3+$0xA40]  }
0x1c3: {  	v14 =	vadd.f32 v37, v14;
	v21 =	vmax.f32 v49, $0.0e+00;
	v0 =	vld.idx.msk [tilespmem:v0+s14+$0x0], $0xffff;
	v22 =	vmul.f32 v22, v51  }
0x1c4: {  	v21 =	vmul.f32 v53, v21;
	v56 =	vld [tilespmem:s4+$0xA40]  }
0x1c5: {  	v20 =	vadd.s32 $0x230, v20;
	v57 =	vld [tilespmem:s0+$0x1490];
	v14 =	vsub.f32 v14, v22  }
0x1c6: {  	v27 =	vsub.f32 v54, v21  }
0x1c7: {  	v14 =	vadd.f32 $1.000000010e-10, v14;
	v4 =	vsub.f32 v4, v52  }
0x1c8: {  	v58 =	vadd.f32 $1.000000010e-10, v27;
	v0 =	vsub.f32 v0, v55  }
0x1c9: {  	v2 =	vsub.f32 v2, v56;
	(erf) = vrcp.f32 v14;
	v4 =	vnsel vm11, $0x0, v4  }
0x1ca: {  	v14 =	vld.idx.msk [tilespmem:v20+s14+$0x0], $0xffff;
	(erf) = vrcp.f32 v58;
	[tilespmem:v8+s19+$0x0 ss:$0x1] =	vst.idx.msk $0xffff, v4;
	v0 =	vnsel vm11, $0x0, v0;
	v4 =	vsub.f32 v6, v57  }
0x1cb: {  	[tilespmem:v9+s19+$0x0 ss:$0x1] =	vst.idx.msk $0xffff, v0;
	v0 =	vnsel vm11, $0x0, v2  }
0x1cc: {  	[tilespmem:v10+s19+$0x0 ss:$0x1] =	vst.idx.msk $0xffff, v0;
	v0 =	vnsel vm11, $0x0, v4  }
0x1cd: {  	[tilespmem:v11+s19+$0x0 ss:$0x1] =	vst.idx.msk $0xffff, v0  }
0x1ce: {  	[tilespmem:v12+s19+$0x0 ss:$0x1] =	vst.idx.msk $0xffff, v3  }
0x1cf: {  	v0 =	vld.idx.msk [tilespmem:v7+s19+$0xC650 ss:$0x1], $0xffff;
	_ =	sdelay $0x2  }
0x1d0: {  	v2 =	vmul.f32 v5, v42;
	v5 =	vtrunc.f32 v14;
	v4 =	vpop (erf)  }
0x1d1: {  	v6 =	vsel vm0, v41, v13;
	v5 =	vcvt.f32.s32 v5;
	v13 =	vpop (erf)  }
0x1d2: {  	vm0 =	vgt.f32 v2, v6;
	v13 =	vmul.f32 v13, v21;
	v0 =	vmul.u32 $0x290, v0  }
0x1d3: {  	v2 =	vsel vm0, v2, v6;
	v6 =	vor.u32 s19, v29;
	v14 =	vmul.u32 $0x290, v5  }
0x1d4: {  	v59 =	vsel vm0, s18, v38;
	vm12 =	vgt.f32 v13, v2;
	v0 =	vadd.s32 v6, v0  }
0x1d5: {  	v6 =	vadd.s32 v6, v14;
	v20 =	vsel vm12, s17, v59;
	v0 =	vor.u32 v17, v0  }
0x1d6: {  	v6 =	vor.u32 v17, v6;
	v14 =	vadd.s32 v30, v20  }
0x1d7: {  	v20 =	vand.u32 $0x7, v20;
	v14 =	vand.u32 $0xFFFFFFF8, v14  }
0x1d8: {  	v14 =	vor.u32 v20, v14  }
0x1d9: {  	v2 =	vsel vm12, v13, v2;
	v20 =	vadd.s32 $0x70, v14  }
0x1da: {  	vm0 =	vge.f32 v2, $3.000000120e-01;
	v2 =	vadd.s32 $0x150, v14;
	[tilespmem:v0+s28+$0x0] =	vst.idx.msk $0xffff, v3  }
0x1db: {  	v5 =	vnsel vm11, $0x0, v5;
	[tilespmem:v6+s28+$0x0] =	vst.idx.msk vm11, v28  }
0x1dc: {  	[tilespmem:v7+s19+$0xC650 ss:$0x1] =	vst.idx.msk $0xffff, v5;
	v5 =	vsel vm0, $0x3F800000, v3  }
0x1dd: {  	[tilespmem:v7+s11+$0x4110 ss:$0x1] =	vst.idx.msk $0xffff, v5  }
0x1de: {  	v0 =	vadd.s32 $0xE0, v14;
	v5 =	vld.idx.msk [tilespmem:v20+s14+$0x0], $0xffff  }
0x1df: {  	v2 =	vld.idx.msk [tilespmem:v2+s14+$0x0], $0xffff  }
0x1e0: {  	v6 =	vadd.s32 $0x1C0, v14;
	v13 =	vld [tilespmem:s20+$0xA40]  }
0x1e1: {  	v60 =	vld [tilespmem:s21+$0xA40]  }
0x1e2: {  	v61 =	vld [tilespmem:s12+$0xA40]  }
0x1e3: {  	v0 =	vld.idx.msk [tilespmem:v0+s14+$0x0], $0xffff  }
0x1e4: {  	v62 =	vld [tilespmem:s0+$0x14A0]  }
0x1e5: {  	v14 =	vadd.s32 $0x230, v14;
	v6 =	vld.idx.msk [tilespmem:v6+s14+$0x0], $0xffff;
	_ =	sdelay $0x1  }
0x1e6: {  	v5 =	vsub.f32 v5, v13  }
0x1e7: {  	v0 =	vsub.f32 v0, v60  }
0x1e8: {  	v2 =	vsub.f32 v2, v61;
	v5 =	vnsel vm0, $0x0, v5  }
0x1e9: {  	v13 =	vld.idx.msk [tilespmem:v14+s14+$0x0], $0xffff;
	[tilespmem:v8+s11+$0x0 ss:$0x1] =	vst.idx.msk $0xffff, v5;
	v0 =	vnsel vm0, $0x0, v0;
	v5 =	vsub.f32 v6, v62  }
0x1ea: {  	[tilespmem:v9+s11+$0x0 ss:$0x1] =	vst.idx.msk $0xffff, v0;
	v0 =	vnsel vm0, $0x0, v2  }
0x1eb: {  	[tilespmem:v10+s11+$0x0 ss:$0x1] =	vst.idx.msk $0xffff, v0;
	v0 =	vnsel vm0, $0x0, v5  }
0x1ec: {  	[tilespmem:v11+s11+$0x0 ss:$0x1] =	vst.idx.msk $0xffff, v0  }
0x1ed: {  	[tilespmem:v12+s11+$0x0 ss:$0x1] =	vst.idx.msk $0xffff, v3  }
0x1ee: {  	v0 =	vld.idx.msk [tilespmem:v7+s11+$0xC650 ss:$0x1], $0xffff;
	_ =	sdelay $0x2  }
0x1ef: {  	v2 =	vmul.f32 v19, v18;
	v5 =	vtrunc.f32 v13  }
0x1f0: {  	v5 =	vcvt.f32.s32 v5  }
0x1f1: {  	v4 =	vmul.f32 v4, v22;
	vm13 =	vgt.f32 v2, v15;
	v0 =	vmul.u32 $0x290, v0  }
0x1f2: {  	v6 =	vor.u32 s11, v29;
	v2 =	vsel vm13, v2, v15;
	v13 =	vmul.u32 $0x290, v5  }
0x1f3: {  	v14 =	vsel vm13, s18, v16;
	vm14 =	vgt.f32 v4, v2;
	v0 =	vadd.s32 v6, v0  }
0x1f4: {  	v14 =	vsel vm14, s17, v14;
	v6 =	vadd.s32 v6, v13;
	v0 =	vor.u32 v17, v0  }
0x1f5: {  	v13 =	vadd.s32 v30, v14;
	v6 =	vor.u32 v17, v6  }
0x1f6: {  	v14 =	vand.u32 $0x7, v14;
	v13 =	vand.u32 $0xFFFFFFF8, v13  }
0x1f7: {  	v13 =	vor.u32 v14, v13  }
0x1f8: {  	v2 =	vsel vm14, v4, v2;
	v14 =	vadd.s32 $0x70, v13  }
0x1f9: {  	vm15 =	vge.f32 v2, $3.000000120e-01;
	v2 =	vadd.s32 $0x150, v13;
	[tilespmem:v0+s28+$0x0] =	vst.idx.msk $0xffff, v3  }
0x1fa: {  	v4 =	vnsel vm0, $0x0, v5;
	v5 =	vadd.s32 $0x1C0, v13;
	[tilespmem:v6+s28+$0x0] =	vst.idx.msk vm0, v28  }
0x1fb: {  	[tilespmem:v7+s11+$0xC650 ss:$0x1] =	vst.idx.msk $0xffff, v4;
	v4 =	vsel vm15, $0x3F800000, v3  }
0x1fc: {  	[tilespmem:v7+s1+$0x4110 ss:$0x1] =	vst.idx.msk $0xffff, v4  }
0x1fd: {  	v0 =	vadd.s32 $0xE0, v13;
	v4 =	vld.idx.msk [tilespmem:v14+s14+$0x0], $0xffff  }
0x1fe: {  	v2 =	vld.idx.msk [tilespmem:v2+s14+$0x0], $0xffff  }
0x1ff: {  	v5 =	vld.idx.msk [tilespmem:v5+s14+$0x0], $0xffff  }
0x200: {  	v6 =	vld [tilespmem:s8+$0xA40]  }
0x201: {  	v14 =	vld [tilespmem:s9+$0xA40]  }
0x202: {  	v0 =	vld.idx.msk [tilespmem:v0+s14+$0x0], $0xffff  }
0x203: {  	v15 =	vld [tilespmem:s16+$0xA40]  }
0x204: {  	v13 =	vadd.s32 $0x230, v13;
	v63 =	vld [tilespmem:s0+$0x14B0];
	_ =	sdelay $0x1  }
0x205: {  	v4 =	vsub.f32 v4, v6  }
0x206: {  	v0 =	vsub.f32 v0, v14  }
0x207: {  	v2 =	vsub.f32 v2, v15;
	v4 =	vnsel vm15, $0x0, v4  }
0x208: {  	v6 =	vld.idx.msk [tilespmem:v13+s14+$0x0], $0xffff;
	[tilespmem:v8+s1+$0x0 ss:$0x1] =	vst.idx.msk $0xffff, v4;
	v0 =	vnsel vm15, $0x0, v0;
	v4 =	vsub.f32 v5, v63  }
0x209: {  	[tilespmem:v9+s1+$0x0 ss:$0x1] =	vst.idx.msk $0xffff, v0;
	v0 =	vnsel vm15, $0x0, v2  }
0x20a: {  	[tilespmem:v10+s1+$0x0 ss:$0x1] =	vst.idx.msk $0xffff, v0;
	v0 =	vnsel vm15, $0x0, v4  }
0x20b: {  	[tilespmem:v11+s1+$0x0 ss:$0x1] =	vst.idx.msk $0xffff, v0  }
0x20c: {  	[tilespmem:v12+s1+$0x0 ss:$0x1] =	vst.idx.msk $0xffff, v3  }
0x20d: {  	v0 =	vld.idx.msk [tilespmem:v7+s1+$0xC650 ss:$0x1], $0xffff;
	_ =	sdelay $0x2  }
0x20e: {  	v2 =	vtrunc.f32 v6  }
0x20f: {  	v2 =	vcvt.f32.s32 v2  }
0x210: {  	v0 =	vmul.u32 $0x290, v0  }
0x211: {  	v4 =	vor.u32 s1, v29;
	v5 =	vmul.u32 $0x290, v2  }
0x212: {  	v0 =	vadd.s32 v4, v0  }
0x213: {  	v4 =	vadd.s32 v4, v5;
	v0 =	vor.u32 v17, v0  }
0x214: {  	s2 =	sadd.s32 $0x1, s2;
	v4 =	vor.u32 v17, v4  }
0x215: {  	p0 =	sne.s32 s2, $0x9  }
.Ltmp5:
0x216: {  	_ = 	snop;
	(pc) =	sbr.rel @p0 .LBB2_11-.Ltmp5, $4  }
0x217: {  	_ = 	snop  }
0x218: {  	[tilespmem:v0+s28+$0x0] =	vst.idx.msk $0xffff, v3  }
0x219: {  	v0 =	vnsel vm15, $0x0, v2;
	[tilespmem:v4+s28+$0x0] =	vst.idx.msk vm15, v28  }
0x21a: {  	[tilespmem:v7+s1+$0xC650 ss:$0x1] =	vst.idx.msk $0xffff, v0  }
0x21b: {  	v14 =	vld [tilespmem:$0x240]  }
0x21c: {  	v15 =	vld [tilespmem:$0x250]  }
0x21d: {  	v16 =	vld [tilespmem:$0x260]  }
0x21e: {  	v17 =	vld [tilespmem:$0x270]  }
0x21f: {  	v18 =	vld [tilespmem:$0x280]  }
0x220: {  	v19 =	vld [tilespmem:$0x4D0]  }
0x221: {  	v22 =	vld [tilespmem:$0x4F0]  }
0x222: {  	v23 =	vld [tilespmem:$0x760]  }
0x223: {  	v24 =	vld [tilespmem:$0x770]  }
0x224: {  	v25 =	vld [tilespmem:$0x780]  }
0x225: {  	v27 =	vld [tilespmem:$0xA10]  }
0x226: {  	s0 =	sadd.s32 $0x0, s30;
	v28 =	vld [tilespmem:$0xC80]  }
0x227: {  	v30 =	vld [tilespmem:$0xC90];
	v0 =	vmov s0  }
0x228: {  	v31 =	vld [tilespmem:$0xCB0]  }
0x229: {  	v32 =	vld [tilespmem:$0xCC0];
	v2 =	vand.u32 $0x3FFF, v0  }
0x22a: {  	v34 =	vld [tilespmem:$0x7A0];
	v4 =	vadd.s32 $0xE0, v2  }
0x22b: {  	v37 =	vld [tilespmem:$0x9F0];
	v5 =	vadd.s32 $0x150, v2  }
0x22c: {  	v2 =	vadd.s32 $0x70, v2;
	v6 =	vld.idx.msk [tilespmem:v0+s14+$0x0], $0xffff  }
0x22d: {  	v0 =	vld.idx.msk [tilespmem:v0+s13+$0x0], $0xffff  }
0x22e: {  	v41 =	vld [tilespmem:$0xCA0];
	s25 =	sadd.s32 $0x1, s30  }
0x22f: {  	v53 =	vmov s25;
	v4 =	vld.idx.msk [tilespmem:v4+s13+$0x0], $0xffff  }
0x230: {  	v7 =	vimm.f32 $-1.000000000e+00;
	v55 =	vand.u32 $0x3FFF, v53;
	v5 =	vld.idx.msk [tilespmem:v5+s13+$0x0], $0xffff  }
0x231: {  	v56 =	vadd.s32 $0xE0, v55;
	v2 =	vld.idx.msk [tilespmem:v2+s13+$0x0], $0xffff;
	v9 =	vadd.f32 v6, v30;
	v10 =	vadd.f32 v6, v31  }
0x232: {  	v38 =	vld [tilespmem:$0x790];
	v11 =	vadd.f32 v6, v28;
	v8 =	vmax.f32 v18, v0;
	v12 =	vmax.f32 v14, v0  }
0x233: {  	v29 =	vld [tilespmem:$0x500];
	v21 =	vadd.f32 v6, v32;
	v36 =	vmax.f32 v16, v0;
	v40 =	vmax.f32 v17, v0  }
0x234: {  	v33 =	vld [tilespmem:$0xA00];
	v0 =	vmax.f32 v15, v0;
	v6 =	vadd.f32 v6, v41;
	v13 =	vmin.f32 v23, v4  }
0x235: {  	v20 =	vld [tilespmem:$0x4E0];
	v26 =	vmin.f32 v24, v4;
	v35 =	vmin.f32 v27, v5;
	v39 =	vmin.f32 v25, v4  }
0x236: {  	v42 =	vmax.f32 v19, v2;
	v44 =	vmin.f32 v34, v4;
	v45 =	vmax.f32 v22, v2  }
0x237: {  	v46 =	vmin.f32 v37, v5;
	v4 =	vmin.f32 v38, v4;
	v36 =	vsub.f32 v39, v36  }
0x238: {  	v54 =	vmax.f32 v29, v2;
	v0 =	vsub.f32 v26, v0;
	v44 =	vsub.f32 v44, v8  }
0x239: {  	v43 =	vld [tilespmem:$0xA20];
	v26 =	vmin.f32 v33, v5;
	v35 =	vsub.f32 v35, v45;
	v12 =	vsub.f32 v13, v12  }
0x23a: {  	v39 =	vld [tilespmem:$0xA30];
	v13 =	vmax.f32 v20, v2;
	v42 =	vsub.f32 v46, v42;
	v4 =	vsub.f32 v4, v40  }
0x23b: {  	v8 =	vld [tilespmem:$0x510];
	v13 =	vsub.f32 v26, v13;
	v36 =	vmax.f32 v36, $0.0e+00;
	v0 =	vmax.f32 v0, $0.0e+00  }
0x23c: {  	v40 =	vld.idx.msk [tilespmem:v53+s14+$0x0], $0xffff;
	v44 =	vmax.f32 v44, $0.0e+00;
	v35 =	vmax.f32 v35, $0.0e+00;
	v12 =	vmax.f32 v12, $0.0e+00  }
0x23d: {  	v26 =	vmax.f32 v42, $0.0e+00;
	v4 =	vmax.f32 v4, $0.0e+00;
	v42 =	vld.idx.msk [tilespmem:v53+s13+$0x0], $0xffff;
	v53 =	vimm.s32 $0x0  }
0x23e: {  	v36 =	vmul.f32 v35, v36;
	v47 =	vmul.f32 v26, v12;
	v13 =	vmax.f32 v13, $0.0e+00  }
0x23f: {  	v12 =	vadd.s32 $0x150, v55;
	v26 =	vadd.s32 $0x70, v55;
	v0 =	vmul.f32 v13, v0  }
0x240: {  	v52 =	vmin.f32 v39, v5;
	v5 =	vmin.f32 v43, v5;
	v11 =	vsub.f32 v11, v47  }
0x241: {  	v2 =	vmax.f32 v8, v2;
	v6 =	vsub.f32 v6, v36;
	v5 =	vsub.f32 v5, v54  }
0x242: {  	v13 =	vimm.s32 $0x0;
	v45 =	vadd.f32 v40, v30;
	v2 =	vsub.f32 v52, v2  }
0x243: {  	v46 =	vadd.f32 v40, v31;
	v50 =	vadd.f32 v40, v28;
	v5 =	vmax.f32 v5, $0.0e+00  }
0x244: {  	v9 =	vsub.f32 v9, v0;
	v2 =	vmax.f32 v2, $0.0e+00;
	v4 =	vmul.f32 v5, v4;
	v5 =	vld.idx.msk [tilespmem:v56+s13+$0x0], $0xffff  }
0x245: {  	v11 =	vadd.f32 $1.000000010e-10, v11;
	v6 =	vadd.f32 $1.000000010e-10, v6;
	v2 =	vmul.f32 v2, v44;
	v44 =	vld.idx.msk [tilespmem:v12+s13+$0x0], $0xffff  }
0x246: {  	v52 =	vmax.f32 v17, v42;
	v51 =	vmax.f32 v16, v42;
	v9 =	vadd.f32 $1.000000010e-10, v9;
	v12 =	vld.idx.msk [tilespmem:v26+s13+$0x0], $0xffff  }
0x247: {  	(erf) = vrcp.f32 v11;
	v21 =	vsub.f32 v21, v2;
	v10 =	vsub.f32 v10, v4  }
0x248: {  	v26 =	vmax.f32 v14, v42;
	(erf) = vrcp.f32 v6;
	v6 =	vmax.f32 v18, v42  }
0x249: {  	v42 =	vmax.f32 v15, v42;
	v21 =	vadd.f32 $1.000000010e-10, v21;
	v11 =	vadd.f32 $1.000000010e-10, v10  }
0x24a: {  	v10 =	vadd.f32 v40, v32;
	v35 =	vmin.f32 v23, v5;
	v48 =	vmin.f32 v24, v5  }
0x24b: {  	v49 =	vmin.f32 v27, v44;
	v57 =	vmin.f32 v34, v5;
	v58 =	vmax.f32 v22, v12  }
0x24c: {  	v59 =	vmin.f32 v37, v44;
	v60 =	vmax.f32 v20, v12;
	(erf) = vrcp.f32 v11  }
0x24d: {  	v11 =	vmin.f32 v25, v5;
	v42 =	vsub.f32 v48, v42;
	v6 =	vsub.f32 v57, v6  }
0x24e: {  	v35 =	vsub.f32 v35, v26;
	v49 =	vsub.f32 v49, v58;
	(erf) = vrcp.f32 v9  }
0x24f: {  	v48 =	vimm.s32 $0x0;
	v9 =	vsub.f32 v11, v51;
	v11 =	vmax.f32 v19, v12  }
0x250: {  	(erf) = vrcp.f32 v21;
	v21 =	vmin.f32 v33, v44;
	v11 =	vsub.f32 v59, v11  }
0x251: {  	v54 =	vmax.f32 v42, $0.0e+00;
	v26 =	vmax.f32 v6, $0.0e+00;
	v6 =	vmax.f32 v35, $0.0e+00  }
0x252: {  	v62 =	vmax.f32 v49, $0.0e+00;
	v42 =	vmin.f32 v39, v44;
	v9 =	vmax.f32 v9, $0.0e+00  }
0x253: {  	v61 =	vpop (erf);
	v21 =	vsub.f32 v21, v60;
	v35 =	vmul.f32 v62, v9;
	v9 =	vadd.f32 v40, v41  }
0x254: {  	v60 =	vmin.f32 v43, v44;
	v63 =	vpop (erf);
	v11 =	vmax.f32 v11, $0.0e+00;
	v57 =	vmul.f32 v61, v47  }
0x255: {  	v47 =	vimm.f32 $-1.000000000e+00;
	v49 =	vmul.f32 v63, v36;
	v9 =	vsub.f32 v9, v35  }
0x256: {  	v58 =	vmax.f32 v21, $0.0e+00;
	v51 =	vmul.f32 v11, v6;
	v11 =	vimm.s32 $0x0;
	v40 =	vpop (erf)  }
0x257: {  	vm0 =	vgt.f32 v49, v7;
	v55 =	vadd.f32 $1.000000010e-10, v9;
	v9 =	vimm.f32 $-1.000000000e+00;
	v21 =	vpop (erf)  }
0x258: {  	v44 =	vmul.f32 v40, v4;
	v56 =	vmul.f32 v21, v0;
	v0 =	vmin.f32 v38, v5  }
0x259: {  	v40 =	vimm.f32 $-1.000000000e+00;
	v5 =	vpop (erf);
	v21 =	vimm.s32 $0x0;
	v59 =	vsub.f32 v0, v52  }
0x25a: {  	s1 =	simm.s32 $0x0;
	s2 =	simm.s32 $0x2;
	s0 =	simm.s32 $0x1;
	v36 =	vmul.f32 v5, v2;
	v52 =	vimm.f32 $-1.000000000e+00;
	vm1 =	vgt.f32 v56, v7  }
.LBB2_15:
0x25b: {  	s3 =	sadd.s32 s30, s2  }
0x25c: {  	p0 =	sne.s32 s2, $0x63;
	v0 =	vmax.f32 v29, v12;
	v2 =	vmax.f32 v8, v12;
	vm2 =	vgt.f32 v44, v7;
	s4 =	smov.u32 s2;
	s2 =	sadd.s32 $0x1, s2  }
0x25d: {  	v13 =	vsel vm0, s1, v13;
	v4 =	vmov s3;
	v0 =	vsub.f32 v60, v0  }
0x25e: {  	v2 =	vsub.f32 v42, v2;
	vm3 =	vgt.f32 v36, v9;
	v5 =	vand.u32 $0x3FFF, v4  }
0x25f: {  	v40 =	vsel vm0, v49, v40;
	v6 =	vadd.s32 $0x70, v5;
	v12 =	vadd.s32 $0xE0, v5  }
0x260: {  	v47 =	vsel vm1, v56, v47;
	v5 =	vadd.s32 $0x150, v5;
	v0 =	vmax.f32 v0, $0.0e+00  }
0x261: {  	vm0 =	vgt.f32 v57, v52;
	v42 =	vmax.f32 v59, $0.0e+00;
	v2 =	vmax.f32 v2, $0.0e+00  }
0x262: {  	v50 =	vsub.f32 v50, v51;
	v48 =	vsel vm1, s1, v48;
	v2 =	vmul.f32 v2, v26;
	v49 =	vld.idx.msk [tilespmem:v4+s14+$0x0], $0xffff  }
0x263: {  	v56 =	vmul.f32 v58, v54;
	v9 =	vsel vm3, v36, v9;
	v0 =	vmul.f32 v0, v42;
	v4 =	vld.idx.msk [tilespmem:v4+s13+$0x0], $0xffff  }
0x264: {  	v11 =	vsel vm3, s1, v11;
	v26 =	vadd.f32 $1.000000010e-10, v50;
	v10 =	vsub.f32 v10, v2;
	v36 =	vld.idx.msk [tilespmem:v12+s13+$0x0], $0xffff  }
0x265: {  	v53 =	vsel vm0, s1, v53;
	v21 =	vsel vm2, s1, v21;
	s1 =	smov.u32 s0;
	s0 =	smov.u32 s4;
	v42 =	vsub.f32 v46, v0;
	v5 =	vld.idx.msk [tilespmem:v5+s13+$0x0], $0xffff  }
0x266: {  	v54 =	vadd.f32 $1.000000010e-10, v10;
	v12 =	vld.idx.msk [tilespmem:v6+s13+$0x0], $0xffff;
	v6 =	vsub.f32 v45, v56;
	(erf) = vrcp.f32 v26  }
0x267: {  	v52 =	vsel vm0, v57, v52;
	v26 =	vadd.f32 $1.000000010e-10, v42;
	(erf) = vrcp.f32 v55  }
0x268: {  	v7 =	vsel vm2, v44, v7;
	v45 =	vadd.f32 v49, v30;
	v46 =	vadd.f32 v49, v31  }
0x269: {  	v50 =	vadd.f32 v49, v28;
	v42 =	vmax.f32 v18, v4;
	v6 =	vadd.f32 $1.000000010e-10, v6  }
0x26a: {  	v10 =	vadd.f32 v49, v32;
	v44 =	vmax.f32 v14, v4;
	v55 =	vmin.f32 v23, v36  }
0x26b: {  	v59 =	vmax.f32 v17, v4;
	v57 =	vmin.f32 v24, v36;
	v58 =	vmin.f32 v27, v5  }
0x26c: {  	v60 =	vmax.f32 v16, v4;
	v61 =	vmin.f32 v25, v36;
	(erf) = vrcp.f32 v26  }
0x26d: {  	v4 =	vmax.f32 v15, v4;
	v26 =	vsub.f32 v61, v60;
	(erf) = vrcp.f32 v6  }
0x26e: {  	v4 =	vsub.f32 v57, v4;
	v6 =	vmax.f32 v19, v12;
	(erf) = vrcp.f32 v54  }
0x26f: {  	v57 =	vmin.f32 v33, v5;
	v60 =	vmax.f32 v26, $0.0e+00;
	v26 =	vmin.f32 v34, v36;
	v61 =	vpop (erf)  }
0x270: {  	v62 =	vmax.f32 v22, v12;
	v54 =	vmin.f32 v37, v5;
	v26 =	vsub.f32 v26, v42;
	v42 =	vpop (erf)  }
0x271: {  	v44 =	vsub.f32 v55, v44;
	v55 =	vmax.f32 v20, v12;
	v58 =	vsub.f32 v58, v62  }
0x272: {  	v6 =	vsub.f32 v54, v6;
	v54 =	vmax.f32 v4, $0.0e+00;
	v26 =	vmax.f32 v26, $0.0e+00  }
0x273: {  	v4 =	vmax.f32 v44, $0.0e+00;
	v44 =	vsub.f32 v57, v55;
	v55 =	vmax.f32 v58, $0.0e+00  }
0x274: {  	v62 =	vadd.f32 v49, v41;
	v49 =	vmul.f32 v42, v35;
	v35 =	vmul.f32 v55, v60  }
.Ltmp6:
0x275: {  	v57 =	vmul.f32 v61, v51;
	v6 =	vmax.f32 v6, $0.0e+00;
	v42 =	vmin.f32 v39, v5;
	v61 =	vpop (erf);
	(pc) =	sbr.rel @p0 .LBB2_15-.Ltmp6, $4  }
0x276: {  	v58 =	vmax.f32 v44, $0.0e+00;
	v44 =	vsub.f32 v62, v35;
	vm0 =	vgt.f32 v49, v40;
	v55 =	vpop (erf)  }
0x277: {  	v60 =	vmin.f32 v43, v5;
	v51 =	vmul.f32 v6, v4;
	v56 =	vmul.f32 v55, v56;
	v4 =	vpop (erf)  }
0x278: {  	v5 =	vmin.f32 v38, v36;
	v55 =	vadd.f32 $1.000000010e-10, v44;
	v44 =	vmul.f32 v61, v0  }
0x279: {  	v59 =	vsub.f32 v5, v59;
	v36 =	vmul.f32 v4, v2;
	vm1 =	vgt.f32 v56, v47  }
0x27a: {  	v0 =	vsub.f32 v50, v51;
	_ =	sdelay $0x1  }
0x27b: {  	v0 =	vadd.f32 $1.000000010e-10, v0;
	_ =	sdelay $0x1  }
0x27c: {  	(erf) = vrcp.f32 v0;
	_ =	sdelay $0x8  }
0x27d: {  	v24 =	vld [tilespmem:$0x1FFE0];
	v0 =	vpop (erf)  }
0x27e: {  	vm2 =	vgt.f32 v57, v52;
	v0 =	vmul.f32 v0, v51  }
0x27f: {  	v2 =	vsel vm2, v57, v52  }
0x280: {  	v4 =	vsel vm2, s1, v53;
	vm9 =	vgt.f32 v0, v2  }
0x281: {  	v4 =	vsel vm9, s0, v4  }
0x282: {  	v0 =	vsel vm9, v0, v2;
	v5 =	vadd.s32 v24, v4  }
0x283: {  	v4 =	vand.u32 $0x7, v4;
	vm2 =	vge.f32 v0, $3.000000120e-01;
	v5 =	vand.u32 $0xFFFFFFF8, v5  }
0x284: {  	v6 =	vsel vm2, $0x3F800000, v3;
	v4 =	vor.u32 v4, v5  }
0x285: {  	v53 =	vmax.f32 v29, v12;
	[tilespmem:s26+$0x4350] =	vst v6;
	v5 =	vadd.s32 $0x70, v4  }
0x286: {  	v15 =	vmax.f32 v59, $0.0e+00;
	v6 =	vsub.f32 v60, v53;
	v2 =	vadd.s32 $0xE0, v4;
	v59 =	vld [tilespmem:$0xF10]  }
0x287: {  	v0 =	vadd.s32 $0x150, v4;
	v17 =	vld [tilespmem:$0x11A0]  }
0x288: {  	v14 =	vadd.s32 $0x1C0, v4;
	v19 =	vld [tilespmem:$0x1430];
	v6 =	vmax.f32 v6, $0.0e+00  }
0x289: {  	v22 =	vld [tilespmem:$0x16C0];
	v57 =	vmul.f32 v6, v15  }
0x28a: {  	v60 =	vmul.f32 v58, v54;
	v5 =	vld.idx.msk [tilespmem:v5+s14+$0x0], $0xffff  }
0x28b: {  	v18 =	vsub.f32 v46, v57;
	v2 =	vld.idx.msk [tilespmem:v2+s14+$0x0], $0xffff  }
0x28c: {  	v4 =	vadd.s32 $0x230, v4;
	v20 =	vsub.f32 v45, v60;
	v0 =	vld.idx.msk [tilespmem:v0+s14+$0x0], $0xffff  }
0x28d: {  	v16 =	vld.idx.msk [tilespmem:v14+s14+$0x0], $0xffff;
	v18 =	vadd.f32 $1.000000010e-10, v18  }
0x28e: {  	(erf) = vrcp.f32 v55;
	v61 =	vadd.f32 $1.000000010e-10, v20  }
0x28f: {  	(erf) = vrcp.f32 v18;
	v5 =	vsub.f32 v5, v59  }
0x290: {  	(erf) = vrcp.f32 v61;
	v2 =	vsub.f32 v2, v17  }
0x291: {  	v4 =	vld.idx.msk [tilespmem:v4+s14+$0x0], $0xffff;
	[tilespmem:s29+$0xB930] =	vst v3;
	v0 =	vsub.f32 v0, v19;
	v5 =	vnsel vm2, $0x0, v5  }
0x292: {  	v2 =	vnsel vm2, $0x0, v2;
	[tilespmem:s29+$0xAEF0] =	vst v5;
	v5 =	vsub.f32 v16, v22  }
0x293: {  	v0 =	vnsel vm2, $0x0, v0;
	[tilespmem:s29+$0xB180] =	vst v2  }
0x294: {  	[tilespmem:s29+$0xB410] =	vst v0;
	v0 =	vnsel vm2, $0x0, v5  }
0x295: {  	[tilespmem:s29+$0xB6A0] =	vst v0  }
0x296: {  	v0 =	vld [tilespmem:s26+$0xC890]  }
0x297: {  	v2 =	vpop (erf)  }
0x298: {  	v5 =	vpop (erf)  }
0x299: {  	v4 =	vtrunc.f32 v4;
	v6 =	vpop (erf)  }
0x29a: {  	v62 =	vsel vm1, v56, v47;
	v4 =	vcvt.f32.s32 v4;
	v6 =	vmul.f32 v6, v60  }
0x29b: {  	v63 =	vsel vm1, s1, v48;
	v25 =	vlaneseq.u32;
	v0 =	vmul.u32 $0x290, v0  }
0x29c: {  	v27 =	vor.u32 $0x240, v25;
	v28 =	vmul.u32 $0x290, v4;
	vm10 =	vgt.f32 v6, v62  }
0x29d: {  	v16 =	vsel vm10, s0, v63;
	v0 =	vadd.s32 v27, v0  }
0x29e: {  	v17 =	vadd.s32 v27, v28;
	v29 =	vadd.s32 v24, v16  }
0x29f: {  	v16 =	vand.u32 $0x7, v16;
	v18 =	vand.u32 $0xFFFFFFF8, v29  }
0x2a0: {  	v16 =	vor.u32 v16, v18  }
0x2a1: {  	v18 =	vadd.s32 $0x70, v16  }
0x2a2: {  	v23 =	vimm.f32 $1.000000000e+00;
	v6 =	vsel vm10, v6, v62;
	v30 =	vadd.s32 $0x150, v16;
	[tilespmem:v0+s28+$0x0] =	vst.idx.msk $0xffff, v3  }
0x2a3: {  	v4 =	vnsel vm2, $0x0, v4;
	vm1 =	vge.f32 v6, $3.000000120e-01;
	v31 =	vadd.s32 $0x1C0, v16;
	[tilespmem:v17+s28+$0x0] =	vst.idx.msk vm2, v23  }
0x2a4: {  	[tilespmem:s26+$0xC890] =	vst v4;
	v4 =	vsel vm1, $0x3F800000, v3  }
0x2a5: {  	[tilespmem:s26+$0x4360] =	vst v4  }
0x2a6: {  	v0 =	vadd.s32 $0xE0, v16;
	v4 =	vld.idx.msk [tilespmem:v18+s14+$0x0], $0xffff  }
0x2a7: {  	v6 =	vld.idx.msk [tilespmem:v30+s14+$0x0], $0xffff  }
0x2a8: {  	v15 =	vld.idx.msk [tilespmem:v31+s14+$0x0], $0xffff  }
0x2a9: {  	v17 =	vld [tilespmem:$0xF20]  }
0x2aa: {  	v32 =	vld [tilespmem:$0x11B0]  }
0x2ab: {  	v0 =	vld.idx.msk [tilespmem:v0+s14+$0x0], $0xffff  }
0x2ac: {  	v16 =	vadd.s32 $0x230, v16;
	v33 =	vld [tilespmem:$0x1440]  }
0x2ad: {  	v34 =	vld [tilespmem:$0x16D0];
	_ =	sdelay $0x1  }
0x2ae: {  	v4 =	vsub.f32 v4, v17  }
0x2af: {  	v0 =	vsub.f32 v0, v32  }
0x2b0: {  	v16 =	vld.idx.msk [tilespmem:v16+s14+$0x0], $0xffff;
	[tilespmem:s29+$0xB940] =	vst v3;
	v6 =	vsub.f32 v6, v33;
	v4 =	vnsel vm1, $0x0, v4  }
0x2b1: {  	[tilespmem:s29+$0xAF00] =	vst v4;
	v0 =	vnsel vm1, $0x0, v0;
	v4 =	vsub.f32 v15, v34  }
0x2b2: {  	[tilespmem:s29+$0xB190] =	vst v0;
	v0 =	vnsel vm1, $0x0, v6  }
0x2b3: {  	[tilespmem:s29+$0xB420] =	vst v0;
	v0 =	vnsel vm1, $0x0, v4  }
0x2b4: {  	[tilespmem:s29+$0xB6B0] =	vst v0  }
0x2b5: {  	v0 =	vld [tilespmem:s26+$0xC8A0];
	_ =	sdelay $0x2  }
0x2b6: {  	v4 =	vtrunc.f32 v16  }
0x2b7: {  	v2 =	vmul.f32 v2, v35;
	v4 =	vcvt.f32.s32 v4  }
0x2b8: {  	v37 =	vsel vm0, v49, v40;
	v38 =	vor.u32 $0x250, v25;
	v0 =	vmul.u32 $0x290, v0  }
0x2b9: {  	v35 =	vsel vm0, s1, v13;
	vm0 =	vgt.f32 v2, v37;
	v39 =	vmul.u32 $0x290, v4  }
0x2ba: {  	v6 =	vsel vm0, s0, v35;
	v0 =	vadd.s32 v38, v0  }
0x2bb: {  	v40 =	vadd.s32 v24, v6;
	v15 =	vadd.s32 v38, v39  }
0x2bc: {  	v6 =	vand.u32 $0x7, v6;
	v16 =	vand.u32 $0xFFFFFFF8, v40  }
0x2bd: {  	v6 =	vor.u32 v6, v16  }
0x2be: {  	v2 =	vsel vm0, v2, v37;
	v16 =	vadd.s32 $0x70, v6  }
0x2bf: {  	vm0 =	vge.f32 v2, $3.000000120e-01;
	v2 =	vadd.s32 $0x150, v6;
	[tilespmem:v0+s28+$0x0] =	vst.idx.msk $0xffff, v3  }
0x2c0: {  	v4 =	vnsel vm1, $0x0, v4;
	v41 =	vadd.s32 $0x1C0, v6;
	[tilespmem:v15+s28+$0x0] =	vst.idx.msk vm1, v23  }
0x2c1: {  	[tilespmem:s26+$0xC8A0] =	vst v4;
	v4 =	vsel vm0, $0x3F800000, v3  }
0x2c2: {  	[tilespmem:s26+$0x4370] =	vst v4  }
0x2c3: {  	v0 =	vadd.s32 $0xE0, v6;
	v4 =	vld.idx.msk [tilespmem:v16+s14+$0x0], $0xffff  }
0x2c4: {  	v2 =	vld.idx.msk [tilespmem:v2+s14+$0x0], $0xffff  }
0x2c5: {  	v13 =	vld.idx.msk [tilespmem:v41+s14+$0x0], $0xffff  }
0x2c6: {  	v15 =	vld [tilespmem:$0xF30]  }
0x2c7: {  	v43 =	vld [tilespmem:$0x11C0]  }
0x2c8: {  	v0 =	vld.idx.msk [tilespmem:v0+s14+$0x0], $0xffff  }
0x2c9: {  	v6 =	vadd.s32 $0x230, v6;
	v45 =	vld [tilespmem:$0x1450]  }
0x2ca: {  	v46 =	vld [tilespmem:$0x16E0];
	_ =	sdelay $0x1  }
0x2cb: {  	v4 =	vsub.f32 v4, v15  }
0x2cc: {  	v0 =	vsub.f32 v0, v43  }
0x2cd: {  	v6 =	vld.idx.msk [tilespmem:v6+s14+$0x0], $0xffff;
	[tilespmem:s29+$0xB950] =	vst v3;
	v2 =	vsub.f32 v2, v45;
	v4 =	vnsel vm0, $0x0, v4  }
0x2ce: {  	[tilespmem:s29+$0xAF10] =	vst v4;
	v0 =	vnsel vm0, $0x0, v0;
	v4 =	vsub.f32 v13, v46  }
0x2cf: {  	[tilespmem:s29+$0xB1A0] =	vst v0;
	v0 =	vnsel vm0, $0x0, v2  }
0x2d0: {  	[tilespmem:s29+$0xB430] =	vst v0;
	v0 =	vnsel vm0, $0x0, v4  }
0x2d1: {  	[tilespmem:s29+$0xB6C0] =	vst v0  }
0x2d2: {  	v0 =	vld [tilespmem:s26+$0xC8B0];
	_ =	sdelay $0x2  }
0x2d3: {  	v2 =	vtrunc.f32 v6  }
0x2d4: {  	vm11 =	vgt.f32 v44, v7;
	v4 =	vmul.f32 v5, v57;
	v2 =	vcvt.f32.s32 v2  }
0x2d5: {  	v47 =	vsel vm11, v44, v7;
	v48 =	vor.u32 $0x260, v25;
	v0 =	vmul.u32 $0x290, v0  }
0x2d6: {  	v5 =	vsel vm11, s1, v21;
	vm1 =	vgt.f32 v4, v47;
	v49 =	vmul.u32 $0x290, v2  }
0x2d7: {  	v5 =	vsel vm1, s0, v5;
	v0 =	vadd.s32 v48, v0  }
0x2d8: {  	v7 =	vadd.s32 v48, v49;
	v50 =	vadd.s32 v24, v5  }
0x2d9: {  	v5 =	vand.u32 $0x7, v5;
	v13 =	vand.u32 $0xFFFFFFF8, v50  }
0x2da: {  	v5 =	vor.u32 v5, v13  }
0x2db: {  	v4 =	vsel vm1, v4, v47;
	v13 =	vadd.s32 $0x70, v5  }
0x2dc: {  	vm12 =	vge.f32 v4, $3.000000120e-01;
	v4 =	vadd.s32 $0x150, v5;
	[tilespmem:v0+s28+$0x0] =	vst.idx.msk $0xffff, v3  }
0x2dd: {  	v2 =	vnsel vm0, $0x0, v2;
	v51 =	vadd.s32 $0x1C0, v5;
	[tilespmem:v7+s28+$0x0] =	vst.idx.msk vm0, v23  }
0x2de: {  	[tilespmem:s26+$0xC8B0] =	vst v2;
	v2 =	vsel vm12, $0x3F800000, v3  }
0x2df: {  	[tilespmem:s26+$0x4380] =	vst v2  }
0x2e0: {  	v52 =	vmax.f32 v8, v12;
	v0 =	vadd.s32 $0xE0, v5;
	v2 =	vld.idx.msk [tilespmem:v13+s14+$0x0], $0xffff  }
0x2e1: {  	v7 =	vsub.f32 v42, v52;
	v4 =	vld.idx.msk [tilespmem:v4+s14+$0x0], $0xffff  }
0x2e2: {  	v6 =	vld.idx.msk [tilespmem:v51+s14+$0x0], $0xffff  }
0x2e3: {  	v7 =	vmax.f32 v7, $0.0e+00;
	v53 =	vld [tilespmem:$0xF40]  }
0x2e4: {  	v7 =	vmul.f32 v7, v26;
	v54 =	vld [tilespmem:$0x11D0]  }
0x2e5: {  	v0 =	vld.idx.msk [tilespmem:v0+s14+$0x0], $0xffff  }
0x2e6: {  	v5 =	vadd.s32 $0x230, v5;
	v55 =	vld [tilespmem:$0x1460];
	v10 =	vsub.f32 v10, v7  }
0x2e7: {  	v56 =	vld [tilespmem:$0x16F0]  }
0x2e8: {  	v10 =	vadd.f32 $1.000000010e-10, v10  }
0x2e9: {  	v2 =	vsub.f32 v2, v53  }
0x2ea: {  	v0 =	vsub.f32 v0, v54;
	(erf) = vrcp.f32 v10  }
0x2eb: {  	v5 =	vld.idx.msk [tilespmem:v5+s14+$0x0], $0xffff;
	[tilespmem:s29+$0xB960] =	vst v3;
	v4 =	vsub.f32 v4, v55;
	v2 =	vnsel vm12, $0x0, v2  }
0x2ec: {  	[tilespmem:s29+$0xAF20] =	vst v2;
	v0 =	vnsel vm12, $0x0, v0;
	v2 =	vsub.f32 v6, v56  }
0x2ed: {  	[tilespmem:s29+$0xB1B0] =	vst v0;
	v0 =	vnsel vm12, $0x0, v4  }
0x2ee: {  	[tilespmem:s29+$0xB440] =	vst v0;
	v0 =	vnsel vm12, $0x0, v2  }
0x2ef: {  	[tilespmem:s29+$0xB6D0] =	vst v0  }
0x2f0: {  	v0 =	vld [tilespmem:s26+$0xC8C0];
	_ =	sdelay $0x2  }
0x2f1: {  	v4 =	vtrunc.f32 v5;
	v2 =	vpop (erf)  }
0x2f2: {  	vm13 =	vgt.f32 v36, v9;
	v4 =	vcvt.f32.s32 v4;
	v2 =	vmul.f32 v2, v7  }
0x2f3: {  	v58 =	vor.u32 $0x270, v25;
	v5 =	vsel vm13, v36, v9;
	v0 =	vmul.u32 $0x290, v0  }
0x2f4: {  	v57 =	vsel vm13, s1, v11;
	v59 =	vmul.u32 $0x290, v4;
	vm14 =	vgt.f32 v2, v5  }
0x2f5: {  	v6 =	vsel vm14, s0, v57;
	v0 =	vadd.s32 v58, v0  }
0x2f6: {  	v7 =	vadd.s32 v58, v59;
	v60 =	vadd.s32 v24, v6  }
0x2f7: {  	v6 =	vand.u32 $0x7, v6;
	v8 =	vand.u32 $0xFFFFFFF8, v60  }
0x2f8: {  	v6 =	vor.u32 v6, v8  }
0x2f9: {  	v2 =	vsel vm14, v2, v5;
	v8 =	vadd.s32 $0x70, v6  }
0x2fa: {  	vm15 =	vge.f32 v2, $3.000000120e-01;
	v2 =	vadd.s32 $0x150, v6;
	[tilespmem:v0+s28+$0x0] =	vst.idx.msk $0xffff, v3  }
0x2fb: {  	v4 =	vnsel vm12, $0x0, v4;
	v5 =	vadd.s32 $0x1C0, v6;
	[tilespmem:v7+s28+$0x0] =	vst.idx.msk vm12, v23  }
0x2fc: {  	[tilespmem:s26+$0xC8C0] =	vst v4;
	v4 =	vsel vm15, $0x3F800000, v3  }
0x2fd: {  	[tilespmem:s26+$0x4390] =	vst v4  }
0x2fe: {  	v0 =	vadd.s32 $0xE0, v6;
	v4 =	vld.idx.msk [tilespmem:v8+s14+$0x0], $0xffff  }
0x2ff: {  	v2 =	vld.idx.msk [tilespmem:v2+s14+$0x0], $0xffff  }
0x300: {  	v5 =	vld.idx.msk [tilespmem:v5+s14+$0x0], $0xffff  }
0x301: {  	v7 =	vld [tilespmem:$0xF50]  }
0x302: {  	v61 =	vld [tilespmem:$0x11E0]  }
0x303: {  	v0 =	vld.idx.msk [tilespmem:v0+s14+$0x0], $0xffff  }
0x304: {  	v6 =	vadd.s32 $0x230, v6;
	v62 =	vld [tilespmem:$0x1470]  }
0x305: {  	v63 =	vld [tilespmem:$0x1700];
	_ =	sdelay $0x1  }
0x306: {  	v4 =	vsub.f32 v4, v7  }
0x307: {  	v0 =	vsub.f32 v0, v61  }
0x308: {  	v6 =	vld.idx.msk [tilespmem:v6+s14+$0x0], $0xffff;
	[tilespmem:s29+$0xB970] =	vst v3;
	v2 =	vsub.f32 v2, v62;
	v4 =	vnsel vm15, $0x0, v4  }
0x309: {  	[tilespmem:s29+$0xAF30] =	vst v4;
	v0 =	vnsel vm15, $0x0, v0;
	v4 =	vsub.f32 v5, v63  }
0x30a: {  	[tilespmem:s29+$0xB1C0] =	vst v0;
	v0 =	vnsel vm15, $0x0, v2  }
0x30b: {  	[tilespmem:s29+$0xB450] =	vst v0;
	v0 =	vnsel vm15, $0x0, v4  }
0x30c: {  	[tilespmem:s29+$0xB6E0] =	vst v0  }
0x30d: {  	v0 =	vld [tilespmem:s26+$0xC8D0];
	_ =	sdelay $0x2  }
0x30e: {  	v2 =	vtrunc.f32 v6  }
0x30f: {  	v2 =	vcvt.f32.s32 v2  }
0x310: {  	v0 =	vmul.u32 $0x290, v0  }
0x311: {  	v4 =	vor.u32 $0x280, v25;
	v5 =	vmul.u32 $0x290, v2  }
0x312: {  	v0 =	vadd.s32 v4, v0  }
0x313: {  	v4 =	vadd.s32 v4, v5  }
0x314: {  	s19 =	smul.u32 $0x4E20, s23  }
0x315: {  	s20 =	smul.u32 $0xC, s24;
	s2 =	rddreg [dreg:$0x5]  }
0x316: {  	s3 =	rddreg [dreg:$0x2];
	s4 =	sadd.s32 $0x4110, s26;
	s5 =	simm.s32 $0x0  }
0x317: {  	s24 =	rddreg [dreg:$0x6];
	s25 =	simm.s32 $0x290;
	s0 =	sadd.s32 s2, s19;
	[tilespmem:v0+s28+$0x0] =	vst.idx.msk $0xffff, v3  }
0x318: {  	s23 =	sadd.s32 $0x1, s23;
	s1 =	sshrl.u32 s20, $0x2;
	s0 =	sshrl.u32 s0, $0x3;
	v0 =	vnsel vm15, $0x0, v2;
	[tilespmem:v4+s28+$0x0] =	vst.idx.msk vm15, v23  }
0x319: {  	p0 =	sne.s32 s23, $0x8;
	s21 =	sadd.s32 $0x1, s1;
	s3 =	sadd.s32 s3, s0;
	[tilespmem:s26+$0xC8D0] =	vst v0  }
0x31a: {  	[hbm4b:s3+s5] =	stream.linear.scatter [tilespmem:s4], [sflag:s21], $0x290, $0x38;
	[tilespmem:$0xCB70] =	vst v63  }
.Ltmp7:
0x31b: {  	s30 =	rddreg [dreg:$0xa];
	s22 =	sadd.s32 $0x2, s1;
	(pc) =	sbr.rel @p0 .LBB2_10-.Ltmp7, $4  }
0x31c: {  	s29 =	rddreg [dreg:$0x3];
	s26 =	simm.s32 $0x27100;
	s3 =	sadd.s32 s24, s0  }
0x31d: {  	[hbm4b:s3+s25] =	stream.strided.scatter [tilespmem:s28], [sflag:s22], $0x3340, s26, s25, $0x38;
	[tilespmem:$0xCB70] =	vst v63  }
0x31e: {  	s1 =	sadd.s32 $0x3, s1;
	s2 =	simm.s32 $0x290;
	s0 =	sadd.s32 s29, s0  }
0x31f: {  	[hbm4b:s0+s25] =	stream.strided.scatter [tilespmem:s30], [sflag:s1], $0xCD0, s26, s25, $0x38;
	[tilespmem:$0xCB70] =	vst v63  }
0x320: {  	s0 =	simm.s32 $0x1  }
0x321: {  	_ =	swait.ge [sflag:s0], $0x290  }
0x322: {  	[sflag:s0] =	ssyncset.done $0x0  }
0x323: {  	s25 =	simm.s32 $0x2;
	[sflag:s0] =	ssyncadd.s32 $0xFFFFFD70  }
0x324: {  	_ =	swait.ge [sflag:s25], $0x3340  }
0x325: {  	[sflag:s25] =	ssyncset.done $0x0  }
0x326: {  	s26 =	simm.s32 $0x3;
	[sflag:s25] =	ssyncadd.s32 $0xFFFFCCC0  }
0x327: {  	_ =	swait.ge [sflag:s26], $0xCD0  }
0x328: {  	[sflag:s26] =	ssyncset.done $0x0  }
0x329: {  	s28 =	simm.s32 $0x4;
	[sflag:s26] =	ssyncadd.s32 $0xFFFFF330  }
0x32a: {  	_ =	swait.ge [sflag:s28], $0x290  }
0x32b: {  	[sflag:s28] =	ssyncset.done $0x0  }
0x32c: {  	s29 =	simm.s32 $0x5;
	[sflag:s28] =	ssyncadd.s32 $0xFFFFFD70  }
0x32d: {  	_ =	swait.ge [sflag:s29], $0x3340  }
0x32e: {  	[sflag:s29] =	ssyncset.done $0x0  }
0x32f: {  	s1 =	simm.s32 $0x6;
	[sflag:s29] =	ssyncadd.s32 $0xFFFFCCC0  }
0x330: {  	_ =	swait.ge [sflag:s1], $0xCD0  }
0x331: {  	s3 =	rddreg [dreg:$0x9]  }
0x332: {  	s30 =	rddreg [dreg:$0x8];
	s3 =	sadd.s32 $0x1, s3  }
0x333: {  	p0 =	sne.s32 s3, s30  }
.Ltmp8:
0x334: {  	_ = 	snop;
	(pc) =	sbr.rel @p0 .LBB2_1-.Ltmp8, $3  }
0x335: {  	_ =	sdelay $0x1  }
0x336: {  	[sflag:s1] =	ssyncset.done $0x0  }
0x337: {  	v2 =	vimm.s32 $0x0;
	[sflag:s1] =	ssyncadd.s32 $0xFFFFF330  }
0x338: {  	_ =	sfence.sel $0x180000  }
0x339: {  	[bflag:$0x0] =	sbarrier.arrive $0xFFFF  }
0x33a: {  	_ =	strace $0x90000047  }
0x33b: {  	s0 =	stileid.u32;
	[bflag:$0x2] =	sbarrier.arrive $0xFFFF  }
0x33c: {  	p0 =	sne.s32 s0, $0x0;
	s0 =	rddreg [dreg:$0x4]  }
0x33d: {  	s0 =	sadd.s32 @!p0 $0x100000, s0  }
0x33e: {  	[sflag:s0] =	ssyncadd.tile.s32 @!p0 $0x1;
	_ =	shalt  }
.Lfunc_end2:
_tile_overlayer_lowered:
.L_overlay_start_2:
0x33f: {  	(tag) =	ssettag $0x2  }
0x340: {  	s0 =	rddreg [dreg:$0x0];
	s2 =	stileid.u32  }
0x341: {  	s1 =	rddreg [dreg:$0x1];
	p0 =	sne.s32 s2, $0x0  }
0x342: {  	s3 =	rddreg [dreg:$0x2];
	[bflag:$0x3] =	sbarrier.arrive $0xFFFF;
	s2 =	simm.s32 @!p0 $0x1C07  }
0x343: {  	[timem:s3], [sflag:s2] =	dma.local @!p0 [hbm:s0], s1  }
0x344: {  	s0 =	simm.s32 @!p0 $0x7  }
0x345: {  	_ =	swait.ge @!p0 [sflag:s0], s1  }
0x346: {  	s1 =	ssub.s32 @!p0 $0x0, s1;
	[sflag:s0] =	ssyncset.done @!p0 $0x0  }
0x347: {  	[sflag:s0] =	ssyncadd.s32 @!p0 s1  }
0x348: {  	[bflag:$0x3] =	sbarrier.arrive $0xFFFF  }
0x349: {  	_ =	shalt  }

</sc_bundles>
